<compile_context>
chip_gen: v7x
topology: tpu7x:2x2x1
jax: 0.10.2.dev20260603
libtpu: 0.0.44.dev20260713+nightly
codegen_flags: <defaults>
</compile_context>

<pallas_src>
import functools

import jax
import jax.numpy as jnp
from jax import lax
from jax.experimental import pallas as pl
from jax.experimental.pallas import tpu as pltpu
from jax.experimental.pallas import tpu_sc as plsc

_B = 4096 * 26
_D = 64
_NW = 32
_ROWS_PER_W = _B // _NW
_NCHUNK = 4
_CHUNK = _ROWS_PER_W // _NCHUNK
_NG = 8
_GL = _CHUNK // _NG


def _emb_body(idx_hbm, table_hbm, out_hbm, idx_v, rows0, rows1, g0s, g1s,
              w0s, w1s):
    wid = lax.axis_index("s") * 2 + lax.axis_index("c")
    base = wid * _ROWS_PER_W
    pltpu.sync_copy(idx_hbm.at[pl.ds(base, _ROWS_PER_W)], idx_v)
    bufs = (rows0, rows1)
    gsems = (g0s, g1s)
    wsems = (w0s, w1s)

    def fire(c):
        b = c & 1
        return [
            pltpu.async_copy(
                table_hbm.at[idx_v.at[pl.ds(c * _CHUNK + g * _GL, _GL)]],
                bufs[b].at[pl.ds(g * _GL, _GL)],
                gsems[b],
            )
            for g in range(_NG)
        ]

    writes = [None] * _NCHUNK
    gathers = [None] * _NCHUNK
    gathers[0] = fire(0)
    for c in range(_NCHUNK):
        b = c & 1
        if c + 1 < _NCHUNK:
            if c >= 1:
                writes[c - 1].wait()
            gathers[c + 1] = fire(c + 1)
        for cp in gathers[c]:
            cp.wait()

        def _mask_fix(i, carry):
            r = i * 16
            idxs = idx_v[pl.ds(c * _CHUNK + r, 16)]

            @pl.when(jnp.any(idxs == 0))
            def _():
                for j in range(16):
                    ij = plsc.load_gather(
                        idx_v, [jnp.full((16,), c * _CHUNK + r + j, jnp.int32)]
                    )
                    mj = jnp.where(ij == 0, 0.0, 1.0).astype(jnp.float32)
                    for q in range(4):
                        sl = (r + j, pl.ds(q * 16, 16))
                        bufs[b][sl] = bufs[b][sl] * mj

            return carry

        lax.fori_loop(0, _CHUNK // 16, _mask_fix, 0)
        writes[c] = pltpu.async_copy(
            bufs[b], out_hbm.at[pl.ds(base + c * _CHUNK, _CHUNK)], wsems[b]
        )
    writes[_NCHUNK - 2].wait()
    writes[_NCHUNK - 1].wait()


_emb = functools.partial(
    pl.kernel,
    out_type=jax.ShapeDtypeStruct((_B, _D), jnp.float32),
    mesh=plsc.VectorSubcoreMesh(core_axis_name="c", subcore_axis_name="s"),
    compiler_params=pltpu.CompilerParams(
        needs_layout_passes=False, use_tc_tiling_on_sc=False
    ),
    scratch_types=[
        pltpu.VMEM((_ROWS_PER_W,), jnp.int32),
        pltpu.VMEM((_CHUNK, _D), jnp.float32),
        pltpu.VMEM((_CHUNK, _D), jnp.float32),
        pltpu.SemaphoreType.DMA,
        pltpu.SemaphoreType.DMA,
        pltpu.SemaphoreType.DMA,
        pltpu.SemaphoreType.DMA,
    ],
)(_emb_body)


def kernel(input, table):
    idx_flat = input.reshape(_B)
    out = _emb(idx_flat, table)
    return out.reshape(input.shape[0], input.shape[1], _D)

# --- scband reference (transcript-rebuilt; emitter-appended) ---
"""Pipeline reference for scband-embedding-16466904612875 (READ-ONLY COPY).

The authoritative reference and input builder live on the scoring server;
editing this copy changes nothing except your own understanding.
"""

import jax, jax.numpy as jnp
import numpy as np

VOCAB = 1000000
DIM = 64
BATCH = 4096
WIDTH = 26


def setup_inputs(seed: int = 0) -> dict:
    key = jax.random.key(seed)
    k1, k2 = jax.random.split(key)
    # sparse feature ids; 0 is the 'missing' sentinel that maps to a zero vector
    indices = jax.random.randint(k1, (BATCH, WIDTH), 0, VOCAB, dtype=jnp.int32)
    # learned embedding table (materialized stand-in for the external damo storage)
    table = jax.random.normal(k2, (VOCAB, DIM), dtype=jnp.float32) * 0.01
    return {"input": indices, "table": table}


def reference(input, table):
    # Faithful translation of Embedding.forward:
    #   - lookup each key's embedding from storage (here: a dense table gather)
    #   - key == 0 produces a zero vector (the module skips key 0 and leaves zeros)
    gathered = jnp.take(table, input, axis=0)            # [B, W, D]
    mask = (input != 0).astype(jnp.float32)[..., None]   # [B, W, 1]
    values = gathered * mask                              # [B, W, D]
    return values

if __name__ == "__main__":
    import jax
    _d = setup_inputs()
    print(jax.jit(kernel)(*tuple(_d.values())))

</pallas_src>

<mosaic_0001>
#map = affine_map<(d0, d1) -> (0)>
#map1 = affine_map<(d0, d1) -> (0, 0)>
module attributes {stable_mosaic.version = 14 : i64} {
  func.func @_emb_body(%arg0: i32, %arg1: i32, %arg2: memref<106496xi32, #tpu.memory_space<hbm>>, %arg3: memref<1000000x64xf32, #tpu.memory_space<hbm>>, %arg4: memref<106496x64xf32, #tpu.memory_space<hbm>>, %arg5: memref<3328xi32, #tpu.memory_space<vmem>>, %arg6: memref<832x64xf32, #tpu.memory_space<vmem>>, %arg7: memref<832x64xf32, #tpu.memory_space<vmem>>, %arg8: memref<!tpu.dma_semaphore, #tpu.memory_space<semaphore_mem>>, %arg9: memref<!tpu.dma_semaphore, #tpu.memory_space<semaphore_mem>>, %arg10: memref<!tpu.dma_semaphore, #tpu.memory_space<semaphore_mem>>, %arg11: memref<!tpu.dma_semaphore, #tpu.memory_space<semaphore_mem>>) attributes {dimension_semantics = [#tpu.dimension_semantics<core_parallel>, #tpu.dimension_semantics<subcore_parallel>], iteration_bounds = array<i64: 2, 16>, scalar_prefetch = 0 : i64, scratch_operands = 7 : i64, tpu.core_type = #tpu.core_type<sc_vector_subcore>, window_params = [{transform_indices = #map}, {transform_indices = #map1}, {transform_indices = #map1}]} {
    %mul3A = arith.constant 2 : i32
    %mul3A_0 = arith.muli %arg1, %mul3A : i32
    %add3A = arith.addi %mul3A_0, %arg0 : i32
    %mul3A_1 = arith.constant 3328 : i32
    %mul3A_2 = arith.muli %add3A, %mul3A_1 : i32
    "tpu.region"() ({
      %run_scoped3A = tpu.sem_alloc : memref<!tpu.dma_semaphore, #tpu.memory_space<semaphore_mem>>
      %dma_start3A_576 = tpu.memref_slice %arg2[%mul3A_2] : memref<106496xi32, #tpu.memory_space<hbm>> -> memref<3328xi32, #tpu.memory_space<hbm>>
      %dma_start3A_577 = tpu.memref_slice %arg2[%mul3A_2] : memref<106496xi32, #tpu.memory_space<hbm>> -> memref<3328xi32, #tpu.memory_space<hbm>>
      tpu.enqueue_dma source(%dma_start3A_577 : memref<3328xi32, #tpu.memory_space<hbm>>) target(%arg5 : memref<3328xi32, #tpu.memory_space<vmem>>) target_semaphore(%run_scoped3A : memref<!tpu.dma_semaphore, #tpu.memory_space<semaphore_mem>>)
      %dma_wait3A_578 = tpu.memref_slice %arg2[%mul3A_2] : memref<106496xi32, #tpu.memory_space<hbm>> -> memref<3328xi32, #tpu.memory_space<hbm>>
      %dma_wait3A_579 = tpu.memref_slice %arg2[%mul3A_2] : memref<106496xi32, #tpu.memory_space<hbm>> -> memref<3328xi32, #tpu.memory_space<hbm>>
      tpu.wait_dma2 semaphore(%run_scoped3A : memref<!tpu.dma_semaphore, #tpu.memory_space<semaphore_mem>>) src(%dma_wait3A_579 : memref<3328xi32, #tpu.memory_space<hbm>>) dst(%arg5 : memref<3328xi32, #tpu.memory_space<vmem>>)
      tpu.yield
    }) : () -> ()
    %dma_start3A = arith.constant 0 : i32
    %dma_start3A_3 = arith.constant 0 : i32
    %dma_start3A_4 = tpu.memref_slice %arg6[%dma_start3A, %dma_start3A_3] : memref<832x64xf32, #tpu.memory_space<vmem>> -> memref<104x64xf32, #tpu.memory_space<vmem>>
    %dma_start3A_5 = arith.constant 0 : i32
    %dma_start3A_6 = tpu.memref_slice %arg5[%dma_start3A_5] : memref<3328xi32, #tpu.memory_space<vmem>> -> memref<104xi32, #tpu.memory_space<vmem>>
    %dma_start3A_7 = arith.constant 0 : i32
    %dma_start3A_8 = arith.constant 0 : i32
    %dma_start3A_9 = tpu.memref_slice %arg3[%dma_start3A_7, %dma_start3A_8] : memref<1000000x64xf32, #tpu.memory_space<hbm>> -> memref<1000000x64xf32, #tpu.memory_space<hbm>>
    tpu.enqueue_indirect_dma source(%dma_start3A_9 : memref<1000000x64xf32, #tpu.memory_space<hbm>>) target(%dma_start3A_4 : memref<104x64xf32, #tpu.memory_space<vmem>>) offsets(%dma_start3A_6 : memref<104xi32, #tpu.memory_space<vmem>>) semaphore(%arg8 : memref<!tpu.dma_semaphore, #tpu.memory_space<semaphore_mem>>)
    %dma_start3A_10 = arith.constant 104 : i32
    %dma_start3A_11 = arith.constant 0 : i32
    %dma_start3A_12 = tpu.memref_slice %arg6[%dma_start3A_10, %dma_start3A_11] : memref<832x64xf32, #tpu.memory_space<vmem>> -> memref<104x64xf32, #tpu.memory_space<vmem>>
    %dma_start3A_13 = arith.constant 104 : i32
    %dma_start3A_14 = tpu.memref_slice %arg5[%dma_start3A_13] : memref<3328xi32, #tpu.memory_space<vmem>> -> memref<104xi32, #tpu.memory_space<vmem>>
    %dma_start3A_15 = arith.constant 0 : i32
    %dma_start3A_16 = arith.constant 0 : i32
    %dma_start3A_17 = tpu.memref_slice %arg3[%dma_start3A_15, %dma_start3A_16] : memref<1000000x64xf32, #tpu.memory_space<hbm>> -> memref<1000000x64xf32, #tpu.memory_space<hbm>>
    tpu.enqueue_indirect_dma source(%dma_start3A_17 : memref<1000000x64xf32, #tpu.memory_space<hbm>>) target(%dma_start3A_12 : memref<104x64xf32, #tpu.memory_space<vmem>>) offsets(%dma_start3A_14 : memref<104xi32, #tpu.memory_space<vmem>>) semaphore(%arg8 : memref<!tpu.dma_semaphore, #tpu.memory_space<semaphore_mem>>)
    %dma_start3A_18 = arith.constant 208 : i32
    %dma_start3A_19 = arith.constant 0 : i32
    %dma_start3A_20 = tpu.memref_slice %arg6[%dma_start3A_18, %dma_start3A_19] : memref<832x64xf32, #tpu.memory_space<vmem>> -> memref<104x64xf32, #tpu.memory_space<vmem>>
    %dma_start3A_21 = arith.constant 208 : i32
    %dma_start3A_22 = tpu.memref_slice %arg5[%dma_start3A_21] : memref<3328xi32, #tpu.memory_space<vmem>> -> memref<104xi32, #tpu.memory_space<vmem>>
    %dma_start3A_23 = arith.constant 0 : i32
    %dma_start3A_24 = arith.constant 0 : i32
    %dma_start3A_25 = tpu.memref_slice %arg3[%dma_start3A_23, %dma_start3A_24] : memref<1000000x64xf32, #tpu.memory_space<hbm>> -> memref<1000000x64xf32, #tpu.memory_space<hbm>>
    tpu.enqueue_indirect_dma source(%dma_start3A_25 : memref<1000000x64xf32, #tpu.memory_space<hbm>>) target(%dma_start3A_20 : memref<104x64xf32, #tpu.memory_space<vmem>>) offsets(%dma_start3A_22 : memref<104xi32, #tpu.memory_space<vmem>>) semaphore(%arg8 : memref<!tpu.dma_semaphore, #tpu.memory_space<semaphore_mem>>)
    %dma_start3A_26 = arith.constant 312 : i32
    %dma_start3A_27 = arith.constant 0 : i32
    %dma_start3A_28 = tpu.memref_slice %arg6[%dma_start3A_26, %dma_start3A_27] : memref<832x64xf32, #tpu.memory_space<vmem>> -> memref<104x64xf32, #tpu.memory_space<vmem>>
    %dma_start3A_29 = arith.constant 312 : i32
    %dma_start3A_30 = tpu.memref_slice %arg5[%dma_start3A_29] : memref<3328xi32, #tpu.memory_space<vmem>> -> memref<104xi32, #tpu.memory_space<vmem>>
    %dma_start3A_31 = arith.constant 0 : i32
    %dma_start3A_32 = arith.constant 0 : i32
    %dma_start3A_33 = tpu.memref_slice %arg3[%dma_start3A_31, %dma_start3A_32] : memref<1000000x64xf32, #tpu.memory_space<hbm>> -> memref<1000000x64xf32, #tpu.memory_space<hbm>>
    tpu.enqueue_indirect_dma source(%dma_start3A_33 : memref<1000000x64xf32, #tpu.memory_space<hbm>>) target(%dma_start3A_28 : memref<104x64xf32, #tpu.memory_space<vmem>>) offsets(%dma_start3A_30 : memref<104xi32, #tpu.memory_space<vmem>>) semaphore(%arg8 : memref<!tpu.dma_semaphore, #tpu.memory_space<semaphore_mem>>)
    %dma_start3A_34 = arith.constant 416 : i32
    %dma_start3A_35 = arith.constant 0 : i32
    %dma_start3A_36 = tpu.memref_slice %arg6[%dma_start3A_34, %dma_start3A_35] : memref<832x64xf32, #tpu.memory_space<vmem>> -> memref<104x64xf32, #tpu.memory_space<vmem>>
    %dma_start3A_37 = arith.constant 416 : i32
    %dma_start3A_38 = tpu.memref_slice %arg5[%dma_start3A_37] : memref<3328xi32, #tpu.memory_space<vmem>> -> memref<104xi32, #tpu.memory_space<vmem>>
    %dma_start3A_39 = arith.constant 0 : i32
    %dma_start3A_40 = arith.constant 0 : i32
    %dma_start3A_41 = tpu.memref_slice %arg3[%dma_start3A_39, %dma_start3A_40] : memref<1000000x64xf32, #tpu.memory_space<hbm>> -> memref<1000000x64xf32, #tpu.memory_space<hbm>>
    tpu.enqueue_indirect_dma source(%dma_start3A_41 : memref<1000000x64xf32, #tpu.memory_space<hbm>>) target(%dma_start3A_36 : memref<104x64xf32, #tpu.memory_space<vmem>>) offsets(%dma_start3A_38 : memref<104xi32, #tpu.memory_space<vmem>>) semaphore(%arg8 : memref<!tpu.dma_semaphore, #tpu.memory_space<semaphore_mem>>)
    %dma_start3A_42 = arith.constant 520 : i32
    %dma_start3A_43 = arith.constant 0 : i32
    %dma_start3A_44 = tpu.memref_slice %arg6[%dma_start3A_42, %dma_start3A_43] : memref<832x64xf32, #tpu.memory_space<vmem>> -> memref<104x64xf32, #tpu.memory_space<vmem>>
    %dma_start3A_45 = arith.constant 520 : i32
    %dma_start3A_46 = tpu.memref_slice %arg5[%dma_start3A_45] : memref<3328xi32, #tpu.memory_space<vmem>> -> memref<104xi32, #tpu.memory_space<vmem>>
    %dma_start3A_47 = arith.constant 0 : i32
    %dma_start3A_48 = arith.constant 0 : i32
    %dma_start3A_49 = tpu.memref_slice %arg3[%dma_start3A_47, %dma_start3A_48] : memref<1000000x64xf32, #tpu.memory_space<hbm>> -> memref<1000000x64xf32, #tpu.memory_space<hbm>>
    tpu.enqueue_indirect_dma source(%dma_start3A_49 : memref<1000000x64xf32, #tpu.memory_space<hbm>>) target(%dma_start3A_44 : memref<104x64xf32, #tpu.memory_space<vmem>>) offsets(%dma_start3A_46 : memref<104xi32, #tpu.memory_space<vmem>>) semaphore(%arg8 : memref<!tpu.dma_semaphore, #tpu.memory_space<semaphore_mem>>)
    %dma_start3A_50 = arith.constant 624 : i32
    %dma_start3A_51 = arith.constant 0 : i32
    %dma_start3A_52 = tpu.memref_slice %arg6[%dma_start3A_50, %dma_start3A_51] : memref<832x64xf32, #tpu.memory_space<vmem>> -> memref<104x64xf32, #tpu.memory_space<vmem>>
    %dma_start3A_53 = arith.constant 624 : i32
    %dma_start3A_54 = tpu.memref_slice %arg5[%dma_start3A_53] : memref<3328xi32, #tpu.memory_space<vmem>> -> memref<104xi32, #tpu.memory_space<vmem>>
    %dma_start3A_55 = arith.constant 0 : i32
    %dma_start3A_56 = arith.constant 0 : i32
    %dma_start3A_57 = tpu.memref_slice %arg3[%dma_start3A_55, %dma_start3A_56] : memref<1000000x64xf32, #tpu.memory_space<hbm>> -> memref<1000000x64xf32, #tpu.memory_space<hbm>>
    tpu.enqueue_indirect_dma source(%dma_start3A_57 : memref<1000000x64xf32, #tpu.memory_space<hbm>>) target(%dma_start3A_52 : memref<104x64xf32, #tpu.memory_space<vmem>>) offsets(%dma_start3A_54 : memref<104xi32, #tpu.memory_space<vmem>>) semaphore(%arg8 : memref<!tpu.dma_semaphore, #tpu.memory_space<semaphore_mem>>)
    %dma_start3A_58 = arith.constant 728 : i32
    %dma_start3A_59 = arith.constant 0 : i32
    %dma_start3A_60 = tpu.memref_slice %arg6[%dma_start3A_58, %dma_start3A_59] : memref<832x64xf32, #tpu.memory_space<vmem>> -> memref<104x64xf32, #tpu.memory_space<vmem>>
    %dma_start3A_61 = arith.constant 728 : i32
    %dma_start3A_62 = tpu.memref_slice %arg5[%dma_start3A_61] : memref<3328xi32, #tpu.memory_space<vmem>> -> memref<104xi32, #tpu.memory_space<vmem>>
    %dma_start3A_63 = arith.constant 0 : i32
    %dma_start3A_64 = arith.constant 0 : i32
    %dma_start3A_65 = tpu.memref_slice %arg3[%dma_start3A_63, %dma_start3A_64] : memref<1000000x64xf32, #tpu.memory_space<hbm>> -> memref<1000000x64xf32, #tpu.memory_space<hbm>>
    tpu.enqueue_indirect_dma source(%dma_start3A_65 : memref<1000000x64xf32, #tpu.memory_space<hbm>>) target(%dma_start3A_60 : memref<104x64xf32, #tpu.memory_space<vmem>>) offsets(%dma_start3A_62 : memref<104xi32, #tpu.memory_space<vmem>>) semaphore(%arg8 : memref<!tpu.dma_semaphore, #tpu.memory_space<semaphore_mem>>)
    %dma_start3A_66 = arith.constant 0 : i32
    %dma_start3A_67 = arith.constant 0 : i32
    %dma_start3A_68 = tpu.memref_slice %arg7[%dma_start3A_66, %dma_start3A_67] : memref<832x64xf32, #tpu.memory_space<vmem>> -> memref<104x64xf32, #tpu.memory_space<vmem>>
    %dma_start3A_69 = arith.constant 832 : i32
    %dma_start3A_70 = tpu.memref_slice %arg5[%dma_start3A_69] : memref<3328xi32, #tpu.memory_space<vmem>> -> memref<104xi32, #tpu.memory_space<vmem>>
    %dma_start3A_71 = arith.constant 0 : i32
    %dma_start3A_72 = arith.constant 0 : i32
    %dma_start3A_73 = tpu.memref_slice %arg3[%dma_start3A_71, %dma_start3A_72] : memref<1000000x64xf32, #tpu.memory_space<hbm>> -> memref<1000000x64xf32, #tpu.memory_space<hbm>>
    tpu.enqueue_indirect_dma source(%dma_start3A_73 : memref<1000000x64xf32, #tpu.memory_space<hbm>>) target(%dma_start3A_68 : memref<104x64xf32, #tpu.memory_space<vmem>>) offsets(%dma_start3A_70 : memref<104xi32, #tpu.memory_space<vmem>>) semaphore(%arg9 : memref<!tpu.dma_semaphore, #tpu.memory_space<semaphore_mem>>)
    %dma_start3A_74 = arith.constant 104 : i32
    %dma_start3A_75 = arith.constant 0 : i32
    %dma_start3A_76 = tpu.memref_slice %arg7[%dma_start3A_74, %dma_start3A_75] : memref<832x64xf32, #tpu.memory_space<vmem>> -> memref<104x64xf32, #tpu.memory_space<vmem>>
    %dma_start3A_77 = arith.constant 936 : i32
    %dma_start3A_78 = tpu.memref_slice %arg5[%dma_start3A_77] : memref<3328xi32, #tpu.memory_space<vmem>> -> memref<104xi32, #tpu.memory_space<vmem>>
    %dma_start3A_79 = arith.constant 0 : i32
    %dma_start3A_80 = arith.constant 0 : i32
    %dma_start3A_81 = tpu.memref_slice %arg3[%dma_start3A_79, %dma_start3A_80] : memref<1000000x64xf32, #tpu.memory_space<hbm>> -> memref<1000000x64xf32, #tpu.memory_space<hbm>>
    tpu.enqueue_indirect_dma source(%dma_start3A_81 : memref<1000000x64xf32, #tpu.memory_space<hbm>>) target(%dma_start3A_76 : memref<104x64xf32, #tpu.memory_space<vmem>>) offsets(%dma_start3A_78 : memref<104xi32, #tpu.memory_space<vmem>>) semaphore(%arg9 : memref<!tpu.dma_semaphore, #tpu.memory_space<semaphore_mem>>)
    %dma_start3A_82 = arith.constant 208 : i32
    %dma_start3A_83 = arith.constant 0 : i32
    %dma_start3A_84 = tpu.memref_slice %arg7[%dma_start3A_82, %dma_start3A_83] : memref<832x64xf32, #tpu.memory_space<vmem>> -> memref<104x64xf32, #tpu.memory_space<vmem>>
    %dma_start3A_85 = arith.constant 1040 : i32
    %dma_start3A_86 = tpu.memref_slice %arg5[%dma_start3A_85] : memref<3328xi32, #tpu.memory_space<vmem>> -> memref<104xi32, #tpu.memory_space<vmem>>
    %dma_start3A_87 = arith.constant 0 : i32
    %dma_start3A_88 = arith.constant 0 : i32
    %dma_start3A_89 = tpu.memref_slice %arg3[%dma_start3A_87, %dma_start3A_88] : memref<1000000x64xf32, #tpu.memory_space<hbm>> -> memref<1000000x64xf32, #tpu.memory_space<hbm>>
    tpu.enqueue_indirect_dma source(%dma_start3A_89 : memref<1000000x64xf32, #tpu.memory_space<hbm>>) target(%dma_start3A_84 : memref<104x64xf32, #tpu.memory_space<vmem>>) offsets(%dma_start3A_86 : memref<104xi32, #tpu.memory_space<vmem>>) semaphore(%arg9 : memref<!tpu.dma_semaphore, #tpu.memory_space<semaphore_mem>>)
    %dma_start3A_90 = arith.constant 312 : i32
    %dma_start3A_91 = arith.constant 0 : i32
    %dma_start3A_92 = tpu.memref_slice %arg7[%dma_start3A_90, %dma_start3A_91] : memref<832x64xf32, #tpu.memory_space<vmem>> -> memref<104x64xf32, #tpu.memory_space<vmem>>
    %dma_start3A_93 = arith.constant 1144 : i32
    %dma_start3A_94 = tpu.memref_slice %arg5[%dma_start3A_93] : memref<3328xi32, #tpu.memory_space<vmem>> -> memref<104xi32, #tpu.memory_space<vmem>>
    %dma_start3A_95 = arith.constant 0 : i32
    %dma_start3A_96 = arith.constant 0 : i32
    %dma_start3A_97 = tpu.memref_slice %arg3[%dma_start3A_95, %dma_start3A_96] : memref<1000000x64xf32, #tpu.memory_space<hbm>> -> memref<1000000x64xf32, #tpu.memory_space<hbm>>
    tpu.enqueue_indirect_dma source(%dma_start3A_97 : memref<1000000x64xf32, #tpu.memory_space<hbm>>) target(%dma_start3A_92 : memref<104x64xf32, #tpu.memory_space<vmem>>) offsets(%dma_start3A_94 : memref<104xi32, #tpu.memory_space<vmem>>) semaphore(%arg9 : memref<!tpu.dma_semaphore, #tpu.memory_space<semaphore_mem>>)
    %dma_start3A_98 = arith.constant 416 : i32
    %dma_start3A_99 = arith.constant 0 : i32
    %dma_start3A_100 = tpu.memref_slice %arg7[%dma_start3A_98, %dma_start3A_99] : memref<832x64xf32, #tpu.memory_space<vmem>> -> memref<104x64xf32, #tpu.memory_space<vmem>>
    %dma_start3A_101 = arith.constant 1248 : i32
    %dma_start3A_102 = tpu.memref_slice %arg5[%dma_start3A_101] : memref<3328xi32, #tpu.memory_space<vmem>> -> memref<104xi32, #tpu.memory_space<vmem>>
    %dma_start3A_103 = arith.constant 0 : i32
    %dma_start3A_104 = arith.constant 0 : i32
    %dma_start3A_105 = tpu.memref_slice %arg3[%dma_start3A_103, %dma_start3A_104] : memref<1000000x64xf32, #tpu.memory_space<hbm>> -> memref<1000000x64xf32, #tpu.memory_space<hbm>>
    tpu.enqueue_indirect_dma source(%dma_start3A_105 : memref<1000000x64xf32, #tpu.memory_space<hbm>>) target(%dma_start3A_100 : memref<104x64xf32, #tpu.memory_space<vmem>>) offsets(%dma_start3A_102 : memref<104xi32, #tpu.memory_space<vmem>>) semaphore(%arg9 : memref<!tpu.dma_semaphore, #tpu.memory_space<semaphore_mem>>)
    %dma_start3A_106 = arith.constant 520 : i32
    %dma_start3A_107 = arith.constant 0 : i32
    %dma_start3A_108 = tpu.memref_slice %arg7[%dma_start3A_106, %dma_start3A_107] : memref<832x64xf32, #tpu.memory_space<vmem>> -> memref<104x64xf32, #tpu.memory_space<vmem>>
    %dma_start3A_109 = arith.constant 1352 : i32
    %dma_start3A_110 = tpu.memref_slice %arg5[%dma_start3A_109] : memref<3328xi32, #tpu.memory_space<vmem>> -> memref<104xi32, #tpu.memory_space<vmem>>
    %dma_start3A_111 = arith.constant 0 : i32
    %dma_start3A_112 = arith.constant 0 : i32
    %dma_start3A_113 = tpu.memref_slice %arg3[%dma_start3A_111, %dma_start3A_112] : memref<1000000x64xf32, #tpu.memory_space<hbm>> -> memref<1000000x64xf32, #tpu.memory_space<hbm>>
    tpu.enqueue_indirect_dma source(%dma_start3A_113 : memref<1000000x64xf32, #tpu.memory_space<hbm>>) target(%dma_start3A_108 : memref<104x64xf32, #tpu.memory_space<vmem>>) offsets(%dma_start3A_110 : memref<104xi32, #tpu.memory_space<vmem>>) semaphore(%arg9 : memref<!tpu.dma_semaphore, #tpu.memory_space<semaphore_mem>>)
    %dma_start3A_114 = arith.constant 624 : i32
    %dma_start3A_115 = arith.constant 0 : i32
    %dma_start3A_116 = tpu.memref_slice %arg7[%dma_start3A_114, %dma_start3A_115] : memref<832x64xf32, #tpu.memory_space<vmem>> -> memref<104x64xf32, #tpu.memory_space<vmem>>
    %dma_start3A_117 = arith.constant 1456 : i32
    %dma_start3A_118 = tpu.memref_slice %arg5[%dma_start3A_117] : memref<3328xi32, #tpu.memory_space<vmem>> -> memref<104xi32, #tpu.memory_space<vmem>>
    %dma_start3A_119 = arith.constant 0 : i32
    %dma_start3A_120 = arith.constant 0 : i32
    %dma_start3A_121 = tpu.memref_slice %arg3[%dma_start3A_119, %dma_start3A_120] : memref<1000000x64xf32, #tpu.memory_space<hbm>> -> memref<1000000x64xf32, #tpu.memory_space<hbm>>
    tpu.enqueue_indirect_dma source(%dma_start3A_121 : memref<1000000x64xf32, #tpu.memory_space<hbm>>) target(%dma_start3A_116 : memref<104x64xf32, #tpu.memory_space<vmem>>) offsets(%dma_start3A_118 : memref<104xi32, #tpu.memory_space<vmem>>) semaphore(%arg9 : memref<!tpu.dma_semaphore, #tpu.memory_space<semaphore_mem>>)
    %dma_start3A_122 = arith.constant 728 : i32
    %dma_start3A_123 = arith.constant 0 : i32
    %dma_start3A_124 = tpu.memref_slice %arg7[%dma_start3A_122, %dma_start3A_123] : memref<832x64xf32, #tpu.memory_space<vmem>> -> memref<104x64xf32, #tpu.memory_space<vmem>>
    %dma_start3A_125 = arith.constant 1560 : i32
    %dma_start3A_126 = tpu.memref_slice %arg5[%dma_start3A_125] : memref<3328xi32, #tpu.memory_space<vmem>> -> memref<104xi32, #tpu.memory_space<vmem>>
    %dma_start3A_127 = arith.constant 0 : i32
    %dma_start3A_128 = arith.constant 0 : i32
    %dma_start3A_129 = tpu.memref_slice %arg3[%dma_start3A_127, %dma_start3A_128] : memref<1000000x64xf32, #tpu.memory_space<hbm>> -> memref<1000000x64xf32, #tpu.memory_space<hbm>>
    tpu.enqueue_indirect_dma source(%dma_start3A_129 : memref<1000000x64xf32, #tpu.memory_space<hbm>>) target(%dma_start3A_124 : memref<104x64xf32, #tpu.memory_space<vmem>>) offsets(%dma_start3A_126 : memref<104xi32, #tpu.memory_space<vmem>>) semaphore(%arg9 : memref<!tpu.dma_semaphore, #tpu.memory_space<semaphore_mem>>)
    %dma_wait3A = arith.constant 0 : i32
    %dma_wait3A_130 = arith.constant 0 : i32
    %dma_wait3A_131 = tpu.memref_slice %arg6[%dma_wait3A, %dma_wait3A_130] : memref<832x64xf32, #tpu.memory_space<vmem>> -> memref<104x64xf32, #tpu.memory_space<vmem>>
    %dma_wait3A_132 = arith.constant 0 : i32
    %dma_wait3A_133 = tpu.memref_slice %arg5[%dma_wait3A_132] : memref<3328xi32, #tpu.memory_space<vmem>> -> memref<104xi32, #tpu.memory_space<vmem>>
    %dma_wait3A_134 = arith.constant 0 : i32
    %dma_wait3A_135 = arith.constant 0 : i32
    %dma_wait3A_136 = tpu.memref_slice %arg3[%dma_wait3A_134, %dma_wait3A_135] : memref<1000000x64xf32, #tpu.memory_space<hbm>> -> memref<1000000x64xf32, #tpu.memory_space<hbm>>
    tpu.wait_indirect_dma semaphore(%arg8 : memref<!tpu.dma_semaphore, #tpu.memory_space<semaphore_mem>>) src(%dma_wait3A_136 : memref<1000000x64xf32, #tpu.memory_space<hbm>>) dst(%dma_wait3A_131 : memref<104x64xf32, #tpu.memory_space<vmem>>)
    %dma_wait3A_137 = arith.constant 104 : i32
    %dma_wait3A_138 = arith.constant 0 : i32
    %dma_wait3A_139 = tpu.memref_slice %arg6[%dma_wait3A_137, %dma_wait3A_138] : memref<832x64xf32, #tpu.memory_space<vmem>> -> memref<104x64xf32, #tpu.memory_space<vmem>>
    %dma_wait3A_140 = arith.constant 104 : i32
    %dma_wait3A_141 = tpu.memref_slice %arg5[%dma_wait3A_140] : memref<3328xi32, #tpu.memory_space<vmem>> -> memref<104xi32, #tpu.memory_space<vmem>>
    %dma_wait3A_142 = arith.constant 0 : i32
    %dma_wait3A_143 = arith.constant 0 : i32
    %dma_wait3A_144 = tpu.memref_slice %arg3[%dma_wait3A_142, %dma_wait3A_143] : memref<1000000x64xf32, #tpu.memory_space<hbm>> -> memref<1000000x64xf32, #tpu.memory_space<hbm>>
    tpu.wait_indirect_dma semaphore(%arg8 : memref<!tpu.dma_semaphore, #tpu.memory_space<semaphore_mem>>) src(%dma_wait3A_144 : memref<1000000x64xf32, #tpu.memory_space<hbm>>) dst(%dma_wait3A_139 : memref<104x64xf32, #tpu.memory_space<vmem>>)
    %dma_wait3A_145 = arith.constant 208 : i32
    %dma_wait3A_146 = arith.constant 0 : i32
    %dma_wait3A_147 = tpu.memref_slice %arg6[%dma_wait3A_145, %dma_wait3A_146] : memref<832x64xf32, #tpu.memory_space<vmem>> -> memref<104x64xf32, #tpu.memory_space<vmem>>
    %dma_wait3A_148 = arith.constant 208 : i32
    %dma_wait3A_149 = tpu.memref_slice %arg5[%dma_wait3A_148] : memref<3328xi32, #tpu.memory_space<vmem>> -> memref<104xi32, #tpu.memory_space<vmem>>
    %dma_wait3A_150 = arith.constant 0 : i32
    %dma_wait3A_151 = arith.constant 0 : i32
    %dma_wait3A_152 = tpu.memref_slice %arg3[%dma_wait3A_150, %dma_wait3A_151] : memref<1000000x64xf32, #tpu.memory_space<hbm>> -> memref<1000000x64xf32, #tpu.memory_space<hbm>>
    tpu.wait_indirect_dma semaphore(%arg8 : memref<!tpu.dma_semaphore, #tpu.memory_space<semaphore_mem>>) src(%dma_wait3A_152 : memref<1000000x64xf32, #tpu.memory_space<hbm>>) dst(%dma_wait3A_147 : memref<104x64xf32, #tpu.memory_space<vmem>>)
    %dma_wait3A_153 = arith.constant 312 : i32
    %dma_wait3A_154 = arith.constant 0 : i32
    %dma_wait3A_155 = tpu.memref_slice %arg6[%dma_wait3A_153, %dma_wait3A_154] : memref<832x64xf32, #tpu.memory_space<vmem>> -> memref<104x64xf32, #tpu.memory_space<vmem>>
    %dma_wait3A_156 = arith.constant 312 : i32
    %dma_wait3A_157 = tpu.memref_slice %arg5[%dma_wait3A_156] : memref<3328xi32, #tpu.memory_space<vmem>> -> memref<104xi32, #tpu.memory_space<vmem>>
    %dma_wait3A_158 = arith.constant 0 : i32
    %dma_wait3A_159 = arith.constant 0 : i32
    %dma_wait3A_160 = tpu.memref_slice %arg3[%dma_wait3A_158, %dma_wait3A_159] : memref<1000000x64xf32, #tpu.memory_space<hbm>> -> memref<1000000x64xf32, #tpu.memory_space<hbm>>
    tpu.wait_indirect_dma semaphore(%arg8 : memref<!tpu.dma_semaphore, #tpu.memory_space<semaphore_mem>>) src(%dma_wait3A_160 : memref<1000000x64xf32, #tpu.memory_space<hbm>>) dst(%dma_wait3A_155 : memref<104x64xf32, #tpu.memory_space<vmem>>)
    %dma_wait3A_161 = arith.constant 416 : i32
    %dma_wait3A_162 = arith.constant 0 : i32
    %dma_wait3A_163 = tpu.memref_slice %arg6[%dma_wait3A_161, %dma_wait3A_162] : memref<832x64xf32, #tpu.memory_space<vmem>> -> memref<104x64xf32, #tpu.memory_space<vmem>>
    %dma_wait3A_164 = arith.constant 416 : i32
    %dma_wait3A_165 = tpu.memref_slice %arg5[%dma_wait3A_164] : memref<3328xi32, #tpu.memory_space<vmem>> -> memref<104xi32, #tpu.memory_space<vmem>>
    %dma_wait3A_166 = arith.constant 0 : i32
    %dma_wait3A_167 = arith.constant 0 : i32
    %dma_wait3A_168 = tpu.memref_slice %arg3[%dma_wait3A_166, %dma_wait3A_167] : memref<1000000x64xf32, #tpu.memory_space<hbm>> -> memref<1000000x64xf32, #tpu.memory_space<hbm>>
    tpu.wait_indirect_dma semaphore(%arg8 : memref<!tpu.dma_semaphore, #tpu.memory_space<semaphore_mem>>) src(%dma_wait3A_168 : memref<1000000x64xf32, #tpu.memory_space<hbm>>) dst(%dma_wait3A_163 : memref<104x64xf32, #tpu.memory_space<vmem>>)
    %dma_wait3A_169 = arith.constant 520 : i32
    %dma_wait3A_170 = arith.constant 0 : i32
    %dma_wait3A_171 = tpu.memref_slice %arg6[%dma_wait3A_169, %dma_wait3A_170] : memref<832x64xf32, #tpu.memory_space<vmem>> -> memref<104x64xf32, #tpu.memory_space<vmem>>
    %dma_wait3A_172 = arith.constant 520 : i32
    %dma_wait3A_173 = tpu.memref_slice %arg5[%dma_wait3A_172] : memref<3328xi32, #tpu.memory_space<vmem>> -> memref<104xi32, #tpu.memory_space<vmem>>
    %dma_wait3A_174 = arith.constant 0 : i32
    %dma_wait3A_175 = arith.constant 0 : i32
    %dma_wait3A_176 = tpu.memref_slice %arg3[%dma_wait3A_174, %dma_wait3A_175] : memref<1000000x64xf32, #tpu.memory_space<hbm>> -> memref<1000000x64xf32, #tpu.memory_space<hbm>>
    tpu.wait_indirect_dma semaphore(%arg8 : memref<!tpu.dma_semaphore, #tpu.memory_space<semaphore_mem>>) src(%dma_wait3A_176 : memref<1000000x64xf32, #tpu.memory_space<hbm>>) dst(%dma_wait3A_171 : memref<104x64xf32, #tpu.memory_space<vmem>>)
    %dma_wait3A_177 = arith.constant 624 : i32
    %dma_wait3A_178 = arith.constant 0 : i32
    %dma_wait3A_179 = tpu.memref_slice %arg6[%dma_wait3A_177, %dma_wait3A_178] : memref<832x64xf32, #tpu.memory_space<vmem>> -> memref<104x64xf32, #tpu.memory_space<vmem>>
    %dma_wait3A_180 = arith.constant 624 : i32
    %dma_wait3A_181 = tpu.memref_slice %arg5[%dma_wait3A_180] : memref<3328xi32, #tpu.memory_space<vmem>> -> memref<104xi32, #tpu.memory_space<vmem>>
    %dma_wait3A_182 = arith.constant 0 : i32
    %dma_wait3A_183 = arith.constant 0 : i32
    %dma_wait3A_184 = tpu.memref_slice %arg3[%dma_wait3A_182, %dma_wait3A_183] : memref<1000000x64xf32, #tpu.memory_space<hbm>> -> memref<1000000x64xf32, #tpu.memory_space<hbm>>
    tpu.wait_indirect_dma semaphore(%arg8 : memref<!tpu.dma_semaphore, #tpu.memory_space<semaphore_mem>>) src(%dma_wait3A_184 : memref<1000000x64xf32, #tpu.memory_space<hbm>>) dst(%dma_wait3A_179 : memref<104x64xf32, #tpu.memory_space<vmem>>)
    %dma_wait3A_185 = arith.constant 728 : i32
    %dma_wait3A_186 = arith.constant 0 : i32
    %dma_wait3A_187 = tpu.memref_slice %arg6[%dma_wait3A_185, %dma_wait3A_186] : memref<832x64xf32, #tpu.memory_space<vmem>> -> memref<104x64xf32, #tpu.memory_space<vmem>>
    %dma_wait3A_188 = arith.constant 728 : i32
    %dma_wait3A_189 = tpu.memref_slice %arg5[%dma_wait3A_188] : memref<3328xi32, #tpu.memory_space<vmem>> -> memref<104xi32, #tpu.memory_space<vmem>>
    %dma_wait3A_190 = arith.constant 0 : i32
    %dma_wait3A_191 = arith.constant 0 : i32
    %dma_wait3A_192 = tpu.memref_slice %arg3[%dma_wait3A_190, %dma_wait3A_191] : memref<1000000x64xf32, #tpu.memory_space<hbm>> -> memref<1000000x64xf32, #tpu.memory_space<hbm>>
    tpu.wait_indirect_dma semaphore(%arg8 : memref<!tpu.dma_semaphore, #tpu.memory_space<semaphore_mem>>) src(%dma_wait3A_192 : memref<1000000x64xf32, #tpu.memory_space<hbm>>) dst(%dma_wait3A_187 : memref<104x64xf32, #tpu.memory_space<vmem>>)
    %scan3A = arith.constant 0 : i32
    %scan3A_193 = arith.constant 0 : i32
    %scan3A_194 = arith.constant 52 : i32
    %scan3A_195 = arith.addi %scan3A_193, %scan3A_194 : i32
    %scan3A_196 = arith.constant 1 : i32
    scf.for %scan3A_576 = %scan3A_193 to %scan3A_195 step %scan3A_196  : i32 {
      %mul3A_577 = arith.constant 16 : i32
      %mul3A_578 = arith.muli %scan3A_576, %mul3A_577 : i32
      %add3A_579 = arith.constant 0 : i32
      %add3A_580 = arith.addi %add3A_579, %mul3A_578 : i32
      %get3A = arith.index_cast %add3A_580 : i32 to index
      %get3A_581 = tpu.vector_load %arg5[%get3A] {strides = array<i32>} : memref<3328xi32, #tpu.memory_space<vmem>>, vector<16xi32>,
      %eq3A = arith.constant 0 : i32
      %eq3A_582 = vector.broadcast %eq3A : i32 to vector<16xi32>
      %eq3A_583 = arith.cmpi eq, %get3A_581, %eq3A_582 : vector<16xi32>
      %reduce_or3A = arith.constant 1.000000e+00 : f32
      %reduce_or3A_584 = arith.constant 0.000000e+00 : f32
      %reduce_or3A_585 = vector.broadcast %reduce_or3A : f32 to vector<16xf32>
      %reduce_or3A_586 = vector.broadcast %reduce_or3A_584 : f32 to vector<16xf32>
      %reduce_or3A_587 = arith.select %eq3A_583, %reduce_or3A_585, %reduce_or3A_586 : vector<16xi1>, vector<16xf32>
      %reduce_or3A_588 = arith.constant true
      %reduce_or3A_589 = vector.broadcast %reduce_or3A_588 : i1 to vector<16xi1>
      %reduce_or3A_590 = tpu.scan <max>, %reduce_or3A_587 masked %reduce_or3A_589 : vector<16xf32>, vector<16xi1> -> vector<16xf32>
      %reduce_or3A_591 = vector.extract %reduce_or3A_590[15] : f32 from vector<16xf32>
      %reduce_or3A_592 = arith.constant 0.000000e+00 : f32
      %reduce_or3A_593 = arith.cmpf ogt, %reduce_or3A_591, %reduce_or3A_592 : f32
      %convert_element_type3A = arith.extui %reduce_or3A_593 : i1 to i32
      %cond3A = arith.constant 0 : i32
      %cond3A_594 = arith.cmpi ne, %convert_element_type3A, %cond3A : i32
      scf.if %cond3A_594 {
        %add3A_595 = arith.constant 0 : i32
        %add3A_596 = arith.addi %add3A_595, %mul3A_578 : i32
        %add3A_597 = arith.constant 0 : i32
        %add3A_598 = arith.addi %add3A_596, %add3A_597 : i32
        %broadcast_in_dim3A = vector.broadcast %add3A_598 : i32 to vector<16xi32>
        %gather3A = tpu.vector_load_idx %arg5[%broadcast_in_dim3A] : memref<3328xi32, #tpu.memory_space<vmem>>[vector<16xi32>], vector<16xi32>,
        %eq3A_599 = arith.constant 0 : i32
        %eq3A_600 = vector.broadcast %eq3A_599 : i32 to vector<16xi32>
        %eq3A_601 = arith.cmpi eq, %gather3A, %eq3A_600 : vector<16xi32>
        %jit3A = arith.constant 0.000000e+00 : f32
        %jit3A_602 = arith.constant 1.000000e+00 : f32
        %broadcast_in_dim3A_603 = vector.broadcast %jit3A : f32 to vector<16xf32>
        %broadcast_in_dim3A_604 = vector.broadcast %jit3A_602 : f32 to vector<16xf32>
        %select_n3A = arith.select %eq3A_601, %broadcast_in_dim3A_603, %broadcast_in_dim3A_604 : vector<16xi1>, vector<16xf32>
        %add3A_605 = arith.constant 0 : i32
        %add3A_606 = arith.addi %mul3A_578, %add3A_605 : i32
        %get3A_607 = arith.index_cast %add3A_606 : i32 to index
        %get3A_608 = arith.constant 0 : index
        %get3A_609 = tpu.vector_load %arg6[%get3A_607, %get3A_608] {strides = array<i32>} : memref<832x64xf32, #tpu.memory_space<vmem>>, vector<16xf32>,
        %mul3A_610 = arith.mulf %get3A_609, %select_n3A : vector<16xf32>
        %swap3A = arith.index_cast %add3A_606 : i32 to index
        %swap3A_611 = arith.constant 0 : index
        %swap3A_612 = tpu.vector_load %arg6[%swap3A, %swap3A_611] {strides = array<i32>} : memref<832x64xf32, #tpu.memory_space<vmem>>, vector<16xf32>,
        tpu.vector_store %arg6[%swap3A, %swap3A_611], %mul3A_610 {strides = array<i32>} : memref<832x64xf32, #tpu.memory_space<vmem>>, vector<16xf32>,
        %add3A_613 = arith.constant 0 : i32
        %add3A_614 = arith.addi %mul3A_578, %add3A_613 : i32
        %get3A_615 = arith.index_cast %add3A_614 : i32 to index
        %get3A_616 = arith.constant 16 : index
        %get3A_617 = tpu.vector_load %arg6[%get3A_615, %get3A_616] {strides = array<i32>} : memref<832x64xf32, #tpu.memory_space<vmem>>, vector<16xf32>,
        %mul3A_618 = arith.mulf %get3A_617, %select_n3A : vector<16xf32>
        %swap3A_619 = arith.index_cast %add3A_614 : i32 to index
        %swap3A_620 = arith.constant 16 : index
        %swap3A_621 = tpu.vector_load %arg6[%swap3A_619, %swap3A_620] {strides = array<i32>} : memref<832x64xf32, #tpu.memory_space<vmem>>, vector<16xf32>,
        tpu.vector_store %arg6[%swap3A_619, %swap3A_620], %mul3A_618 {strides = array<i32>} : memref<832x64xf32, #tpu.memory_space<vmem>>, vector<16xf32>,
        %add3A_622 = arith.constant 0 : i32
        %add3A_623 = arith.addi %mul3A_578, %add3A_622 : i32
        %get3A_624 = arith.index_cast %add3A_623 : i32 to index
        %get3A_625 = arith.constant 32 : index
        %get3A_626 = tpu.vector_load %arg6[%get3A_624, %get3A_625] {strides = array<i32>} : memref<832x64xf32, #tpu.memory_space<vmem>>, vector<16xf32>,
        %mul3A_627 = arith.mulf %get3A_626, %select_n3A : vector<16xf32>
        %swap3A_628 = arith.index_cast %add3A_623 : i32 to index
        %swap3A_629 = arith.constant 32 : index
        %swap3A_630 = tpu.vector_load %arg6[%swap3A_628, %swap3A_629] {strides = array<i32>} : memref<832x64xf32, #tpu.memory_space<vmem>>, vector<16xf32>,
        tpu.vector_store %arg6[%swap3A_628, %swap3A_629], %mul3A_627 {strides = array<i32>} : memref<832x64xf32, #tpu.memory_space<vmem>>, vector<16xf32>,
        %add3A_631 = arith.constant 0 : i32
        %add3A_632 = arith.addi %mul3A_578, %add3A_631 : i32
        %get3A_633 = arith.index_cast %add3A_632 : i32 to index
        %get3A_634 = arith.constant 48 : index
        %get3A_635 = tpu.vector_load %arg6[%get3A_633, %get3A_634] {strides = array<i32>} : memref<832x64xf32, #tpu.memory_space<vmem>>, vector<16xf32>,
        %mul3A_636 = arith.mulf %get3A_635, %select_n3A : vector<16xf32>
        %swap3A_637 = arith.index_cast %add3A_632 : i32 to index
        %swap3A_638 = arith.constant 48 : index
        %swap3A_639 = tpu.vector_load %arg6[%swap3A_637, %swap3A_638] {strides = array<i32>} : memref<832x64xf32, #tpu.memory_space<vmem>>, vector<16xf32>,
        tpu.vector_store %arg6[%swap3A_637, %swap3A_638], %mul3A_636 {strides = array<i32>} : memref<832x64xf32, #tpu.memory_space<vmem>>, vector<16xf32>,
        %add3A_640 = arith.constant 0 : i32
        %add3A_641 = arith.addi %add3A_640, %mul3A_578 : i32
        %add3A_642 = arith.constant 1 : i32
        %add3A_643 = arith.addi %add3A_641, %add3A_642 : i32
        %broadcast_in_dim3A_644 = vector.broadcast %add3A_643 : i32 to vector<16xi32>
        %gather3A_645 = tpu.vector_load_idx %arg5[%broadcast_in_dim3A_644] : memref<3328xi32, #tpu.memory_space<vmem>>[vector<16xi32>], vector<16xi32>,
        %eq3A_646 = arith.constant 0 : i32
        %eq3A_647 = vector.broadcast %eq3A_646 : i32 to vector<16xi32>
        %eq3A_648 = arith.cmpi eq, %gather3A_645, %eq3A_647 : vector<16xi32>
        %jit3A_649 = arith.constant 0.000000e+00 : f32
        %jit3A_650 = arith.constant 1.000000e+00 : f32
        %broadcast_in_dim3A_651 = vector.broadcast %jit3A_649 : f32 to vector<16xf32>
        %broadcast_in_dim3A_652 = vector.broadcast %jit3A_650 : f32 to vector<16xf32>
        %select_n3A_653 = arith.select %eq3A_648, %broadcast_in_dim3A_651, %broadcast_in_dim3A_652 : vector<16xi1>, vector<16xf32>
        %add3A_654 = arith.constant 1 : i32
        %add3A_655 = arith.addi %mul3A_578, %add3A_654 : i32
        %get3A_656 = arith.index_cast %add3A_655 : i32 to index
        %get3A_657 = arith.constant 0 : index
        %get3A_658 = tpu.vector_load %arg6[%get3A_656, %get3A_657] {strides = array<i32>} : memref<832x64xf32, #tpu.memory_space<vmem>>, vector<16xf32>,
        %mul3A_659 = arith.mulf %get3A_658, %select_n3A_653 : vector<16xf32>
        %swap3A_660 = arith.index_cast %add3A_655 : i32 to index
        %swap3A_661 = arith.constant 0 : index
        %swap3A_662 = tpu.vector_load %arg6[%swap3A_660, %swap3A_661] {strides = array<i32>} : memref<832x64xf32, #tpu.memory_space<vmem>>, vector<16xf32>,
        tpu.vector_store %arg6[%swap3A_660, %swap3A_661], %mul3A_659 {strides = array<i32>} : memref<832x64xf32, #tpu.memory_space<vmem>>, vector<16xf32>,
        %add3A_663 = arith.constant 1 : i32
        %add3A_664 = arith.addi %mul3A_578, %add3A_663 : i32
        %get3A_665 = arith.index_cast %add3A_664 : i32 to index
        %get3A_666 = arith.constant 16 : index
        %get3A_667 = tpu.vector_load %arg6[%get3A_665, %get3A_666] {strides = array<i32>} : memref<832x64xf32, #tpu.memory_space<vmem>>, vector<16xf32>,
        %mul3A_668 = arith.mulf %get3A_667, %select_n3A_653 : vector<16xf32>
        %swap3A_669 = arith.index_cast %add3A_664 : i32 to index
        %swap3A_670 = arith.constant 16 : index
        %swap3A_671 = tpu.vector_load %arg6[%swap3A_669, %swap3A_670] {strides = array<i32>} : memref<832x64xf32, #tpu.memory_space<vmem>>, vector<16xf32>,
        tpu.vector_store %arg6[%swap3A_669, %swap3A_670], %mul3A_668 {strides = array<i32>} : memref<832x64xf32, #tpu.memory_space<vmem>>, vector<16xf32>,
        %add3A_672 = arith.constant 1 : i32
        %add3A_673 = arith.addi %mul3A_578, %add3A_672 : i32
        %get3A_674 = arith.index_cast %add3A_673 : i32 to index
        %get3A_675 = arith.constant 32 : index
        %get3A_676 = tpu.vector_load %arg6[%get3A_674, %get3A_675] {strides = array<i32>} : memref<832x64xf32, #tpu.memory_space<vmem>>, vector<16xf32>,
        %mul3A_677 = arith.mulf %get3A_676, %select_n3A_653 : vector<16xf32>
        %swap3A_678 = arith.index_cast %add3A_673 : i32 to index
        %swap3A_679 = arith.constant 32 : index
        %swap3A_680 = tpu.vector_load %arg6[%swap3A_678, %swap3A_679] {strides = array<i32>} : memref<832x64xf32, #tpu.memory_space<vmem>>, vector<16xf32>,
        tpu.vector_store %arg6[%swap3A_678, %swap3A_679], %mul3A_677 {strides = array<i32>} : memref<832x64xf32, #tpu.memory_space<vmem>>, vector<16xf32>,
        %add3A_681 = arith.constant 1 : i32
        %add3A_682 = arith.addi %mul3A_578, %add3A_681 : i32
        %get3A_683 = arith.index_cast %add3A_682 : i32 to index
        %get3A_684 = arith.constant 48 : index
        %get3A_685 = tpu.vector_load %arg6[%get3A_683, %get3A_684] {strides = array<i32>} : memref<832x64xf32, #tpu.memory_space<vmem>>, vector<16xf32>,
        %mul3A_686 = arith.mulf %get3A_685, %select_n3A_653 : vector<16xf32>
        %swap3A_687 = arith.index_cast %add3A_682 : i32 to index
        %swap3A_688 = arith.constant 48 : index
        %swap3A_689 = tpu.vector_load %arg6[%swap3A_687, %swap3A_688] {strides = array<i32>} : memref<832x64xf32, #tpu.memory_space<vmem>>, vector<16xf32>,
        tpu.vector_store %arg6[%swap3A_687, %swap3A_688], %mul3A_686 {strides = array<i32>} : memref<832x64xf32, #tpu.memory_space<vmem>>, vector<16xf32>,
        %add3A_690 = arith.constant 0 : i32
        %add3A_691 = arith.addi %add3A_690, %mul3A_578 : i32
        %add3A_692 = arith.constant 2 : i32
        %add3A_693 = arith.addi %add3A_691, %add3A_692 : i32
        %broadcast_in_dim3A_694 = vector.broadcast %add3A_693 : i32 to vector<16xi32>
        %gather3A_695 = tpu.vector_load_idx %arg5[%broadcast_in_dim3A_694] : memref<3328xi32, #tpu.memory_space<vmem>>[vector<16xi32>], vector<16xi32>,
        %eq3A_696 = arith.constant 0 : i32
        %eq3A_697 = vector.broadcast %eq3A_696 : i32 to vector<16xi32>
        %eq3A_698 = arith.cmpi eq, %gather3A_695, %eq3A_697 : vector<16xi32>
        %jit3A_699 = arith.constant 0.000000e+00 : f32
        %jit3A_700 = arith.constant 1.000000e+00 : f32
        %broadcast_in_dim3A_701 = vector.broadcast %jit3A_699 : f32 to vector<16xf32>
        %broadcast_in_dim3A_702 = vector.broadcast %jit3A_700 : f32 to vector<16xf32>
        %select_n3A_703 = arith.select %eq3A_698, %broadcast_in_dim3A_701, %broadcast_in_dim3A_702 : vector<16xi1>, vector<16xf32>
        %add3A_704 = arith.constant 2 : i32
        %add3A_705 = arith.addi %mul3A_578, %add3A_704 : i32
        %get3A_706 = arith.index_cast %add3A_705 : i32 to index
        %get3A_707 = arith.constant 0 : index
        %get3A_708 = tpu.vector_load %arg6[%get3A_706, %get3A_707] {strides = array<i32>} : memref<832x64xf32, #tpu.memory_space<vmem>>, vector<16xf32>,
        %mul3A_709 = arith.mulf %get3A_708, %select_n3A_703 : vector<16xf32>
        %swap3A_710 = arith.index_cast %add3A_705 : i32 to index
        %swap3A_711 = arith.constant 0 : index
        %swap3A_712 = tpu.vector_load %arg6[%swap3A_710, %swap3A_711] {strides = array<i32>} : memref<832x64xf32, #tpu.memory_space<vmem>>, vector<16xf32>,
        tpu.vector_store %arg6[%swap3A_710, %swap3A_711], %mul3A_709 {strides = array<i32>} : memref<832x64xf32, #tpu.memory_space<vmem>>, vector<16xf32>,
        %add3A_713 = arith.constant 2 : i32
        %add3A_714 = arith.addi %mul3A_578, %add3A_713 : i32
        %get3A_715 = arith.index_cast %add3A_714 : i32 to index
        %get3A_716 = arith.constant 16 : index
        %get3A_717 = tpu.vector_load %arg6[%get3A_715, %get3A_716] {strides = array<i32>} : memref<832x64xf32, #tpu.memory_space<vmem>>, vector<16xf32>,
        %mul3A_718 = arith.mulf %get3A_717, %select_n3A_703 : vector<16xf32>
        %swap3A_719 = arith.index_cast %add3A_714 : i32 to index
        %swap3A_720 = arith.constant 16 : index
        %swap3A_721 = tpu.vector_load %arg6[%swap3A_719, %swap3A_720] {strides = array<i32>} : memref<832x64xf32, #tpu.memory_space<vmem>>, vector<16xf32>,
        tpu.vector_store %arg6[%swap3A_719, %swap3A_720], %mul3A_718 {strides = array<i32>} : memref<832x64xf32, #tpu.memory_space<vmem>>, vector<16xf32>,
        %add3A_722 = arith.constant 2 : i32
        %add3A_723 = arith.addi %mul3A_578, %add3A_722 : i32
        %get3A_724 = arith.index_cast %add3A_723 : i32 to index
        %get3A_725 = arith.constant 32 : index
        %get3A_726 = tpu.vector_load %arg6[%get3A_724, %get3A_725] {strides = array<i32>} : memref<832x64xf32, #tpu.memory_space<vmem>>, vector<16xf32>,
        %mul3A_727 = arith.mulf %get3A_726, %select_n3A_703 : vector<16xf32>
        %swap3A_728 = arith.index_cast %add3A_723 : i32 to index
        %swap3A_729 = arith.constant 32 : index
        %swap3A_730 = tpu.vector_load %arg6[%swap3A_728, %swap3A_729] {strides = array<i32>} : memref<832x64xf32, #tpu.memory_space<vmem>>, vector<16xf32>,
        tpu.vector_store %arg6[%swap3A_728, %swap3A_729], %mul3A_727 {strides = array<i32>} : memref<832x64xf32, #tpu.memory_space<vmem>>, vector<16xf32>,
        %add3A_731 = arith.constant 2 : i32
        %add3A_732 = arith.addi %mul3A_578, %add3A_731 : i32
        %get3A_733 = arith.index_cast %add3A_732 : i32 to index
        %get3A_734 = arith.constant 48 : index
        %get3A_735 = tpu.vector_load %arg6[%get3A_733, %get3A_734] {strides = array<i32>} : memref<832x64xf32, #tpu.memory_space<vmem>>, vector<16xf32>,
        %mul3A_736 = arith.mulf %get3A_735, %select_n3A_703 : vector<16xf32>
        %swap3A_737 = arith.index_cast %add3A_732 : i32 to index
        %swap3A_738 = arith.constant 48 : index
        %swap3A_739 = tpu.vector_load %arg6[%swap3A_737, %swap3A_738] {strides = array<i32>} : memref<832x64xf32, #tpu.memory_space<vmem>>, vector<16xf32>,
        tpu.vector_store %arg6[%swap3A_737, %swap3A_738], %mul3A_736 {strides = array<i32>} : memref<832x64xf32, #tpu.memory_space<vmem>>, vector<16xf32>,
        %add3A_740 = arith.constant 0 : i32
        %add3A_741 = arith.addi %add3A_740, %mul3A_578 : i32
        %add3A_742 = arith.constant 3 : i32
        %add3A_743 = arith.addi %add3A_741, %add3A_742 : i32
        %broadcast_in_dim3A_744 = vector.broadcast %add3A_743 : i32 to vector<16xi32>
        %gather3A_745 = tpu.vector_load_idx %arg5[%broadcast_in_dim3A_744] : memref<3328xi32, #tpu.memory_space<vmem>>[vector<16xi32>], vector<16xi32>,
        %eq3A_746 = arith.constant 0 : i32
        %eq3A_747 = vector.broadcast %eq3A_746 : i32 to vector<16xi32>
        %eq3A_748 = arith.cmpi eq, %gather3A_745, %eq3A_747 : vector<16xi32>
        %jit3A_749 = arith.constant 0.000000e+00 : f32
        %jit3A_750 = arith.constant 1.000000e+00 : f32
        %broadcast_in_dim3A_751 = vector.broadcast %jit3A_749 : f32 to vector<16xf32>
        %broadcast_in_dim3A_752 = vector.broadcast %jit3A_750 : f32 to vector<16xf32>
        %select_n3A_753 = arith.select %eq3A_748, %broadcast_in_dim3A_751, %broadcast_in_dim3A_752 : vector<16xi1>, vector<16xf32>
        %add3A_754 = arith.constant 3 : i32
        %add3A_755 = arith.addi %mul3A_578, %add3A_754 : i32
        %get3A_756 = arith.index_cast %add3A_755 : i32 to index
        %get3A_757 = arith.constant 0 : index
        %get3A_758 = tpu.vector_load %arg6[%get3A_756, %get3A_757] {strides = array<i32>} : memref<832x64xf32, #tpu.memory_space<vmem>>, vector<16xf32>,
        %mul3A_759 = arith.mulf %get3A_758, %select_n3A_753 : vector<16xf32>
        %swap3A_760 = arith.index_cast %add3A_755 : i32 to index
        %swap3A_761 = arith.constant 0 : index
        %swap3A_762 = tpu.vector_load %arg6[%swap3A_760, %swap3A_761] {strides = array<i32>} : memref<832x64xf32, #tpu.memory_space<vmem>>, vector<16xf32>,
        tpu.vector_store %arg6[%swap3A_760, %swap3A_761], %mul3A_759 {strides = array<i32>} : memref<832x64xf32, #tpu.memory_space<vmem>>, vector<16xf32>,
        %add3A_763 = arith.constant 3 : i32
        %add3A_764 = arith.addi %mul3A_578, %add3A_763 : i32
        %get3A_765 = arith.index_cast %add3A_764 : i32 to index
        %get3A_766 = arith.constant 16 : index
        %get3A_767 = tpu.vector_load %arg6[%get3A_765, %get3A_766] {strides = array<i32>} : memref<832x64xf32, #tpu.memory_space<vmem>>, vector<16xf32>,
        %mul3A_768 = arith.mulf %get3A_767, %select_n3A_753 : vector<16xf32>
        %swap3A_769 = arith.index_cast %add3A_764 : i32 to index
        %swap3A_770 = arith.constant 16 : index
        %swap3A_771 = tpu.vector_load %arg6[%swap3A_769, %swap3A_770] {strides = array<i32>} : memref<832x64xf32, #tpu.memory_space<vmem>>, vector<16xf32>,
        tpu.vector_store %arg6[%swap3A_769, %swap3A_770], %mul3A_768 {strides = array<i32>} : memref<832x64xf32, #tpu.memory_space<vmem>>, vector<16xf32>,
        %add3A_772 = arith.constant 3 : i32
        %add3A_773 = arith.addi %mul3A_578, %add3A_772 : i32
        %get3A_774 = arith.index_cast %add3A_773 : i32 to index
        %get3A_775 = arith.constant 32 : index
        %get3A_776 = tpu.vector_load %arg6[%get3A_774, %get3A_775] {strides = array<i32>} : memref<832x64xf32, #tpu.memory_space<vmem>>, vector<16xf32>,
        %mul3A_777 = arith.mulf %get3A_776, %select_n3A_753 : vector<16xf32>
        %swap3A_778 = arith.index_cast %add3A_773 : i32 to index
        %swap3A_779 = arith.constant 32 : index
        %swap3A_780 = tpu.vector_load %arg6[%swap3A_778, %swap3A_779] {strides = array<i32>} : memref<832x64xf32, #tpu.memory_space<vmem>>, vector<16xf32>,
        tpu.vector_store %arg6[%swap3A_778, %swap3A_779], %mul3A_777 {strides = array<i32>} : memref<832x64xf32, #tpu.memory_space<vmem>>, vector<16xf32>,
        %add3A_781 = arith.constant 3 : i32
        %add3A_782 = arith.addi %mul3A_578, %add3A_781 : i32
        %get3A_783 = arith.index_cast %add3A_782 : i32 to index
        %get3A_784 = arith.constant 48 : index
        %get3A_785 = tpu.vector_load %arg6[%get3A_783, %get3A_784] {strides = array<i32>} : memref<832x64xf32, #tpu.memory_space<vmem>>, vector<16xf32>,
        %mul3A_786 = arith.mulf %get3A_785, %select_n3A_753 : vector<16xf32>
        %swap3A_787 = arith.index_cast %add3A_782 : i32 to index
        %swap3A_788 = arith.constant 48 : index
        %swap3A_789 = tpu.vector_load %arg6[%swap3A_787, %swap3A_788] {strides = array<i32>} : memref<832x64xf32, #tpu.memory_space<vmem>>, vector<16xf32>,
        tpu.vector_store %arg6[%swap3A_787, %swap3A_788], %mul3A_786 {strides = array<i32>} : memref<832x64xf32, #tpu.memory_space<vmem>>, vector<16xf32>,
        %add3A_790 = arith.constant 0 : i32
        %add3A_791 = arith.addi %add3A_790, %mul3A_578 : i32
        %add3A_792 = arith.constant 4 : i32
        %add3A_793 = arith.addi %add3A_791, %add3A_792 : i32
        %broadcast_in_dim3A_794 = vector.broadcast %add3A_793 : i32 to vector<16xi32>
        %gather3A_795 = tpu.vector_load_idx %arg5[%broadcast_in_dim3A_794] : memref<3328xi32, #tpu.memory_space<vmem>>[vector<16xi32>], vector<16xi32>,
        %eq3A_796 = arith.constant 0 : i32
        %eq3A_797 = vector.broadcast %eq3A_796 : i32 to vector<16xi32>
        %eq3A_798 = arith.cmpi eq, %gather3A_795, %eq3A_797 : vector<16xi32>
        %jit3A_799 = arith.constant 0.000000e+00 : f32
        %jit3A_800 = arith.constant 1.000000e+00 : f32
        %broadcast_in_dim3A_801 = vector.broadcast %jit3A_799 : f32 to vector<16xf32>
        %broadcast_in_dim3A_802 = vector.broadcast %jit3A_800 : f32 to vector<16xf32>
        %select_n3A_803 = arith.select %eq3A_798, %broadcast_in_dim3A_801, %broadcast_in_dim3A_802 : vector<16xi1>, vector<16xf32>
        %add3A_804 = arith.constant 4 : i32
        %add3A_805 = arith.addi %mul3A_578, %add3A_804 : i32
        %get3A_806 = arith.index_cast %add3A_805 : i32 to index
        %get3A_807 = arith.constant 0 : index
        %get3A_808 = tpu.vector_load %arg6[%get3A_806, %get3A_807] {strides = array<i32>} : memref<832x64xf32, #tpu.memory_space<vmem>>, vector<16xf32>,
        %mul3A_809 = arith.mulf %get3A_808, %select_n3A_803 : vector<16xf32>
        %swap3A_810 = arith.index_cast %add3A_805 : i32 to index
        %swap3A_811 = arith.constant 0 : index
        %swap3A_812 = tpu.vector_load %arg6[%swap3A_810, %swap3A_811] {strides = array<i32>} : memref<832x64xf32, #tpu.memory_space<vmem>>, vector<16xf32>,
        tpu.vector_store %arg6[%swap3A_810, %swap3A_811], %mul3A_809 {strides = array<i32>} : memref<832x64xf32, #tpu.memory_space<vmem>>, vector<16xf32>,
        %add3A_813 = arith.constant 4 : i32
        %add3A_814 = arith.addi %mul3A_578, %add3A_813 : i32
        %get3A_815 = arith.index_cast %add3A_814 : i32 to index
        %get3A_816 = arith.constant 16 : index
        %get3A_817 = tpu.vector_load %arg6[%get3A_815, %get3A_816] {strides = array<i32>} : memref<832x64xf32, #tpu.memory_space<vmem>>, vector<16xf32>,
        %mul3A_818 = arith.mulf %get3A_817, %select_n3A_803 : vector<16xf32>
        %swap3A_819 = arith.index_cast %add3A_814 : i32 to index
        %swap3A_820 = arith.constant 16 : index
        %swap3A_821 = tpu.vector_load %arg6[%swap3A_819, %swap3A_820] {strides = array<i32>} : memref<832x64xf32, #tpu.memory_space<vmem>>, vector<16xf32>,
        tpu.vector_store %arg6[%swap3A_819, %swap3A_820], %mul3A_818 {strides = array<i32>} : memref<832x64xf32, #tpu.memory_space<vmem>>, vector<16xf32>,
        %add3A_822 = arith.constant 4 : i32
        %add3A_823 = arith.addi %mul3A_578, %add3A_822 : i32
        %get3A_824 = arith.index_cast %add3A_823 : i32 to index
        %get3A_825 = arith.constant 32 : index
        %get3A_826 = tpu.vector_load %arg6[%get3A_824, %get3A_825] {strides = array<i32>} : memref<832x64xf32, #tpu.memory_space<vmem>>, vector<16xf32>,
        %mul3A_827 = arith.mulf %get3A_826, %select_n3A_803 : vector<16xf32>
        %swap3A_828 = arith.index_cast %add3A_823 : i32 to index
        %swap3A_829 = arith.constant 32 : index
        %swap3A_830 = tpu.vector_load %arg6[%swap3A_828, %swap3A_829] {strides = array<i32>} : memref<832x64xf32, #tpu.memory_space<vmem>>, vector<16xf32>,
        tpu.vector_store %arg6[%swap3A_828, %swap3A_829], %mul3A_827 {strides = array<i32>} : memref<832x64xf32, #tpu.memory_space<vmem>>, vector<16xf32>,
        %add3A_831 = arith.constant 4 : i32
        %add3A_832 = arith.addi %mul3A_578, %add3A_831 : i32
        %get3A_833 = arith.index_cast %add3A_832 : i32 to index
        %get3A_834 = arith.constant 48 : index
        %get3A_835 = tpu.vector_load %arg6[%get3A_833, %get3A_834] {strides = array<i32>} : memref<832x64xf32, #tpu.memory_space<vmem>>, vector<16xf32>,
        %mul3A_836 = arith.mulf %get3A_835, %select_n3A_803 : vector<16xf32>
        %swap3A_837 = arith.index_cast %add3A_832 : i32 to index
        %swap3A_838 = arith.constant 48 : index
        %swap3A_839 = tpu.vector_load %arg6[%swap3A_837, %swap3A_838] {strides = array<i32>} : memref<832x64xf32, #tpu.memory_space<vmem>>, vector<16xf32>,
        tpu.vector_store %arg6[%swap3A_837, %swap3A_838], %mul3A_836 {strides = array<i32>} : memref<832x64xf32, #tpu.memory_space<vmem>>, vector<16xf32>,
        %add3A_840 = arith.constant 0 : i32
        %add3A_841 = arith.addi %add3A_840, %mul3A_578 : i32
        %add3A_842 = arith.constant 5 : i32
        %add3A_843 = arith.addi %add3A_841, %add3A_842 : i32
        %broadcast_in_dim3A_844 = vector.broadcast %add3A_843 : i32 to vector<16xi32>
        %gather3A_845 = tpu.vector_load_idx %arg5[%broadcast_in_dim3A_844] : memref<3328xi32, #tpu.memory_space<vmem>>[vector<16xi32>], vector<16xi32>,
        %eq3A_846 = arith.constant 0 : i32
        %eq3A_847 = vector.broadcast %eq3A_846 : i32 to vector<16xi32>
        %eq3A_848 = arith.cmpi eq, %gather3A_845, %eq3A_847 : vector<16xi32>
        %jit3A_849 = arith.constant 0.000000e+00 : f32
        %jit3A_850 = arith.constant 1.000000e+00 : f32
        %broadcast_in_dim3A_851 = vector.broadcast %jit3A_849 : f32 to vector<16xf32>
        %broadcast_in_dim3A_852 = vector.broadcast %jit3A_850 : f32 to vector<16xf32>
        %select_n3A_853 = arith.select %eq3A_848, %broadcast_in_dim3A_851, %broadcast_in_dim3A_852 : vector<16xi1>, vector<16xf32>
        %add3A_854 = arith.constant 5 : i32
        %add3A_855 = arith.addi %mul3A_578, %add3A_854 : i32
        %get3A_856 = arith.index_cast %add3A_855 : i32 to index
        %get3A_857 = arith.constant 0 : index
        %get3A_858 = tpu.vector_load %arg6[%get3A_856, %get3A_857] {strides = array<i32>} : memref<832x64xf32, #tpu.memory_space<vmem>>, vector<16xf32>,
        %mul3A_859 = arith.mulf %get3A_858, %select_n3A_853 : vector<16xf32>
        %swap3A_860 = arith.index_cast %add3A_855 : i32 to index
        %swap3A_861 = arith.constant 0 : index
        %swap3A_862 = tpu.vector_load %arg6[%swap3A_860, %swap3A_861] {strides = array<i32>} : memref<832x64xf32, #tpu.memory_space<vmem>>, vector<16xf32>,
        tpu.vector_store %arg6[%swap3A_860, %swap3A_861], %mul3A_859 {strides = array<i32>} : memref<832x64xf32, #tpu.memory_space<vmem>>, vector<16xf32>,
        %add3A_863 = arith.constant 5 : i32
        %add3A_864 = arith.addi %mul3A_578, %add3A_863 : i32
        %get3A_865 = arith.index_cast %add3A_864 : i32 to index
        %get3A_866 = arith.constant 16 : index
        %get3A_867 = tpu.vector_load %arg6[%get3A_865, %get3A_866] {strides = array<i32>} : memref<832x64xf32, #tpu.memory_space<vmem>>, vector<16xf32>,
        %mul3A_868 = arith.mulf %get3A_867, %select_n3A_853 : vector<16xf32>
        %swap3A_869 = arith.index_cast %add3A_864 : i32 to index
        %swap3A_870 = arith.constant 16 : index
        %swap3A_871 = tpu.vector_load %arg6[%swap3A_869, %swap3A_870] {strides = array<i32>} : memref<832x64xf32, #tpu.memory_space<vmem>>, vector<16xf32>,
        tpu.vector_store %arg6[%swap3A_869, %swap3A_870], %mul3A_868 {strides = array<i32>} : memref<832x64xf32, #tpu.memory_space<vmem>>, vector<16xf32>,
        %add3A_872 = arith.constant 5 : i32
        %add3A_873 = arith.addi %mul3A_578, %add3A_872 : i32
        %get3A_874 = arith.index_cast %add3A_873 : i32 to index
        %get3A_875 = arith.constant 32 : index
        %get3A_876 = tpu.vector_load %arg6[%get3A_874, %get3A_875] {strides = array<i32>} : memref<832x64xf32, #tpu.memory_space<vmem>>, vector<16xf32>,
        %mul3A_877 = arith.mulf %get3A_876, %select_n3A_853 : vector<16xf32>
        %swap3A_878 = arith.index_cast %add3A_873 : i32 to index
        %swap3A_879 = arith.constant 32 : index
        %swap3A_880 = tpu.vector_load %arg6[%swap3A_878, %swap3A_879] {strides = array<i32>} : memref<832x64xf32, #tpu.memory_space<vmem>>, vector<16xf32>,
        tpu.vector_store %arg6[%swap3A_878, %swap3A_879], %mul3A_877 {strides = array<i32>} : memref<832x64xf32, #tpu.memory_space<vmem>>, vector<16xf32>,
        %add3A_881 = arith.constant 5 : i32
        %add3A_882 = arith.addi %mul3A_578, %add3A_881 : i32
        %get3A_883 = arith.index_cast %add3A_882 : i32 to index
        %get3A_884 = arith.constant 48 : index
        %get3A_885 = tpu.vector_load %arg6[%get3A_883, %get3A_884] {strides = array<i32>} : memref<832x64xf32, #tpu.memory_space<vmem>>, vector<16xf32>,
        %mul3A_886 = arith.mulf %get3A_885, %select_n3A_853 : vector<16xf32>
        %swap3A_887 = arith.index_cast %add3A_882 : i32 to index
        %swap3A_888 = arith.constant 48 : index
        %swap3A_889 = tpu.vector_load %arg6[%swap3A_887, %swap3A_888] {strides = array<i32>} : memref<832x64xf32, #tpu.memory_space<vmem>>, vector<16xf32>,
        tpu.vector_store %arg6[%swap3A_887, %swap3A_888], %mul3A_886 {strides = array<i32>} : memref<832x64xf32, #tpu.memory_space<vmem>>, vector<16xf32>,
        %add3A_890 = arith.constant 0 : i32
        %add3A_891 = arith.addi %add3A_890, %mul3A_578 : i32
        %add3A_892 = arith.constant 6 : i32
        %add3A_893 = arith.addi %add3A_891, %add3A_892 : i32
        %broadcast_in_dim3A_894 = vector.broadcast %add3A_893 : i32 to vector<16xi32>
        %gather3A_895 = tpu.vector_load_idx %arg5[%broadcast_in_dim3A_894] : memref<3328xi32, #tpu.memory_space<vmem>>[vector<16xi32>], vector<16xi32>,
        %eq3A_896 = arith.constant 0 : i32
        %eq3A_897 = vector.broadcast %eq3A_896 : i32 to vector<16xi32>
        %eq3A_898 = arith.cmpi eq, %gather3A_895, %eq3A_897 : vector<16xi32>
        %jit3A_899 = arith.constant 0.000000e+00 : f32
        %jit3A_900 = arith.constant 1.000000e+00 : f32
        %broadcast_in_dim3A_901 = vector.broadcast %jit3A_899 : f32 to vector<16xf32>
        %broadcast_in_dim3A_902 = vector.broadcast %jit3A_900 : f32 to vector<16xf32>
        %select_n3A_903 = arith.select %eq3A_898, %broadcast_in_dim3A_901, %broadcast_in_dim3A_902 : vector<16xi1>, vector<16xf32>
        %add3A_904 = arith.constant 6 : i32
        %add3A_905 = arith.addi %mul3A_578, %add3A_904 : i32
        %get3A_906 = arith.index_cast %add3A_905 : i32 to index
        %get3A_907 = arith.constant 0 : index
        %get3A_908 = tpu.vector_load %arg6[%get3A_906, %get3A_907] {strides = array<i32>} : memref<832x64xf32, #tpu.memory_space<vmem>>, vector<16xf32>,
        %mul3A_909 = arith.mulf %get3A_908, %select_n3A_903 : vector<16xf32>
        %swap3A_910 = arith.index_cast %add3A_905 : i32 to index
        %swap3A_911 = arith.constant 0 : index
        %swap3A_912 = tpu.vector_load %arg6[%swap3A_910, %swap3A_911] {strides = array<i32>} : memref<832x64xf32, #tpu.memory_space<vmem>>, vector<16xf32>,
        tpu.vector_store %arg6[%swap3A_910, %swap3A_911], %mul3A_909 {strides = array<i32>} : memref<832x64xf32, #tpu.memory_space<vmem>>, vector<16xf32>,
        %add3A_913 = arith.constant 6 : i32
        %add3A_914 = arith.addi %mul3A_578, %add3A_913 : i32
        %get3A_915 = arith.index_cast %add3A_914 : i32 to index
        %get3A_916 = arith.constant 16 : index
        %get3A_917 = tpu.vector_load %arg6[%get3A_915, %get3A_916] {strides = array<i32>} : memref<832x64xf32, #tpu.memory_space<vmem>>, vector<16xf32>,
        %mul3A_918 = arith.mulf %get3A_917, %select_n3A_903 : vector<16xf32>
        %swap3A_919 = arith.index_cast %add3A_914 : i32 to index
        %swap3A_920 = arith.constant 16 : index
        %swap3A_921 = tpu.vector_load %arg6[%swap3A_919, %swap3A_920] {strides = array<i32>} : memref<832x64xf32, #tpu.memory_space<vmem>>, vector<16xf32>,
        tpu.vector_store %arg6[%swap3A_919, %swap3A_920], %mul3A_918 {strides = array<i32>} : memref<832x64xf32, #tpu.memory_space<vmem>>, vector<16xf32>,
        %add3A_922 = arith.constant 6 : i32
        %add3A_923 = arith.addi %mul3A_578, %add3A_922 : i32
        %get3A_924 = arith.index_cast %add3A_923 : i32 to index
        %get3A_925 = arith.constant 32 : index
        %get3A_926 = tpu.vector_load %arg6[%get3A_924, %get3A_925] {strides = array<i32>} : memref<832x64xf32, #tpu.memory_space<vmem>>, vector<16xf32>,
        %mul3A_927 = arith.mulf %get3A_926, %select_n3A_903 : vector<16xf32>
        %swap3A_928 = arith.index_cast %add3A_923 : i32 to index
        %swap3A_929 = arith.constant 32 : index
        %swap3A_930 = tpu.vector_load %arg6[%swap3A_928, %swap3A_929] {strides = array<i32>} : memref<832x64xf32, #tpu.memory_space<vmem>>, vector<16xf32>,
        tpu.vector_store %arg6[%swap3A_928, %swap3A_929], %mul3A_927 {strides = array<i32>} : memref<832x64xf32, #tpu.memory_space<vmem>>, vector<16xf32>,
        %add3A_931 = arith.constant 6 : i32
        %add3A_932 = arith.addi %mul3A_578, %add3A_931 : i32
        %get3A_933 = arith.index_cast %add3A_932 : i32 to index
        %get3A_934 = arith.constant 48 : index
        %get3A_935 = tpu.vector_load %arg6[%get3A_933, %get3A_934] {strides = array<i32>} : memref<832x64xf32, #tpu.memory_space<vmem>>, vector<16xf32>,
        %mul3A_936 = arith.mulf %get3A_935, %select_n3A_903 : vector<16xf32>
        %swap3A_937 = arith.index_cast %add3A_932 : i32 to index
        %swap3A_938 = arith.constant 48 : index
        %swap3A_939 = tpu.vector_load %arg6[%swap3A_937, %swap3A_938] {strides = array<i32>} : memref<832x64xf32, #tpu.memory_space<vmem>>, vector<16xf32>,
        tpu.vector_store %arg6[%swap3A_937, %swap3A_938], %mul3A_936 {strides = array<i32>} : memref<832x64xf32, #tpu.memory_space<vmem>>, vector<16xf32>,
        %add3A_940 = arith.constant 0 : i32
        %add3A_941 = arith.addi %add3A_940, %mul3A_578 : i32
        %add3A_942 = arith.constant 7 : i32
        %add3A_943 = arith.addi %add3A_941, %add3A_942 : i32
        %broadcast_in_dim3A_944 = vector.broadcast %add3A_943 : i32 to vector<16xi32>
        %gather3A_945 = tpu.vector_load_idx %arg5[%broadcast_in_dim3A_944] : memref<3328xi32, #tpu.memory_space<vmem>>[vector<16xi32>], vector<16xi32>,
        %eq3A_946 = arith.constant 0 : i32
        %eq3A_947 = vector.broadcast %eq3A_946 : i32 to vector<16xi32>
        %eq3A_948 = arith.cmpi eq, %gather3A_945, %eq3A_947 : vector<16xi32>
        %jit3A_949 = arith.constant 0.000000e+00 : f32
        %jit3A_950 = arith.constant 1.000000e+00 : f32
        %broadcast_in_dim3A_951 = vector.broadcast %jit3A_949 : f32 to vector<16xf32>
        %broadcast_in_dim3A_952 = vector.broadcast %jit3A_950 : f32 to vector<16xf32>
        %select_n3A_953 = arith.select %eq3A_948, %broadcast_in_dim3A_951, %broadcast_in_dim3A_952 : vector<16xi1>, vector<16xf32>
        %add3A_954 = arith.constant 7 : i32
        %add3A_955 = arith.addi %mul3A_578, %add3A_954 : i32
        %get3A_956 = arith.index_cast %add3A_955 : i32 to index
        %get3A_957 = arith.constant 0 : index
        %get3A_958 = tpu.vector_load %arg6[%get3A_956, %get3A_957] {strides = array<i32>} : memref<832x64xf32, #tpu.memory_space<vmem>>, vector<16xf32>,
        %mul3A_959 = arith.mulf %get3A_958, %select_n3A_953 : vector<16xf32>
        %swap3A_960 = arith.index_cast %add3A_955 : i32 to index
        %swap3A_961 = arith.constant 0 : index
        %swap3A_962 = tpu.vector_load %arg6[%swap3A_960, %swap3A_961] {strides = array<i32>} : memref<832x64xf32, #tpu.memory_space<vmem>>, vector<16xf32>,
        tpu.vector_store %arg6[%swap3A_960, %swap3A_961], %mul3A_959 {strides = array<i32>} : memref<832x64xf32, #tpu.memory_space<vmem>>, vector<16xf32>,
        %add3A_963 = arith.constant 7 : i32
        %add3A_964 = arith.addi %mul3A_578, %add3A_963 : i32
        %get3A_965 = arith.index_cast %add3A_964 : i32 to index
        %get3A_966 = arith.constant 16 : index
        %get3A_967 = tpu.vector_load %arg6[%get3A_965, %get3A_966] {strides = array<i32>} : memref<832x64xf32, #tpu.memory_space<vmem>>, vector<16xf32>,
        %mul3A_968 = arith.mulf %get3A_967, %select_n3A_953 : vector<16xf32>
        %swap3A_969 = arith.index_cast %add3A_964 : i32 to index
        %swap3A_970 = arith.constant 16 : index
        %swap3A_971 = tpu.vector_load %arg6[%swap3A_969, %swap3A_970] {strides = array<i32>} : memref<832x64xf32, #tpu.memory_space<vmem>>, vector<16xf32>,
        tpu.vector_store %arg6[%swap3A_969, %swap3A_970], %mul3A_968 {strides = array<i32>} : memref<832x64xf32, #tpu.memory_space<vmem>>, vector<16xf32>,
        %add3A_972 = arith.constant 7 : i32
        %add3A_973 = arith.addi %mul3A_578, %add3A_972 : i32
        %get3A_974 = arith.index_cast %add3A_973 : i32 to index
        %get3A_975 = arith.constant 32 : index
        %get3A_976 = tpu.vector_load %arg6[%get3A_974, %get3A_975] {strides = array<i32>} : memref<832x64xf32, #tpu.memory_space<vmem>>, vector<16xf32>,
        %mul3A_977 = arith.mulf %get3A_976, %select_n3A_953 : vector<16xf32>
        %swap3A_978 = arith.index_cast %add3A_973 : i32 to index
        %swap3A_979 = arith.constant 32 : index
        %swap3A_980 = tpu.vector_load %arg6[%swap3A_978, %swap3A_979] {strides = array<i32>} : memref<832x64xf32, #tpu.memory_space<vmem>>, vector<16xf32>,
        tpu.vector_store %arg6[%swap3A_978, %swap3A_979], %mul3A_977 {strides = array<i32>} : memref<832x64xf32, #tpu.memory_space<vmem>>, vector<16xf32>,
        %add3A_981 = arith.constant 7 : i32
        %add3A_982 = arith.addi %mul3A_578, %add3A_981 : i32
        %get3A_983 = arith.index_cast %add3A_982 : i32 to index
        %get3A_984 = arith.constant 48 : index
        %get3A_985 = tpu.vector_load %arg6[%get3A_983, %get3A_984] {strides = array<i32>} : memref<832x64xf32, #tpu.memory_space<vmem>>, vector<16xf32>,
        %mul3A_986 = arith.mulf %get3A_985, %select_n3A_953 : vector<16xf32>
        %swap3A_987 = arith.index_cast %add3A_982 : i32 to index
        %swap3A_988 = arith.constant 48 : index
        %swap3A_989 = tpu.vector_load %arg6[%swap3A_987, %swap3A_988] {strides = array<i32>} : memref<832x64xf32, #tpu.memory_space<vmem>>, vector<16xf32>,
        tpu.vector_store %arg6[%swap3A_987, %swap3A_988], %mul3A_986 {strides = array<i32>} : memref<832x64xf32, #tpu.memory_space<vmem>>, vector<16xf32>,
        %add3A_990 = arith.constant 0 : i32
        %add3A_991 = arith.addi %add3A_990, %mul3A_578 : i32
        %add3A_992 = arith.constant 8 : i32
        %add3A_993 = arith.addi %add3A_991, %add3A_992 : i32
        %broadcast_in_dim3A_994 = vector.broadcast %add3A_993 : i32 to vector<16xi32>
        %gather3A_995 = tpu.vector_load_idx %arg5[%broadcast_in_dim3A_994] : memref<3328xi32, #tpu.memory_space<vmem>>[vector<16xi32>], vector<16xi32>,
        %eq3A_996 = arith.constant 0 : i32
        %eq3A_997 = vector.broadcast %eq3A_996 : i32 to vector<16xi32>
        %eq3A_998 = arith.cmpi eq, %gather3A_995, %eq3A_997 : vector<16xi32>
        %jit3A_999 = arith.constant 0.000000e+00 : f32
        %jit3A_1000 = arith.constant 1.000000e+00 : f32
        %broadcast_in_dim3A_1001 = vector.broadcast %jit3A_999 : f32 to vector<16xf32>
        %broadcast_in_dim3A_1002 = vector.broadcast %jit3A_1000 : f32 to vector<16xf32>
        %select_n3A_1003 = arith.select %eq3A_998, %broadcast_in_dim3A_1001, %broadcast_in_dim3A_1002 : vector<16xi1>, vector<16xf32>
        %add3A_1004 = arith.constant 8 : i32
        %add3A_1005 = arith.addi %mul3A_578, %add3A_1004 : i32
        %get3A_1006 = arith.index_cast %add3A_1005 : i32 to index
        %get3A_1007 = arith.constant 0 : index
        %get3A_1008 = tpu.vector_load %arg6[%get3A_1006, %get3A_1007] {strides = array<i32>} : memref<832x64xf32, #tpu.memory_space<vmem>>, vector<16xf32>,
        %mul3A_1009 = arith.mulf %get3A_1008, %select_n3A_1003 : vector<16xf32>
        %swap3A_1010 = arith.index_cast %add3A_1005 : i32 to index
        %swap3A_1011 = arith.constant 0 : index
        %swap3A_1012 = tpu.vector_load %arg6[%swap3A_1010, %swap3A_1011] {strides = array<i32>} : memref<832x64xf32, #tpu.memory_space<vmem>>, vector<16xf32>,
        tpu.vector_store %arg6[%swap3A_1010, %swap3A_1011], %mul3A_1009 {strides = array<i32>} : memref<832x64xf32, #tpu.memory_space<vmem>>, vector<16xf32>,
        %add3A_1013 = arith.constant 8 : i32
        %add3A_1014 = arith.addi %mul3A_578, %add3A_1013 : i32
        %get3A_1015 = arith.index_cast %add3A_1014 : i32 to index
        %get3A_1016 = arith.constant 16 : index
        %get3A_1017 = tpu.vector_load %arg6[%get3A_1015, %get3A_1016] {strides = array<i32>} : memref<832x64xf32, #tpu.memory_space<vmem>>, vector<16xf32>,
        %mul3A_1018 = arith.mulf %get3A_1017, %select_n3A_1003 : vector<16xf32>
        %swap3A_1019 = arith.index_cast %add3A_1014 : i32 to index
        %swap3A_1020 = arith.constant 16 : index
        %swap3A_1021 = tpu.vector_load %arg6[%swap3A_1019, %swap3A_1020] {strides = array<i32>} : memref<832x64xf32, #tpu.memory_space<vmem>>, vector<16xf32>,
        tpu.vector_store %arg6[%swap3A_1019, %swap3A_1020], %mul3A_1018 {strides = array<i32>} : memref<832x64xf32, #tpu.memory_space<vmem>>, vector<16xf32>,
        %add3A_1022 = arith.constant 8 : i32
        %add3A_1023 = arith.addi %mul3A_578, %add3A_1022 : i32
        %get3A_1024 = arith.index_cast %add3A_1023 : i32 to index
        %get3A_1025 = arith.constant 32 : index
        %get3A_1026 = tpu.vector_load %arg6[%get3A_1024, %get3A_1025] {strides = array<i32>} : memref<832x64xf32, #tpu.memory_space<vmem>>, vector<16xf32>,
        %mul3A_1027 = arith.mulf %get3A_1026, %select_n3A_1003 : vector<16xf32>
        %swap3A_1028 = arith.index_cast %add3A_1023 : i32 to index
        %swap3A_1029 = arith.constant 32 : index
        %swap3A_1030 = tpu.vector_load %arg6[%swap3A_1028, %swap3A_1029] {strides = array<i32>} : memref<832x64xf32, #tpu.memory_space<vmem>>, vector<16xf32>,
        tpu.vector_store %arg6[%swap3A_1028, %swap3A_1029], %mul3A_1027 {strides = array<i32>} : memref<832x64xf32, #tpu.memory_space<vmem>>, vector<16xf32>,
        %add3A_1031 = arith.constant 8 : i32
        %add3A_1032 = arith.addi %mul3A_578, %add3A_1031 : i32
        %get3A_1033 = arith.index_cast %add3A_1032 : i32 to index
        %get3A_1034 = arith.constant 48 : index
        %get3A_1035 = tpu.vector_load %arg6[%get3A_1033, %get3A_1034] {strides = array<i32>} : memref<832x64xf32, #tpu.memory_space<vmem>>, vector<16xf32>,
        %mul3A_1036 = arith.mulf %get3A_1035, %select_n3A_1003 : vector<16xf32>
        %swap3A_1037 = arith.index_cast %add3A_1032 : i32 to index
        %swap3A_1038 = arith.constant 48 : index
        %swap3A_1039 = tpu.vector_load %arg6[%swap3A_1037, %swap3A_1038] {strides = array<i32>} : memref<832x64xf32, #tpu.memory_space<vmem>>, vector<16xf32>,
        tpu.vector_store %arg6[%swap3A_1037, %swap3A_1038], %mul3A_1036 {strides = array<i32>} : memref<832x64xf32, #tpu.memory_space<vmem>>, vector<16xf32>,
        %add3A_1040 = arith.constant 0 : i32
        %add3A_1041 = arith.addi %add3A_1040, %mul3A_578 : i32
        %add3A_1042 = arith.constant 9 : i32
        %add3A_1043 = arith.addi %add3A_1041, %add3A_1042 : i32
        %broadcast_in_dim3A_1044 = vector.broadcast %add3A_1043 : i32 to vector<16xi32>
        %gather3A_1045 = tpu.vector_load_idx %arg5[%broadcast_in_dim3A_1044] : memref<3328xi32, #tpu.memory_space<vmem>>[vector<16xi32>], vector<16xi32>,
        %eq3A_1046 = arith.constant 0 : i32
        %eq3A_1047 = vector.broadcast %eq3A_1046 : i32 to vector<16xi32>
        %eq3A_1048 = arith.cmpi eq, %gather3A_1045, %eq3A_1047 : vector<16xi32>
        %jit3A_1049 = arith.constant 0.000000e+00 : f32
        %jit3A_1050 = arith.constant 1.000000e+00 : f32
        %broadcast_in_dim3A_1051 = vector.broadcast %jit3A_1049 : f32 to vector<16xf32>
        %broadcast_in_dim3A_1052 = vector.broadcast %jit3A_1050 : f32 to vector<16xf32>
        %select_n3A_1053 = arith.select %eq3A_1048, %broadcast_in_dim3A_1051, %broadcast_in_dim3A_1052 : vector<16xi1>, vector<16xf32>
        %add3A_1054 = arith.constant 9 : i32
        %add3A_1055 = arith.addi %mul3A_578, %add3A_1054 : i32
        %get3A_1056 = arith.index_cast %add3A_1055 : i32 to index
        %get3A_1057 = arith.constant 0 : index
        %get3A_1058 = tpu.vector_load %arg6[%get3A_1056, %get3A_1057] {strides = array<i32>} : memref<832x64xf32, #tpu.memory_space<vmem>>, vector<16xf32>,
        %mul3A_1059 = arith.mulf %get3A_1058, %select_n3A_1053 : vector<16xf32>
        %swap3A_1060 = arith.index_cast %add3A_1055 : i32 to index
        %swap3A_1061 = arith.constant 0 : index
        %swap3A_1062 = tpu.vector_load %arg6[%swap3A_1060, %swap3A_1061] {strides = array<i32>} : memref<832x64xf32, #tpu.memory_space<vmem>>, vector<16xf32>,
        tpu.vector_store %arg6[%swap3A_1060, %swap3A_1061], %mul3A_1059 {strides = array<i32>} : memref<832x64xf32, #tpu.memory_space<vmem>>, vector<16xf32>,
        %add3A_1063 = arith.constant 9 : i32
        %add3A_1064 = arith.addi %mul3A_578, %add3A_1063 : i32
        %get3A_1065 = arith.index_cast %add3A_1064 : i32 to index
        %get3A_1066 = arith.constant 16 : index
        %get3A_1067 = tpu.vector_load %arg6[%get3A_1065, %get3A_1066] {strides = array<i32>} : memref<832x64xf32, #tpu.memory_space<vmem>>, vector<16xf32>,
        %mul3A_1068 = arith.mulf %get3A_1067, %select_n3A_1053 : vector<16xf32>
        %swap3A_1069 = arith.index_cast %add3A_1064 : i32 to index
        %swap3A_1070 = arith.constant 16 : index
        %swap3A_1071 = tpu.vector_load %arg6[%swap3A_1069, %swap3A_1070] {strides = array<i32>} : memref<832x64xf32, #tpu.memory_space<vmem>>, vector<16xf32>,
        tpu.vector_store %arg6[%swap3A_1069, %swap3A_1070], %mul3A_1068 {strides = array<i32>} : memref<832x64xf32, #tpu.memory_space<vmem>>, vector<16xf32>,
        %add3A_1072 = arith.constant 9 : i32
        %add3A_1073 = arith.addi %mul3A_578, %add3A_1072 : i32
        %get3A_1074 = arith.index_cast %add3A_1073 : i32 to index
        %get3A_1075 = arith.constant 32 : index
        %get3A_1076 = tpu.vector_load %arg6[%get3A_1074, %get3A_1075] {strides = array<i32>} : memref<832x64xf32, #tpu.memory_space<vmem>>, vector<16xf32>,
        %mul3A_1077 = arith.mulf %get3A_1076, %select_n3A_1053 : vector<16xf32>
        %swap3A_1078 = arith.index_cast %add3A_1073 : i32 to index
        %swap3A_1079 = arith.constant 32 : index
        %swap3A_1080 = tpu.vector_load %arg6[%swap3A_1078, %swap3A_1079] {strides = array<i32>} : memref<832x64xf32, #tpu.memory_space<vmem>>, vector<16xf32>,
        tpu.vector_store %arg6[%swap3A_1078, %swap3A_1079], %mul3A_1077 {strides = array<i32>} : memref<832x64xf32, #tpu.memory_space<vmem>>, vector<16xf32>,
        %add3A_1081 = arith.constant 9 : i32
        %add3A_1082 = arith.addi %mul3A_578, %add3A_1081 : i32
        %get3A_1083 = arith.index_cast %add3A_1082 : i32 to index
        %get3A_1084 = arith.constant 48 : index
        %get3A_1085 = tpu.vector_load %arg6[%get3A_1083, %get3A_1084] {strides = array<i32>} : memref<832x64xf32, #tpu.memory_space<vmem>>, vector<16xf32>,
        %mul3A_1086 = arith.mulf %get3A_1085, %select_n3A_1053 : vector<16xf32>
        %swap3A_1087 = arith.index_cast %add3A_1082 : i32 to index
        %swap3A_1088 = arith.constant 48 : index
        %swap3A_1089 = tpu.vector_load %arg6[%swap3A_1087, %swap3A_1088] {strides = array<i32>} : memref<832x64xf32, #tpu.memory_space<vmem>>, vector<16xf32>,
        tpu.vector_store %arg6[%swap3A_1087, %swap3A_1088], %mul3A_1086 {strides = array<i32>} : memref<832x64xf32, #tpu.memory_space<vmem>>, vector<16xf32>,
        %add3A_1090 = arith.constant 0 : i32
        %add3A_1091 = arith.addi %add3A_1090, %mul3A_578 : i32
        %add3A_1092 = arith.constant 10 : i32
        %add3A_1093 = arith.addi %add3A_1091, %add3A_1092 : i32
        %broadcast_in_dim3A_1094 = vector.broadcast %add3A_1093 : i32 to vector<16xi32>
        %gather3A_1095 = tpu.vector_load_idx %arg5[%broadcast_in_dim3A_1094] : memref<3328xi32, #tpu.memory_space<vmem>>[vector<16xi32>], vector<16xi32>,
        %eq3A_1096 = arith.constant 0 : i32
        %eq3A_1097 = vector.broadcast %eq3A_1096 : i32 to vector<16xi32>
        %eq3A_1098 = arith.cmpi eq, %gather3A_1095, %eq3A_1097 : vector<16xi32>
        %jit3A_1099 = arith.constant 0.000000e+00 : f32
        %jit3A_1100 = arith.constant 1.000000e+00 : f32
        %broadcast_in_dim3A_1101 = vector.broadcast %jit3A_1099 : f32 to vector<16xf32>
        %broadcast_in_dim3A_1102 = vector.broadcast %jit3A_1100 : f32 to vector<16xf32>
        %select_n3A_1103 = arith.select %eq3A_1098, %broadcast_in_dim3A_1101, %broadcast_in_dim3A_1102 : vector<16xi1>, vector<16xf32>
        %add3A_1104 = arith.constant 10 : i32
        %add3A_1105 = arith.addi %mul3A_578, %add3A_1104 : i32
        %get3A_1106 = arith.index_cast %add3A_1105 : i32 to index
        %get3A_1107 = arith.constant 0 : index
        %get3A_1108 = tpu.vector_load %arg6[%get3A_1106, %get3A_1107] {strides = array<i32>} : memref<832x64xf32, #tpu.memory_space<vmem>>, vector<16xf32>,
        %mul3A_1109 = arith.mulf %get3A_1108, %select_n3A_1103 : vector<16xf32>
        %swap3A_1110 = arith.index_cast %add3A_1105 : i32 to index
        %swap3A_1111 = arith.constant 0 : index
        %swap3A_1112 = tpu.vector_load %arg6[%swap3A_1110, %swap3A_1111] {strides = array<i32>} : memref<832x64xf32, #tpu.memory_space<vmem>>, vector<16xf32>,
        tpu.vector_store %arg6[%swap3A_1110, %swap3A_1111], %mul3A_1109 {strides = array<i32>} : memref<832x64xf32, #tpu.memory_space<vmem>>, vector<16xf32>,
        %add3A_1113 = arith.constant 10 : i32
        %add3A_1114 = arith.addi %mul3A_578, %add3A_1113 : i32
        %get3A_1115 = arith.index_cast %add3A_1114 : i32 to index
        %get3A_1116 = arith.constant 16 : index
        %get3A_1117 = tpu.vector_load %arg6[%get3A_1115, %get3A_1116] {strides = array<i32>} : memref<832x64xf32, #tpu.memory_space<vmem>>, vector<16xf32>,
        %mul3A_1118 = arith.mulf %get3A_1117, %select_n3A_1103 : vector<16xf32>
        %swap3A_1119 = arith.index_cast %add3A_1114 : i32 to index
        %swap3A_1120 = arith.constant 16 : index
        %swap3A_1121 = tpu.vector_load %arg6[%swap3A_1119, %swap3A_1120] {strides = array<i32>} : memref<832x64xf32, #tpu.memory_space<vmem>>, vector<16xf32>,
        tpu.vector_store %arg6[%swap3A_1119, %swap3A_1120], %mul3A_1118 {strides = array<i32>} : memref<832x64xf32, #tpu.memory_space<vmem>>, vector<16xf32>,
        %add3A_1122 = arith.constant 10 : i32
        %add3A_1123 = arith.addi %mul3A_578, %add3A_1122 : i32
        %get3A_1124 = arith.index_cast %add3A_1123 : i32 to index
        %get3A_1125 = arith.constant 32 : index
        %get3A_1126 = tpu.vector_load %arg6[%get3A_1124, %get3A_1125] {strides = array<i32>} : memref<832x64xf32, #tpu.memory_space<vmem>>, vector<16xf32>,
        %mul3A_1127 = arith.mulf %get3A_1126, %select_n3A_1103 : vector<16xf32>
        %swap3A_1128 = arith.index_cast %add3A_1123 : i32 to index
        %swap3A_1129 = arith.constant 32 : index
        %swap3A_1130 = tpu.vector_load %arg6[%swap3A_1128, %swap3A_1129] {strides = array<i32>} : memref<832x64xf32, #tpu.memory_space<vmem>>, vector<16xf32>,
        tpu.vector_store %arg6[%swap3A_1128, %swap3A_1129], %mul3A_1127 {strides = array<i32>} : memref<832x64xf32, #tpu.memory_space<vmem>>, vector<16xf32>,
        %add3A_1131 = arith.constant 10 : i32
        %add3A_1132 = arith.addi %mul3A_578, %add3A_1131 : i32
        %get3A_1133 = arith.index_cast %add3A_1132 : i32 to index
        %get3A_1134 = arith.constant 48 : index
        %get3A_1135 = tpu.vector_load %arg6[%get3A_1133, %get3A_1134] {strides = array<i32>} : memref<832x64xf32, #tpu.memory_space<vmem>>, vector<16xf32>,
        %mul3A_1136 = arith.mulf %get3A_1135, %select_n3A_1103 : vector<16xf32>
        %swap3A_1137 = arith.index_cast %add3A_1132 : i32 to index
        %swap3A_1138 = arith.constant 48 : index
        %swap3A_1139 = tpu.vector_load %arg6[%swap3A_1137, %swap3A_1138] {strides = array<i32>} : memref<832x64xf32, #tpu.memory_space<vmem>>, vector<16xf32>,
        tpu.vector_store %arg6[%swap3A_1137, %swap3A_1138], %mul3A_1136 {strides = array<i32>} : memref<832x64xf32, #tpu.memory_space<vmem>>, vector<16xf32>,
        %add3A_1140 = arith.constant 0 : i32
        %add3A_1141 = arith.addi %add3A_1140, %mul3A_578 : i32
        %add3A_1142 = arith.constant 11 : i32
        %add3A_1143 = arith.addi %add3A_1141, %add3A_1142 : i32
        %broadcast_in_dim3A_1144 = vector.broadcast %add3A_1143 : i32 to vector<16xi32>
        %gather3A_1145 = tpu.vector_load_idx %arg5[%broadcast_in_dim3A_1144] : memref<3328xi32, #tpu.memory_space<vmem>>[vector<16xi32>], vector<16xi32>,
        %eq3A_1146 = arith.constant 0 : i32
        %eq3A_1147 = vector.broadcast %eq3A_1146 : i32 to vector<16xi32>
        %eq3A_1148 = arith.cmpi eq, %gather3A_1145, %eq3A_1147 : vector<16xi32>
        %jit3A_1149 = arith.constant 0.000000e+00 : f32
        %jit3A_1150 = arith.constant 1.000000e+00 : f32
        %broadcast_in_dim3A_1151 = vector.broadcast %jit3A_1149 : f32 to vector<16xf32>
        %broadcast_in_dim3A_1152 = vector.broadcast %jit3A_1150 : f32 to vector<16xf32>
        %select_n3A_1153 = arith.select %eq3A_1148, %broadcast_in_dim3A_1151, %broadcast_in_dim3A_1152 : vector<16xi1>, vector<16xf32>
        %add3A_1154 = arith.constant 11 : i32
        %add3A_1155 = arith.addi %mul3A_578, %add3A_1154 : i32
        %get3A_1156 = arith.index_cast %add3A_1155 : i32 to index
        %get3A_1157 = arith.constant 0 : index
        %get3A_1158 = tpu.vector_load %arg6[%get3A_1156, %get3A_1157] {strides = array<i32>} : memref<832x64xf32, #tpu.memory_space<vmem>>, vector<16xf32>,
        %mul3A_1159 = arith.mulf %get3A_1158, %select_n3A_1153 : vector<16xf32>
        %swap3A_1160 = arith.index_cast %add3A_1155 : i32 to index
        %swap3A_1161 = arith.constant 0 : index
        %swap3A_1162 = tpu.vector_load %arg6[%swap3A_1160, %swap3A_1161] {strides = array<i32>} : memref<832x64xf32, #tpu.memory_space<vmem>>, vector<16xf32>,
        tpu.vector_store %arg6[%swap3A_1160, %swap3A_1161], %mul3A_1159 {strides = array<i32>} : memref<832x64xf32, #tpu.memory_space<vmem>>, vector<16xf32>,
        %add3A_1163 = arith.constant 11 : i32
        %add3A_1164 = arith.addi %mul3A_578, %add3A_1163 : i32
        %get3A_1165 = arith.index_cast %add3A_1164 : i32 to index
        %get3A_1166 = arith.constant 16 : index
        %get3A_1167 = tpu.vector_load %arg6[%get3A_1165, %get3A_1166] {strides = array<i32>} : memref<832x64xf32, #tpu.memory_space<vmem>>, vector<16xf32>,
        %mul3A_1168 = arith.mulf %get3A_1167, %select_n3A_1153 : vector<16xf32>
        %swap3A_1169 = arith.index_cast %add3A_1164 : i32 to index
        %swap3A_1170 = arith.constant 16 : index
        %swap3A_1171 = tpu.vector_load %arg6[%swap3A_1169, %swap3A_1170] {strides = array<i32>} : memref<832x64xf32, #tpu.memory_space<vmem>>, vector<16xf32>,
        tpu.vector_store %arg6[%swap3A_1169, %swap3A_1170], %mul3A_1168 {strides = array<i32>} : memref<832x64xf32, #tpu.memory_space<vmem>>, vector<16xf32>,
        %add3A_1172 = arith.constant 11 : i32
        %add3A_1173 = arith.addi %mul3A_578, %add3A_1172 : i32
        %get3A_1174 = arith.index_cast %add3A_1173 : i32 to index
        %get3A_1175 = arith.constant 32 : index
        %get3A_1176 = tpu.vector_load %arg6[%get3A_1174, %get3A_1175] {strides = array<i32>} : memref<832x64xf32, #tpu.memory_space<vmem>>, vector<16xf32>,
        %mul3A_1177 = arith.mulf %get3A_1176, %select_n3A_1153 : vector<16xf32>
        %swap3A_1178 = arith.index_cast %add3A_1173 : i32 to index
        %swap3A_1179 = arith.constant 32 : index
        %swap3A_1180 = tpu.vector_load %arg6[%swap3A_1178, %swap3A_1179] {strides = array<i32>} : memref<832x64xf32, #tpu.memory_space<vmem>>, vector<16xf32>,
        tpu.vector_store %arg6[%swap3A_1178, %swap3A_1179], %mul3A_1177 {strides = array<i32>} : memref<832x64xf32, #tpu.memory_space<vmem>>, vector<16xf32>,
        %add3A_1181 = arith.constant 11 : i32
        %add3A_1182 = arith.addi %mul3A_578, %add3A_1181 : i32
        %get3A_1183 = arith.index_cast %add3A_1182 : i32 to index
        %get3A_1184 = arith.constant 48 : index
        %get3A_1185 = tpu.vector_load %arg6[%get3A_1183, %get3A_1184] {strides = array<i32>} : memref<832x64xf32, #tpu.memory_space<vmem>>, vector<16xf32>,
        %mul3A_1186 = arith.mulf %get3A_1185, %select_n3A_1153 : vector<16xf32>
        %swap3A_1187 = arith.index_cast %add3A_1182 : i32 to index
        %swap3A_1188 = arith.constant 48 : index
        %swap3A_1189 = tpu.vector_load %arg6[%swap3A_1187, %swap3A_1188] {strides = array<i32>} : memref<832x64xf32, #tpu.memory_space<vmem>>, vector<16xf32>,
        tpu.vector_store %arg6[%swap3A_1187, %swap3A_1188], %mul3A_1186 {strides = array<i32>} : memref<832x64xf32, #tpu.memory_space<vmem>>, vector<16xf32>,
        %add3A_1190 = arith.constant 0 : i32
        %add3A_1191 = arith.addi %add3A_1190, %mul3A_578 : i32
        %add3A_1192 = arith.constant 12 : i32
        %add3A_1193 = arith.addi %add3A_1191, %add3A_1192 : i32
        %broadcast_in_dim3A_1194 = vector.broadcast %add3A_1193 : i32 to vector<16xi32>
        %gather3A_1195 = tpu.vector_load_idx %arg5[%broadcast_in_dim3A_1194] : memref<3328xi32, #tpu.memory_space<vmem>>[vector<16xi32>], vector<16xi32>,
        %eq3A_1196 = arith.constant 0 : i32
        %eq3A_1197 = vector.broadcast %eq3A_1196 : i32 to vector<16xi32>
        %eq3A_1198 = arith.cmpi eq, %gather3A_1195, %eq3A_1197 : vector<16xi32>
        %jit3A_1199 = arith.constant 0.000000e+00 : f32
        %jit3A_1200 = arith.constant 1.000000e+00 : f32
        %broadcast_in_dim3A_1201 = vector.broadcast %jit3A_1199 : f32 to vector<16xf32>
        %broadcast_in_dim3A_1202 = vector.broadcast %jit3A_1200 : f32 to vector<16xf32>
        %select_n3A_1203 = arith.select %eq3A_1198, %broadcast_in_dim3A_1201, %broadcast_in_dim3A_1202 : vector<16xi1>, vector<16xf32>
        %add3A_1204 = arith.constant 12 : i32
        %add3A_1205 = arith.addi %mul3A_578, %add3A_1204 : i32
        %get3A_1206 = arith.index_cast %add3A_1205 : i32 to index
        %get3A_1207 = arith.constant 0 : index
        %get3A_1208 = tpu.vector_load %arg6[%get3A_1206, %get3A_1207] {strides = array<i32>} : memref<832x64xf32, #tpu.memory_space<vmem>>, vector<16xf32>,
        %mul3A_1209 = arith.mulf %get3A_1208, %select_n3A_1203 : vector<16xf32>
        %swap3A_1210 = arith.index_cast %add3A_1205 : i32 to index
        %swap3A_1211 = arith.constant 0 : index
        %swap3A_1212 = tpu.vector_load %arg6[%swap3A_1210, %swap3A_1211] {strides = array<i32>} : memref<832x64xf32, #tpu.memory_space<vmem>>, vector<16xf32>,
        tpu.vector_store %arg6[%swap3A_1210, %swap3A_1211], %mul3A_1209 {strides = array<i32>} : memref<832x64xf32, #tpu.memory_space<vmem>>, vector<16xf32>,
        %add3A_1213 = arith.constant 12 : i32
        %add3A_1214 = arith.addi %mul3A_578, %add3A_1213 : i32
        %get3A_1215 = arith.index_cast %add3A_1214 : i32 to index
        %get3A_1216 = arith.constant 16 : index
        %get3A_1217 = tpu.vector_load %arg6[%get3A_1215, %get3A_1216] {strides = array<i32>} : memref<832x64xf32, #tpu.memory_space<vmem>>, vector<16xf32>,
        %mul3A_1218 = arith.mulf %get3A_1217, %select_n3A_1203 : vector<16xf32>
        %swap3A_1219 = arith.index_cast %add3A_1214 : i32 to index
        %swap3A_1220 = arith.constant 16 : index
        %swap3A_1221 = tpu.vector_load %arg6[%swap3A_1219, %swap3A_1220] {strides = array<i32>} : memref<832x64xf32, #tpu.memory_space<vmem>>, vector<16xf32>,
        tpu.vector_store %arg6[%swap3A_1219, %swap3A_1220], %mul3A_1218 {strides = array<i32>} : memref<832x64xf32, #tpu.memory_space<vmem>>, vector<16xf32>,
        %add3A_1222 = arith.constant 12 : i32
        %add3A_1223 = arith.addi %mul3A_578, %add3A_1222 : i32
        %get3A_1224 = arith.index_cast %add3A_1223 : i32 to index
        %get3A_1225 = arith.constant 32 : index
        %get3A_1226 = tpu.vector_load %arg6[%get3A_1224, %get3A_1225] {strides = array<i32>} : memref<832x64xf32, #tpu.memory_space<vmem>>, vector<16xf32>,
        %mul3A_1227 = arith.mulf %get3A_1226, %select_n3A_1203 : vector<16xf32>
        %swap3A_1228 = arith.index_cast %add3A_1223 : i32 to index
        %swap3A_1229 = arith.constant 32 : index
        %swap3A_1230 = tpu.vector_load %arg6[%swap3A_1228, %swap3A_1229] {strides = array<i32>} : memref<832x64xf32, #tpu.memory_space<vmem>>, vector<16xf32>,
        tpu.vector_store %arg6[%swap3A_1228, %swap3A_1229], %mul3A_1227 {strides = array<i32>} : memref<832x64xf32, #tpu.memory_space<vmem>>, vector<16xf32>,
        %add3A_1231 = arith.constant 12 : i32
        %add3A_1232 = arith.addi %mul3A_578, %add3A_1231 : i32
        %get3A_1233 = arith.index_cast %add3A_1232 : i32 to index
        %get3A_1234 = arith.constant 48 : index
        %get3A_1235 = tpu.vector_load %arg6[%get3A_1233, %get3A_1234] {strides = array<i32>} : memref<832x64xf32, #tpu.memory_space<vmem>>, vector<16xf32>,
        %mul3A_1236 = arith.mulf %get3A_1235, %select_n3A_1203 : vector<16xf32>
        %swap3A_1237 = arith.index_cast %add3A_1232 : i32 to index
        %swap3A_1238 = arith.constant 48 : index
        %swap3A_1239 = tpu.vector_load %arg6[%swap3A_1237, %swap3A_1238] {strides = array<i32>} : memref<832x64xf32, #tpu.memory_space<vmem>>, vector<16xf32>,
        tpu.vector_store %arg6[%swap3A_1237, %swap3A_1238], %mul3A_1236 {strides = array<i32>} : memref<832x64xf32, #tpu.memory_space<vmem>>, vector<16xf32>,
        %add3A_1240 = arith.constant 0 : i32
        %add3A_1241 = arith.addi %add3A_1240, %mul3A_578 : i32
        %add3A_1242 = arith.constant 13 : i32
        %add3A_1243 = arith.addi %add3A_1241, %add3A_1242 : i32
        %broadcast_in_dim3A_1244 = vector.broadcast %add3A_1243 : i32 to vector<16xi32>
        %gather3A_1245 = tpu.vector_load_idx %arg5[%broadcast_in_dim3A_1244] : memref<3328xi32, #tpu.memory_space<vmem>>[vector<16xi32>], vector<16xi32>,
        %eq3A_1246 = arith.constant 0 : i32
        %eq3A_1247 = vector.broadcast %eq3A_1246 : i32 to vector<16xi32>
        %eq3A_1248 = arith.cmpi eq, %gather3A_1245, %eq3A_1247 : vector<16xi32>
        %jit3A_1249 = arith.constant 0.000000e+00 : f32
        %jit3A_1250 = arith.constant 1.000000e+00 : f32
        %broadcast_in_dim3A_1251 = vector.broadcast %jit3A_1249 : f32 to vector<16xf32>
        %broadcast_in_dim3A_1252 = vector.broadcast %jit3A_1250 : f32 to vector<16xf32>
        %select_n3A_1253 = arith.select %eq3A_1248, %broadcast_in_dim3A_1251, %broadcast_in_dim3A_1252 : vector<16xi1>, vector<16xf32>
        %add3A_1254 = arith.constant 13 : i32
        %add3A_1255 = arith.addi %mul3A_578, %add3A_1254 : i32
        %get3A_1256 = arith.index_cast %add3A_1255 : i32 to index
        %get3A_1257 = arith.constant 0 : index
        %get3A_1258 = tpu.vector_load %arg6[%get3A_1256, %get3A_1257] {strides = array<i32>} : memref<832x64xf32, #tpu.memory_space<vmem>>, vector<16xf32>,
        %mul3A_1259 = arith.mulf %get3A_1258, %select_n3A_1253 : vector<16xf32>
        %swap3A_1260 = arith.index_cast %add3A_1255 : i32 to index
        %swap3A_1261 = arith.constant 0 : index
        %swap3A_1262 = tpu.vector_load %arg6[%swap3A_1260, %swap3A_1261] {strides = array<i32>} : memref<832x64xf32, #tpu.memory_space<vmem>>, vector<16xf32>,
        tpu.vector_store %arg6[%swap3A_1260, %swap3A_1261], %mul3A_1259 {strides = array<i32>} : memref<832x64xf32, #tpu.memory_space<vmem>>, vector<16xf32>,
        %add3A_1263 = arith.constant 13 : i32
        %add3A_1264 = arith.addi %mul3A_578, %add3A_1263 : i32
        %get3A_1265 = arith.index_cast %add3A_1264 : i32 to index
        %get3A_1266 = arith.constant 16 : index
        %get3A_1267 = tpu.vector_load %arg6[%get3A_1265, %get3A_1266] {strides = array<i32>} : memref<832x64xf32, #tpu.memory_space<vmem>>, vector<16xf32>,
        %mul3A_1268 = arith.mulf %get3A_1267, %select_n3A_1253 : vector<16xf32>
        %swap3A_1269 = arith.index_cast %add3A_1264 : i32 to index
        %swap3A_1270 = arith.constant 16 : index
        %swap3A_1271 = tpu.vector_load %arg6[%swap3A_1269, %swap3A_1270] {strides = array<i32>} : memref<832x64xf32, #tpu.memory_space<vmem>>, vector<16xf32>,
        tpu.vector_store %arg6[%swap3A_1269, %swap3A_1270], %mul3A_1268 {strides = array<i32>} : memref<832x64xf32, #tpu.memory_space<vmem>>, vector<16xf32>,
        %add3A_1272 = arith.constant 13 : i32
        %add3A_1273 = arith.addi %mul3A_578, %add3A_1272 : i32
        %get3A_1274 = arith.index_cast %add3A_1273 : i32 to index
        %get3A_1275 = arith.constant 32 : index
        %get3A_1276 = tpu.vector_load %arg6[%get3A_1274, %get3A_1275] {strides = array<i32>} : memref<832x64xf32, #tpu.memory_space<vmem>>, vector<16xf32>,
        %mul3A_1277 = arith.mulf %get3A_1276, %select_n3A_1253 : vector<16xf32>
        %swap3A_1278 = arith.index_cast %add3A_1273 : i32 to index
        %swap3A_1279 = arith.constant 32 : index
        %swap3A_1280 = tpu.vector_load %arg6[%swap3A_1278, %swap3A_1279] {strides = array<i32>} : memref<832x64xf32, #tpu.memory_space<vmem>>, vector<16xf32>,
        tpu.vector_store %arg6[%swap3A_1278, %swap3A_1279], %mul3A_1277 {strides = array<i32>} : memref<832x64xf32, #tpu.memory_space<vmem>>, vector<16xf32>,
        %add3A_1281 = arith.constant 13 : i32
        %add3A_1282 = arith.addi %mul3A_578, %add3A_1281 : i32
        %get3A_1283 = arith.index_cast %add3A_1282 : i32 to index
        %get3A_1284 = arith.constant 48 : index
        %get3A_1285 = tpu.vector_load %arg6[%get3A_1283, %get3A_1284] {strides = array<i32>} : memref<832x64xf32, #tpu.memory_space<vmem>>, vector<16xf32>,
        %mul3A_1286 = arith.mulf %get3A_1285, %select_n3A_1253 : vector<16xf32>
        %swap3A_1287 = arith.index_cast %add3A_1282 : i32 to index
        %swap3A_1288 = arith.constant 48 : index
        %swap3A_1289 = tpu.vector_load %arg6[%swap3A_1287, %swap3A_1288] {strides = array<i32>} : memref<832x64xf32, #tpu.memory_space<vmem>>, vector<16xf32>,
        tpu.vector_store %arg6[%swap3A_1287, %swap3A_1288], %mul3A_1286 {strides = array<i32>} : memref<832x64xf32, #tpu.memory_space<vmem>>, vector<16xf32>,
        %add3A_1290 = arith.constant 0 : i32
        %add3A_1291 = arith.addi %add3A_1290, %mul3A_578 : i32
        %add3A_1292 = arith.constant 14 : i32
        %add3A_1293 = arith.addi %add3A_1291, %add3A_1292 : i32
        %broadcast_in_dim3A_1294 = vector.broadcast %add3A_1293 : i32 to vector<16xi32>
        %gather3A_1295 = tpu.vector_load_idx %arg5[%broadcast_in_dim3A_1294] : memref<3328xi32, #tpu.memory_space<vmem>>[vector<16xi32>], vector<16xi32>,
        %eq3A_1296 = arith.constant 0 : i32
        %eq3A_1297 = vector.broadcast %eq3A_1296 : i32 to vector<16xi32>
        %eq3A_1298 = arith.cmpi eq, %gather3A_1295, %eq3A_1297 : vector<16xi32>
        %jit3A_1299 = arith.constant 0.000000e+00 : f32
        %jit3A_1300 = arith.constant 1.000000e+00 : f32
        %broadcast_in_dim3A_1301 = vector.broadcast %jit3A_1299 : f32 to vector<16xf32>
        %broadcast_in_dim3A_1302 = vector.broadcast %jit3A_1300 : f32 to vector<16xf32>
        %select_n3A_1303 = arith.select %eq3A_1298, %broadcast_in_dim3A_1301, %broadcast_in_dim3A_1302 : vector<16xi1>, vector<16xf32>
        %add3A_1304 = arith.constant 14 : i32
        %add3A_1305 = arith.addi %mul3A_578, %add3A_1304 : i32
        %get3A_1306 = arith.index_cast %add3A_1305 : i32 to index
        %get3A_1307 = arith.constant 0 : index
        %get3A_1308 = tpu.vector_load %arg6[%get3A_1306, %get3A_1307] {strides = array<i32>} : memref<832x64xf32, #tpu.memory_space<vmem>>, vector<16xf32>,
        %mul3A_1309 = arith.mulf %get3A_1308, %select_n3A_1303 : vector<16xf32>
        %swap3A_1310 = arith.index_cast %add3A_1305 : i32 to index
        %swap3A_1311 = arith.constant 0 : index
        %swap3A_1312 = tpu.vector_load %arg6[%swap3A_1310, %swap3A_1311] {strides = array<i32>} : memref<832x64xf32, #tpu.memory_space<vmem>>, vector<16xf32>,
        tpu.vector_store %arg6[%swap3A_1310, %swap3A_1311], %mul3A_1309 {strides = array<i32>} : memref<832x64xf32, #tpu.memory_space<vmem>>, vector<16xf32>,
        %add3A_1313 = arith.constant 14 : i32
        %add3A_1314 = arith.addi %mul3A_578, %add3A_1313 : i32
        %get3A_1315 = arith.index_cast %add3A_1314 : i32 to index
        %get3A_1316 = arith.constant 16 : index
        %get3A_1317 = tpu.vector_load %arg6[%get3A_1315, %get3A_1316] {strides = array<i32>} : memref<832x64xf32, #tpu.memory_space<vmem>>, vector<16xf32>,
        %mul3A_1318 = arith.mulf %get3A_1317, %select_n3A_1303 : vector<16xf32>
        %swap3A_1319 = arith.index_cast %add3A_1314 : i32 to index
        %swap3A_1320 = arith.constant 16 : index
        %swap3A_1321 = tpu.vector_load %arg6[%swap3A_1319, %swap3A_1320] {strides = array<i32>} : memref<832x64xf32, #tpu.memory_space<vmem>>, vector<16xf32>,
        tpu.vector_store %arg6[%swap3A_1319, %swap3A_1320], %mul3A_1318 {strides = array<i32>} : memref<832x64xf32, #tpu.memory_space<vmem>>, vector<16xf32>,
        %add3A_1322 = arith.constant 14 : i32
        %add3A_1323 = arith.addi %mul3A_578, %add3A_1322 : i32
        %get3A_1324 = arith.index_cast %add3A_1323 : i32 to index
        %get3A_1325 = arith.constant 32 : index
        %get3A_1326 = tpu.vector_load %arg6[%get3A_1324, %get3A_1325] {strides = array<i32>} : memref<832x64xf32, #tpu.memory_space<vmem>>, vector<16xf32>,
        %mul3A_1327 = arith.mulf %get3A_1326, %select_n3A_1303 : vector<16xf32>
        %swap3A_1328 = arith.index_cast %add3A_1323 : i32 to index
        %swap3A_1329 = arith.constant 32 : index
        %swap3A_1330 = tpu.vector_load %arg6[%swap3A_1328, %swap3A_1329] {strides = array<i32>} : memref<832x64xf32, #tpu.memory_space<vmem>>, vector<16xf32>,
        tpu.vector_store %arg6[%swap3A_1328, %swap3A_1329], %mul3A_1327 {strides = array<i32>} : memref<832x64xf32, #tpu.memory_space<vmem>>, vector<16xf32>,
        %add3A_1331 = arith.constant 14 : i32
        %add3A_1332 = arith.addi %mul3A_578, %add3A_1331 : i32
        %get3A_1333 = arith.index_cast %add3A_1332 : i32 to index
        %get3A_1334 = arith.constant 48 : index
        %get3A_1335 = tpu.vector_load %arg6[%get3A_1333, %get3A_1334] {strides = array<i32>} : memref<832x64xf32, #tpu.memory_space<vmem>>, vector<16xf32>,
        %mul3A_1336 = arith.mulf %get3A_1335, %select_n3A_1303 : vector<16xf32>
        %swap3A_1337 = arith.index_cast %add3A_1332 : i32 to index
        %swap3A_1338 = arith.constant 48 : index
        %swap3A_1339 = tpu.vector_load %arg6[%swap3A_1337, %swap3A_1338] {strides = array<i32>} : memref<832x64xf32, #tpu.memory_space<vmem>>, vector<16xf32>,
        tpu.vector_store %arg6[%swap3A_1337, %swap3A_1338], %mul3A_1336 {strides = array<i32>} : memref<832x64xf32, #tpu.memory_space<vmem>>, vector<16xf32>,
        %add3A_1340 = arith.constant 0 : i32
        %add3A_1341 = arith.addi %add3A_1340, %mul3A_578 : i32
        %add3A_1342 = arith.constant 15 : i32
        %add3A_1343 = arith.addi %add3A_1341, %add3A_1342 : i32
        %broadcast_in_dim3A_1344 = vector.broadcast %add3A_1343 : i32 to vector<16xi32>
        %gather3A_1345 = tpu.vector_load_idx %arg5[%broadcast_in_dim3A_1344] : memref<3328xi32, #tpu.memory_space<vmem>>[vector<16xi32>], vector<16xi32>,
        %eq3A_1346 = arith.constant 0 : i32
        %eq3A_1347 = vector.broadcast %eq3A_1346 : i32 to vector<16xi32>
        %eq3A_1348 = arith.cmpi eq, %gather3A_1345, %eq3A_1347 : vector<16xi32>
        %jit3A_1349 = arith.constant 0.000000e+00 : f32
        %jit3A_1350 = arith.constant 1.000000e+00 : f32
        %broadcast_in_dim3A_1351 = vector.broadcast %jit3A_1349 : f32 to vector<16xf32>
        %broadcast_in_dim3A_1352 = vector.broadcast %jit3A_1350 : f32 to vector<16xf32>
        %select_n3A_1353 = arith.select %eq3A_1348, %broadcast_in_dim3A_1351, %broadcast_in_dim3A_1352 : vector<16xi1>, vector<16xf32>
        %add3A_1354 = arith.constant 15 : i32
        %add3A_1355 = arith.addi %mul3A_578, %add3A_1354 : i32
        %get3A_1356 = arith.index_cast %add3A_1355 : i32 to index
        %get3A_1357 = arith.constant 0 : index
        %get3A_1358 = tpu.vector_load %arg6[%get3A_1356, %get3A_1357] {strides = array<i32>} : memref<832x64xf32, #tpu.memory_space<vmem>>, vector<16xf32>,
        %mul3A_1359 = arith.mulf %get3A_1358, %select_n3A_1353 : vector<16xf32>
        %swap3A_1360 = arith.index_cast %add3A_1355 : i32 to index
        %swap3A_1361 = arith.constant 0 : index
        %swap3A_1362 = tpu.vector_load %arg6[%swap3A_1360, %swap3A_1361] {strides = array<i32>} : memref<832x64xf32, #tpu.memory_space<vmem>>, vector<16xf32>,
        tpu.vector_store %arg6[%swap3A_1360, %swap3A_1361], %mul3A_1359 {strides = array<i32>} : memref<832x64xf32, #tpu.memory_space<vmem>>, vector<16xf32>,
        %add3A_1363 = arith.constant 15 : i32
        %add3A_1364 = arith.addi %mul3A_578, %add3A_1363 : i32
        %get3A_1365 = arith.index_cast %add3A_1364 : i32 to index
        %get3A_1366 = arith.constant 16 : index
        %get3A_1367 = tpu.vector_load %arg6[%get3A_1365, %get3A_1366] {strides = array<i32>} : memref<832x64xf32, #tpu.memory_space<vmem>>, vector<16xf32>,
        %mul3A_1368 = arith.mulf %get3A_1367, %select_n3A_1353 : vector<16xf32>
        %swap3A_1369 = arith.index_cast %add3A_1364 : i32 to index
        %swap3A_1370 = arith.constant 16 : index
        %swap3A_1371 = tpu.vector_load %arg6[%swap3A_1369, %swap3A_1370] {strides = array<i32>} : memref<832x64xf32, #tpu.memory_space<vmem>>, vector<16xf32>,
        tpu.vector_store %arg6[%swap3A_1369, %swap3A_1370], %mul3A_1368 {strides = array<i32>} : memref<832x64xf32, #tpu.memory_space<vmem>>, vector<16xf32>,
        %add3A_1372 = arith.constant 15 : i32
        %add3A_1373 = arith.addi %mul3A_578, %add3A_1372 : i32
        %get3A_1374 = arith.index_cast %add3A_1373 : i32 to index
        %get3A_1375 = arith.constant 32 : index
        %get3A_1376 = tpu.vector_load %arg6[%get3A_1374, %get3A_1375] {strides = array<i32>} : memref<832x64xf32, #tpu.memory_space<vmem>>, vector<16xf32>,
        %mul3A_1377 = arith.mulf %get3A_1376, %select_n3A_1353 : vector<16xf32>
        %swap3A_1378 = arith.index_cast %add3A_1373 : i32 to index
        %swap3A_1379 = arith.constant 32 : index
        %swap3A_1380 = tpu.vector_load %arg6[%swap3A_1378, %swap3A_1379] {strides = array<i32>} : memref<832x64xf32, #tpu.memory_space<vmem>>, vector<16xf32>,
        tpu.vector_store %arg6[%swap3A_1378, %swap3A_1379], %mul3A_1377 {strides = array<i32>} : memref<832x64xf32, #tpu.memory_space<vmem>>, vector<16xf32>,
        %add3A_1381 = arith.constant 15 : i32
        %add3A_1382 = arith.addi %mul3A_578, %add3A_1381 : i32
        %get3A_1383 = arith.index_cast %add3A_1382 : i32 to index
        %get3A_1384 = arith.constant 48 : index
        %get3A_1385 = tpu.vector_load %arg6[%get3A_1383, %get3A_1384] {strides = array<i32>} : memref<832x64xf32, #tpu.memory_space<vmem>>, vector<16xf32>,
        %mul3A_1386 = arith.mulf %get3A_1385, %select_n3A_1353 : vector<16xf32>
        %swap3A_1387 = arith.index_cast %add3A_1382 : i32 to index
        %swap3A_1388 = arith.constant 48 : index
        %swap3A_1389 = tpu.vector_load %arg6[%swap3A_1387, %swap3A_1388] {strides = array<i32>} : memref<832x64xf32, #tpu.memory_space<vmem>>, vector<16xf32>,
        tpu.vector_store %arg6[%swap3A_1387, %swap3A_1388], %mul3A_1386 {strides = array<i32>} : memref<832x64xf32, #tpu.memory_space<vmem>>, vector<16xf32>,
      } else {
      }
    }
    %scan3A_197 = arith.constant 52 : i32
    %add3A_198 = arith.constant 0 : i32
    %add3A_199 = arith.addi %mul3A_2, %add3A_198 : i32
    %dma_start3A_200 = arith.constant 0 : i32
    %dma_start3A_201 = tpu.memref_slice %arg4[%add3A_199, %dma_start3A_200] : memref<106496x64xf32, #tpu.memory_space<hbm>> -> memref<832x64xf32, #tpu.memory_space<hbm>>
    %dma_start3A_202 = arith.constant 0 : i32
    %dma_start3A_203 = tpu.memref_slice %arg4[%add3A_199, %dma_start3A_202] : memref<106496x64xf32, #tpu.memory_space<hbm>> -> memref<832x64xf32, #tpu.memory_space<hbm>>
    tpu.enqueue_dma source(%arg6 : memref<832x64xf32, #tpu.memory_space<vmem>>) target(%dma_start3A_203 : memref<832x64xf32, #tpu.memory_space<hbm>>) target_semaphore(%arg10 : memref<!tpu.dma_semaphore, #tpu.memory_space<semaphore_mem>>)
    %dma_wait3A_204 = arith.constant 0 : i32
    %dma_wait3A_205 = tpu.memref_slice %arg4[%add3A_199, %dma_wait3A_204] : memref<106496x64xf32, #tpu.memory_space<hbm>> -> memref<832x64xf32, #tpu.memory_space<hbm>>
    %dma_wait3A_206 = arith.constant 0 : i32
    %dma_wait3A_207 = tpu.memref_slice %arg4[%add3A_199, %dma_wait3A_206] : memref<106496x64xf32, #tpu.memory_space<hbm>> -> memref<832x64xf32, #tpu.memory_space<hbm>>
    tpu.wait_dma2 semaphore(%arg10 : memref<!tpu.dma_semaphore, #tpu.memory_space<semaphore_mem>>) src(%arg6 : memref<832x64xf32, #tpu.memory_space<vmem>>) dst(%dma_wait3A_207 : memref<832x64xf32, #tpu.memory_space<hbm>>)
    %dma_start3A_208 = arith.constant 0 : i32
    %dma_start3A_209 = arith.constant 0 : i32
    %dma_start3A_210 = tpu.memref_slice %arg6[%dma_start3A_208, %dma_start3A_209] : memref<832x64xf32, #tpu.memory_space<vmem>> -> memref<104x64xf32, #tpu.memory_space<vmem>>
    %dma_start3A_211 = arith.constant 1664 : i32
    %dma_start3A_212 = tpu.memref_slice %arg5[%dma_start3A_211] : memref<3328xi32, #tpu.memory_space<vmem>> -> memref<104xi32, #tpu.memory_space<vmem>>
    %dma_start3A_213 = arith.constant 0 : i32
    %dma_start3A_214 = arith.constant 0 : i32
    %dma_start3A_215 = tpu.memref_slice %arg3[%dma_start3A_213, %dma_start3A_214] : memref<1000000x64xf32, #tpu.memory_space<hbm>> -> memref<1000000x64xf32, #tpu.memory_space<hbm>>
    tpu.enqueue_indirect_dma source(%dma_start3A_215 : memref<1000000x64xf32, #tpu.memory_space<hbm>>) target(%dma_start3A_210 : memref<104x64xf32, #tpu.memory_space<vmem>>) offsets(%dma_start3A_212 : memref<104xi32, #tpu.memory_space<vmem>>) semaphore(%arg8 : memref<!tpu.dma_semaphore, #tpu.memory_space<semaphore_mem>>)
    %dma_start3A_216 = arith.constant 104 : i32
    %dma_start3A_217 = arith.constant 0 : i32
    %dma_start3A_218 = tpu.memref_slice %arg6[%dma_start3A_216, %dma_start3A_217] : memref<832x64xf32, #tpu.memory_space<vmem>> -> memref<104x64xf32, #tpu.memory_space<vmem>>
    %dma_start3A_219 = arith.constant 1768 : i32
    %dma_start3A_220 = tpu.memref_slice %arg5[%dma_start3A_219] : memref<3328xi32, #tpu.memory_space<vmem>> -> memref<104xi32, #tpu.memory_space<vmem>>
    %dma_start3A_221 = arith.constant 0 : i32
    %dma_start3A_222 = arith.constant 0 : i32
    %dma_start3A_223 = tpu.memref_slice %arg3[%dma_start3A_221, %dma_start3A_222] : memref<1000000x64xf32, #tpu.memory_space<hbm>> -> memref<1000000x64xf32, #tpu.memory_space<hbm>>
    tpu.enqueue_indirect_dma source(%dma_start3A_223 : memref<1000000x64xf32, #tpu.memory_space<hbm>>) target(%dma_start3A_218 : memref<104x64xf32, #tpu.memory_space<vmem>>) offsets(%dma_start3A_220 : memref<104xi32, #tpu.memory_space<vmem>>) semaphore(%arg8 : memref<!tpu.dma_semaphore, #tpu.memory_space<semaphore_mem>>)
    %dma_start3A_224 = arith.constant 208 : i32
    %dma_start3A_225 = arith.constant 0 : i32
    %dma_start3A_226 = tpu.memref_slice %arg6[%dma_start3A_224, %dma_start3A_225] : memref<832x64xf32, #tpu.memory_space<vmem>> -> memref<104x64xf32, #tpu.memory_space<vmem>>
    %dma_start3A_227 = arith.constant 1872 : i32
    %dma_start3A_228 = tpu.memref_slice %arg5[%dma_start3A_227] : memref<3328xi32, #tpu.memory_space<vmem>> -> memref<104xi32, #tpu.memory_space<vmem>>
    %dma_start3A_229 = arith.constant 0 : i32
    %dma_start3A_230 = arith.constant 0 : i32
    %dma_start3A_231 = tpu.memref_slice %arg3[%dma_start3A_229, %dma_start3A_230] : memref<1000000x64xf32, #tpu.memory_space<hbm>> -> memref<1000000x64xf32, #tpu.memory_space<hbm>>
    tpu.enqueue_indirect_dma source(%dma_start3A_231 : memref<1000000x64xf32, #tpu.memory_space<hbm>>) target(%dma_start3A_226 : memref<104x64xf32, #tpu.memory_space<vmem>>) offsets(%dma_start3A_228 : memref<104xi32, #tpu.memory_space<vmem>>) semaphore(%arg8 : memref<!tpu.dma_semaphore, #tpu.memory_space<semaphore_mem>>)
    %dma_start3A_232 = arith.constant 312 : i32
    %dma_start3A_233 = arith.constant 0 : i32
    %dma_start3A_234 = tpu.memref_slice %arg6[%dma_start3A_232, %dma_start3A_233] : memref<832x64xf32, #tpu.memory_space<vmem>> -> memref<104x64xf32, #tpu.memory_space<vmem>>
    %dma_start3A_235 = arith.constant 1976 : i32
    %dma_start3A_236 = tpu.memref_slice %arg5[%dma_start3A_235] : memref<3328xi32, #tpu.memory_space<vmem>> -> memref<104xi32, #tpu.memory_space<vmem>>
    %dma_start3A_237 = arith.constant 0 : i32
    %dma_start3A_238 = arith.constant 0 : i32
    %dma_start3A_239 = tpu.memref_slice %arg3[%dma_start3A_237, %dma_start3A_238] : memref<1000000x64xf32, #tpu.memory_space<hbm>> -> memref<1000000x64xf32, #tpu.memory_space<hbm>>
    tpu.enqueue_indirect_dma source(%dma_start3A_239 : memref<1000000x64xf32, #tpu.memory_space<hbm>>) target(%dma_start3A_234 : memref<104x64xf32, #tpu.memory_space<vmem>>) offsets(%dma_start3A_236 : memref<104xi32, #tpu.memory_space<vmem>>) semaphore(%arg8 : memref<!tpu.dma_semaphore, #tpu.memory_space<semaphore_mem>>)
    %dma_start3A_240 = arith.constant 416 : i32
    %dma_start3A_241 = arith.constant 0 : i32
    %dma_start3A_242 = tpu.memref_slice %arg6[%dma_start3A_240, %dma_start3A_241] : memref<832x64xf32, #tpu.memory_space<vmem>> -> memref<104x64xf32, #tpu.memory_space<vmem>>
    %dma_start3A_243 = arith.constant 2080 : i32
    %dma_start3A_244 = tpu.memref_slice %arg5[%dma_start3A_243] : memref<3328xi32, #tpu.memory_space<vmem>> -> memref<104xi32, #tpu.memory_space<vmem>>
    %dma_start3A_245 = arith.constant 0 : i32
    %dma_start3A_246 = arith.constant 0 : i32
    %dma_start3A_247 = tpu.memref_slice %arg3[%dma_start3A_245, %dma_start3A_246] : memref<1000000x64xf32, #tpu.memory_space<hbm>> -> memref<1000000x64xf32, #tpu.memory_space<hbm>>
    tpu.enqueue_indirect_dma source(%dma_start3A_247 : memref<1000000x64xf32, #tpu.memory_space<hbm>>) target(%dma_start3A_242 : memref<104x64xf32, #tpu.memory_space<vmem>>) offsets(%dma_start3A_244 : memref<104xi32, #tpu.memory_space<vmem>>) semaphore(%arg8 : memref<!tpu.dma_semaphore, #tpu.memory_space<semaphore_mem>>)
    %dma_start3A_248 = arith.constant 520 : i32
    %dma_start3A_249 = arith.constant 0 : i32
    %dma_start3A_250 = tpu.memref_slice %arg6[%dma_start3A_248, %dma_start3A_249] : memref<832x64xf32, #tpu.memory_space<vmem>> -> memref<104x64xf32, #tpu.memory_space<vmem>>
    %dma_start3A_251 = arith.constant 2184 : i32
    %dma_start3A_252 = tpu.memref_slice %arg5[%dma_start3A_251] : memref<3328xi32, #tpu.memory_space<vmem>> -> memref<104xi32, #tpu.memory_space<vmem>>
    %dma_start3A_253 = arith.constant 0 : i32
    %dma_start3A_254 = arith.constant 0 : i32
    %dma_start3A_255 = tpu.memref_slice %arg3[%dma_start3A_253, %dma_start3A_254] : memref<1000000x64xf32, #tpu.memory_space<hbm>> -> memref<1000000x64xf32, #tpu.memory_space<hbm>>
    tpu.enqueue_indirect_dma source(%dma_start3A_255 : memref<1000000x64xf32, #tpu.memory_space<hbm>>) target(%dma_start3A_250 : memref<104x64xf32, #tpu.memory_space<vmem>>) offsets(%dma_start3A_252 : memref<104xi32, #tpu.memory_space<vmem>>) semaphore(%arg8 : memref<!tpu.dma_semaphore, #tpu.memory_space<semaphore_mem>>)
    %dma_start3A_256 = arith.constant 624 : i32
    %dma_start3A_257 = arith.constant 0 : i32
    %dma_start3A_258 = tpu.memref_slice %arg6[%dma_start3A_256, %dma_start3A_257] : memref<832x64xf32, #tpu.memory_space<vmem>> -> memref<104x64xf32, #tpu.memory_space<vmem>>
    %dma_start3A_259 = arith.constant 2288 : i32
    %dma_start3A_260 = tpu.memref_slice %arg5[%dma_start3A_259] : memref<3328xi32, #tpu.memory_space<vmem>> -> memref<104xi32, #tpu.memory_space<vmem>>
    %dma_start3A_261 = arith.constant 0 : i32
    %dma_start3A_262 = arith.constant 0 : i32
    %dma_start3A_263 = tpu.memref_slice %arg3[%dma_start3A_261, %dma_start3A_262] : memref<1000000x64xf32, #tpu.memory_space<hbm>> -> memref<1000000x64xf32, #tpu.memory_space<hbm>>
    tpu.enqueue_indirect_dma source(%dma_start3A_263 : memref<1000000x64xf32, #tpu.memory_space<hbm>>) target(%dma_start3A_258 : memref<104x64xf32, #tpu.memory_space<vmem>>) offsets(%dma_start3A_260 : memref<104xi32, #tpu.memory_space<vmem>>) semaphore(%arg8 : memref<!tpu.dma_semaphore, #tpu.memory_space<semaphore_mem>>)
    %dma_start3A_264 = arith.constant 728 : i32
    %dma_start3A_265 = arith.constant 0 : i32
    %dma_start3A_266 = tpu.memref_slice %arg6[%dma_start3A_264, %dma_start3A_265] : memref<832x64xf32, #tpu.memory_space<vmem>> -> memref<104x64xf32, #tpu.memory_space<vmem>>
    %dma_start3A_267 = arith.constant 2392 : i32
    %dma_start3A_268 = tpu.memref_slice %arg5[%dma_start3A_267] : memref<3328xi32, #tpu.memory_space<vmem>> -> memref<104xi32, #tpu.memory_space<vmem>>
    %dma_start3A_269 = arith.constant 0 : i32
    %dma_start3A_270 = arith.constant 0 : i32
    %dma_start3A_271 = tpu.memref_slice %arg3[%dma_start3A_269, %dma_start3A_270] : memref<1000000x64xf32, #tpu.memory_space<hbm>> -> memref<1000000x64xf32, #tpu.memory_space<hbm>>
    tpu.enqueue_indirect_dma source(%dma_start3A_271 : memref<1000000x64xf32, #tpu.memory_space<hbm>>) target(%dma_start3A_266 : memref<104x64xf32, #tpu.memory_space<vmem>>) offsets(%dma_start3A_268 : memref<104xi32, #tpu.memory_space<vmem>>) semaphore(%arg8 : memref<!tpu.dma_semaphore, #tpu.memory_space<semaphore_mem>>)
    %dma_wait3A_272 = arith.constant 0 : i32
    %dma_wait3A_273 = arith.constant 0 : i32
    %dma_wait3A_274 = tpu.memref_slice %arg7[%dma_wait3A_272, %dma_wait3A_273] : memref<832x64xf32, #tpu.memory_space<vmem>> -> memref<104x64xf32, #tpu.memory_space<vmem>>
    %dma_wait3A_275 = arith.constant 832 : i32
    %dma_wait3A_276 = tpu.memref_slice %arg5[%dma_wait3A_275] : memref<3328xi32, #tpu.memory_space<vmem>> -> memref<104xi32, #tpu.memory_space<vmem>>
    %dma_wait3A_277 = arith.constant 0 : i32
    %dma_wait3A_278 = arith.constant 0 : i32
    %dma_wait3A_279 = tpu.memref_slice %arg3[%dma_wait3A_277, %dma_wait3A_278] : memref<1000000x64xf32, #tpu.memory_space<hbm>> -> memref<1000000x64xf32, #tpu.memory_space<hbm>>
    tpu.wait_indirect_dma semaphore(%arg9 : memref<!tpu.dma_semaphore, #tpu.memory_space<semaphore_mem>>) src(%dma_wait3A_279 : memref<1000000x64xf32, #tpu.memory_space<hbm>>) dst(%dma_wait3A_274 : memref<104x64xf32, #tpu.memory_space<vmem>>)
    %dma_wait3A_280 = arith.constant 104 : i32
    %dma_wait3A_281 = arith.constant 0 : i32
    %dma_wait3A_282 = tpu.memref_slice %arg7[%dma_wait3A_280, %dma_wait3A_281] : memref<832x64xf32, #tpu.memory_space<vmem>> -> memref<104x64xf32, #tpu.memory_space<vmem>>
    %dma_wait3A_283 = arith.constant 936 : i32
    %dma_wait3A_284 = tpu.memref_slice %arg5[%dma_wait3A_283] : memref<3328xi32, #tpu.memory_space<vmem>> -> memref<104xi32, #tpu.memory_space<vmem>>
    %dma_wait3A_285 = arith.constant 0 : i32
    %dma_wait3A_286 = arith.constant 0 : i32
    %dma_wait3A_287 = tpu.memref_slice %arg3[%dma_wait3A_285, %dma_wait3A_286] : memref<1000000x64xf32, #tpu.memory_space<hbm>> -> memref<1000000x64xf32, #tpu.memory_space<hbm>>
    tpu.wait_indirect_dma semaphore(%arg9 : memref<!tpu.dma_semaphore, #tpu.memory_space<semaphore_mem>>) src(%dma_wait3A_287 : memref<1000000x64xf32, #tpu.memory_space<hbm>>) dst(%dma_wait3A_282 : memref<104x64xf32, #tpu.memory_space<vmem>>)
    %dma_wait3A_288 = arith.constant 208 : i32
    %dma_wait3A_289 = arith.constant 0 : i32
    %dma_wait3A_290 = tpu.memref_slice %arg7[%dma_wait3A_288, %dma_wait3A_289] : memref<832x64xf32, #tpu.memory_space<vmem>> -> memref<104x64xf32, #tpu.memory_space<vmem>>
    %dma_wait3A_291 = arith.constant 1040 : i32
    %dma_wait3A_292 = tpu.memref_slice %arg5[%dma_wait3A_291] : memref<3328xi32, #tpu.memory_space<vmem>> -> memref<104xi32, #tpu.memory_space<vmem>>
    %dma_wait3A_293 = arith.constant 0 : i32
    %dma_wait3A_294 = arith.constant 0 : i32
    %dma_wait3A_295 = tpu.memref_slice %arg3[%dma_wait3A_293, %dma_wait3A_294] : memref<1000000x64xf32, #tpu.memory_space<hbm>> -> memref<1000000x64xf32, #tpu.memory_space<hbm>>
    tpu.wait_indirect_dma semaphore(%arg9 : memref<!tpu.dma_semaphore, #tpu.memory_space<semaphore_mem>>) src(%dma_wait3A_295 : memref<1000000x64xf32, #tpu.memory_space<hbm>>) dst(%dma_wait3A_290 : memref<104x64xf32, #tpu.memory_space<vmem>>)
    %dma_wait3A_296 = arith.constant 312 : i32
    %dma_wait3A_297 = arith.constant 0 : i32
    %dma_wait3A_298 = tpu.memref_slice %arg7[%dma_wait3A_296, %dma_wait3A_297] : memref<832x64xf32, #tpu.memory_space<vmem>> -> memref<104x64xf32, #tpu.memory_space<vmem>>
    %dma_wait3A_299 = arith.constant 1144 : i32
    %dma_wait3A_300 = tpu.memref_slice %arg5[%dma_wait3A_299] : memref<3328xi32, #tpu.memory_space<vmem>> -> memref<104xi32, #tpu.memory_space<vmem>>
    %dma_wait3A_301 = arith.constant 0 : i32
    %dma_wait3A_302 = arith.constant 0 : i32
    %dma_wait3A_303 = tpu.memref_slice %arg3[%dma_wait3A_301, %dma_wait3A_302] : memref<1000000x64xf32, #tpu.memory_space<hbm>> -> memref<1000000x64xf32, #tpu.memory_space<hbm>>
    tpu.wait_indirect_dma semaphore(%arg9 : memref<!tpu.dma_semaphore, #tpu.memory_space<semaphore_mem>>) src(%dma_wait3A_303 : memref<1000000x64xf32, #tpu.memory_space<hbm>>) dst(%dma_wait3A_298 : memref<104x64xf32, #tpu.memory_space<vmem>>)
    %dma_wait3A_304 = arith.constant 416 : i32
    %dma_wait3A_305 = arith.constant 0 : i32
    %dma_wait3A_306 = tpu.memref_slice %arg7[%dma_wait3A_304, %dma_wait3A_305] : memref<832x64xf32, #tpu.memory_space<vmem>> -> memref<104x64xf32, #tpu.memory_space<vmem>>
    %dma_wait3A_307 = arith.constant 1248 : i32
    %dma_wait3A_308 = tpu.memref_slice %arg5[%dma_wait3A_307] : memref<3328xi32, #tpu.memory_space<vmem>> -> memref<104xi32, #tpu.memory_space<vmem>>
    %dma_wait3A_309 = arith.constant 0 : i32
    %dma_wait3A_310 = arith.constant 0 : i32
    %dma_wait3A_311 = tpu.memref_slice %arg3[%dma_wait3A_309, %dma_wait3A_310] : memref<1000000x64xf32, #tpu.memory_space<hbm>> -> memref<1000000x64xf32, #tpu.memory_space<hbm>>
    tpu.wait_indirect_dma semaphore(%arg9 : memref<!tpu.dma_semaphore, #tpu.memory_space<semaphore_mem>>) src(%dma_wait3A_311 : memref<1000000x64xf32, #tpu.memory_space<hbm>>) dst(%dma_wait3A_306 : memref<104x64xf32, #tpu.memory_space<vmem>>)
    %dma_wait3A_312 = arith.constant 520 : i32
    %dma_wait3A_313 = arith.constant 0 : i32
    %dma_wait3A_314 = tpu.memref_slice %arg7[%dma_wait3A_312, %dma_wait3A_313] : memref<832x64xf32, #tpu.memory_space<vmem>> -> memref<104x64xf32, #tpu.memory_space<vmem>>
    %dma_wait3A_315 = arith.constant 1352 : i32
    %dma_wait3A_316 = tpu.memref_slice %arg5[%dma_wait3A_315] : memref<3328xi32, #tpu.memory_space<vmem>> -> memref<104xi32, #tpu.memory_space<vmem>>
    %dma_wait3A_317 = arith.constant 0 : i32
    %dma_wait3A_318 = arith.constant 0 : i32
    %dma_wait3A_319 = tpu.memref_slice %arg3[%dma_wait3A_317, %dma_wait3A_318] : memref<1000000x64xf32, #tpu.memory_space<hbm>> -> memref<1000000x64xf32, #tpu.memory_space<hbm>>
    tpu.wait_indirect_dma semaphore(%arg9 : memref<!tpu.dma_semaphore, #tpu.memory_space<semaphore_mem>>) src(%dma_wait3A_319 : memref<1000000x64xf32, #tpu.memory_space<hbm>>) dst(%dma_wait3A_314 : memref<104x64xf32, #tpu.memory_space<vmem>>)
    %dma_wait3A_320 = arith.constant 624 : i32
    %dma_wait3A_321 = arith.constant 0 : i32
    %dma_wait3A_322 = tpu.memref_slice %arg7[%dma_wait3A_320, %dma_wait3A_321] : memref<832x64xf32, #tpu.memory_space<vmem>> -> memref<104x64xf32, #tpu.memory_space<vmem>>
    %dma_wait3A_323 = arith.constant 1456 : i32
    %dma_wait3A_324 = tpu.memref_slice %arg5[%dma_wait3A_323] : memref<3328xi32, #tpu.memory_space<vmem>> -> memref<104xi32, #tpu.memory_space<vmem>>
    %dma_wait3A_325 = arith.constant 0 : i32
    %dma_wait3A_326 = arith.constant 0 : i32
    %dma_wait3A_327 = tpu.memref_slice %arg3[%dma_wait3A_325, %dma_wait3A_326] : memref<1000000x64xf32, #tpu.memory_space<hbm>> -> memref<1000000x64xf32, #tpu.memory_space<hbm>>
    tpu.wait_indirect_dma semaphore(%arg9 : memref<!tpu.dma_semaphore, #tpu.memory_space<semaphore_mem>>) src(%dma_wait3A_327 : memref<1000000x64xf32, #tpu.memory_space<hbm>>) dst(%dma_wait3A_322 : memref<104x64xf32, #tpu.memory_space<vmem>>)
    %dma_wait3A_328 = arith.constant 728 : i32
    %dma_wait3A_329 = arith.constant 0 : i32
    %dma_wait3A_330 = tpu.memref_slice %arg7[%dma_wait3A_328, %dma_wait3A_329] : memref<832x64xf32, #tpu.memory_space<vmem>> -> memref<104x64xf32, #tpu.memory_space<vmem>>
    %dma_wait3A_331 = arith.constant 1560 : i32
    %dma_wait3A_332 = tpu.memref_slice %arg5[%dma_wait3A_331] : memref<3328xi32, #tpu.memory_space<vmem>> -> memref<104xi32, #tpu.memory_space<vmem>>
    %dma_wait3A_333 = arith.constant 0 : i32
    %dma_wait3A_334 = arith.constant 0 : i32
    %dma_wait3A_335 = tpu.memref_slice %arg3[%dma_wait3A_333, %dma_wait3A_334] : memref<1000000x64xf32, #tpu.memory_space<hbm>> -> memref<1000000x64xf32, #tpu.memory_space<hbm>>
    tpu.wait_indirect_dma semaphore(%arg9 : memref<!tpu.dma_semaphore, #tpu.memory_space<semaphore_mem>>) src(%dma_wait3A_335 : memref<1000000x64xf32, #tpu.memory_space<hbm>>) dst(%dma_wait3A_330 : memref<104x64xf32, #tpu.memory_space<vmem>>)
    %scan3A_336 = arith.constant 0 : i32
    %scan3A_337 = arith.constant 0 : i32
    %scan3A_338 = arith.constant 52 : i32
    %scan3A_339 = arith.addi %scan3A_337, %scan3A_338 : i32
    %scan3A_340 = arith.constant 1 : i32
    scf.for %scan3A_576 = %scan3A_337 to %scan3A_339 step %scan3A_340  : i32 {
      %mul3A_577 = arith.constant 16 : i32
      %mul3A_578 = arith.muli %scan3A_576, %mul3A_577 : i32
      %add3A_579 = arith.constant 832 : i32
      %add3A_580 = arith.addi %add3A_579, %mul3A_578 : i32
      %get3A = arith.index_cast %add3A_580 : i32 to index
      %get3A_581 = tpu.vector_load %arg5[%get3A] {strides = array<i32>} : memref<3328xi32, #tpu.memory_space<vmem>>, vector<16xi32>,
      %eq3A = arith.constant 0 : i32
      %eq3A_582 = vector.broadcast %eq3A : i32 to vector<16xi32>
      %eq3A_583 = arith.cmpi eq, %get3A_581, %eq3A_582 : vector<16xi32>
      %reduce_or3A = arith.constant 1.000000e+00 : f32
      %reduce_or3A_584 = arith.constant 0.000000e+00 : f32
      %reduce_or3A_585 = vector.broadcast %reduce_or3A : f32 to vector<16xf32>
      %reduce_or3A_586 = vector.broadcast %reduce_or3A_584 : f32 to vector<16xf32>
      %reduce_or3A_587 = arith.select %eq3A_583, %reduce_or3A_585, %reduce_or3A_586 : vector<16xi1>, vector<16xf32>
      %reduce_or3A_588 = arith.constant true
      %reduce_or3A_589 = vector.broadcast %reduce_or3A_588 : i1 to vector<16xi1>
      %reduce_or3A_590 = tpu.scan <max>, %reduce_or3A_587 masked %reduce_or3A_589 : vector<16xf32>, vector<16xi1> -> vector<16xf32>
      %reduce_or3A_591 = vector.extract %reduce_or3A_590[15] : f32 from vector<16xf32>
      %reduce_or3A_592 = arith.constant 0.000000e+00 : f32
      %reduce_or3A_593 = arith.cmpf ogt, %reduce_or3A_591, %reduce_or3A_592 : f32
      %convert_element_type3A = arith.extui %reduce_or3A_593 : i1 to i32
      %cond3A = arith.constant 0 : i32
      %cond3A_594 = arith.cmpi ne, %convert_element_type3A, %cond3A : i32
      scf.if %cond3A_594 {
        %add3A_595 = arith.constant 832 : i32
        %add3A_596 = arith.addi %add3A_595, %mul3A_578 : i32
        %add3A_597 = arith.constant 0 : i32
        %add3A_598 = arith.addi %add3A_596, %add3A_597 : i32
        %broadcast_in_dim3A = vector.broadcast %add3A_598 : i32 to vector<16xi32>
        %gather3A = tpu.vector_load_idx %arg5[%broadcast_in_dim3A] : memref<3328xi32, #tpu.memory_space<vmem>>[vector<16xi32>], vector<16xi32>,
        %eq3A_599 = arith.constant 0 : i32
        %eq3A_600 = vector.broadcast %eq3A_599 : i32 to vector<16xi32>
        %eq3A_601 = arith.cmpi eq, %gather3A, %eq3A_600 : vector<16xi32>
        %jit3A = arith.constant 0.000000e+00 : f32
        %jit3A_602 = arith.constant 1.000000e+00 : f32
        %broadcast_in_dim3A_603 = vector.broadcast %jit3A : f32 to vector<16xf32>
        %broadcast_in_dim3A_604 = vector.broadcast %jit3A_602 : f32 to vector<16xf32>
        %select_n3A = arith.select %eq3A_601, %broadcast_in_dim3A_603, %broadcast_in_dim3A_604 : vector<16xi1>, vector<16xf32>
        %add3A_605 = arith.constant 0 : i32
        %add3A_606 = arith.addi %mul3A_578, %add3A_605 : i32
        %get3A_607 = arith.index_cast %add3A_606 : i32 to index
        %get3A_608 = arith.constant 0 : index
        %get3A_609 = tpu.vector_load %arg7[%get3A_607, %get3A_608] {strides = array<i32>} : memref<832x64xf32, #tpu.memory_space<vmem>>, vector<16xf32>,
        %mul3A_610 = arith.mulf %get3A_609, %select_n3A : vector<16xf32>
        %swap3A = arith.index_cast %add3A_606 : i32 to index
        %swap3A_611 = arith.constant 0 : index
        %swap3A_612 = tpu.vector_load %arg7[%swap3A, %swap3A_611] {strides = array<i32>} : memref<832x64xf32, #tpu.memory_space<vmem>>, vector<16xf32>,
        tpu.vector_store %arg7[%swap3A, %swap3A_611], %mul3A_610 {strides = array<i32>} : memref<832x64xf32, #tpu.memory_space<vmem>>, vector<16xf32>,
        %add3A_613 = arith.constant 0 : i32
        %add3A_614 = arith.addi %mul3A_578, %add3A_613 : i32
        %get3A_615 = arith.index_cast %add3A_614 : i32 to index
        %get3A_616 = arith.constant 16 : index
        %get3A_617 = tpu.vector_load %arg7[%get3A_615, %get3A_616] {strides = array<i32>} : memref<832x64xf32, #tpu.memory_space<vmem>>, vector<16xf32>,
        %mul3A_618 = arith.mulf %get3A_617, %select_n3A : vector<16xf32>
        %swap3A_619 = arith.index_cast %add3A_614 : i32 to index
        %swap3A_620 = arith.constant 16 : index
        %swap3A_621 = tpu.vector_load %arg7[%swap3A_619, %swap3A_620] {strides = array<i32>} : memref<832x64xf32, #tpu.memory_space<vmem>>, vector<16xf32>,
        tpu.vector_store %arg7[%swap3A_619, %swap3A_620], %mul3A_618 {strides = array<i32>} : memref<832x64xf32, #tpu.memory_space<vmem>>, vector<16xf32>,
        %add3A_622 = arith.constant 0 : i32
        %add3A_623 = arith.addi %mul3A_578, %add3A_622 : i32
        %get3A_624 = arith.index_cast %add3A_623 : i32 to index
        %get3A_625 = arith.constant 32 : index
        %get3A_626 = tpu.vector_load %arg7[%get3A_624, %get3A_625] {strides = array<i32>} : memref<832x64xf32, #tpu.memory_space<vmem>>, vector<16xf32>,
        %mul3A_627 = arith.mulf %get3A_626, %select_n3A : vector<16xf32>
        %swap3A_628 = arith.index_cast %add3A_623 : i32 to index
        %swap3A_629 = arith.constant 32 : index
        %swap3A_630 = tpu.vector_load %arg7[%swap3A_628, %swap3A_629] {strides = array<i32>} : memref<832x64xf32, #tpu.memory_space<vmem>>, vector<16xf32>,
        tpu.vector_store %arg7[%swap3A_628, %swap3A_629], %mul3A_627 {strides = array<i32>} : memref<832x64xf32, #tpu.memory_space<vmem>>, vector<16xf32>,
        %add3A_631 = arith.constant 0 : i32
        %add3A_632 = arith.addi %mul3A_578, %add3A_631 : i32
        %get3A_633 = arith.index_cast %add3A_632 : i32 to index
        %get3A_634 = arith.constant 48 : index
        %get3A_635 = tpu.vector_load %arg7[%get3A_633, %get3A_634] {strides = array<i32>} : memref<832x64xf32, #tpu.memory_space<vmem>>, vector<16xf32>,
        %mul3A_636 = arith.mulf %get3A_635, %select_n3A : vector<16xf32>
        %swap3A_637 = arith.index_cast %add3A_632 : i32 to index
        %swap3A_638 = arith.constant 48 : index
        %swap3A_639 = tpu.vector_load %arg7[%swap3A_637, %swap3A_638] {strides = array<i32>} : memref<832x64xf32, #tpu.memory_space<vmem>>, vector<16xf32>,
        tpu.vector_store %arg7[%swap3A_637, %swap3A_638], %mul3A_636 {strides = array<i32>} : memref<832x64xf32, #tpu.memory_space<vmem>>, vector<16xf32>,
        %add3A_640 = arith.constant 832 : i32
        %add3A_641 = arith.addi %add3A_640, %mul3A_578 : i32
        %add3A_642 = arith.constant 1 : i32
        %add3A_643 = arith.addi %add3A_641, %add3A_642 : i32
        %broadcast_in_dim3A_644 = vector.broadcast %add3A_643 : i32 to vector<16xi32>
        %gather3A_645 = tpu.vector_load_idx %arg5[%broadcast_in_dim3A_644] : memref<3328xi32, #tpu.memory_space<vmem>>[vector<16xi32>], vector<16xi32>,
        %eq3A_646 = arith.constant 0 : i32
        %eq3A_647 = vector.broadcast %eq3A_646 : i32 to vector<16xi32>
        %eq3A_648 = arith.cmpi eq, %gather3A_645, %eq3A_647 : vector<16xi32>
        %jit3A_649 = arith.constant 0.000000e+00 : f32
        %jit3A_650 = arith.constant 1.000000e+00 : f32
        %broadcast_in_dim3A_651 = vector.broadcast %jit3A_649 : f32 to vector<16xf32>
        %broadcast_in_dim3A_652 = vector.broadcast %jit3A_650 : f32 to vector<16xf32>
        %select_n3A_653 = arith.select %eq3A_648, %broadcast_in_dim3A_651, %broadcast_in_dim3A_652 : vector<16xi1>, vector<16xf32>
        %add3A_654 = arith.constant 1 : i32
        %add3A_655 = arith.addi %mul3A_578, %add3A_654 : i32
        %get3A_656 = arith.index_cast %add3A_655 : i32 to index
        %get3A_657 = arith.constant 0 : index
        %get3A_658 = tpu.vector_load %arg7[%get3A_656, %get3A_657] {strides = array<i32>} : memref<832x64xf32, #tpu.memory_space<vmem>>, vector<16xf32>,
        %mul3A_659 = arith.mulf %get3A_658, %select_n3A_653 : vector<16xf32>
        %swap3A_660 = arith.index_cast %add3A_655 : i32 to index
        %swap3A_661 = arith.constant 0 : index
        %swap3A_662 = tpu.vector_load %arg7[%swap3A_660, %swap3A_661] {strides = array<i32>} : memref<832x64xf32, #tpu.memory_space<vmem>>, vector<16xf32>,
        tpu.vector_store %arg7[%swap3A_660, %swap3A_661], %mul3A_659 {strides = array<i32>} : memref<832x64xf32, #tpu.memory_space<vmem>>, vector<16xf32>,
        %add3A_663 = arith.constant 1 : i32
        %add3A_664 = arith.addi %mul3A_578, %add3A_663 : i32
        %get3A_665 = arith.index_cast %add3A_664 : i32 to index
        %get3A_666 = arith.constant 16 : index
        %get3A_667 = tpu.vector_load %arg7[%get3A_665, %get3A_666] {strides = array<i32>} : memref<832x64xf32, #tpu.memory_space<vmem>>, vector<16xf32>,
        %mul3A_668 = arith.mulf %get3A_667, %select_n3A_653 : vector<16xf32>
        %swap3A_669 = arith.index_cast %add3A_664 : i32 to index
        %swap3A_670 = arith.constant 16 : index
        %swap3A_671 = tpu.vector_load %arg7[%swap3A_669, %swap3A_670] {strides = array<i32>} : memref<832x64xf32, #tpu.memory_space<vmem>>, vector<16xf32>,
        tpu.vector_store %arg7[%swap3A_669, %swap3A_670], %mul3A_668 {strides = array<i32>} : memref<832x64xf32, #tpu.memory_space<vmem>>, vector<16xf32>,
        %add3A_672 = arith.constant 1 : i32
        %add3A_673 = arith.addi %mul3A_578, %add3A_672 : i32
        %get3A_674 = arith.index_cast %add3A_673 : i32 to index
        %get3A_675 = arith.constant 32 : index
        %get3A_676 = tpu.vector_load %arg7[%get3A_674, %get3A_675] {strides = array<i32>} : memref<832x64xf32, #tpu.memory_space<vmem>>, vector<16xf32>,
        %mul3A_677 = arith.mulf %get3A_676, %select_n3A_653 : vector<16xf32>
        %swap3A_678 = arith.index_cast %add3A_673 : i32 to index
        %swap3A_679 = arith.constant 32 : index
        %swap3A_680 = tpu.vector_load %arg7[%swap3A_678, %swap3A_679] {strides = array<i32>} : memref<832x64xf32, #tpu.memory_space<vmem>>, vector<16xf32>,
        tpu.vector_store %arg7[%swap3A_678, %swap3A_679], %mul3A_677 {strides = array<i32>} : memref<832x64xf32, #tpu.memory_space<vmem>>, vector<16xf32>,
        %add3A_681 = arith.constant 1 : i32
        %add3A_682 = arith.addi %mul3A_578, %add3A_681 : i32
        %get3A_683 = arith.index_cast %add3A_682 : i32 to index
        %get3A_684 = arith.constant 48 : index
        %get3A_685 = tpu.vector_load %arg7[%get3A_683, %get3A_684] {strides = array<i32>} : memref<832x64xf32, #tpu.memory_space<vmem>>, vector<16xf32>,
        %mul3A_686 = arith.mulf %get3A_685, %select_n3A_653 : vector<16xf32>
        %swap3A_687 = arith.index_cast %add3A_682 : i32 to index
        %swap3A_688 = arith.constant 48 : index
        %swap3A_689 = tpu.vector_load %arg7[%swap3A_687, %swap3A_688] {strides = array<i32>} : memref<832x64xf32, #tpu.memory_space<vmem>>, vector<16xf32>,
        tpu.vector_store %arg7[%swap3A_687, %swap3A_688], %mul3A_686 {strides = array<i32>} : memref<832x64xf32, #tpu.memory_space<vmem>>, vector<16xf32>,
        %add3A_690 = arith.constant 832 : i32
        %add3A_691 = arith.addi %add3A_690, %mul3A_578 : i32
        %add3A_692 = arith.constant 2 : i32
        %add3A_693 = arith.addi %add3A_691, %add3A_692 : i32
        %broadcast_in_dim3A_694 = vector.broadcast %add3A_693 : i32 to vector<16xi32>
        %gather3A_695 = tpu.vector_load_idx %arg5[%broadcast_in_dim3A_694] : memref<3328xi32, #tpu.memory_space<vmem>>[vector<16xi32>], vector<16xi32>,
        %eq3A_696 = arith.constant 0 : i32
        %eq3A_697 = vector.broadcast %eq3A_696 : i32 to vector<16xi32>
        %eq3A_698 = arith.cmpi eq, %gather3A_695, %eq3A_697 : vector<16xi32>
        %jit3A_699 = arith.constant 0.000000e+00 : f32
        %jit3A_700 = arith.constant 1.000000e+00 : f32
        %broadcast_in_dim3A_701 = vector.broadcast %jit3A_699 : f32 to vector<16xf32>
        %broadcast_in_dim3A_702 = vector.broadcast %jit3A_700 : f32 to vector<16xf32>
        %select_n3A_703 = arith.select %eq3A_698, %broadcast_in_dim3A_701, %broadcast_in_dim3A_702 : vector<16xi1>, vector<16xf32>
        %add3A_704 = arith.constant 2 : i32
        %add3A_705 = arith.addi %mul3A_578, %add3A_704 : i32
        %get3A_706 = arith.index_cast %add3A_705 : i32 to index
        %get3A_707 = arith.constant 0 : index
        %get3A_708 = tpu.vector_load %arg7[%get3A_706, %get3A_707] {strides = array<i32>} : memref<832x64xf32, #tpu.memory_space<vmem>>, vector<16xf32>,
        %mul3A_709 = arith.mulf %get3A_708, %select_n3A_703 : vector<16xf32>
        %swap3A_710 = arith.index_cast %add3A_705 : i32 to index
        %swap3A_711 = arith.constant 0 : index
        %swap3A_712 = tpu.vector_load %arg7[%swap3A_710, %swap3A_711] {strides = array<i32>} : memref<832x64xf32, #tpu.memory_space<vmem>>, vector<16xf32>,
        tpu.vector_store %arg7[%swap3A_710, %swap3A_711], %mul3A_709 {strides = array<i32>} : memref<832x64xf32, #tpu.memory_space<vmem>>, vector<16xf32>,
        %add3A_713 = arith.constant 2 : i32
        %add3A_714 = arith.addi %mul3A_578, %add3A_713 : i32
        %get3A_715 = arith.index_cast %add3A_714 : i32 to index
        %get3A_716 = arith.constant 16 : index
        %get3A_717 = tpu.vector_load %arg7[%get3A_715, %get3A_716] {strides = array<i32>} : memref<832x64xf32, #tpu.memory_space<vmem>>, vector<16xf32>,
        %mul3A_718 = arith.mulf %get3A_717, %select_n3A_703 : vector<16xf32>
        %swap3A_719 = arith.index_cast %add3A_714 : i32 to index
        %swap3A_720 = arith.constant 16 : index
        %swap3A_721 = tpu.vector_load %arg7[%swap3A_719, %swap3A_720] {strides = array<i32>} : memref<832x64xf32, #tpu.memory_space<vmem>>, vector<16xf32>,
        tpu.vector_store %arg7[%swap3A_719, %swap3A_720], %mul3A_718 {strides = array<i32>} : memref<832x64xf32, #tpu.memory_space<vmem>>, vector<16xf32>,
        %add3A_722 = arith.constant 2 : i32
        %add3A_723 = arith.addi %mul3A_578, %add3A_722 : i32
        %get3A_724 = arith.index_cast %add3A_723 : i32 to index
        %get3A_725 = arith.constant 32 : index
        %get3A_726 = tpu.vector_load %arg7[%get3A_724, %get3A_725] {strides = array<i32>} : memref<832x64xf32, #tpu.memory_space<vmem>>, vector<16xf32>,
        %mul3A_727 = arith.mulf %get3A_726, %select_n3A_703 : vector<16xf32>
        %swap3A_728 = arith.index_cast %add3A_723 : i32 to index
        %swap3A_729 = arith.constant 32 : index
        %swap3A_730 = tpu.vector_load %arg7[%swap3A_728, %swap3A_729] {strides = array<i32>} : memref<832x64xf32, #tpu.memory_space<vmem>>, vector<16xf32>,
        tpu.vector_store %arg7[%swap3A_728, %swap3A_729], %mul3A_727 {strides = array<i32>} : memref<832x64xf32, #tpu.memory_space<vmem>>, vector<16xf32>,
        %add3A_731 = arith.constant 2 : i32
        %add3A_732 = arith.addi %mul3A_578, %add3A_731 : i32
        %get3A_733 = arith.index_cast %add3A_732 : i32 to index
        %get3A_734 = arith.constant 48 : index
        %get3A_735 = tpu.vector_load %arg7[%get3A_733, %get3A_734] {strides = array<i32>} : memref<832x64xf32, #tpu.memory_space<vmem>>, vector<16xf32>,
        %mul3A_736 = arith.mulf %get3A_735, %select_n3A_703 : vector<16xf32>
        %swap3A_737 = arith.index_cast %add3A_732 : i32 to index
        %swap3A_738 = arith.constant 48 : index
        %swap3A_739 = tpu.vector_load %arg7[%swap3A_737, %swap3A_738] {strides = array<i32>} : memref<832x64xf32, #tpu.memory_space<vmem>>, vector<16xf32>,
        tpu.vector_store %arg7[%swap3A_737, %swap3A_738], %mul3A_736 {strides = array<i32>} : memref<832x64xf32, #tpu.memory_space<vmem>>, vector<16xf32>,
        %add3A_740 = arith.constant 832 : i32
        %add3A_741 = arith.addi %add3A_740, %mul3A_578 : i32
        %add3A_742 = arith.constant 3 : i32
        %add3A_743 = arith.addi %add3A_741, %add3A_742 : i32
        %broadcast_in_dim3A_744 = vector.broadcast %add3A_743 : i32 to vector<16xi32>
        %gather3A_745 = tpu.vector_load_idx %arg5[%broadcast_in_dim3A_744] : memref<3328xi32, #tpu.memory_space<vmem>>[vector<16xi32>], vector<16xi32>,
        %eq3A_746 = arith.constant 0 : i32
        %eq3A_747 = vector.broadcast %eq3A_746 : i32 to vector<16xi32>
        %eq3A_748 = arith.cmpi eq, %gather3A_745, %eq3A_747 : vector<16xi32>
        %jit3A_749 = arith.constant 0.000000e+00 : f32
        %jit3A_750 = arith.constant 1.000000e+00 : f32
        %broadcast_in_dim3A_751 = vector.broadcast %jit3A_749 : f32 to vector<16xf32>
        %broadcast_in_dim3A_752 = vector.broadcast %jit3A_750 : f32 to vector<16xf32>
        %select_n3A_753 = arith.select %eq3A_748, %broadcast_in_dim3A_751, %broadcast_in_dim3A_752 : vector<16xi1>, vector<16xf32>
        %add3A_754 = arith.constant 3 : i32
        %add3A_755 = arith.addi %mul3A_578, %add3A_754 : i32
        %get3A_756 = arith.index_cast %add3A_755 : i32 to index
        %get3A_757 = arith.constant 0 : index
        %get3A_758 = tpu.vector_load %arg7[%get3A_756, %get3A_757] {strides = array<i32>} : memref<832x64xf32, #tpu.memory_space<vmem>>, vector<16xf32>,
        %mul3A_759 = arith.mulf %get3A_758, %select_n3A_753 : vector<16xf32>
        %swap3A_760 = arith.index_cast %add3A_755 : i32 to index
        %swap3A_761 = arith.constant 0 : index
        %swap3A_762 = tpu.vector_load %arg7[%swap3A_760, %swap3A_761] {strides = array<i32>} : memref<832x64xf32, #tpu.memory_space<vmem>>, vector<16xf32>,
        tpu.vector_store %arg7[%swap3A_760, %swap3A_761], %mul3A_759 {strides = array<i32>} : memref<832x64xf32, #tpu.memory_space<vmem>>, vector<16xf32>,
        %add3A_763 = arith.constant 3 : i32
        %add3A_764 = arith.addi %mul3A_578, %add3A_763 : i32
        %get3A_765 = arith.index_cast %add3A_764 : i32 to index
        %get3A_766 = arith.constant 16 : index
        %get3A_767 = tpu.vector_load %arg7[%get3A_765, %get3A_766] {strides = array<i32>} : memref<832x64xf32, #tpu.memory_space<vmem>>, vector<16xf32>,
        %mul3A_768 = arith.mulf %get3A_767, %select_n3A_753 : vector<16xf32>
        %swap3A_769 = arith.index_cast %add3A_764 : i32 to index
        %swap3A_770 = arith.constant 16 : index
        %swap3A_771 = tpu.vector_load %arg7[%swap3A_769, %swap3A_770] {strides = array<i32>} : memref<832x64xf32, #tpu.memory_space<vmem>>, vector<16xf32>,
        tpu.vector_store %arg7[%swap3A_769, %swap3A_770], %mul3A_768 {strides = array<i32>} : memref<832x64xf32, #tpu.memory_space<vmem>>, vector<16xf32>,
        %add3A_772 = arith.constant 3 : i32
        %add3A_773 = arith.addi %mul3A_578, %add3A_772 : i32
        %get3A_774 = arith.index_cast %add3A_773 : i32 to index
        %get3A_775 = arith.constant 32 : index
        %get3A_776 = tpu.vector_load %arg7[%get3A_774, %get3A_775] {strides = array<i32>} : memref<832x64xf32, #tpu.memory_space<vmem>>, vector<16xf32>,
        %mul3A_777 = arith.mulf %get3A_776, %select_n3A_753 : vector<16xf32>
        %swap3A_778 = arith.index_cast %add3A_773 : i32 to index
        %swap3A_779 = arith.constant 32 : index
        %swap3A_780 = tpu.vector_load %arg7[%swap3A_778, %swap3A_779] {strides = array<i32>} : memref<832x64xf32, #tpu.memory_space<vmem>>, vector<16xf32>,
        tpu.vector_store %arg7[%swap3A_778, %swap3A_779], %mul3A_777 {strides = array<i32>} : memref<832x64xf32, #tpu.memory_space<vmem>>, vector<16xf32>,
        %add3A_781 = arith.constant 3 : i32
        %add3A_782 = arith.addi %mul3A_578, %add3A_781 : i32
        %get3A_783 = arith.index_cast %add3A_782 : i32 to index
        %get3A_784 = arith.constant 48 : index
        %get3A_785 = tpu.vector_load %arg7[%get3A_783, %get3A_784] {strides = array<i32>} : memref<832x64xf32, #tpu.memory_space<vmem>>, vector<16xf32>,
        %mul3A_786 = arith.mulf %get3A_785, %select_n3A_753 : vector<16xf32>
        %swap3A_787 = arith.index_cast %add3A_782 : i32 to index
        %swap3A_788 = arith.constant 48 : index
        %swap3A_789 = tpu.vector_load %arg7[%swap3A_787, %swap3A_788] {strides = array<i32>} : memref<832x64xf32, #tpu.memory_space<vmem>>, vector<16xf32>,
        tpu.vector_store %arg7[%swap3A_787, %swap3A_788], %mul3A_786 {strides = array<i32>} : memref<832x64xf32, #tpu.memory_space<vmem>>, vector<16xf32>,
        %add3A_790 = arith.constant 832 : i32
        %add3A_791 = arith.addi %add3A_790, %mul3A_578 : i32
        %add3A_792 = arith.constant 4 : i32
        %add3A_793 = arith.addi %add3A_791, %add3A_792 : i32
        %broadcast_in_dim3A_794 = vector.broadcast %add3A_793 : i32 to vector<16xi32>
        %gather3A_795 = tpu.vector_load_idx %arg5[%broadcast_in_dim3A_794] : memref<3328xi32, #tpu.memory_space<vmem>>[vector<16xi32>], vector<16xi32>,
        %eq3A_796 = arith.constant 0 : i32
        %eq3A_797 = vector.broadcast %eq3A_796 : i32 to vector<16xi32>
        %eq3A_798 = arith.cmpi eq, %gather3A_795, %eq3A_797 : vector<16xi32>
        %jit3A_799 = arith.constant 0.000000e+00 : f32
        %jit3A_800 = arith.constant 1.000000e+00 : f32
        %broadcast_in_dim3A_801 = vector.broadcast %jit3A_799 : f32 to vector<16xf32>
        %broadcast_in_dim3A_802 = vector.broadcast %jit3A_800 : f32 to vector<16xf32>
        %select_n3A_803 = arith.select %eq3A_798, %broadcast_in_dim3A_801, %broadcast_in_dim3A_802 : vector<16xi1>, vector<16xf32>
        %add3A_804 = arith.constant 4 : i32
        %add3A_805 = arith.addi %mul3A_578, %add3A_804 : i32
        %get3A_806 = arith.index_cast %add3A_805 : i32 to index
        %get3A_807 = arith.constant 0 : index
        %get3A_808 = tpu.vector_load %arg7[%get3A_806, %get3A_807] {strides = array<i32>} : memref<832x64xf32, #tpu.memory_space<vmem>>, vector<16xf32>,
        %mul3A_809 = arith.mulf %get3A_808, %select_n3A_803 : vector<16xf32>
        %swap3A_810 = arith.index_cast %add3A_805 : i32 to index
        %swap3A_811 = arith.constant 0 : index
        %swap3A_812 = tpu.vector_load %arg7[%swap3A_810, %swap3A_811] {strides = array<i32>} : memref<832x64xf32, #tpu.memory_space<vmem>>, vector<16xf32>,
        tpu.vector_store %arg7[%swap3A_810, %swap3A_811], %mul3A_809 {strides = array<i32>} : memref<832x64xf32, #tpu.memory_space<vmem>>, vector<16xf32>,
        %add3A_813 = arith.constant 4 : i32
        %add3A_814 = arith.addi %mul3A_578, %add3A_813 : i32
        %get3A_815 = arith.index_cast %add3A_814 : i32 to index
        %get3A_816 = arith.constant 16 : index
        %get3A_817 = tpu.vector_load %arg7[%get3A_815, %get3A_816] {strides = array<i32>} : memref<832x64xf32, #tpu.memory_space<vmem>>, vector<16xf32>,
        %mul3A_818 = arith.mulf %get3A_817, %select_n3A_803 : vector<16xf32>
        %swap3A_819 = arith.index_cast %add3A_814 : i32 to index
        %swap3A_820 = arith.constant 16 : index
        %swap3A_821 = tpu.vector_load %arg7[%swap3A_819, %swap3A_820] {strides = array<i32>} : memref<832x64xf32, #tpu.memory_space<vmem>>, vector<16xf32>,
        tpu.vector_store %arg7[%swap3A_819, %swap3A_820], %mul3A_818 {strides = array<i32>} : memref<832x64xf32, #tpu.memory_space<vmem>>, vector<16xf32>,
        %add3A_822 = arith.constant 4 : i32
        %add3A_823 = arith.addi %mul3A_578, %add3A_822 : i32
        %get3A_824 = arith.index_cast %add3A_823 : i32 to index
        %get3A_825 = arith.constant 32 : index
        %get3A_826 = tpu.vector_load %arg7[%get3A_824, %get3A_825] {strides = array<i32>} : memref<832x64xf32, #tpu.memory_space<vmem>>, vector<16xf32>,
        %mul3A_827 = arith.mulf %get3A_826, %select_n3A_803 : vector<16xf32>
        %swap3A_828 = arith.index_cast %add3A_823 : i32 to index
        %swap3A_829 = arith.constant 32 : index
        %swap3A_830 = tpu.vector_load %arg7[%swap3A_828, %swap3A_829] {strides = array<i32>} : memref<832x64xf32, #tpu.memory_space<vmem>>, vector<16xf32>,
        tpu.vector_store %arg7[%swap3A_828, %swap3A_829], %mul3A_827 {strides = array<i32>} : memref<832x64xf32, #tpu.memory_space<vmem>>, vector<16xf32>,
        %add3A_831 = arith.constant 4 : i32
        %add3A_832 = arith.addi %mul3A_578, %add3A_831 : i32
        %get3A_833 = arith.index_cast %add3A_832 : i32 to index
        %get3A_834 = arith.constant 48 : index
        %get3A_835 = tpu.vector_load %arg7[%get3A_833, %get3A_834] {strides = array<i32>} : memref<832x64xf32, #tpu.memory_space<vmem>>, vector<16xf32>,
        %mul3A_836 = arith.mulf %get3A_835, %select_n3A_803 : vector<16xf32>
        %swap3A_837 = arith.index_cast %add3A_832 : i32 to index
        %swap3A_838 = arith.constant 48 : index
        %swap3A_839 = tpu.vector_load %arg7[%swap3A_837, %swap3A_838] {strides = array<i32>} : memref<832x64xf32, #tpu.memory_space<vmem>>, vector<16xf32>,
        tpu.vector_store %arg7[%swap3A_837, %swap3A_838], %mul3A_836 {strides = array<i32>} : memref<832x64xf32, #tpu.memory_space<vmem>>, vector<16xf32>,
        %add3A_840 = arith.constant 832 : i32
        %add3A_841 = arith.addi %add3A_840, %mul3A_578 : i32
        %add3A_842 = arith.constant 5 : i32
        %add3A_843 = arith.addi %add3A_841, %add3A_842 : i32
        %broadcast_in_dim3A_844 = vector.broadcast %add3A_843 : i32 to vector<16xi32>
        %gather3A_845 = tpu.vector_load_idx %arg5[%broadcast_in_dim3A_844] : memref<3328xi32, #tpu.memory_space<vmem>>[vector<16xi32>], vector<16xi32>,
        %eq3A_846 = arith.constant 0 : i32
        %eq3A_847 = vector.broadcast %eq3A_846 : i32 to vector<16xi32>
        %eq3A_848 = arith.cmpi eq, %gather3A_845, %eq3A_847 : vector<16xi32>
        %jit3A_849 = arith.constant 0.000000e+00 : f32
        %jit3A_850 = arith.constant 1.000000e+00 : f32
        %broadcast_in_dim3A_851 = vector.broadcast %jit3A_849 : f32 to vector<16xf32>
        %broadcast_in_dim3A_852 = vector.broadcast %jit3A_850 : f32 to vector<16xf32>
        %select_n3A_853 = arith.select %eq3A_848, %broadcast_in_dim3A_851, %broadcast_in_dim3A_852 : vector<16xi1>, vector<16xf32>
        %add3A_854 = arith.constant 5 : i32
        %add3A_855 = arith.addi %mul3A_578, %add3A_854 : i32
        %get3A_856 = arith.index_cast %add3A_855 : i32 to index
        %get3A_857 = arith.constant 0 : index
        %get3A_858 = tpu.vector_load %arg7[%get3A_856, %get3A_857] {strides = array<i32>} : memref<832x64xf32, #tpu.memory_space<vmem>>, vector<16xf32>,
        %mul3A_859 = arith.mulf %get3A_858, %select_n3A_853 : vector<16xf32>
        %swap3A_860 = arith.index_cast %add3A_855 : i32 to index
        %swap3A_861 = arith.constant 0 : index
        %swap3A_862 = tpu.vector_load %arg7[%swap3A_860, %swap3A_861] {strides = array<i32>} : memref<832x64xf32, #tpu.memory_space<vmem>>, vector<16xf32>,
        tpu.vector_store %arg7[%swap3A_860, %swap3A_861], %mul3A_859 {strides = array<i32>} : memref<832x64xf32, #tpu.memory_space<vmem>>, vector<16xf32>,
        %add3A_863 = arith.constant 5 : i32
        %add3A_864 = arith.addi %mul3A_578, %add3A_863 : i32
        %get3A_865 = arith.index_cast %add3A_864 : i32 to index
        %get3A_866 = arith.constant 16 : index
        %get3A_867 = tpu.vector_load %arg7[%get3A_865, %get3A_866] {strides = array<i32>} : memref<832x64xf32, #tpu.memory_space<vmem>>, vector<16xf32>,
        %mul3A_868 = arith.mulf %get3A_867, %select_n3A_853 : vector<16xf32>
        %swap3A_869 = arith.index_cast %add3A_864 : i32 to index
        %swap3A_870 = arith.constant 16 : index
        %swap3A_871 = tpu.vector_load %arg7[%swap3A_869, %swap3A_870] {strides = array<i32>} : memref<832x64xf32, #tpu.memory_space<vmem>>, vector<16xf32>,
        tpu.vector_store %arg7[%swap3A_869, %swap3A_870], %mul3A_868 {strides = array<i32>} : memref<832x64xf32, #tpu.memory_space<vmem>>, vector<16xf32>,
        %add3A_872 = arith.constant 5 : i32
        %add3A_873 = arith.addi %mul3A_578, %add3A_872 : i32
        %get3A_874 = arith.index_cast %add3A_873 : i32 to index
        %get3A_875 = arith.constant 32 : index
        %get3A_876 = tpu.vector_load %arg7[%get3A_874, %get3A_875] {strides = array<i32>} : memref<832x64xf32, #tpu.memory_space<vmem>>, vector<16xf32>,
        %mul3A_877 = arith.mulf %get3A_876, %select_n3A_853 : vector<16xf32>
        %swap3A_878 = arith.index_cast %add3A_873 : i32 to index
        %swap3A_879 = arith.constant 32 : index
        %swap3A_880 = tpu.vector_load %arg7[%swap3A_878, %swap3A_879] {strides = array<i32>} : memref<832x64xf32, #tpu.memory_space<vmem>>, vector<16xf32>,
        tpu.vector_store %arg7[%swap3A_878, %swap3A_879], %mul3A_877 {strides = array<i32>} : memref<832x64xf32, #tpu.memory_space<vmem>>, vector<16xf32>,
        %add3A_881 = arith.constant 5 : i32
        %add3A_882 = arith.addi %mul3A_578, %add3A_881 : i32
        %get3A_883 = arith.index_cast %add3A_882 : i32 to index
        %get3A_884 = arith.constant 48 : index
        %get3A_885 = tpu.vector_load %arg7[%get3A_883, %get3A_884] {strides = array<i32>} : memref<832x64xf32, #tpu.memory_space<vmem>>, vector<16xf32>,
        %mul3A_886 = arith.mulf %get3A_885, %select_n3A_853 : vector<16xf32>
        %swap3A_887 = arith.index_cast %add3A_882 : i32 to index
        %swap3A_888 = arith.constant 48 : index
        %swap3A_889 = tpu.vector_load %arg7[%swap3A_887, %swap3A_888] {strides = array<i32>} : memref<832x64xf32, #tpu.memory_space<vmem>>, vector<16xf32>,
        tpu.vector_store %arg7[%swap3A_887, %swap3A_888], %mul3A_886 {strides = array<i32>} : memref<832x64xf32, #tpu.memory_space<vmem>>, vector<16xf32>,
        %add3A_890 = arith.constant 832 : i32
        %add3A_891 = arith.addi %add3A_890, %mul3A_578 : i32
        %add3A_892 = arith.constant 6 : i32
        %add3A_893 = arith.addi %add3A_891, %add3A_892 : i32
        %broadcast_in_dim3A_894 = vector.broadcast %add3A_893 : i32 to vector<16xi32>
        %gather3A_895 = tpu.vector_load_idx %arg5[%broadcast_in_dim3A_894] : memref<3328xi32, #tpu.memory_space<vmem>>[vector<16xi32>], vector<16xi32>,
        %eq3A_896 = arith.constant 0 : i32
        %eq3A_897 = vector.broadcast %eq3A_896 : i32 to vector<16xi32>
        %eq3A_898 = arith.cmpi eq, %gather3A_895, %eq3A_897 : vector<16xi32>
        %jit3A_899 = arith.constant 0.000000e+00 : f32
        %jit3A_900 = arith.constant 1.000000e+00 : f32
        %broadcast_in_dim3A_901 = vector.broadcast %jit3A_899 : f32 to vector<16xf32>
        %broadcast_in_dim3A_902 = vector.broadcast %jit3A_900 : f32 to vector<16xf32>
        %select_n3A_903 = arith.select %eq3A_898, %broadcast_in_dim3A_901, %broadcast_in_dim3A_902 : vector<16xi1>, vector<16xf32>
        %add3A_904 = arith.constant 6 : i32
        %add3A_905 = arith.addi %mul3A_578, %add3A_904 : i32
        %get3A_906 = arith.index_cast %add3A_905 : i32 to index
        %get3A_907 = arith.constant 0 : index
        %get3A_908 = tpu.vector_load %arg7[%get3A_906, %get3A_907] {strides = array<i32>} : memref<832x64xf32, #tpu.memory_space<vmem>>, vector<16xf32>,
        %mul3A_909 = arith.mulf %get3A_908, %select_n3A_903 : vector<16xf32>
        %swap3A_910 = arith.index_cast %add3A_905 : i32 to index
        %swap3A_911 = arith.constant 0 : index
        %swap3A_912 = tpu.vector_load %arg7[%swap3A_910, %swap3A_911] {strides = array<i32>} : memref<832x64xf32, #tpu.memory_space<vmem>>, vector<16xf32>,
        tpu.vector_store %arg7[%swap3A_910, %swap3A_911], %mul3A_909 {strides = array<i32>} : memref<832x64xf32, #tpu.memory_space<vmem>>, vector<16xf32>,
        %add3A_913 = arith.constant 6 : i32
        %add3A_914 = arith.addi %mul3A_578, %add3A_913 : i32
        %get3A_915 = arith.index_cast %add3A_914 : i32 to index
        %get3A_916 = arith.constant 16 : index
        %get3A_917 = tpu.vector_load %arg7[%get3A_915, %get3A_916] {strides = array<i32>} : memref<832x64xf32, #tpu.memory_space<vmem>>, vector<16xf32>,
        %mul3A_918 = arith.mulf %get3A_917, %select_n3A_903 : vector<16xf32>
        %swap3A_919 = arith.index_cast %add3A_914 : i32 to index
        %swap3A_920 = arith.constant 16 : index
        %swap3A_921 = tpu.vector_load %arg7[%swap3A_919, %swap3A_920] {strides = array<i32>} : memref<832x64xf32, #tpu.memory_space<vmem>>, vector<16xf32>,
        tpu.vector_store %arg7[%swap3A_919, %swap3A_920], %mul3A_918 {strides = array<i32>} : memref<832x64xf32, #tpu.memory_space<vmem>>, vector<16xf32>,
        %add3A_922 = arith.constant 6 : i32
        %add3A_923 = arith.addi %mul3A_578, %add3A_922 : i32
        %get3A_924 = arith.index_cast %add3A_923 : i32 to index
        %get3A_925 = arith.constant 32 : index
        %get3A_926 = tpu.vector_load %arg7[%get3A_924, %get3A_925] {strides = array<i32>} : memref<832x64xf32, #tpu.memory_space<vmem>>, vector<16xf32>,
        %mul3A_927 = arith.mulf %get3A_926, %select_n3A_903 : vector<16xf32>
        %swap3A_928 = arith.index_cast %add3A_923 : i32 to index
        %swap3A_929 = arith.constant 32 : index
        %swap3A_930 = tpu.vector_load %arg7[%swap3A_928, %swap3A_929] {strides = array<i32>} : memref<832x64xf32, #tpu.memory_space<vmem>>, vector<16xf32>,
        tpu.vector_store %arg7[%swap3A_928, %swap3A_929], %mul3A_927 {strides = array<i32>} : memref<832x64xf32, #tpu.memory_space<vmem>>, vector<16xf32>,
        %add3A_931 = arith.constant 6 : i32
        %add3A_932 = arith.addi %mul3A_578, %add3A_931 : i32
        %get3A_933 = arith.index_cast %add3A_932 : i32 to index
        %get3A_934 = arith.constant 48 : index
        %get3A_935 = tpu.vector_load %arg7[%get3A_933, %get3A_934] {strides = array<i32>} : memref<832x64xf32, #tpu.memory_space<vmem>>, vector<16xf32>,
        %mul3A_936 = arith.mulf %get3A_935, %select_n3A_903 : vector<16xf32>
        %swap3A_937 = arith.index_cast %add3A_932 : i32 to index
        %swap3A_938 = arith.constant 48 : index
        %swap3A_939 = tpu.vector_load %arg7[%swap3A_937, %swap3A_938] {strides = array<i32>} : memref<832x64xf32, #tpu.memory_space<vmem>>, vector<16xf32>,
        tpu.vector_store %arg7[%swap3A_937, %swap3A_938], %mul3A_936 {strides = array<i32>} : memref<832x64xf32, #tpu.memory_space<vmem>>, vector<16xf32>,
        %add3A_940 = arith.constant 832 : i32
        %add3A_941 = arith.addi %add3A_940, %mul3A_578 : i32
        %add3A_942 = arith.constant 7 : i32
        %add3A_943 = arith.addi %add3A_941, %add3A_942 : i32
        %broadcast_in_dim3A_944 = vector.broadcast %add3A_943 : i32 to vector<16xi32>
        %gather3A_945 = tpu.vector_load_idx %arg5[%broadcast_in_dim3A_944] : memref<3328xi32, #tpu.memory_space<vmem>>[vector<16xi32>], vector<16xi32>,
        %eq3A_946 = arith.constant 0 : i32
        %eq3A_947 = vector.broadcast %eq3A_946 : i32 to vector<16xi32>
        %eq3A_948 = arith.cmpi eq, %gather3A_945, %eq3A_947 : vector<16xi32>
        %jit3A_949 = arith.constant 0.000000e+00 : f32
        %jit3A_950 = arith.constant 1.000000e+00 : f32
        %broadcast_in_dim3A_951 = vector.broadcast %jit3A_949 : f32 to vector<16xf32>
        %broadcast_in_dim3A_952 = vector.broadcast %jit3A_950 : f32 to vector<16xf32>
        %select_n3A_953 = arith.select %eq3A_948, %broadcast_in_dim3A_951, %broadcast_in_dim3A_952 : vector<16xi1>, vector<16xf32>
        %add3A_954 = arith.constant 7 : i32
        %add3A_955 = arith.addi %mul3A_578, %add3A_954 : i32
        %get3A_956 = arith.index_cast %add3A_955 : i32 to index
        %get3A_957 = arith.constant 0 : index
        %get3A_958 = tpu.vector_load %arg7[%get3A_956, %get3A_957] {strides = array<i32>} : memref<832x64xf32, #tpu.memory_space<vmem>>, vector<16xf32>,
        %mul3A_959 = arith.mulf %get3A_958, %select_n3A_953 : vector<16xf32>
        %swap3A_960 = arith.index_cast %add3A_955 : i32 to index
        %swap3A_961 = arith.constant 0 : index
        %swap3A_962 = tpu.vector_load %arg7[%swap3A_960, %swap3A_961] {strides = array<i32>} : memref<832x64xf32, #tpu.memory_space<vmem>>, vector<16xf32>,
        tpu.vector_store %arg7[%swap3A_960, %swap3A_961], %mul3A_959 {strides = array<i32>} : memref<832x64xf32, #tpu.memory_space<vmem>>, vector<16xf32>,
        %add3A_963 = arith.constant 7 : i32
        %add3A_964 = arith.addi %mul3A_578, %add3A_963 : i32
        %get3A_965 = arith.index_cast %add3A_964 : i32 to index
        %get3A_966 = arith.constant 16 : index
        %get3A_967 = tpu.vector_load %arg7[%get3A_965, %get3A_966] {strides = array<i32>} : memref<832x64xf32, #tpu.memory_space<vmem>>, vector<16xf32>,
        %mul3A_968 = arith.mulf %get3A_967, %select_n3A_953 : vector<16xf32>
        %swap3A_969 = arith.index_cast %add3A_964 : i32 to index
        %swap3A_970 = arith.constant 16 : index
        %swap3A_971 = tpu.vector_load %arg7[%swap3A_969, %swap3A_970] {strides = array<i32>} : memref<832x64xf32, #tpu.memory_space<vmem>>, vector<16xf32>,
        tpu.vector_store %arg7[%swap3A_969, %swap3A_970], %mul3A_968 {strides = array<i32>} : memref<832x64xf32, #tpu.memory_space<vmem>>, vector<16xf32>,
        %add3A_972 = arith.constant 7 : i32
        %add3A_973 = arith.addi %mul3A_578, %add3A_972 : i32
        %get3A_974 = arith.index_cast %add3A_973 : i32 to index
        %get3A_975 = arith.constant 32 : index
        %get3A_976 = tpu.vector_load %arg7[%get3A_974, %get3A_975] {strides = array<i32>} : memref<832x64xf32, #tpu.memory_space<vmem>>, vector<16xf32>,
        %mul3A_977 = arith.mulf %get3A_976, %select_n3A_953 : vector<16xf32>
        %swap3A_978 = arith.index_cast %add3A_973 : i32 to index
        %swap3A_979 = arith.constant 32 : index
        %swap3A_980 = tpu.vector_load %arg7[%swap3A_978, %swap3A_979] {strides = array<i32>} : memref<832x64xf32, #tpu.memory_space<vmem>>, vector<16xf32>,
        tpu.vector_store %arg7[%swap3A_978, %swap3A_979], %mul3A_977 {strides = array<i32>} : memref<832x64xf32, #tpu.memory_space<vmem>>, vector<16xf32>,
        %add3A_981 = arith.constant 7 : i32
        %add3A_982 = arith.addi %mul3A_578, %add3A_981 : i32
        %get3A_983 = arith.index_cast %add3A_982 : i32 to index
        %get3A_984 = arith.constant 48 : index
        %get3A_985 = tpu.vector_load %arg7[%get3A_983, %get3A_984] {strides = array<i32>} : memref<832x64xf32, #tpu.memory_space<vmem>>, vector<16xf32>,
        %mul3A_986 = arith.mulf %get3A_985, %select_n3A_953 : vector<16xf32>
        %swap3A_987 = arith.index_cast %add3A_982 : i32 to index
        %swap3A_988 = arith.constant 48 : index
        %swap3A_989 = tpu.vector_load %arg7[%swap3A_987, %swap3A_988] {strides = array<i32>} : memref<832x64xf32, #tpu.memory_space<vmem>>, vector<16xf32>,
        tpu.vector_store %arg7[%swap3A_987, %swap3A_988], %mul3A_986 {strides = array<i32>} : memref<832x64xf32, #tpu.memory_space<vmem>>, vector<16xf32>,
        %add3A_990 = arith.constant 832 : i32
        %add3A_991 = arith.addi %add3A_990, %mul3A_578 : i32
        %add3A_992 = arith.constant 8 : i32
        %add3A_993 = arith.addi %add3A_991, %add3A_992 : i32
        %broadcast_in_dim3A_994 = vector.broadcast %add3A_993 : i32 to vector<16xi32>
        %gather3A_995 = tpu.vector_load_idx %arg5[%broadcast_in_dim3A_994] : memref<3328xi32, #tpu.memory_space<vmem>>[vector<16xi32>], vector<16xi32>,
        %eq3A_996 = arith.constant 0 : i32
        %eq3A_997 = vector.broadcast %eq3A_996 : i32 to vector<16xi32>
        %eq3A_998 = arith.cmpi eq, %gather3A_995, %eq3A_997 : vector<16xi32>
        %jit3A_999 = arith.constant 0.000000e+00 : f32
        %jit3A_1000 = arith.constant 1.000000e+00 : f32
        %broadcast_in_dim3A_1001 = vector.broadcast %jit3A_999 : f32 to vector<16xf32>
        %broadcast_in_dim3A_1002 = vector.broadcast %jit3A_1000 : f32 to vector<16xf32>
        %select_n3A_1003 = arith.select %eq3A_998, %broadcast_in_dim3A_1001, %broadcast_in_dim3A_1002 : vector<16xi1>, vector<16xf32>
        %add3A_1004 = arith.constant 8 : i32
        %add3A_1005 = arith.addi %mul3A_578, %add3A_1004 : i32
        %get3A_1006 = arith.index_cast %add3A_1005 : i32 to index
        %get3A_1007 = arith.constant 0 : index
        %get3A_1008 = tpu.vector_load %arg7[%get3A_1006, %get3A_1007] {strides = array<i32>} : memref<832x64xf32, #tpu.memory_space<vmem>>, vector<16xf32>,
        %mul3A_1009 = arith.mulf %get3A_1008, %select_n3A_1003 : vector<16xf32>
        %swap3A_1010 = arith.index_cast %add3A_1005 : i32 to index
        %swap3A_1011 = arith.constant 0 : index
        %swap3A_1012 = tpu.vector_load %arg7[%swap3A_1010, %swap3A_1011] {strides = array<i32>} : memref<832x64xf32, #tpu.memory_space<vmem>>, vector<16xf32>,
        tpu.vector_store %arg7[%swap3A_1010, %swap3A_1011], %mul3A_1009 {strides = array<i32>} : memref<832x64xf32, #tpu.memory_space<vmem>>, vector<16xf32>,
        %add3A_1013 = arith.constant 8 : i32
        %add3A_1014 = arith.addi %mul3A_578, %add3A_1013 : i32
        %get3A_1015 = arith.index_cast %add3A_1014 : i32 to index
        %get3A_1016 = arith.constant 16 : index
        %get3A_1017 = tpu.vector_load %arg7[%get3A_1015, %get3A_1016] {strides = array<i32>} : memref<832x64xf32, #tpu.memory_space<vmem>>, vector<16xf32>,
        %mul3A_1018 = arith.mulf %get3A_1017, %select_n3A_1003 : vector<16xf32>
        %swap3A_1019 = arith.index_cast %add3A_1014 : i32 to index
        %swap3A_1020 = arith.constant 16 : index
        %swap3A_1021 = tpu.vector_load %arg7[%swap3A_1019, %swap3A_1020] {strides = array<i32>} : memref<832x64xf32, #tpu.memory_space<vmem>>, vector<16xf32>,
        tpu.vector_store %arg7[%swap3A_1019, %swap3A_1020], %mul3A_1018 {strides = array<i32>} : memref<832x64xf32, #tpu.memory_space<vmem>>, vector<16xf32>,
        %add3A_1022 = arith.constant 8 : i32
        %add3A_1023 = arith.addi %mul3A_578, %add3A_1022 : i32
        %get3A_1024 = arith.index_cast %add3A_1023 : i32 to index
        %get3A_1025 = arith.constant 32 : index
        %get3A_1026 = tpu.vector_load %arg7[%get3A_1024, %get3A_1025] {strides = array<i32>} : memref<832x64xf32, #tpu.memory_space<vmem>>, vector<16xf32>,
        %mul3A_1027 = arith.mulf %get3A_1026, %select_n3A_1003 : vector<16xf32>
        %swap3A_1028 = arith.index_cast %add3A_1023 : i32 to index
        %swap3A_1029 = arith.constant 32 : index
        %swap3A_1030 = tpu.vector_load %arg7[%swap3A_1028, %swap3A_1029] {strides = array<i32>} : memref<832x64xf32, #tpu.memory_space<vmem>>, vector<16xf32>,
        tpu.vector_store %arg7[%swap3A_1028, %swap3A_1029], %mul3A_1027 {strides = array<i32>} : memref<832x64xf32, #tpu.memory_space<vmem>>, vector<16xf32>,
        %add3A_1031 = arith.constant 8 : i32
        %add3A_1032 = arith.addi %mul3A_578, %add3A_1031 : i32
        %get3A_1033 = arith.index_cast %add3A_1032 : i32 to index
        %get3A_1034 = arith.constant 48 : index
        %get3A_1035 = tpu.vector_load %arg7[%get3A_1033, %get3A_1034] {strides = array<i32>} : memref<832x64xf32, #tpu.memory_space<vmem>>, vector<16xf32>,
        %mul3A_1036 = arith.mulf %get3A_1035, %select_n3A_1003 : vector<16xf32>
        %swap3A_1037 = arith.index_cast %add3A_1032 : i32 to index
        %swap3A_1038 = arith.constant 48 : index
        %swap3A_1039 = tpu.vector_load %arg7[%swap3A_1037, %swap3A_1038] {strides = array<i32>} : memref<832x64xf32, #tpu.memory_space<vmem>>, vector<16xf32>,
        tpu.vector_store %arg7[%swap3A_1037, %swap3A_1038], %mul3A_1036 {strides = array<i32>} : memref<832x64xf32, #tpu.memory_space<vmem>>, vector<16xf32>,
        %add3A_1040 = arith.constant 832 : i32
        %add3A_1041 = arith.addi %add3A_1040, %mul3A_578 : i32
        %add3A_1042 = arith.constant 9 : i32
        %add3A_1043 = arith.addi %add3A_1041, %add3A_1042 : i32
        %broadcast_in_dim3A_1044 = vector.broadcast %add3A_1043 : i32 to vector<16xi32>
        %gather3A_1045 = tpu.vector_load_idx %arg5[%broadcast_in_dim3A_1044] : memref<3328xi32, #tpu.memory_space<vmem>>[vector<16xi32>], vector<16xi32>,
        %eq3A_1046 = arith.constant 0 : i32
        %eq3A_1047 = vector.broadcast %eq3A_1046 : i32 to vector<16xi32>
        %eq3A_1048 = arith.cmpi eq, %gather3A_1045, %eq3A_1047 : vector<16xi32>
        %jit3A_1049 = arith.constant 0.000000e+00 : f32
        %jit3A_1050 = arith.constant 1.000000e+00 : f32
        %broadcast_in_dim3A_1051 = vector.broadcast %jit3A_1049 : f32 to vector<16xf32>
        %broadcast_in_dim3A_1052 = vector.broadcast %jit3A_1050 : f32 to vector<16xf32>
        %select_n3A_1053 = arith.select %eq3A_1048, %broadcast_in_dim3A_1051, %broadcast_in_dim3A_1052 : vector<16xi1>, vector<16xf32>
        %add3A_1054 = arith.constant 9 : i32
        %add3A_1055 = arith.addi %mul3A_578, %add3A_1054 : i32
        %get3A_1056 = arith.index_cast %add3A_1055 : i32 to index
        %get3A_1057 = arith.constant 0 : index
        %get3A_1058 = tpu.vector_load %arg7[%get3A_1056, %get3A_1057] {strides = array<i32>} : memref<832x64xf32, #tpu.memory_space<vmem>>, vector<16xf32>,
        %mul3A_1059 = arith.mulf %get3A_1058, %select_n3A_1053 : vector<16xf32>
        %swap3A_1060 = arith.index_cast %add3A_1055 : i32 to index
        %swap3A_1061 = arith.constant 0 : index
        %swap3A_1062 = tpu.vector_load %arg7[%swap3A_1060, %swap3A_1061] {strides = array<i32>} : memref<832x64xf32, #tpu.memory_space<vmem>>, vector<16xf32>,
        tpu.vector_store %arg7[%swap3A_1060, %swap3A_1061], %mul3A_1059 {strides = array<i32>} : memref<832x64xf32, #tpu.memory_space<vmem>>, vector<16xf32>,
        %add3A_1063 = arith.constant 9 : i32
        %add3A_1064 = arith.addi %mul3A_578, %add3A_1063 : i32
        %get3A_1065 = arith.index_cast %add3A_1064 : i32 to index
        %get3A_1066 = arith.constant 16 : index
        %get3A_1067 = tpu.vector_load %arg7[%get3A_1065, %get3A_1066] {strides = array<i32>} : memref<832x64xf32, #tpu.memory_space<vmem>>, vector<16xf32>,
        %mul3A_1068 = arith.mulf %get3A_1067, %select_n3A_1053 : vector<16xf32>
        %swap3A_1069 = arith.index_cast %add3A_1064 : i32 to index
        %swap3A_1070 = arith.constant 16 : index
        %swap3A_1071 = tpu.vector_load %arg7[%swap3A_1069, %swap3A_1070] {strides = array<i32>} : memref<832x64xf32, #tpu.memory_space<vmem>>, vector<16xf32>,
        tpu.vector_store %arg7[%swap3A_1069, %swap3A_1070], %mul3A_1068 {strides = array<i32>} : memref<832x64xf32, #tpu.memory_space<vmem>>, vector<16xf32>,
        %add3A_1072 = arith.constant 9 : i32
        %add3A_1073 = arith.addi %mul3A_578, %add3A_1072 : i32
        %get3A_1074 = arith.index_cast %add3A_1073 : i32 to index
        %get3A_1075 = arith.constant 32 : index
        %get3A_1076 = tpu.vector_load %arg7[%get3A_1074, %get3A_1075] {strides = array<i32>} : memref<832x64xf32, #tpu.memory_space<vmem>>, vector<16xf32>,
        %mul3A_1077 = arith.mulf %get3A_1076, %select_n3A_1053 : vector<16xf32>
        %swap3A_1078 = arith.index_cast %add3A_1073 : i32 to index
        %swap3A_1079 = arith.constant 32 : index
        %swap3A_1080 = tpu.vector_load %arg7[%swap3A_1078, %swap3A_1079] {strides = array<i32>} : memref<832x64xf32, #tpu.memory_space<vmem>>, vector<16xf32>,
        tpu.vector_store %arg7[%swap3A_1078, %swap3A_1079], %mul3A_1077 {strides = array<i32>} : memref<832x64xf32, #tpu.memory_space<vmem>>, vector<16xf32>,
        %add3A_1081 = arith.constant 9 : i32
        %add3A_1082 = arith.addi %mul3A_578, %add3A_1081 : i32
        %get3A_1083 = arith.index_cast %add3A_1082 : i32 to index
        %get3A_1084 = arith.constant 48 : index
        %get3A_1085 = tpu.vector_load %arg7[%get3A_1083, %get3A_1084] {strides = array<i32>} : memref<832x64xf32, #tpu.memory_space<vmem>>, vector<16xf32>,
        %mul3A_1086 = arith.mulf %get3A_1085, %select_n3A_1053 : vector<16xf32>
        %swap3A_1087 = arith.index_cast %add3A_1082 : i32 to index
        %swap3A_1088 = arith.constant 48 : index
        %swap3A_1089 = tpu.vector_load %arg7[%swap3A_1087, %swap3A_1088] {strides = array<i32>} : memref<832x64xf32, #tpu.memory_space<vmem>>, vector<16xf32>,
        tpu.vector_store %arg7[%swap3A_1087, %swap3A_1088], %mul3A_1086 {strides = array<i32>} : memref<832x64xf32, #tpu.memory_space<vmem>>, vector<16xf32>,
        %add3A_1090 = arith.constant 832 : i32
        %add3A_1091 = arith.addi %add3A_1090, %mul3A_578 : i32
        %add3A_1092 = arith.constant 10 : i32
        %add3A_1093 = arith.addi %add3A_1091, %add3A_1092 : i32
        %broadcast_in_dim3A_1094 = vector.broadcast %add3A_1093 : i32 to vector<16xi32>
        %gather3A_1095 = tpu.vector_load_idx %arg5[%broadcast_in_dim3A_1094] : memref<3328xi32, #tpu.memory_space<vmem>>[vector<16xi32>], vector<16xi32>,
        %eq3A_1096 = arith.constant 0 : i32
        %eq3A_1097 = vector.broadcast %eq3A_1096 : i32 to vector<16xi32>
        %eq3A_1098 = arith.cmpi eq, %gather3A_1095, %eq3A_1097 : vector<16xi32>
        %jit3A_1099 = arith.constant 0.000000e+00 : f32
        %jit3A_1100 = arith.constant 1.000000e+00 : f32
        %broadcast_in_dim3A_1101 = vector.broadcast %jit3A_1099 : f32 to vector<16xf32>
        %broadcast_in_dim3A_1102 = vector.broadcast %jit3A_1100 : f32 to vector<16xf32>
        %select_n3A_1103 = arith.select %eq3A_1098, %broadcast_in_dim3A_1101, %broadcast_in_dim3A_1102 : vector<16xi1>, vector<16xf32>
        %add3A_1104 = arith.constant 10 : i32
        %add3A_1105 = arith.addi %mul3A_578, %add3A_1104 : i32
        %get3A_1106 = arith.index_cast %add3A_1105 : i32 to index
        %get3A_1107 = arith.constant 0 : index
        %get3A_1108 = tpu.vector_load %arg7[%get3A_1106, %get3A_1107] {strides = array<i32>} : memref<832x64xf32, #tpu.memory_space<vmem>>, vector<16xf32>,
        %mul3A_1109 = arith.mulf %get3A_1108, %select_n3A_1103 : vector<16xf32>
        %swap3A_1110 = arith.index_cast %add3A_1105 : i32 to index
        %swap3A_1111 = arith.constant 0 : index
        %swap3A_1112 = tpu.vector_load %arg7[%swap3A_1110, %swap3A_1111] {strides = array<i32>} : memref<832x64xf32, #tpu.memory_space<vmem>>, vector<16xf32>,
        tpu.vector_store %arg7[%swap3A_1110, %swap3A_1111], %mul3A_1109 {strides = array<i32>} : memref<832x64xf32, #tpu.memory_space<vmem>>, vector<16xf32>,
        %add3A_1113 = arith.constant 10 : i32
        %add3A_1114 = arith.addi %mul3A_578, %add3A_1113 : i32
        %get3A_1115 = arith.index_cast %add3A_1114 : i32 to index
        %get3A_1116 = arith.constant 16 : index
        %get3A_1117 = tpu.vector_load %arg7[%get3A_1115, %get3A_1116] {strides = array<i32>} : memref<832x64xf32, #tpu.memory_space<vmem>>, vector<16xf32>,
        %mul3A_1118 = arith.mulf %get3A_1117, %select_n3A_1103 : vector<16xf32>
        %swap3A_1119 = arith.index_cast %add3A_1114 : i32 to index
        %swap3A_1120 = arith.constant 16 : index
        %swap3A_1121 = tpu.vector_load %arg7[%swap3A_1119, %swap3A_1120] {strides = array<i32>} : memref<832x64xf32, #tpu.memory_space<vmem>>, vector<16xf32>,
        tpu.vector_store %arg7[%swap3A_1119, %swap3A_1120], %mul3A_1118 {strides = array<i32>} : memref<832x64xf32, #tpu.memory_space<vmem>>, vector<16xf32>,
        %add3A_1122 = arith.constant 10 : i32
        %add3A_1123 = arith.addi %mul3A_578, %add3A_1122 : i32
        %get3A_1124 = arith.index_cast %add3A_1123 : i32 to index
        %get3A_1125 = arith.constant 32 : index
        %get3A_1126 = tpu.vector_load %arg7[%get3A_1124, %get3A_1125] {strides = array<i32>} : memref<832x64xf32, #tpu.memory_space<vmem>>, vector<16xf32>,
        %mul3A_1127 = arith.mulf %get3A_1126, %select_n3A_1103 : vector<16xf32>
        %swap3A_1128 = arith.index_cast %add3A_1123 : i32 to index
        %swap3A_1129 = arith.constant 32 : index
        %swap3A_1130 = tpu.vector_load %arg7[%swap3A_1128, %swap3A_1129] {strides = array<i32>} : memref<832x64xf32, #tpu.memory_space<vmem>>, vector<16xf32>,
        tpu.vector_store %arg7[%swap3A_1128, %swap3A_1129], %mul3A_1127 {strides = array<i32>} : memref<832x64xf32, #tpu.memory_space<vmem>>, vector<16xf32>,
        %add3A_1131 = arith.constant 10 : i32
        %add3A_1132 = arith.addi %mul3A_578, %add3A_1131 : i32
        %get3A_1133 = arith.index_cast %add3A_1132 : i32 to index
        %get3A_1134 = arith.constant 48 : index
        %get3A_1135 = tpu.vector_load %arg7[%get3A_1133, %get3A_1134] {strides = array<i32>} : memref<832x64xf32, #tpu.memory_space<vmem>>, vector<16xf32>,
        %mul3A_1136 = arith.mulf %get3A_1135, %select_n3A_1103 : vector<16xf32>
        %swap3A_1137 = arith.index_cast %add3A_1132 : i32 to index
        %swap3A_1138 = arith.constant 48 : index
        %swap3A_1139 = tpu.vector_load %arg7[%swap3A_1137, %swap3A_1138] {strides = array<i32>} : memref<832x64xf32, #tpu.memory_space<vmem>>, vector<16xf32>,
        tpu.vector_store %arg7[%swap3A_1137, %swap3A_1138], %mul3A_1136 {strides = array<i32>} : memref<832x64xf32, #tpu.memory_space<vmem>>, vector<16xf32>,
        %add3A_1140 = arith.constant 832 : i32
        %add3A_1141 = arith.addi %add3A_1140, %mul3A_578 : i32
        %add3A_1142 = arith.constant 11 : i32
        %add3A_1143 = arith.addi %add3A_1141, %add3A_1142 : i32
        %broadcast_in_dim3A_1144 = vector.broadcast %add3A_1143 : i32 to vector<16xi32>
        %gather3A_1145 = tpu.vector_load_idx %arg5[%broadcast_in_dim3A_1144] : memref<3328xi32, #tpu.memory_space<vmem>>[vector<16xi32>], vector<16xi32>,
        %eq3A_1146 = arith.constant 0 : i32
        %eq3A_1147 = vector.broadcast %eq3A_1146 : i32 to vector<16xi32>
        %eq3A_1148 = arith.cmpi eq, %gather3A_1145, %eq3A_1147 : vector<16xi32>
        %jit3A_1149 = arith.constant 0.000000e+00 : f32
        %jit3A_1150 = arith.constant 1.000000e+00 : f32
        %broadcast_in_dim3A_1151 = vector.broadcast %jit3A_1149 : f32 to vector<16xf32>
        %broadcast_in_dim3A_1152 = vector.broadcast %jit3A_1150 : f32 to vector<16xf32>
        %select_n3A_1153 = arith.select %eq3A_1148, %broadcast_in_dim3A_1151, %broadcast_in_dim3A_1152 : vector<16xi1>, vector<16xf32>
        %add3A_1154 = arith.constant 11 : i32
        %add3A_1155 = arith.addi %mul3A_578, %add3A_1154 : i32
        %get3A_1156 = arith.index_cast %add3A_1155 : i32 to index
        %get3A_1157 = arith.constant 0 : index
        %get3A_1158 = tpu.vector_load %arg7[%get3A_1156, %get3A_1157] {strides = array<i32>} : memref<832x64xf32, #tpu.memory_space<vmem>>, vector<16xf32>,
        %mul3A_1159 = arith.mulf %get3A_1158, %select_n3A_1153 : vector<16xf32>
        %swap3A_1160 = arith.index_cast %add3A_1155 : i32 to index
        %swap3A_1161 = arith.constant 0 : index
        %swap3A_1162 = tpu.vector_load %arg7[%swap3A_1160, %swap3A_1161] {strides = array<i32>} : memref<832x64xf32, #tpu.memory_space<vmem>>, vector<16xf32>,
        tpu.vector_store %arg7[%swap3A_1160, %swap3A_1161], %mul3A_1159 {strides = array<i32>} : memref<832x64xf32, #tpu.memory_space<vmem>>, vector<16xf32>,
        %add3A_1163 = arith.constant 11 : i32
        %add3A_1164 = arith.addi %mul3A_578, %add3A_1163 : i32
        %get3A_1165 = arith.index_cast %add3A_1164 : i32 to index
        %get3A_1166 = arith.constant 16 : index
        %get3A_1167 = tpu.vector_load %arg7[%get3A_1165, %get3A_1166] {strides = array<i32>} : memref<832x64xf32, #tpu.memory_space<vmem>>, vector<16xf32>,
        %mul3A_1168 = arith.mulf %get3A_1167, %select_n3A_1153 : vector<16xf32>
        %swap3A_1169 = arith.index_cast %add3A_1164 : i32 to index
        %swap3A_1170 = arith.constant 16 : index
        %swap3A_1171 = tpu.vector_load %arg7[%swap3A_1169, %swap3A_1170] {strides = array<i32>} : memref<832x64xf32, #tpu.memory_space<vmem>>, vector<16xf32>,
        tpu.vector_store %arg7[%swap3A_1169, %swap3A_1170], %mul3A_1168 {strides = array<i32>} : memref<832x64xf32, #tpu.memory_space<vmem>>, vector<16xf32>,
        %add3A_1172 = arith.constant 11 : i32
        %add3A_1173 = arith.addi %mul3A_578, %add3A_1172 : i32
        %get3A_1174 = arith.index_cast %add3A_1173 : i32 to index
        %get3A_1175 = arith.constant 32 : index
        %get3A_1176 = tpu.vector_load %arg7[%get3A_1174, %get3A_1175] {strides = array<i32>} : memref<832x64xf32, #tpu.memory_space<vmem>>, vector<16xf32>,
        %mul3A_1177 = arith.mulf %get3A_1176, %select_n3A_1153 : vector<16xf32>
        %swap3A_1178 = arith.index_cast %add3A_1173 : i32 to index
        %swap3A_1179 = arith.constant 32 : index
        %swap3A_1180 = tpu.vector_load %arg7[%swap3A_1178, %swap3A_1179] {strides = array<i32>} : memref<832x64xf32, #tpu.memory_space<vmem>>, vector<16xf32>,
        tpu.vector_store %arg7[%swap3A_1178, %swap3A_1179], %mul3A_1177 {strides = array<i32>} : memref<832x64xf32, #tpu.memory_space<vmem>>, vector<16xf32>,
        %add3A_1181 = arith.constant 11 : i32
        %add3A_1182 = arith.addi %mul3A_578, %add3A_1181 : i32
        %get3A_1183 = arith.index_cast %add3A_1182 : i32 to index
        %get3A_1184 = arith.constant 48 : index
        %get3A_1185 = tpu.vector_load %arg7[%get3A_1183, %get3A_1184] {strides = array<i32>} : memref<832x64xf32, #tpu.memory_space<vmem>>, vector<16xf32>,
        %mul3A_1186 = arith.mulf %get3A_1185, %select_n3A_1153 : vector<16xf32>
        %swap3A_1187 = arith.index_cast %add3A_1182 : i32 to index
        %swap3A_1188 = arith.constant 48 : index
        %swap3A_1189 = tpu.vector_load %arg7[%swap3A_1187, %swap3A_1188] {strides = array<i32>} : memref<832x64xf32, #tpu.memory_space<vmem>>, vector<16xf32>,
        tpu.vector_store %arg7[%swap3A_1187, %swap3A_1188], %mul3A_1186 {strides = array<i32>} : memref<832x64xf32, #tpu.memory_space<vmem>>, vector<16xf32>,
        %add3A_1190 = arith.constant 832 : i32
        %add3A_1191 = arith.addi %add3A_1190, %mul3A_578 : i32
        %add3A_1192 = arith.constant 12 : i32
        %add3A_1193 = arith.addi %add3A_1191, %add3A_1192 : i32
        %broadcast_in_dim3A_1194 = vector.broadcast %add3A_1193 : i32 to vector<16xi32>
        %gather3A_1195 = tpu.vector_load_idx %arg5[%broadcast_in_dim3A_1194] : memref<3328xi32, #tpu.memory_space<vmem>>[vector<16xi32>], vector<16xi32>,
        %eq3A_1196 = arith.constant 0 : i32
        %eq3A_1197 = vector.broadcast %eq3A_1196 : i32 to vector<16xi32>
        %eq3A_1198 = arith.cmpi eq, %gather3A_1195, %eq3A_1197 : vector<16xi32>
        %jit3A_1199 = arith.constant 0.000000e+00 : f32
        %jit3A_1200 = arith.constant 1.000000e+00 : f32
        %broadcast_in_dim3A_1201 = vector.broadcast %jit3A_1199 : f32 to vector<16xf32>
        %broadcast_in_dim3A_1202 = vector.broadcast %jit3A_1200 : f32 to vector<16xf32>
        %select_n3A_1203 = arith.select %eq3A_1198, %broadcast_in_dim3A_1201, %broadcast_in_dim3A_1202 : vector<16xi1>, vector<16xf32>
        %add3A_1204 = arith.constant 12 : i32
        %add3A_1205 = arith.addi %mul3A_578, %add3A_1204 : i32
        %get3A_1206 = arith.index_cast %add3A_1205 : i32 to index
        %get3A_1207 = arith.constant 0 : index
        %get3A_1208 = tpu.vector_load %arg7[%get3A_1206, %get3A_1207] {strides = array<i32>} : memref<832x64xf32, #tpu.memory_space<vmem>>, vector<16xf32>,
        %mul3A_1209 = arith.mulf %get3A_1208, %select_n3A_1203 : vector<16xf32>
        %swap3A_1210 = arith.index_cast %add3A_1205 : i32 to index
        %swap3A_1211 = arith.constant 0 : index
        %swap3A_1212 = tpu.vector_load %arg7[%swap3A_1210, %swap3A_1211] {strides = array<i32>} : memref<832x64xf32, #tpu.memory_space<vmem>>, vector<16xf32>,
        tpu.vector_store %arg7[%swap3A_1210, %swap3A_1211], %mul3A_1209 {strides = array<i32>} : memref<832x64xf32, #tpu.memory_space<vmem>>, vector<16xf32>,
        %add3A_1213 = arith.constant 12 : i32
        %add3A_1214 = arith.addi %mul3A_578, %add3A_1213 : i32
        %get3A_1215 = arith.index_cast %add3A_1214 : i32 to index
        %get3A_1216 = arith.constant 16 : index
        %get3A_1217 = tpu.vector_load %arg7[%get3A_1215, %get3A_1216] {strides = array<i32>} : memref<832x64xf32, #tpu.memory_space<vmem>>, vector<16xf32>,
        %mul3A_1218 = arith.mulf %get3A_1217, %select_n3A_1203 : vector<16xf32>
        %swap3A_1219 = arith.index_cast %add3A_1214 : i32 to index
        %swap3A_1220 = arith.constant 16 : index
        %swap3A_1221 = tpu.vector_load %arg7[%swap3A_1219, %swap3A_1220] {strides = array<i32>} : memref<832x64xf32, #tpu.memory_space<vmem>>, vector<16xf32>,
        tpu.vector_store %arg7[%swap3A_1219, %swap3A_1220], %mul3A_1218 {strides = array<i32>} : memref<832x64xf32, #tpu.memory_space<vmem>>, vector<16xf32>,
        %add3A_1222 = arith.constant 12 : i32
        %add3A_1223 = arith.addi %mul3A_578, %add3A_1222 : i32
        %get3A_1224 = arith.index_cast %add3A_1223 : i32 to index
        %get3A_1225 = arith.constant 32 : index
        %get3A_1226 = tpu.vector_load %arg7[%get3A_1224, %get3A_1225] {strides = array<i32>} : memref<832x64xf32, #tpu.memory_space<vmem>>, vector<16xf32>,
        %mul3A_1227 = arith.mulf %get3A_1226, %select_n3A_1203 : vector<16xf32>
        %swap3A_1228 = arith.index_cast %add3A_1223 : i32 to index
        %swap3A_1229 = arith.constant 32 : index
        %swap3A_1230 = tpu.vector_load %arg7[%swap3A_1228, %swap3A_1229] {strides = array<i32>} : memref<832x64xf32, #tpu.memory_space<vmem>>, vector<16xf32>,
        tpu.vector_store %arg7[%swap3A_1228, %swap3A_1229], %mul3A_1227 {strides = array<i32>} : memref<832x64xf32, #tpu.memory_space<vmem>>, vector<16xf32>,
        %add3A_1231 = arith.constant 12 : i32
        %add3A_1232 = arith.addi %mul3A_578, %add3A_1231 : i32
        %get3A_1233 = arith.index_cast %add3A_1232 : i32 to index
        %get3A_1234 = arith.constant 48 : index
        %get3A_1235 = tpu.vector_load %arg7[%get3A_1233, %get3A_1234] {strides = array<i32>} : memref<832x64xf32, #tpu.memory_space<vmem>>, vector<16xf32>,
        %mul3A_1236 = arith.mulf %get3A_1235, %select_n3A_1203 : vector<16xf32>
        %swap3A_1237 = arith.index_cast %add3A_1232 : i32 to index
        %swap3A_1238 = arith.constant 48 : index
        %swap3A_1239 = tpu.vector_load %arg7[%swap3A_1237, %swap3A_1238] {strides = array<i32>} : memref<832x64xf32, #tpu.memory_space<vmem>>, vector<16xf32>,
        tpu.vector_store %arg7[%swap3A_1237, %swap3A_1238], %mul3A_1236 {strides = array<i32>} : memref<832x64xf32, #tpu.memory_space<vmem>>, vector<16xf32>,
        %add3A_1240 = arith.constant 832 : i32
        %add3A_1241 = arith.addi %add3A_1240, %mul3A_578 : i32
        %add3A_1242 = arith.constant 13 : i32
        %add3A_1243 = arith.addi %add3A_1241, %add3A_1242 : i32
        %broadcast_in_dim3A_1244 = vector.broadcast %add3A_1243 : i32 to vector<16xi32>
        %gather3A_1245 = tpu.vector_load_idx %arg5[%broadcast_in_dim3A_1244] : memref<3328xi32, #tpu.memory_space<vmem>>[vector<16xi32>], vector<16xi32>,
        %eq3A_1246 = arith.constant 0 : i32
        %eq3A_1247 = vector.broadcast %eq3A_1246 : i32 to vector<16xi32>
        %eq3A_1248 = arith.cmpi eq, %gather3A_1245, %eq3A_1247 : vector<16xi32>
        %jit3A_1249 = arith.constant 0.000000e+00 : f32
        %jit3A_1250 = arith.constant 1.000000e+00 : f32
        %broadcast_in_dim3A_1251 = vector.broadcast %jit3A_1249 : f32 to vector<16xf32>
        %broadcast_in_dim3A_1252 = vector.broadcast %jit3A_1250 : f32 to vector<16xf32>
        %select_n3A_1253 = arith.select %eq3A_1248, %broadcast_in_dim3A_1251, %broadcast_in_dim3A_1252 : vector<16xi1>, vector<16xf32>
        %add3A_1254 = arith.constant 13 : i32
        %add3A_1255 = arith.addi %mul3A_578, %add3A_1254 : i32
        %get3A_1256 = arith.index_cast %add3A_1255 : i32 to index
        %get3A_1257 = arith.constant 0 : index
        %get3A_1258 = tpu.vector_load %arg7[%get3A_1256, %get3A_1257] {strides = array<i32>} : memref<832x64xf32, #tpu.memory_space<vmem>>, vector<16xf32>,
        %mul3A_1259 = arith.mulf %get3A_1258, %select_n3A_1253 : vector<16xf32>
        %swap3A_1260 = arith.index_cast %add3A_1255 : i32 to index
        %swap3A_1261 = arith.constant 0 : index
        %swap3A_1262 = tpu.vector_load %arg7[%swap3A_1260, %swap3A_1261] {strides = array<i32>} : memref<832x64xf32, #tpu.memory_space<vmem>>, vector<16xf32>,
        tpu.vector_store %arg7[%swap3A_1260, %swap3A_1261], %mul3A_1259 {strides = array<i32>} : memref<832x64xf32, #tpu.memory_space<vmem>>, vector<16xf32>,
        %add3A_1263 = arith.constant 13 : i32
        %add3A_1264 = arith.addi %mul3A_578, %add3A_1263 : i32
        %get3A_1265 = arith.index_cast %add3A_1264 : i32 to index
        %get3A_1266 = arith.constant 16 : index
        %get3A_1267 = tpu.vector_load %arg7[%get3A_1265, %get3A_1266] {strides = array<i32>} : memref<832x64xf32, #tpu.memory_space<vmem>>, vector<16xf32>,
        %mul3A_1268 = arith.mulf %get3A_1267, %select_n3A_1253 : vector<16xf32>
        %swap3A_1269 = arith.index_cast %add3A_1264 : i32 to index
        %swap3A_1270 = arith.constant 16 : index
        %swap3A_1271 = tpu.vector_load %arg7[%swap3A_1269, %swap3A_1270] {strides = array<i32>} : memref<832x64xf32, #tpu.memory_space<vmem>>, vector<16xf32>,
        tpu.vector_store %arg7[%swap3A_1269, %swap3A_1270], %mul3A_1268 {strides = array<i32>} : memref<832x64xf32, #tpu.memory_space<vmem>>, vector<16xf32>,
        %add3A_1272 = arith.constant 13 : i32
        %add3A_1273 = arith.addi %mul3A_578, %add3A_1272 : i32
        %get3A_1274 = arith.index_cast %add3A_1273 : i32 to index
        %get3A_1275 = arith.constant 32 : index
        %get3A_1276 = tpu.vector_load %arg7[%get3A_1274, %get3A_1275] {strides = array<i32>} : memref<832x64xf32, #tpu.memory_space<vmem>>, vector<16xf32>,
        %mul3A_1277 = arith.mulf %get3A_1276, %select_n3A_1253 : vector<16xf32>
        %swap3A_1278 = arith.index_cast %add3A_1273 : i32 to index
        %swap3A_1279 = arith.constant 32 : index
        %swap3A_1280 = tpu.vector_load %arg7[%swap3A_1278, %swap3A_1279] {strides = array<i32>} : memref<832x64xf32, #tpu.memory_space<vmem>>, vector<16xf32>,
        tpu.vector_store %arg7[%swap3A_1278, %swap3A_1279], %mul3A_1277 {strides = array<i32>} : memref<832x64xf32, #tpu.memory_space<vmem>>, vector<16xf32>,
        %add3A_1281 = arith.constant 13 : i32
        %add3A_1282 = arith.addi %mul3A_578, %add3A_1281 : i32
        %get3A_1283 = arith.index_cast %add3A_1282 : i32 to index
        %get3A_1284 = arith.constant 48 : index
        %get3A_1285 = tpu.vector_load %arg7[%get3A_1283, %get3A_1284] {strides = array<i32>} : memref<832x64xf32, #tpu.memory_space<vmem>>, vector<16xf32>,
        %mul3A_1286 = arith.mulf %get3A_1285, %select_n3A_1253 : vector<16xf32>
        %swap3A_1287 = arith.index_cast %add3A_1282 : i32 to index
        %swap3A_1288 = arith.constant 48 : index
        %swap3A_1289 = tpu.vector_load %arg7[%swap3A_1287, %swap3A_1288] {strides = array<i32>} : memref<832x64xf32, #tpu.memory_space<vmem>>, vector<16xf32>,
        tpu.vector_store %arg7[%swap3A_1287, %swap3A_1288], %mul3A_1286 {strides = array<i32>} : memref<832x64xf32, #tpu.memory_space<vmem>>, vector<16xf32>,
        %add3A_1290 = arith.constant 832 : i32
        %add3A_1291 = arith.addi %add3A_1290, %mul3A_578 : i32
        %add3A_1292 = arith.constant 14 : i32
        %add3A_1293 = arith.addi %add3A_1291, %add3A_1292 : i32
        %broadcast_in_dim3A_1294 = vector.broadcast %add3A_1293 : i32 to vector<16xi32>
        %gather3A_1295 = tpu.vector_load_idx %arg5[%broadcast_in_dim3A_1294] : memref<3328xi32, #tpu.memory_space<vmem>>[vector<16xi32>], vector<16xi32>,
        %eq3A_1296 = arith.constant 0 : i32
        %eq3A_1297 = vector.broadcast %eq3A_1296 : i32 to vector<16xi32>
        %eq3A_1298 = arith.cmpi eq, %gather3A_1295, %eq3A_1297 : vector<16xi32>
        %jit3A_1299 = arith.constant 0.000000e+00 : f32
        %jit3A_1300 = arith.constant 1.000000e+00 : f32
        %broadcast_in_dim3A_1301 = vector.broadcast %jit3A_1299 : f32 to vector<16xf32>
        %broadcast_in_dim3A_1302 = vector.broadcast %jit3A_1300 : f32 to vector<16xf32>
        %select_n3A_1303 = arith.select %eq3A_1298, %broadcast_in_dim3A_1301, %broadcast_in_dim3A_1302 : vector<16xi1>, vector<16xf32>
        %add3A_1304 = arith.constant 14 : i32
        %add3A_1305 = arith.addi %mul3A_578, %add3A_1304 : i32
        %get3A_1306 = arith.index_cast %add3A_1305 : i32 to index
        %get3A_1307 = arith.constant 0 : index
        %get3A_1308 = tpu.vector_load %arg7[%get3A_1306, %get3A_1307] {strides = array<i32>} : memref<832x64xf32, #tpu.memory_space<vmem>>, vector<16xf32>,
        %mul3A_1309 = arith.mulf %get3A_1308, %select_n3A_1303 : vector<16xf32>
        %swap3A_1310 = arith.index_cast %add3A_1305 : i32 to index
        %swap3A_1311 = arith.constant 0 : index
        %swap3A_1312 = tpu.vector_load %arg7[%swap3A_1310, %swap3A_1311] {strides = array<i32>} : memref<832x64xf32, #tpu.memory_space<vmem>>, vector<16xf32>,
        tpu.vector_store %arg7[%swap3A_1310, %swap3A_1311], %mul3A_1309 {strides = array<i32>} : memref<832x64xf32, #tpu.memory_space<vmem>>, vector<16xf32>,
        %add3A_1313 = arith.constant 14 : i32
        %add3A_1314 = arith.addi %mul3A_578, %add3A_1313 : i32
        %get3A_1315 = arith.index_cast %add3A_1314 : i32 to index
        %get3A_1316 = arith.constant 16 : index
        %get3A_1317 = tpu.vector_load %arg7[%get3A_1315, %get3A_1316] {strides = array<i32>} : memref<832x64xf32, #tpu.memory_space<vmem>>, vector<16xf32>,
        %mul3A_1318 = arith.mulf %get3A_1317, %select_n3A_1303 : vector<16xf32>
        %swap3A_1319 = arith.index_cast %add3A_1314 : i32 to index
        %swap3A_1320 = arith.constant 16 : index
        %swap3A_1321 = tpu.vector_load %arg7[%swap3A_1319, %swap3A_1320] {strides = array<i32>} : memref<832x64xf32, #tpu.memory_space<vmem>>, vector<16xf32>,
        tpu.vector_store %arg7[%swap3A_1319, %swap3A_1320], %mul3A_1318 {strides = array<i32>} : memref<832x64xf32, #tpu.memory_space<vmem>>, vector<16xf32>,
        %add3A_1322 = arith.constant 14 : i32
        %add3A_1323 = arith.addi %mul3A_578, %add3A_1322 : i32
        %get3A_1324 = arith.index_cast %add3A_1323 : i32 to index
        %get3A_1325 = arith.constant 32 : index
        %get3A_1326 = tpu.vector_load %arg7[%get3A_1324, %get3A_1325] {strides = array<i32>} : memref<832x64xf32, #tpu.memory_space<vmem>>, vector<16xf32>,
        %mul3A_1327 = arith.mulf %get3A_1326, %select_n3A_1303 : vector<16xf32>
        %swap3A_1328 = arith.index_cast %add3A_1323 : i32 to index
        %swap3A_1329 = arith.constant 32 : index
        %swap3A_1330 = tpu.vector_load %arg7[%swap3A_1328, %swap3A_1329] {strides = array<i32>} : memref<832x64xf32, #tpu.memory_space<vmem>>, vector<16xf32>,
        tpu.vector_store %arg7[%swap3A_1328, %swap3A_1329], %mul3A_1327 {strides = array<i32>} : memref<832x64xf32, #tpu.memory_space<vmem>>, vector<16xf32>,
        %add3A_1331 = arith.constant 14 : i32
        %add3A_1332 = arith.addi %mul3A_578, %add3A_1331 : i32
        %get3A_1333 = arith.index_cast %add3A_1332 : i32 to index
        %get3A_1334 = arith.constant 48 : index
        %get3A_1335 = tpu.vector_load %arg7[%get3A_1333, %get3A_1334] {strides = array<i32>} : memref<832x64xf32, #tpu.memory_space<vmem>>, vector<16xf32>,
        %mul3A_1336 = arith.mulf %get3A_1335, %select_n3A_1303 : vector<16xf32>
        %swap3A_1337 = arith.index_cast %add3A_1332 : i32 to index
        %swap3A_1338 = arith.constant 48 : index
        %swap3A_1339 = tpu.vector_load %arg7[%swap3A_1337, %swap3A_1338] {strides = array<i32>} : memref<832x64xf32, #tpu.memory_space<vmem>>, vector<16xf32>,
        tpu.vector_store %arg7[%swap3A_1337, %swap3A_1338], %mul3A_1336 {strides = array<i32>} : memref<832x64xf32, #tpu.memory_space<vmem>>, vector<16xf32>,
        %add3A_1340 = arith.constant 832 : i32
        %add3A_1341 = arith.addi %add3A_1340, %mul3A_578 : i32
        %add3A_1342 = arith.constant 15 : i32
        %add3A_1343 = arith.addi %add3A_1341, %add3A_1342 : i32
        %broadcast_in_dim3A_1344 = vector.broadcast %add3A_1343 : i32 to vector<16xi32>
        %gather3A_1345 = tpu.vector_load_idx %arg5[%broadcast_in_dim3A_1344] : memref<3328xi32, #tpu.memory_space<vmem>>[vector<16xi32>], vector<16xi32>,
        %eq3A_1346 = arith.constant 0 : i32
        %eq3A_1347 = vector.broadcast %eq3A_1346 : i32 to vector<16xi32>
        %eq3A_1348 = arith.cmpi eq, %gather3A_1345, %eq3A_1347 : vector<16xi32>
        %jit3A_1349 = arith.constant 0.000000e+00 : f32
        %jit3A_1350 = arith.constant 1.000000e+00 : f32
        %broadcast_in_dim3A_1351 = vector.broadcast %jit3A_1349 : f32 to vector<16xf32>
        %broadcast_in_dim3A_1352 = vector.broadcast %jit3A_1350 : f32 to vector<16xf32>
        %select_n3A_1353 = arith.select %eq3A_1348, %broadcast_in_dim3A_1351, %broadcast_in_dim3A_1352 : vector<16xi1>, vector<16xf32>
        %add3A_1354 = arith.constant 15 : i32
        %add3A_1355 = arith.addi %mul3A_578, %add3A_1354 : i32
        %get3A_1356 = arith.index_cast %add3A_1355 : i32 to index
        %get3A_1357 = arith.constant 0 : index
        %get3A_1358 = tpu.vector_load %arg7[%get3A_1356, %get3A_1357] {strides = array<i32>} : memref<832x64xf32, #tpu.memory_space<vmem>>, vector<16xf32>,
        %mul3A_1359 = arith.mulf %get3A_1358, %select_n3A_1353 : vector<16xf32>
        %swap3A_1360 = arith.index_cast %add3A_1355 : i32 to index
        %swap3A_1361 = arith.constant 0 : index
        %swap3A_1362 = tpu.vector_load %arg7[%swap3A_1360, %swap3A_1361] {strides = array<i32>} : memref<832x64xf32, #tpu.memory_space<vmem>>, vector<16xf32>,
        tpu.vector_store %arg7[%swap3A_1360, %swap3A_1361], %mul3A_1359 {strides = array<i32>} : memref<832x64xf32, #tpu.memory_space<vmem>>, vector<16xf32>,
        %add3A_1363 = arith.constant 15 : i32
        %add3A_1364 = arith.addi %mul3A_578, %add3A_1363 : i32
        %get3A_1365 = arith.index_cast %add3A_1364 : i32 to index
        %get3A_1366 = arith.constant 16 : index
        %get3A_1367 = tpu.vector_load %arg7[%get3A_1365, %get3A_1366] {strides = array<i32>} : memref<832x64xf32, #tpu.memory_space<vmem>>, vector<16xf32>,
        %mul3A_1368 = arith.mulf %get3A_1367, %select_n3A_1353 : vector<16xf32>
        %swap3A_1369 = arith.index_cast %add3A_1364 : i32 to index
        %swap3A_1370 = arith.constant 16 : index
        %swap3A_1371 = tpu.vector_load %arg7[%swap3A_1369, %swap3A_1370] {strides = array<i32>} : memref<832x64xf32, #tpu.memory_space<vmem>>, vector<16xf32>,
        tpu.vector_store %arg7[%swap3A_1369, %swap3A_1370], %mul3A_1368 {strides = array<i32>} : memref<832x64xf32, #tpu.memory_space<vmem>>, vector<16xf32>,
        %add3A_1372 = arith.constant 15 : i32
        %add3A_1373 = arith.addi %mul3A_578, %add3A_1372 : i32
        %get3A_1374 = arith.index_cast %add3A_1373 : i32 to index
        %get3A_1375 = arith.constant 32 : index
        %get3A_1376 = tpu.vector_load %arg7[%get3A_1374, %get3A_1375] {strides = array<i32>} : memref<832x64xf32, #tpu.memory_space<vmem>>, vector<16xf32>,
        %mul3A_1377 = arith.mulf %get3A_1376, %select_n3A_1353 : vector<16xf32>
        %swap3A_1378 = arith.index_cast %add3A_1373 : i32 to index
        %swap3A_1379 = arith.constant 32 : index
        %swap3A_1380 = tpu.vector_load %arg7[%swap3A_1378, %swap3A_1379] {strides = array<i32>} : memref<832x64xf32, #tpu.memory_space<vmem>>, vector<16xf32>,
        tpu.vector_store %arg7[%swap3A_1378, %swap3A_1379], %mul3A_1377 {strides = array<i32>} : memref<832x64xf32, #tpu.memory_space<vmem>>, vector<16xf32>,
        %add3A_1381 = arith.constant 15 : i32
        %add3A_1382 = arith.addi %mul3A_578, %add3A_1381 : i32
        %get3A_1383 = arith.index_cast %add3A_1382 : i32 to index
        %get3A_1384 = arith.constant 48 : index
        %get3A_1385 = tpu.vector_load %arg7[%get3A_1383, %get3A_1384] {strides = array<i32>} : memref<832x64xf32, #tpu.memory_space<vmem>>, vector<16xf32>,
        %mul3A_1386 = arith.mulf %get3A_1385, %select_n3A_1353 : vector<16xf32>
        %swap3A_1387 = arith.index_cast %add3A_1382 : i32 to index
        %swap3A_1388 = arith.constant 48 : index
        %swap3A_1389 = tpu.vector_load %arg7[%swap3A_1387, %swap3A_1388] {strides = array<i32>} : memref<832x64xf32, #tpu.memory_space<vmem>>, vector<16xf32>,
        tpu.vector_store %arg7[%swap3A_1387, %swap3A_1388], %mul3A_1386 {strides = array<i32>} : memref<832x64xf32, #tpu.memory_space<vmem>>, vector<16xf32>,
      } else {
      }
    }
    %scan3A_341 = arith.constant 52 : i32
    %add3A_342 = arith.constant 832 : i32
    %add3A_343 = arith.addi %mul3A_2, %add3A_342 : i32
    %dma_start3A_344 = arith.constant 0 : i32
    %dma_start3A_345 = tpu.memref_slice %arg4[%add3A_343, %dma_start3A_344] : memref<106496x64xf32, #tpu.memory_space<hbm>> -> memref<832x64xf32, #tpu.memory_space<hbm>>
    %dma_start3A_346 = arith.constant 0 : i32
    %dma_start3A_347 = tpu.memref_slice %arg4[%add3A_343, %dma_start3A_346] : memref<106496x64xf32, #tpu.memory_space<hbm>> -> memref<832x64xf32, #tpu.memory_space<hbm>>
    tpu.enqueue_dma source(%arg7 : memref<832x64xf32, #tpu.memory_space<vmem>>) target(%dma_start3A_347 : memref<832x64xf32, #tpu.memory_space<hbm>>) target_semaphore(%arg11 : memref<!tpu.dma_semaphore, #tpu.memory_space<semaphore_mem>>)
    %dma_wait3A_348 = arith.constant 0 : i32
    %dma_wait3A_349 = tpu.memref_slice %arg4[%add3A_343, %dma_wait3A_348] : memref<106496x64xf32, #tpu.memory_space<hbm>> -> memref<832x64xf32, #tpu.memory_space<hbm>>
    %dma_wait3A_350 = arith.constant 0 : i32
    %dma_wait3A_351 = tpu.memref_slice %arg4[%add3A_343, %dma_wait3A_350] : memref<106496x64xf32, #tpu.memory_space<hbm>> -> memref<832x64xf32, #tpu.memory_space<hbm>>
    tpu.wait_dma2 semaphore(%arg11 : memref<!tpu.dma_semaphore, #tpu.memory_space<semaphore_mem>>) src(%arg7 : memref<832x64xf32, #tpu.memory_space<vmem>>) dst(%dma_wait3A_351 : memref<832x64xf32, #tpu.memory_space<hbm>>)
    %dma_start3A_352 = arith.constant 0 : i32
    %dma_start3A_353 = arith.constant 0 : i32
    %dma_start3A_354 = tpu.memref_slice %arg7[%dma_start3A_352, %dma_start3A_353] : memref<832x64xf32, #tpu.memory_space<vmem>> -> memref<104x64xf32, #tpu.memory_space<vmem>>
    %dma_start3A_355 = arith.constant 2496 : i32
    %dma_start3A_356 = tpu.memref_slice %arg5[%dma_start3A_355] : memref<3328xi32, #tpu.memory_space<vmem>> -> memref<104xi32, #tpu.memory_space<vmem>>
    %dma_start3A_357 = arith.constant 0 : i32
    %dma_start3A_358 = arith.constant 0 : i32
    %dma_start3A_359 = tpu.memref_slice %arg3[%dma_start3A_357, %dma_start3A_358] : memref<1000000x64xf32, #tpu.memory_space<hbm>> -> memref<1000000x64xf32, #tpu.memory_space<hbm>>
    tpu.enqueue_indirect_dma source(%dma_start3A_359 : memref<1000000x64xf32, #tpu.memory_space<hbm>>) target(%dma_start3A_354 : memref<104x64xf32, #tpu.memory_space<vmem>>) offsets(%dma_start3A_356 : memref<104xi32, #tpu.memory_space<vmem>>) semaphore(%arg9 : memref<!tpu.dma_semaphore, #tpu.memory_space<semaphore_mem>>)
    %dma_start3A_360 = arith.constant 104 : i32
    %dma_start3A_361 = arith.constant 0 : i32
    %dma_start3A_362 = tpu.memref_slice %arg7[%dma_start3A_360, %dma_start3A_361] : memref<832x64xf32, #tpu.memory_space<vmem>> -> memref<104x64xf32, #tpu.memory_space<vmem>>
    %dma_start3A_363 = arith.constant 2600 : i32
    %dma_start3A_364 = tpu.memref_slice %arg5[%dma_start3A_363] : memref<3328xi32, #tpu.memory_space<vmem>> -> memref<104xi32, #tpu.memory_space<vmem>>
    %dma_start3A_365 = arith.constant 0 : i32
    %dma_start3A_366 = arith.constant 0 : i32
    %dma_start3A_367 = tpu.memref_slice %arg3[%dma_start3A_365, %dma_start3A_366] : memref<1000000x64xf32, #tpu.memory_space<hbm>> -> memref<1000000x64xf32, #tpu.memory_space<hbm>>
    tpu.enqueue_indirect_dma source(%dma_start3A_367 : memref<1000000x64xf32, #tpu.memory_space<hbm>>) target(%dma_start3A_362 : memref<104x64xf32, #tpu.memory_space<vmem>>) offsets(%dma_start3A_364 : memref<104xi32, #tpu.memory_space<vmem>>) semaphore(%arg9 : memref<!tpu.dma_semaphore, #tpu.memory_space<semaphore_mem>>)
    %dma_start3A_368 = arith.constant 208 : i32
    %dma_start3A_369 = arith.constant 0 : i32
    %dma_start3A_370 = tpu.memref_slice %arg7[%dma_start3A_368, %dma_start3A_369] : memref<832x64xf32, #tpu.memory_space<vmem>> -> memref<104x64xf32, #tpu.memory_space<vmem>>
    %dma_start3A_371 = arith.constant 2704 : i32
    %dma_start3A_372 = tpu.memref_slice %arg5[%dma_start3A_371] : memref<3328xi32, #tpu.memory_space<vmem>> -> memref<104xi32, #tpu.memory_space<vmem>>
    %dma_start3A_373 = arith.constant 0 : i32
    %dma_start3A_374 = arith.constant 0 : i32
    %dma_start3A_375 = tpu.memref_slice %arg3[%dma_start3A_373, %dma_start3A_374] : memref<1000000x64xf32, #tpu.memory_space<hbm>> -> memref<1000000x64xf32, #tpu.memory_space<hbm>>
    tpu.enqueue_indirect_dma source(%dma_start3A_375 : memref<1000000x64xf32, #tpu.memory_space<hbm>>) target(%dma_start3A_370 : memref<104x64xf32, #tpu.memory_space<vmem>>) offsets(%dma_start3A_372 : memref<104xi32, #tpu.memory_space<vmem>>) semaphore(%arg9 : memref<!tpu.dma_semaphore, #tpu.memory_space<semaphore_mem>>)
    %dma_start3A_376 = arith.constant 312 : i32
    %dma_start3A_377 = arith.constant 0 : i32
    %dma_start3A_378 = tpu.memref_slice %arg7[%dma_start3A_376, %dma_start3A_377] : memref<832x64xf32, #tpu.memory_space<vmem>> -> memref<104x64xf32, #tpu.memory_space<vmem>>
    %dma_start3A_379 = arith.constant 2808 : i32
    %dma_start3A_380 = tpu.memref_slice %arg5[%dma_start3A_379] : memref<3328xi32, #tpu.memory_space<vmem>> -> memref<104xi32, #tpu.memory_space<vmem>>
    %dma_start3A_381 = arith.constant 0 : i32
    %dma_start3A_382 = arith.constant 0 : i32
    %dma_start3A_383 = tpu.memref_slice %arg3[%dma_start3A_381, %dma_start3A_382] : memref<1000000x64xf32, #tpu.memory_space<hbm>> -> memref<1000000x64xf32, #tpu.memory_space<hbm>>
    tpu.enqueue_indirect_dma source(%dma_start3A_383 : memref<1000000x64xf32, #tpu.memory_space<hbm>>) target(%dma_start3A_378 : memref<104x64xf32, #tpu.memory_space<vmem>>) offsets(%dma_start3A_380 : memref<104xi32, #tpu.memory_space<vmem>>) semaphore(%arg9 : memref<!tpu.dma_semaphore, #tpu.memory_space<semaphore_mem>>)
    %dma_start3A_384 = arith.constant 416 : i32
    %dma_start3A_385 = arith.constant 0 : i32
    %dma_start3A_386 = tpu.memref_slice %arg7[%dma_start3A_384, %dma_start3A_385] : memref<832x64xf32, #tpu.memory_space<vmem>> -> memref<104x64xf32, #tpu.memory_space<vmem>>
    %dma_start3A_387 = arith.constant 2912 : i32
    %dma_start3A_388 = tpu.memref_slice %arg5[%dma_start3A_387] : memref<3328xi32, #tpu.memory_space<vmem>> -> memref<104xi32, #tpu.memory_space<vmem>>
    %dma_start3A_389 = arith.constant 0 : i32
    %dma_start3A_390 = arith.constant 0 : i32
    %dma_start3A_391 = tpu.memref_slice %arg3[%dma_start3A_389, %dma_start3A_390] : memref<1000000x64xf32, #tpu.memory_space<hbm>> -> memref<1000000x64xf32, #tpu.memory_space<hbm>>
    tpu.enqueue_indirect_dma source(%dma_start3A_391 : memref<1000000x64xf32, #tpu.memory_space<hbm>>) target(%dma_start3A_386 : memref<104x64xf32, #tpu.memory_space<vmem>>) offsets(%dma_start3A_388 : memref<104xi32, #tpu.memory_space<vmem>>) semaphore(%arg9 : memref<!tpu.dma_semaphore, #tpu.memory_space<semaphore_mem>>)
    %dma_start3A_392 = arith.constant 520 : i32
    %dma_start3A_393 = arith.constant 0 : i32
    %dma_start3A_394 = tpu.memref_slice %arg7[%dma_start3A_392, %dma_start3A_393] : memref<832x64xf32, #tpu.memory_space<vmem>> -> memref<104x64xf32, #tpu.memory_space<vmem>>
    %dma_start3A_395 = arith.constant 3016 : i32
    %dma_start3A_396 = tpu.memref_slice %arg5[%dma_start3A_395] : memref<3328xi32, #tpu.memory_space<vmem>> -> memref<104xi32, #tpu.memory_space<vmem>>
    %dma_start3A_397 = arith.constant 0 : i32
    %dma_start3A_398 = arith.constant 0 : i32
    %dma_start3A_399 = tpu.memref_slice %arg3[%dma_start3A_397, %dma_start3A_398] : memref<1000000x64xf32, #tpu.memory_space<hbm>> -> memref<1000000x64xf32, #tpu.memory_space<hbm>>
    tpu.enqueue_indirect_dma source(%dma_start3A_399 : memref<1000000x64xf32, #tpu.memory_space<hbm>>) target(%dma_start3A_394 : memref<104x64xf32, #tpu.memory_space<vmem>>) offsets(%dma_start3A_396 : memref<104xi32, #tpu.memory_space<vmem>>) semaphore(%arg9 : memref<!tpu.dma_semaphore, #tpu.memory_space<semaphore_mem>>)
    %dma_start3A_400 = arith.constant 624 : i32
    %dma_start3A_401 = arith.constant 0 : i32
    %dma_start3A_402 = tpu.memref_slice %arg7[%dma_start3A_400, %dma_start3A_401] : memref<832x64xf32, #tpu.memory_space<vmem>> -> memref<104x64xf32, #tpu.memory_space<vmem>>
    %dma_start3A_403 = arith.constant 3120 : i32
    %dma_start3A_404 = tpu.memref_slice %arg5[%dma_start3A_403] : memref<3328xi32, #tpu.memory_space<vmem>> -> memref<104xi32, #tpu.memory_space<vmem>>
    %dma_start3A_405 = arith.constant 0 : i32
    %dma_start3A_406 = arith.constant 0 : i32
    %dma_start3A_407 = tpu.memref_slice %arg3[%dma_start3A_405, %dma_start3A_406] : memref<1000000x64xf32, #tpu.memory_space<hbm>> -> memref<1000000x64xf32, #tpu.memory_space<hbm>>
    tpu.enqueue_indirect_dma source(%dma_start3A_407 : memref<1000000x64xf32, #tpu.memory_space<hbm>>) target(%dma_start3A_402 : memref<104x64xf32, #tpu.memory_space<vmem>>) offsets(%dma_start3A_404 : memref<104xi32, #tpu.memory_space<vmem>>) semaphore(%arg9 : memref<!tpu.dma_semaphore, #tpu.memory_space<semaphore_mem>>)
    %dma_start3A_408 = arith.constant 728 : i32
    %dma_start3A_409 = arith.constant 0 : i32
    %dma_start3A_410 = tpu.memref_slice %arg7[%dma_start3A_408, %dma_start3A_409] : memref<832x64xf32, #tpu.memory_space<vmem>> -> memref<104x64xf32, #tpu.memory_space<vmem>>
    %dma_start3A_411 = arith.constant 3224 : i32
    %dma_start3A_412 = tpu.memref_slice %arg5[%dma_start3A_411] : memref<3328xi32, #tpu.memory_space<vmem>> -> memref<104xi32, #tpu.memory_space<vmem>>
    %dma_start3A_413 = arith.constant 0 : i32
    %dma_start3A_414 = arith.constant 0 : i32
    %dma_start3A_415 = tpu.memref_slice %arg3[%dma_start3A_413, %dma_start3A_414] : memref<1000000x64xf32, #tpu.memory_space<hbm>> -> memref<1000000x64xf32, #tpu.memory_space<hbm>>
    tpu.enqueue_indirect_dma source(%dma_start3A_415 : memref<1000000x64xf32, #tpu.memory_space<hbm>>) target(%dma_start3A_410 : memref<104x64xf32, #tpu.memory_space<vmem>>) offsets(%dma_start3A_412 : memref<104xi32, #tpu.memory_space<vmem>>) semaphore(%arg9 : memref<!tpu.dma_semaphore, #tpu.memory_space<semaphore_mem>>)
    %dma_wait3A_416 = arith.constant 0 : i32
    %dma_wait3A_417 = arith.constant 0 : i32
    %dma_wait3A_418 = tpu.memref_slice %arg6[%dma_wait3A_416, %dma_wait3A_417] : memref<832x64xf32, #tpu.memory_space<vmem>> -> memref<104x64xf32, #tpu.memory_space<vmem>>
    %dma_wait3A_419 = arith.constant 1664 : i32
    %dma_wait3A_420 = tpu.memref_slice %arg5[%dma_wait3A_419] : memref<3328xi32, #tpu.memory_space<vmem>> -> memref<104xi32, #tpu.memory_space<vmem>>
    %dma_wait3A_421 = arith.constant 0 : i32
    %dma_wait3A_422 = arith.constant 0 : i32
    %dma_wait3A_423 = tpu.memref_slice %arg3[%dma_wait3A_421, %dma_wait3A_422] : memref<1000000x64xf32, #tpu.memory_space<hbm>> -> memref<1000000x64xf32, #tpu.memory_space<hbm>>
    tpu.wait_indirect_dma semaphore(%arg8 : memref<!tpu.dma_semaphore, #tpu.memory_space<semaphore_mem>>) src(%dma_wait3A_423 : memref<1000000x64xf32, #tpu.memory_space<hbm>>) dst(%dma_wait3A_418 : memref<104x64xf32, #tpu.memory_space<vmem>>)
    %dma_wait3A_424 = arith.constant 104 : i32
    %dma_wait3A_425 = arith.constant 0 : i32
    %dma_wait3A_426 = tpu.memref_slice %arg6[%dma_wait3A_424, %dma_wait3A_425] : memref<832x64xf32, #tpu.memory_space<vmem>> -> memref<104x64xf32, #tpu.memory_space<vmem>>
    %dma_wait3A_427 = arith.constant 1768 : i32
    %dma_wait3A_428 = tpu.memref_slice %arg5[%dma_wait3A_427] : memref<3328xi32, #tpu.memory_space<vmem>> -> memref<104xi32, #tpu.memory_space<vmem>>
    %dma_wait3A_429 = arith.constant 0 : i32
    %dma_wait3A_430 = arith.constant 0 : i32
    %dma_wait3A_431 = tpu.memref_slice %arg3[%dma_wait3A_429, %dma_wait3A_430] : memref<1000000x64xf32, #tpu.memory_space<hbm>> -> memref<1000000x64xf32, #tpu.memory_space<hbm>>
    tpu.wait_indirect_dma semaphore(%arg8 : memref<!tpu.dma_semaphore, #tpu.memory_space<semaphore_mem>>) src(%dma_wait3A_431 : memref<1000000x64xf32, #tpu.memory_space<hbm>>) dst(%dma_wait3A_426 : memref<104x64xf32, #tpu.memory_space<vmem>>)
    %dma_wait3A_432 = arith.constant 208 : i32
    %dma_wait3A_433 = arith.constant 0 : i32
    %dma_wait3A_434 = tpu.memref_slice %arg6[%dma_wait3A_432, %dma_wait3A_433] : memref<832x64xf32, #tpu.memory_space<vmem>> -> memref<104x64xf32, #tpu.memory_space<vmem>>
    %dma_wait3A_435 = arith.constant 1872 : i32
    %dma_wait3A_436 = tpu.memref_slice %arg5[%dma_wait3A_435] : memref<3328xi32, #tpu.memory_space<vmem>> -> memref<104xi32, #tpu.memory_space<vmem>>
    %dma_wait3A_437 = arith.constant 0 : i32
    %dma_wait3A_438 = arith.constant 0 : i32
    %dma_wait3A_439 = tpu.memref_slice %arg3[%dma_wait3A_437, %dma_wait3A_438] : memref<1000000x64xf32, #tpu.memory_space<hbm>> -> memref<1000000x64xf32, #tpu.memory_space<hbm>>
    tpu.wait_indirect_dma semaphore(%arg8 : memref<!tpu.dma_semaphore, #tpu.memory_space<semaphore_mem>>) src(%dma_wait3A_439 : memref<1000000x64xf32, #tpu.memory_space<hbm>>) dst(%dma_wait3A_434 : memref<104x64xf32, #tpu.memory_space<vmem>>)
    %dma_wait3A_440 = arith.constant 312 : i32
    %dma_wait3A_441 = arith.constant 0 : i32
    %dma_wait3A_442 = tpu.memref_slice %arg6[%dma_wait3A_440, %dma_wait3A_441] : memref<832x64xf32, #tpu.memory_space<vmem>> -> memref<104x64xf32, #tpu.memory_space<vmem>>
    %dma_wait3A_443 = arith.constant 1976 : i32
    %dma_wait3A_444 = tpu.memref_slice %arg5[%dma_wait3A_443] : memref<3328xi32, #tpu.memory_space<vmem>> -> memref<104xi32, #tpu.memory_space<vmem>>
    %dma_wait3A_445 = arith.constant 0 : i32
    %dma_wait3A_446 = arith.constant 0 : i32
    %dma_wait3A_447 = tpu.memref_slice %arg3[%dma_wait3A_445, %dma_wait3A_446] : memref<1000000x64xf32, #tpu.memory_space<hbm>> -> memref<1000000x64xf32, #tpu.memory_space<hbm>>
    tpu.wait_indirect_dma semaphore(%arg8 : memref<!tpu.dma_semaphore, #tpu.memory_space<semaphore_mem>>) src(%dma_wait3A_447 : memref<1000000x64xf32, #tpu.memory_space<hbm>>) dst(%dma_wait3A_442 : memref<104x64xf32, #tpu.memory_space<vmem>>)
    %dma_wait3A_448 = arith.constant 416 : i32
    %dma_wait3A_449 = arith.constant 0 : i32
    %dma_wait3A_450 = tpu.memref_slice %arg6[%dma_wait3A_448, %dma_wait3A_449] : memref<832x64xf32, #tpu.memory_space<vmem>> -> memref<104x64xf32, #tpu.memory_space<vmem>>
    %dma_wait3A_451 = arith.constant 2080 : i32
    %dma_wait3A_452 = tpu.memref_slice %arg5[%dma_wait3A_451] : memref<3328xi32, #tpu.memory_space<vmem>> -> memref<104xi32, #tpu.memory_space<vmem>>
    %dma_wait3A_453 = arith.constant 0 : i32
    %dma_wait3A_454 = arith.constant 0 : i32
    %dma_wait3A_455 = tpu.memref_slice %arg3[%dma_wait3A_453, %dma_wait3A_454] : memref<1000000x64xf32, #tpu.memory_space<hbm>> -> memref<1000000x64xf32, #tpu.memory_space<hbm>>
    tpu.wait_indirect_dma semaphore(%arg8 : memref<!tpu.dma_semaphore, #tpu.memory_space<semaphore_mem>>) src(%dma_wait3A_455 : memref<1000000x64xf32, #tpu.memory_space<hbm>>) dst(%dma_wait3A_450 : memref<104x64xf32, #tpu.memory_space<vmem>>)
    %dma_wait3A_456 = arith.constant 520 : i32
    %dma_wait3A_457 = arith.constant 0 : i32
    %dma_wait3A_458 = tpu.memref_slice %arg6[%dma_wait3A_456, %dma_wait3A_457] : memref<832x64xf32, #tpu.memory_space<vmem>> -> memref<104x64xf32, #tpu.memory_space<vmem>>
    %dma_wait3A_459 = arith.constant 2184 : i32
    %dma_wait3A_460 = tpu.memref_slice %arg5[%dma_wait3A_459] : memref<3328xi32, #tpu.memory_space<vmem>> -> memref<104xi32, #tpu.memory_space<vmem>>
    %dma_wait3A_461 = arith.constant 0 : i32
    %dma_wait3A_462 = arith.constant 0 : i32
    %dma_wait3A_463 = tpu.memref_slice %arg3[%dma_wait3A_461, %dma_wait3A_462] : memref<1000000x64xf32, #tpu.memory_space<hbm>> -> memref<1000000x64xf32, #tpu.memory_space<hbm>>
    tpu.wait_indirect_dma semaphore(%arg8 : memref<!tpu.dma_semaphore, #tpu.memory_space<semaphore_mem>>) src(%dma_wait3A_463 : memref<1000000x64xf32, #tpu.memory_space<hbm>>) dst(%dma_wait3A_458 : memref<104x64xf32, #tpu.memory_space<vmem>>)
    %dma_wait3A_464 = arith.constant 624 : i32
    %dma_wait3A_465 = arith.constant 0 : i32
    %dma_wait3A_466 = tpu.memref_slice %arg6[%dma_wait3A_464, %dma_wait3A_465] : memref<832x64xf32, #tpu.memory_space<vmem>> -> memref<104x64xf32, #tpu.memory_space<vmem>>
    %dma_wait3A_467 = arith.constant 2288 : i32
    %dma_wait3A_468 = tpu.memref_slice %arg5[%dma_wait3A_467] : memref<3328xi32, #tpu.memory_space<vmem>> -> memref<104xi32, #tpu.memory_space<vmem>>
    %dma_wait3A_469 = arith.constant 0 : i32
    %dma_wait3A_470 = arith.constant 0 : i32
    %dma_wait3A_471 = tpu.memref_slice %arg3[%dma_wait3A_469, %dma_wait3A_470] : memref<1000000x64xf32, #tpu.memory_space<hbm>> -> memref<1000000x64xf32, #tpu.memory_space<hbm>>
    tpu.wait_indirect_dma semaphore(%arg8 : memref<!tpu.dma_semaphore, #tpu.memory_space<semaphore_mem>>) src(%dma_wait3A_471 : memref<1000000x64xf32, #tpu.memory_space<hbm>>) dst(%dma_wait3A_466 : memref<104x64xf32, #tpu.memory_space<vmem>>)
    %dma_wait3A_472 = arith.constant 728 : i32
    %dma_wait3A_473 = arith.constant 0 : i32
    %dma_wait3A_474 = tpu.memref_slice %arg6[%dma_wait3A_472, %dma_wait3A_473] : memref<832x64xf32, #tpu.memory_space<vmem>> -> memref<104x64xf32, #tpu.memory_space<vmem>>
    %dma_wait3A_475 = arith.constant 2392 : i32
    %dma_wait3A_476 = tpu.memref_slice %arg5[%dma_wait3A_475] : memref<3328xi32, #tpu.memory_space<vmem>> -> memref<104xi32, #tpu.memory_space<vmem>>
    %dma_wait3A_477 = arith.constant 0 : i32
    %dma_wait3A_478 = arith.constant 0 : i32
    %dma_wait3A_479 = tpu.memref_slice %arg3[%dma_wait3A_477, %dma_wait3A_478] : memref<1000000x64xf32, #tpu.memory_space<hbm>> -> memref<1000000x64xf32, #tpu.memory_space<hbm>>
    tpu.wait_indirect_dma semaphore(%arg8 : memref<!tpu.dma_semaphore, #tpu.memory_space<semaphore_mem>>) src(%dma_wait3A_479 : memref<1000000x64xf32, #tpu.memory_space<hbm>>) dst(%dma_wait3A_474 : memref<104x64xf32, #tpu.memory_space<vmem>>)
    %scan3A_480 = arith.constant 0 : i32
    %scan3A_481 = arith.constant 0 : i32
    %scan3A_482 = arith.constant 52 : i32
    %scan3A_483 = arith.addi %scan3A_481, %scan3A_482 : i32
    %scan3A_484 = arith.constant 1 : i32
    scf.for %scan3A_576 = %scan3A_481 to %scan3A_483 step %scan3A_484  : i32 {
      %mul3A_577 = arith.constant 16 : i32
      %mul3A_578 = arith.muli %scan3A_576, %mul3A_577 : i32
      %add3A_579 = arith.constant 1664 : i32
      %add3A_580 = arith.addi %add3A_579, %mul3A_578 : i32
      %get3A = arith.index_cast %add3A_580 : i32 to index
      %get3A_581 = tpu.vector_load %arg5[%get3A] {strides = array<i32>} : memref<3328xi32, #tpu.memory_space<vmem>>, vector<16xi32>,
      %eq3A = arith.constant 0 : i32
      %eq3A_582 = vector.broadcast %eq3A : i32 to vector<16xi32>
      %eq3A_583 = arith.cmpi eq, %get3A_581, %eq3A_582 : vector<16xi32>
      %reduce_or3A = arith.constant 1.000000e+00 : f32
      %reduce_or3A_584 = arith.constant 0.000000e+00 : f32
      %reduce_or3A_585 = vector.broadcast %reduce_or3A : f32 to vector<16xf32>
      %reduce_or3A_586 = vector.broadcast %reduce_or3A_584 : f32 to vector<16xf32>
      %reduce_or3A_587 = arith.select %eq3A_583, %reduce_or3A_585, %reduce_or3A_586 : vector<16xi1>, vector<16xf32>
      %reduce_or3A_588 = arith.constant true
      %reduce_or3A_589 = vector.broadcast %reduce_or3A_588 : i1 to vector<16xi1>
      %reduce_or3A_590 = tpu.scan <max>, %reduce_or3A_587 masked %reduce_or3A_589 : vector<16xf32>, vector<16xi1> -> vector<16xf32>
      %reduce_or3A_591 = vector.extract %reduce_or3A_590[15] : f32 from vector<16xf32>
      %reduce_or3A_592 = arith.constant 0.000000e+00 : f32
      %reduce_or3A_593 = arith.cmpf ogt, %reduce_or3A_591, %reduce_or3A_592 : f32
      %convert_element_type3A = arith.extui %reduce_or3A_593 : i1 to i32
      %cond3A = arith.constant 0 : i32
      %cond3A_594 = arith.cmpi ne, %convert_element_type3A, %cond3A : i32
      scf.if %cond3A_594 {
        %add3A_595 = arith.constant 1664 : i32
        %add3A_596 = arith.addi %add3A_595, %mul3A_578 : i32
        %add3A_597 = arith.constant 0 : i32
        %add3A_598 = arith.addi %add3A_596, %add3A_597 : i32
        %broadcast_in_dim3A = vector.broadcast %add3A_598 : i32 to vector<16xi32>
        %gather3A = tpu.vector_load_idx %arg5[%broadcast_in_dim3A] : memref<3328xi32, #tpu.memory_space<vmem>>[vector<16xi32>], vector<16xi32>,
        %eq3A_599 = arith.constant 0 : i32
        %eq3A_600 = vector.broadcast %eq3A_599 : i32 to vector<16xi32>
        %eq3A_601 = arith.cmpi eq, %gather3A, %eq3A_600 : vector<16xi32>
        %jit3A = arith.constant 0.000000e+00 : f32
        %jit3A_602 = arith.constant 1.000000e+00 : f32
        %broadcast_in_dim3A_603 = vector.broadcast %jit3A : f32 to vector<16xf32>
        %broadcast_in_dim3A_604 = vector.broadcast %jit3A_602 : f32 to vector<16xf32>
        %select_n3A = arith.select %eq3A_601, %broadcast_in_dim3A_603, %broadcast_in_dim3A_604 : vector<16xi1>, vector<16xf32>
        %add3A_605 = arith.constant 0 : i32
        %add3A_606 = arith.addi %mul3A_578, %add3A_605 : i32
        %get3A_607 = arith.index_cast %add3A_606 : i32 to index
        %get3A_608 = arith.constant 0 : index
        %get3A_609 = tpu.vector_load %arg6[%get3A_607, %get3A_608] {strides = array<i32>} : memref<832x64xf32, #tpu.memory_space<vmem>>, vector<16xf32>,
        %mul3A_610 = arith.mulf %get3A_609, %select_n3A : vector<16xf32>
        %swap3A = arith.index_cast %add3A_606 : i32 to index
        %swap3A_611 = arith.constant 0 : index
        %swap3A_612 = tpu.vector_load %arg6[%swap3A, %swap3A_611] {strides = array<i32>} : memref<832x64xf32, #tpu.memory_space<vmem>>, vector<16xf32>,
        tpu.vector_store %arg6[%swap3A, %swap3A_611], %mul3A_610 {strides = array<i32>} : memref<832x64xf32, #tpu.memory_space<vmem>>, vector<16xf32>,
        %add3A_613 = arith.constant 0 : i32
        %add3A_614 = arith.addi %mul3A_578, %add3A_613 : i32
        %get3A_615 = arith.index_cast %add3A_614 : i32 to index
        %get3A_616 = arith.constant 16 : index
        %get3A_617 = tpu.vector_load %arg6[%get3A_615, %get3A_616] {strides = array<i32>} : memref<832x64xf32, #tpu.memory_space<vmem>>, vector<16xf32>,
        %mul3A_618 = arith.mulf %get3A_617, %select_n3A : vector<16xf32>
        %swap3A_619 = arith.index_cast %add3A_614 : i32 to index
        %swap3A_620 = arith.constant 16 : index
        %swap3A_621 = tpu.vector_load %arg6[%swap3A_619, %swap3A_620] {strides = array<i32>} : memref<832x64xf32, #tpu.memory_space<vmem>>, vector<16xf32>,
        tpu.vector_store %arg6[%swap3A_619, %swap3A_620], %mul3A_618 {strides = array<i32>} : memref<832x64xf32, #tpu.memory_space<vmem>>, vector<16xf32>,
        %add3A_622 = arith.constant 0 : i32
        %add3A_623 = arith.addi %mul3A_578, %add3A_622 : i32
        %get3A_624 = arith.index_cast %add3A_623 : i32 to index
        %get3A_625 = arith.constant 32 : index
        %get3A_626 = tpu.vector_load %arg6[%get3A_624, %get3A_625] {strides = array<i32>} : memref<832x64xf32, #tpu.memory_space<vmem>>, vector<16xf32>,
        %mul3A_627 = arith.mulf %get3A_626, %select_n3A : vector<16xf32>
        %swap3A_628 = arith.index_cast %add3A_623 : i32 to index
        %swap3A_629 = arith.constant 32 : index
        %swap3A_630 = tpu.vector_load %arg6[%swap3A_628, %swap3A_629] {strides = array<i32>} : memref<832x64xf32, #tpu.memory_space<vmem>>, vector<16xf32>,
        tpu.vector_store %arg6[%swap3A_628, %swap3A_629], %mul3A_627 {strides = array<i32>} : memref<832x64xf32, #tpu.memory_space<vmem>>, vector<16xf32>,
        %add3A_631 = arith.constant 0 : i32
        %add3A_632 = arith.addi %mul3A_578, %add3A_631 : i32
        %get3A_633 = arith.index_cast %add3A_632 : i32 to index
        %get3A_634 = arith.constant 48 : index
        %get3A_635 = tpu.vector_load %arg6[%get3A_633, %get3A_634] {strides = array<i32>} : memref<832x64xf32, #tpu.memory_space<vmem>>, vector<16xf32>,
        %mul3A_636 = arith.mulf %get3A_635, %select_n3A : vector<16xf32>
        %swap3A_637 = arith.index_cast %add3A_632 : i32 to index
        %swap3A_638 = arith.constant 48 : index
        %swap3A_639 = tpu.vector_load %arg6[%swap3A_637, %swap3A_638] {strides = array<i32>} : memref<832x64xf32, #tpu.memory_space<vmem>>, vector<16xf32>,
        tpu.vector_store %arg6[%swap3A_637, %swap3A_638], %mul3A_636 {strides = array<i32>} : memref<832x64xf32, #tpu.memory_space<vmem>>, vector<16xf32>,
        %add3A_640 = arith.constant 1664 : i32
        %add3A_641 = arith.addi %add3A_640, %mul3A_578 : i32
        %add3A_642 = arith.constant 1 : i32
        %add3A_643 = arith.addi %add3A_641, %add3A_642 : i32
        %broadcast_in_dim3A_644 = vector.broadcast %add3A_643 : i32 to vector<16xi32>
        %gather3A_645 = tpu.vector_load_idx %arg5[%broadcast_in_dim3A_644] : memref<3328xi32, #tpu.memory_space<vmem>>[vector<16xi32>], vector<16xi32>,
        %eq3A_646 = arith.constant 0 : i32
        %eq3A_647 = vector.broadcast %eq3A_646 : i32 to vector<16xi32>
        %eq3A_648 = arith.cmpi eq, %gather3A_645, %eq3A_647 : vector<16xi32>
        %jit3A_649 = arith.constant 0.000000e+00 : f32
        %jit3A_650 = arith.constant 1.000000e+00 : f32
        %broadcast_in_dim3A_651 = vector.broadcast %jit3A_649 : f32 to vector<16xf32>
        %broadcast_in_dim3A_652 = vector.broadcast %jit3A_650 : f32 to vector<16xf32>
        %select_n3A_653 = arith.select %eq3A_648, %broadcast_in_dim3A_651, %broadcast_in_dim3A_652 : vector<16xi1>, vector<16xf32>
        %add3A_654 = arith.constant 1 : i32
        %add3A_655 = arith.addi %mul3A_578, %add3A_654 : i32
        %get3A_656 = arith.index_cast %add3A_655 : i32 to index
        %get3A_657 = arith.constant 0 : index
        %get3A_658 = tpu.vector_load %arg6[%get3A_656, %get3A_657] {strides = array<i32>} : memref<832x64xf32, #tpu.memory_space<vmem>>, vector<16xf32>,
        %mul3A_659 = arith.mulf %get3A_658, %select_n3A_653 : vector<16xf32>
        %swap3A_660 = arith.index_cast %add3A_655 : i32 to index
        %swap3A_661 = arith.constant 0 : index
        %swap3A_662 = tpu.vector_load %arg6[%swap3A_660, %swap3A_661] {strides = array<i32>} : memref<832x64xf32, #tpu.memory_space<vmem>>, vector<16xf32>,
        tpu.vector_store %arg6[%swap3A_660, %swap3A_661], %mul3A_659 {strides = array<i32>} : memref<832x64xf32, #tpu.memory_space<vmem>>, vector<16xf32>,
        %add3A_663 = arith.constant 1 : i32
        %add3A_664 = arith.addi %mul3A_578, %add3A_663 : i32
        %get3A_665 = arith.index_cast %add3A_664 : i32 to index
        %get3A_666 = arith.constant 16 : index
        %get3A_667 = tpu.vector_load %arg6[%get3A_665, %get3A_666] {strides = array<i32>} : memref<832x64xf32, #tpu.memory_space<vmem>>, vector<16xf32>,
        %mul3A_668 = arith.mulf %get3A_667, %select_n3A_653 : vector<16xf32>
        %swap3A_669 = arith.index_cast %add3A_664 : i32 to index
        %swap3A_670 = arith.constant 16 : index
        %swap3A_671 = tpu.vector_load %arg6[%swap3A_669, %swap3A_670] {strides = array<i32>} : memref<832x64xf32, #tpu.memory_space<vmem>>, vector<16xf32>,
        tpu.vector_store %arg6[%swap3A_669, %swap3A_670], %mul3A_668 {strides = array<i32>} : memref<832x64xf32, #tpu.memory_space<vmem>>, vector<16xf32>,
        %add3A_672 = arith.constant 1 : i32
        %add3A_673 = arith.addi %mul3A_578, %add3A_672 : i32
        %get3A_674 = arith.index_cast %add3A_673 : i32 to index
        %get3A_675 = arith.constant 32 : index
        %get3A_676 = tpu.vector_load %arg6[%get3A_674, %get3A_675] {strides = array<i32>} : memref<832x64xf32, #tpu.memory_space<vmem>>, vector<16xf32>,
        %mul3A_677 = arith.mulf %get3A_676, %select_n3A_653 : vector<16xf32>
        %swap3A_678 = arith.index_cast %add3A_673 : i32 to index
        %swap3A_679 = arith.constant 32 : index
        %swap3A_680 = tpu.vector_load %arg6[%swap3A_678, %swap3A_679] {strides = array<i32>} : memref<832x64xf32, #tpu.memory_space<vmem>>, vector<16xf32>,
        tpu.vector_store %arg6[%swap3A_678, %swap3A_679], %mul3A_677 {strides = array<i32>} : memref<832x64xf32, #tpu.memory_space<vmem>>, vector<16xf32>,
        %add3A_681 = arith.constant 1 : i32
        %add3A_682 = arith.addi %mul3A_578, %add3A_681 : i32
        %get3A_683 = arith.index_cast %add3A_682 : i32 to index
        %get3A_684 = arith.constant 48 : index
        %get3A_685 = tpu.vector_load %arg6[%get3A_683, %get3A_684] {strides = array<i32>} : memref<832x64xf32, #tpu.memory_space<vmem>>, vector<16xf32>,
        %mul3A_686 = arith.mulf %get3A_685, %select_n3A_653 : vector<16xf32>
        %swap3A_687 = arith.index_cast %add3A_682 : i32 to index
        %swap3A_688 = arith.constant 48 : index
        %swap3A_689 = tpu.vector_load %arg6[%swap3A_687, %swap3A_688] {strides = array<i32>} : memref<832x64xf32, #tpu.memory_space<vmem>>, vector<16xf32>,
        tpu.vector_store %arg6[%swap3A_687, %swap3A_688], %mul3A_686 {strides = array<i32>} : memref<832x64xf32, #tpu.memory_space<vmem>>, vector<16xf32>,
        %add3A_690 = arith.constant 1664 : i32
        %add3A_691 = arith.addi %add3A_690, %mul3A_578 : i32
        %add3A_692 = arith.constant 2 : i32
        %add3A_693 = arith.addi %add3A_691, %add3A_692 : i32
        %broadcast_in_dim3A_694 = vector.broadcast %add3A_693 : i32 to vector<16xi32>
        %gather3A_695 = tpu.vector_load_idx %arg5[%broadcast_in_dim3A_694] : memref<3328xi32, #tpu.memory_space<vmem>>[vector<16xi32>], vector<16xi32>,
        %eq3A_696 = arith.constant 0 : i32
        %eq3A_697 = vector.broadcast %eq3A_696 : i32 to vector<16xi32>
        %eq3A_698 = arith.cmpi eq, %gather3A_695, %eq3A_697 : vector<16xi32>
        %jit3A_699 = arith.constant 0.000000e+00 : f32
        %jit3A_700 = arith.constant 1.000000e+00 : f32
        %broadcast_in_dim3A_701 = vector.broadcast %jit3A_699 : f32 to vector<16xf32>
        %broadcast_in_dim3A_702 = vector.broadcast %jit3A_700 : f32 to vector<16xf32>
        %select_n3A_703 = arith.select %eq3A_698, %broadcast_in_dim3A_701, %broadcast_in_dim3A_702 : vector<16xi1>, vector<16xf32>
        %add3A_704 = arith.constant 2 : i32
        %add3A_705 = arith.addi %mul3A_578, %add3A_704 : i32
        %get3A_706 = arith.index_cast %add3A_705 : i32 to index
        %get3A_707 = arith.constant 0 : index
        %get3A_708 = tpu.vector_load %arg6[%get3A_706, %get3A_707] {strides = array<i32>} : memref<832x64xf32, #tpu.memory_space<vmem>>, vector<16xf32>,
        %mul3A_709 = arith.mulf %get3A_708, %select_n3A_703 : vector<16xf32>
        %swap3A_710 = arith.index_cast %add3A_705 : i32 to index
        %swap3A_711 = arith.constant 0 : index
        %swap3A_712 = tpu.vector_load %arg6[%swap3A_710, %swap3A_711] {strides = array<i32>} : memref<832x64xf32, #tpu.memory_space<vmem>>, vector<16xf32>,
        tpu.vector_store %arg6[%swap3A_710, %swap3A_711], %mul3A_709 {strides = array<i32>} : memref<832x64xf32, #tpu.memory_space<vmem>>, vector<16xf32>,
        %add3A_713 = arith.constant 2 : i32
        %add3A_714 = arith.addi %mul3A_578, %add3A_713 : i32
        %get3A_715 = arith.index_cast %add3A_714 : i32 to index
        %get3A_716 = arith.constant 16 : index
        %get3A_717 = tpu.vector_load %arg6[%get3A_715, %get3A_716] {strides = array<i32>} : memref<832x64xf32, #tpu.memory_space<vmem>>, vector<16xf32>,
        %mul3A_718 = arith.mulf %get3A_717, %select_n3A_703 : vector<16xf32>
        %swap3A_719 = arith.index_cast %add3A_714 : i32 to index
        %swap3A_720 = arith.constant 16 : index
        %swap3A_721 = tpu.vector_load %arg6[%swap3A_719, %swap3A_720] {strides = array<i32>} : memref<832x64xf32, #tpu.memory_space<vmem>>, vector<16xf32>,
        tpu.vector_store %arg6[%swap3A_719, %swap3A_720], %mul3A_718 {strides = array<i32>} : memref<832x64xf32, #tpu.memory_space<vmem>>, vector<16xf32>,
        %add3A_722 = arith.constant 2 : i32
        %add3A_723 = arith.addi %mul3A_578, %add3A_722 : i32
        %get3A_724 = arith.index_cast %add3A_723 : i32 to index
        %get3A_725 = arith.constant 32 : index
        %get3A_726 = tpu.vector_load %arg6[%get3A_724, %get3A_725] {strides = array<i32>} : memref<832x64xf32, #tpu.memory_space<vmem>>, vector<16xf32>,
        %mul3A_727 = arith.mulf %get3A_726, %select_n3A_703 : vector<16xf32>
        %swap3A_728 = arith.index_cast %add3A_723 : i32 to index
        %swap3A_729 = arith.constant 32 : index
        %swap3A_730 = tpu.vector_load %arg6[%swap3A_728, %swap3A_729] {strides = array<i32>} : memref<832x64xf32, #tpu.memory_space<vmem>>, vector<16xf32>,
        tpu.vector_store %arg6[%swap3A_728, %swap3A_729], %mul3A_727 {strides = array<i32>} : memref<832x64xf32, #tpu.memory_space<vmem>>, vector<16xf32>,
        %add3A_731 = arith.constant 2 : i32
        %add3A_732 = arith.addi %mul3A_578, %add3A_731 : i32
        %get3A_733 = arith.index_cast %add3A_732 : i32 to index
        %get3A_734 = arith.constant 48 : index
        %get3A_735 = tpu.vector_load %arg6[%get3A_733, %get3A_734] {strides = array<i32>} : memref<832x64xf32, #tpu.memory_space<vmem>>, vector<16xf32>,
        %mul3A_736 = arith.mulf %get3A_735, %select_n3A_703 : vector<16xf32>
        %swap3A_737 = arith.index_cast %add3A_732 : i32 to index
        %swap3A_738 = arith.constant 48 : index
        %swap3A_739 = tpu.vector_load %arg6[%swap3A_737, %swap3A_738] {strides = array<i32>} : memref<832x64xf32, #tpu.memory_space<vmem>>, vector<16xf32>,
        tpu.vector_store %arg6[%swap3A_737, %swap3A_738], %mul3A_736 {strides = array<i32>} : memref<832x64xf32, #tpu.memory_space<vmem>>, vector<16xf32>,
        %add3A_740 = arith.constant 1664 : i32
        %add3A_741 = arith.addi %add3A_740, %mul3A_578 : i32
        %add3A_742 = arith.constant 3 : i32
        %add3A_743 = arith.addi %add3A_741, %add3A_742 : i32
        %broadcast_in_dim3A_744 = vector.broadcast %add3A_743 : i32 to vector<16xi32>
        %gather3A_745 = tpu.vector_load_idx %arg5[%broadcast_in_dim3A_744] : memref<3328xi32, #tpu.memory_space<vmem>>[vector<16xi32>], vector<16xi32>,
        %eq3A_746 = arith.constant 0 : i32
        %eq3A_747 = vector.broadcast %eq3A_746 : i32 to vector<16xi32>
        %eq3A_748 = arith.cmpi eq, %gather3A_745, %eq3A_747 : vector<16xi32>
        %jit3A_749 = arith.constant 0.000000e+00 : f32
        %jit3A_750 = arith.constant 1.000000e+00 : f32
        %broadcast_in_dim3A_751 = vector.broadcast %jit3A_749 : f32 to vector<16xf32>
        %broadcast_in_dim3A_752 = vector.broadcast %jit3A_750 : f32 to vector<16xf32>
        %select_n3A_753 = arith.select %eq3A_748, %broadcast_in_dim3A_751, %broadcast_in_dim3A_752 : vector<16xi1>, vector<16xf32>
        %add3A_754 = arith.constant 3 : i32
        %add3A_755 = arith.addi %mul3A_578, %add3A_754 : i32
        %get3A_756 = arith.index_cast %add3A_755 : i32 to index
        %get3A_757 = arith.constant 0 : index
        %get3A_758 = tpu.vector_load %arg6[%get3A_756, %get3A_757] {strides = array<i32>} : memref<832x64xf32, #tpu.memory_space<vmem>>, vector<16xf32>,
        %mul3A_759 = arith.mulf %get3A_758, %select_n3A_753 : vector<16xf32>
        %swap3A_760 = arith.index_cast %add3A_755 : i32 to index
        %swap3A_761 = arith.constant 0 : index
        %swap3A_762 = tpu.vector_load %arg6[%swap3A_760, %swap3A_761] {strides = array<i32>} : memref<832x64xf32, #tpu.memory_space<vmem>>, vector<16xf32>,
        tpu.vector_store %arg6[%swap3A_760, %swap3A_761], %mul3A_759 {strides = array<i32>} : memref<832x64xf32, #tpu.memory_space<vmem>>, vector<16xf32>,
        %add3A_763 = arith.constant 3 : i32
        %add3A_764 = arith.addi %mul3A_578, %add3A_763 : i32
        %get3A_765 = arith.index_cast %add3A_764 : i32 to index
        %get3A_766 = arith.constant 16 : index
        %get3A_767 = tpu.vector_load %arg6[%get3A_765, %get3A_766] {strides = array<i32>} : memref<832x64xf32, #tpu.memory_space<vmem>>, vector<16xf32>,
        %mul3A_768 = arith.mulf %get3A_767, %select_n3A_753 : vector<16xf32>
        %swap3A_769 = arith.index_cast %add3A_764 : i32 to index
        %swap3A_770 = arith.constant 16 : index
        %swap3A_771 = tpu.vector_load %arg6[%swap3A_769, %swap3A_770] {strides = array<i32>} : memref<832x64xf32, #tpu.memory_space<vmem>>, vector<16xf32>,
        tpu.vector_store %arg6[%swap3A_769, %swap3A_770], %mul3A_768 {strides = array<i32>} : memref<832x64xf32, #tpu.memory_space<vmem>>, vector<16xf32>,
        %add3A_772 = arith.constant 3 : i32
        %add3A_773 = arith.addi %mul3A_578, %add3A_772 : i32
        %get3A_774 = arith.index_cast %add3A_773 : i32 to index
        %get3A_775 = arith.constant 32 : index
        %get3A_776 = tpu.vector_load %arg6[%get3A_774, %get3A_775] {strides = array<i32>} : memref<832x64xf32, #tpu.memory_space<vmem>>, vector<16xf32>,
        %mul3A_777 = arith.mulf %get3A_776, %select_n3A_753 : vector<16xf32>
        %swap3A_778 = arith.index_cast %add3A_773 : i32 to index
        %swap3A_779 = arith.constant 32 : index
        %swap3A_780 = tpu.vector_load %arg6[%swap3A_778, %swap3A_779] {strides = array<i32>} : memref<832x64xf32, #tpu.memory_space<vmem>>, vector<16xf32>,
        tpu.vector_store %arg6[%swap3A_778, %swap3A_779], %mul3A_777 {strides = array<i32>} : memref<832x64xf32, #tpu.memory_space<vmem>>, vector<16xf32>,
        %add3A_781 = arith.constant 3 : i32
        %add3A_782 = arith.addi %mul3A_578, %add3A_781 : i32
        %get3A_783 = arith.index_cast %add3A_782 : i32 to index
        %get3A_784 = arith.constant 48 : index
        %get3A_785 = tpu.vector_load %arg6[%get3A_783, %get3A_784] {strides = array<i32>} : memref<832x64xf32, #tpu.memory_space<vmem>>, vector<16xf32>,
        %mul3A_786 = arith.mulf %get3A_785, %select_n3A_753 : vector<16xf32>
        %swap3A_787 = arith.index_cast %add3A_782 : i32 to index
        %swap3A_788 = arith.constant 48 : index
        %swap3A_789 = tpu.vector_load %arg6[%swap3A_787, %swap3A_788] {strides = array<i32>} : memref<832x64xf32, #tpu.memory_space<vmem>>, vector<16xf32>,
        tpu.vector_store %arg6[%swap3A_787, %swap3A_788], %mul3A_786 {strides = array<i32>} : memref<832x64xf32, #tpu.memory_space<vmem>>, vector<16xf32>,
        %add3A_790 = arith.constant 1664 : i32
        %add3A_791 = arith.addi %add3A_790, %mul3A_578 : i32
        %add3A_792 = arith.constant 4 : i32
        %add3A_793 = arith.addi %add3A_791, %add3A_792 : i32
        %broadcast_in_dim3A_794 = vector.broadcast %add3A_793 : i32 to vector<16xi32>
        %gather3A_795 = tpu.vector_load_idx %arg5[%broadcast_in_dim3A_794] : memref<3328xi32, #tpu.memory_space<vmem>>[vector<16xi32>], vector<16xi32>,
        %eq3A_796 = arith.constant 0 : i32
        %eq3A_797 = vector.broadcast %eq3A_796 : i32 to vector<16xi32>
        %eq3A_798 = arith.cmpi eq, %gather3A_795, %eq3A_797 : vector<16xi32>
        %jit3A_799 = arith.constant 0.000000e+00 : f32
        %jit3A_800 = arith.constant 1.000000e+00 : f32
        %broadcast_in_dim3A_801 = vector.broadcast %jit3A_799 : f32 to vector<16xf32>
        %broadcast_in_dim3A_802 = vector.broadcast %jit3A_800 : f32 to vector<16xf32>
        %select_n3A_803 = arith.select %eq3A_798, %broadcast_in_dim3A_801, %broadcast_in_dim3A_802 : vector<16xi1>, vector<16xf32>
        %add3A_804 = arith.constant 4 : i32
        %add3A_805 = arith.addi %mul3A_578, %add3A_804 : i32
        %get3A_806 = arith.index_cast %add3A_805 : i32 to index
        %get3A_807 = arith.constant 0 : index
        %get3A_808 = tpu.vector_load %arg6[%get3A_806, %get3A_807] {strides = array<i32>} : memref<832x64xf32, #tpu.memory_space<vmem>>, vector<16xf32>,
        %mul3A_809 = arith.mulf %get3A_808, %select_n3A_803 : vector<16xf32>
        %swap3A_810 = arith.index_cast %add3A_805 : i32 to index
        %swap3A_811 = arith.constant 0 : index
        %swap3A_812 = tpu.vector_load %arg6[%swap3A_810, %swap3A_811] {strides = array<i32>} : memref<832x64xf32, #tpu.memory_space<vmem>>, vector<16xf32>,
        tpu.vector_store %arg6[%swap3A_810, %swap3A_811], %mul3A_809 {strides = array<i32>} : memref<832x64xf32, #tpu.memory_space<vmem>>, vector<16xf32>,
        %add3A_813 = arith.constant 4 : i32
        %add3A_814 = arith.addi %mul3A_578, %add3A_813 : i32
        %get3A_815 = arith.index_cast %add3A_814 : i32 to index
        %get3A_816 = arith.constant 16 : index
        %get3A_817 = tpu.vector_load %arg6[%get3A_815, %get3A_816] {strides = array<i32>} : memref<832x64xf32, #tpu.memory_space<vmem>>, vector<16xf32>,
        %mul3A_818 = arith.mulf %get3A_817, %select_n3A_803 : vector<16xf32>
        %swap3A_819 = arith.index_cast %add3A_814 : i32 to index
        %swap3A_820 = arith.constant 16 : index
        %swap3A_821 = tpu.vector_load %arg6[%swap3A_819, %swap3A_820] {strides = array<i32>} : memref<832x64xf32, #tpu.memory_space<vmem>>, vector<16xf32>,
        tpu.vector_store %arg6[%swap3A_819, %swap3A_820], %mul3A_818 {strides = array<i32>} : memref<832x64xf32, #tpu.memory_space<vmem>>, vector<16xf32>,
        %add3A_822 = arith.constant 4 : i32
        %add3A_823 = arith.addi %mul3A_578, %add3A_822 : i32
        %get3A_824 = arith.index_cast %add3A_823 : i32 to index
        %get3A_825 = arith.constant 32 : index
        %get3A_826 = tpu.vector_load %arg6[%get3A_824, %get3A_825] {strides = array<i32>} : memref<832x64xf32, #tpu.memory_space<vmem>>, vector<16xf32>,
        %mul3A_827 = arith.mulf %get3A_826, %select_n3A_803 : vector<16xf32>
        %swap3A_828 = arith.index_cast %add3A_823 : i32 to index
        %swap3A_829 = arith.constant 32 : index
        %swap3A_830 = tpu.vector_load %arg6[%swap3A_828, %swap3A_829] {strides = array<i32>} : memref<832x64xf32, #tpu.memory_space<vmem>>, vector<16xf32>,
        tpu.vector_store %arg6[%swap3A_828, %swap3A_829], %mul3A_827 {strides = array<i32>} : memref<832x64xf32, #tpu.memory_space<vmem>>, vector<16xf32>,
        %add3A_831 = arith.constant 4 : i32
        %add3A_832 = arith.addi %mul3A_578, %add3A_831 : i32
        %get3A_833 = arith.index_cast %add3A_832 : i32 to index
        %get3A_834 = arith.constant 48 : index
        %get3A_835 = tpu.vector_load %arg6[%get3A_833, %get3A_834] {strides = array<i32>} : memref<832x64xf32, #tpu.memory_space<vmem>>, vector<16xf32>,
        %mul3A_836 = arith.mulf %get3A_835, %select_n3A_803 : vector<16xf32>
        %swap3A_837 = arith.index_cast %add3A_832 : i32 to index
        %swap3A_838 = arith.constant 48 : index
        %swap3A_839 = tpu.vector_load %arg6[%swap3A_837, %swap3A_838] {strides = array<i32>} : memref<832x64xf32, #tpu.memory_space<vmem>>, vector<16xf32>,
        tpu.vector_store %arg6[%swap3A_837, %swap3A_838], %mul3A_836 {strides = array<i32>} : memref<832x64xf32, #tpu.memory_space<vmem>>, vector<16xf32>,
        %add3A_840 = arith.constant 1664 : i32
        %add3A_841 = arith.addi %add3A_840, %mul3A_578 : i32
        %add3A_842 = arith.constant 5 : i32
        %add3A_843 = arith.addi %add3A_841, %add3A_842 : i32
        %broadcast_in_dim3A_844 = vector.broadcast %add3A_843 : i32 to vector<16xi32>
        %gather3A_845 = tpu.vector_load_idx %arg5[%broadcast_in_dim3A_844] : memref<3328xi32, #tpu.memory_space<vmem>>[vector<16xi32>], vector<16xi32>,
        %eq3A_846 = arith.constant 0 : i32
        %eq3A_847 = vector.broadcast %eq3A_846 : i32 to vector<16xi32>
        %eq3A_848 = arith.cmpi eq, %gather3A_845, %eq3A_847 : vector<16xi32>
        %jit3A_849 = arith.constant 0.000000e+00 : f32
        %jit3A_850 = arith.constant 1.000000e+00 : f32
        %broadcast_in_dim3A_851 = vector.broadcast %jit3A_849 : f32 to vector<16xf32>
        %broadcast_in_dim3A_852 = vector.broadcast %jit3A_850 : f32 to vector<16xf32>
        %select_n3A_853 = arith.select %eq3A_848, %broadcast_in_dim3A_851, %broadcast_in_dim3A_852 : vector<16xi1>, vector<16xf32>
        %add3A_854 = arith.constant 5 : i32
        %add3A_855 = arith.addi %mul3A_578, %add3A_854 : i32
        %get3A_856 = arith.index_cast %add3A_855 : i32 to index
        %get3A_857 = arith.constant 0 : index
        %get3A_858 = tpu.vector_load %arg6[%get3A_856, %get3A_857] {strides = array<i32>} : memref<832x64xf32, #tpu.memory_space<vmem>>, vector<16xf32>,
        %mul3A_859 = arith.mulf %get3A_858, %select_n3A_853 : vector<16xf32>
        %swap3A_860 = arith.index_cast %add3A_855 : i32 to index
        %swap3A_861 = arith.constant 0 : index
        %swap3A_862 = tpu.vector_load %arg6[%swap3A_860, %swap3A_861] {strides = array<i32>} : memref<832x64xf32, #tpu.memory_space<vmem>>, vector<16xf32>,
        tpu.vector_store %arg6[%swap3A_860, %swap3A_861], %mul3A_859 {strides = array<i32>} : memref<832x64xf32, #tpu.memory_space<vmem>>, vector<16xf32>,
        %add3A_863 = arith.constant 5 : i32
        %add3A_864 = arith.addi %mul3A_578, %add3A_863 : i32
        %get3A_865 = arith.index_cast %add3A_864 : i32 to index
        %get3A_866 = arith.constant 16 : index
        %get3A_867 = tpu.vector_load %arg6[%get3A_865, %get3A_866] {strides = array<i32>} : memref<832x64xf32, #tpu.memory_space<vmem>>, vector<16xf32>,
        %mul3A_868 = arith.mulf %get3A_867, %select_n3A_853 : vector<16xf32>
        %swap3A_869 = arith.index_cast %add3A_864 : i32 to index
        %swap3A_870 = arith.constant 16 : index
        %swap3A_871 = tpu.vector_load %arg6[%swap3A_869, %swap3A_870] {strides = array<i32>} : memref<832x64xf32, #tpu.memory_space<vmem>>, vector<16xf32>,
        tpu.vector_store %arg6[%swap3A_869, %swap3A_870], %mul3A_868 {strides = array<i32>} : memref<832x64xf32, #tpu.memory_space<vmem>>, vector<16xf32>,
        %add3A_872 = arith.constant 5 : i32
        %add3A_873 = arith.addi %mul3A_578, %add3A_872 : i32
        %get3A_874 = arith.index_cast %add3A_873 : i32 to index
        %get3A_875 = arith.constant 32 : index
        %get3A_876 = tpu.vector_load %arg6[%get3A_874, %get3A_875] {strides = array<i32>} : memref<832x64xf32, #tpu.memory_space<vmem>>, vector<16xf32>,
        %mul3A_877 = arith.mulf %get3A_876, %select_n3A_853 : vector<16xf32>
        %swap3A_878 = arith.index_cast %add3A_873 : i32 to index
        %swap3A_879 = arith.constant 32 : index
        %swap3A_880 = tpu.vector_load %arg6[%swap3A_878, %swap3A_879] {strides = array<i32>} : memref<832x64xf32, #tpu.memory_space<vmem>>, vector<16xf32>,
        tpu.vector_store %arg6[%swap3A_878, %swap3A_879], %mul3A_877 {strides = array<i32>} : memref<832x64xf32, #tpu.memory_space<vmem>>, vector<16xf32>,
        %add3A_881 = arith.constant 5 : i32
        %add3A_882 = arith.addi %mul3A_578, %add3A_881 : i32
        %get3A_883 = arith.index_cast %add3A_882 : i32 to index
        %get3A_884 = arith.constant 48 : index
        %get3A_885 = tpu.vector_load %arg6[%get3A_883, %get3A_884] {strides = array<i32>} : memref<832x64xf32, #tpu.memory_space<vmem>>, vector<16xf32>,
        %mul3A_886 = arith.mulf %get3A_885, %select_n3A_853 : vector<16xf32>
        %swap3A_887 = arith.index_cast %add3A_882 : i32 to index
        %swap3A_888 = arith.constant 48 : index
        %swap3A_889 = tpu.vector_load %arg6[%swap3A_887, %swap3A_888] {strides = array<i32>} : memref<832x64xf32, #tpu.memory_space<vmem>>, vector<16xf32>,
        tpu.vector_store %arg6[%swap3A_887, %swap3A_888], %mul3A_886 {strides = array<i32>} : memref<832x64xf32, #tpu.memory_space<vmem>>, vector<16xf32>,
        %add3A_890 = arith.constant 1664 : i32
        %add3A_891 = arith.addi %add3A_890, %mul3A_578 : i32
        %add3A_892 = arith.constant 6 : i32
        %add3A_893 = arith.addi %add3A_891, %add3A_892 : i32
        %broadcast_in_dim3A_894 = vector.broadcast %add3A_893 : i32 to vector<16xi32>
        %gather3A_895 = tpu.vector_load_idx %arg5[%broadcast_in_dim3A_894] : memref<3328xi32, #tpu.memory_space<vmem>>[vector<16xi32>], vector<16xi32>,
        %eq3A_896 = arith.constant 0 : i32
        %eq3A_897 = vector.broadcast %eq3A_896 : i32 to vector<16xi32>
        %eq3A_898 = arith.cmpi eq, %gather3A_895, %eq3A_897 : vector<16xi32>
        %jit3A_899 = arith.constant 0.000000e+00 : f32
        %jit3A_900 = arith.constant 1.000000e+00 : f32
        %broadcast_in_dim3A_901 = vector.broadcast %jit3A_899 : f32 to vector<16xf32>
        %broadcast_in_dim3A_902 = vector.broadcast %jit3A_900 : f32 to vector<16xf32>
        %select_n3A_903 = arith.select %eq3A_898, %broadcast_in_dim3A_901, %broadcast_in_dim3A_902 : vector<16xi1>, vector<16xf32>
        %add3A_904 = arith.constant 6 : i32
        %add3A_905 = arith.addi %mul3A_578, %add3A_904 : i32
        %get3A_906 = arith.index_cast %add3A_905 : i32 to index
        %get3A_907 = arith.constant 0 : index
        %get3A_908 = tpu.vector_load %arg6[%get3A_906, %get3A_907] {strides = array<i32>} : memref<832x64xf32, #tpu.memory_space<vmem>>, vector<16xf32>,
        %mul3A_909 = arith.mulf %get3A_908, %select_n3A_903 : vector<16xf32>
        %swap3A_910 = arith.index_cast %add3A_905 : i32 to index
        %swap3A_911 = arith.constant 0 : index
        %swap3A_912 = tpu.vector_load %arg6[%swap3A_910, %swap3A_911] {strides = array<i32>} : memref<832x64xf32, #tpu.memory_space<vmem>>, vector<16xf32>,
        tpu.vector_store %arg6[%swap3A_910, %swap3A_911], %mul3A_909 {strides = array<i32>} : memref<832x64xf32, #tpu.memory_space<vmem>>, vector<16xf32>,
        %add3A_913 = arith.constant 6 : i32
        %add3A_914 = arith.addi %mul3A_578, %add3A_913 : i32
        %get3A_915 = arith.index_cast %add3A_914 : i32 to index
        %get3A_916 = arith.constant 16 : index
        %get3A_917 = tpu.vector_load %arg6[%get3A_915, %get3A_916] {strides = array<i32>} : memref<832x64xf32, #tpu.memory_space<vmem>>, vector<16xf32>,
        %mul3A_918 = arith.mulf %get3A_917, %select_n3A_903 : vector<16xf32>
        %swap3A_919 = arith.index_cast %add3A_914 : i32 to index
        %swap3A_920 = arith.constant 16 : index
        %swap3A_921 = tpu.vector_load %arg6[%swap3A_919, %swap3A_920] {strides = array<i32>} : memref<832x64xf32, #tpu.memory_space<vmem>>, vector<16xf32>,
        tpu.vector_store %arg6[%swap3A_919, %swap3A_920], %mul3A_918 {strides = array<i32>} : memref<832x64xf32, #tpu.memory_space<vmem>>, vector<16xf32>,
        %add3A_922 = arith.constant 6 : i32
        %add3A_923 = arith.addi %mul3A_578, %add3A_922 : i32
        %get3A_924 = arith.index_cast %add3A_923 : i32 to index
        %get3A_925 = arith.constant 32 : index
        %get3A_926 = tpu.vector_load %arg6[%get3A_924, %get3A_925] {strides = array<i32>} : memref<832x64xf32, #tpu.memory_space<vmem>>, vector<16xf32>,
        %mul3A_927 = arith.mulf %get3A_926, %select_n3A_903 : vector<16xf32>
        %swap3A_928 = arith.index_cast %add3A_923 : i32 to index
        %swap3A_929 = arith.constant 32 : index
        %swap3A_930 = tpu.vector_load %arg6[%swap3A_928, %swap3A_929] {strides = array<i32>} : memref<832x64xf32, #tpu.memory_space<vmem>>, vector<16xf32>,
        tpu.vector_store %arg6[%swap3A_928, %swap3A_929], %mul3A_927 {strides = array<i32>} : memref<832x64xf32, #tpu.memory_space<vmem>>, vector<16xf32>,
        %add3A_931 = arith.constant 6 : i32
        %add3A_932 = arith.addi %mul3A_578, %add3A_931 : i32
        %get3A_933 = arith.index_cast %add3A_932 : i32 to index
        %get3A_934 = arith.constant 48 : index
        %get3A_935 = tpu.vector_load %arg6[%get3A_933, %get3A_934] {strides = array<i32>} : memref<832x64xf32, #tpu.memory_space<vmem>>, vector<16xf32>,
        %mul3A_936 = arith.mulf %get3A_935, %select_n3A_903 : vector<16xf32>
        %swap3A_937 = arith.index_cast %add3A_932 : i32 to index
        %swap3A_938 = arith.constant 48 : index
        %swap3A_939 = tpu.vector_load %arg6[%swap3A_937, %swap3A_938] {strides = array<i32>} : memref<832x64xf32, #tpu.memory_space<vmem>>, vector<16xf32>,
        tpu.vector_store %arg6[%swap3A_937, %swap3A_938], %mul3A_936 {strides = array<i32>} : memref<832x64xf32, #tpu.memory_space<vmem>>, vector<16xf32>,
        %add3A_940 = arith.constant 1664 : i32
        %add3A_941 = arith.addi %add3A_940, %mul3A_578 : i32
        %add3A_942 = arith.constant 7 : i32
        %add3A_943 = arith.addi %add3A_941, %add3A_942 : i32
        %broadcast_in_dim3A_944 = vector.broadcast %add3A_943 : i32 to vector<16xi32>
        %gather3A_945 = tpu.vector_load_idx %arg5[%broadcast_in_dim3A_944] : memref<3328xi32, #tpu.memory_space<vmem>>[vector<16xi32>], vector<16xi32>,
        %eq3A_946 = arith.constant 0 : i32
        %eq3A_947 = vector.broadcast %eq3A_946 : i32 to vector<16xi32>
        %eq3A_948 = arith.cmpi eq, %gather3A_945, %eq3A_947 : vector<16xi32>
        %jit3A_949 = arith.constant 0.000000e+00 : f32
        %jit3A_950 = arith.constant 1.000000e+00 : f32
        %broadcast_in_dim3A_951 = vector.broadcast %jit3A_949 : f32 to vector<16xf32>
        %broadcast_in_dim3A_952 = vector.broadcast %jit3A_950 : f32 to vector<16xf32>
        %select_n3A_953 = arith.select %eq3A_948, %broadcast_in_dim3A_951, %broadcast_in_dim3A_952 : vector<16xi1>, vector<16xf32>
        %add3A_954 = arith.constant 7 : i32
        %add3A_955 = arith.addi %mul3A_578, %add3A_954 : i32
        %get3A_956 = arith.index_cast %add3A_955 : i32 to index
        %get3A_957 = arith.constant 0 : index
        %get3A_958 = tpu.vector_load %arg6[%get3A_956, %get3A_957] {strides = array<i32>} : memref<832x64xf32, #tpu.memory_space<vmem>>, vector<16xf32>,
        %mul3A_959 = arith.mulf %get3A_958, %select_n3A_953 : vector<16xf32>
        %swap3A_960 = arith.index_cast %add3A_955 : i32 to index
        %swap3A_961 = arith.constant 0 : index
        %swap3A_962 = tpu.vector_load %arg6[%swap3A_960, %swap3A_961] {strides = array<i32>} : memref<832x64xf32, #tpu.memory_space<vmem>>, vector<16xf32>,
        tpu.vector_store %arg6[%swap3A_960, %swap3A_961], %mul3A_959 {strides = array<i32>} : memref<832x64xf32, #tpu.memory_space<vmem>>, vector<16xf32>,
        %add3A_963 = arith.constant 7 : i32
        %add3A_964 = arith.addi %mul3A_578, %add3A_963 : i32
        %get3A_965 = arith.index_cast %add3A_964 : i32 to index
        %get3A_966 = arith.constant 16 : index
        %get3A_967 = tpu.vector_load %arg6[%get3A_965, %get3A_966] {strides = array<i32>} : memref<832x64xf32, #tpu.memory_space<vmem>>, vector<16xf32>,
        %mul3A_968 = arith.mulf %get3A_967, %select_n3A_953 : vector<16xf32>
        %swap3A_969 = arith.index_cast %add3A_964 : i32 to index
        %swap3A_970 = arith.constant 16 : index
        %swap3A_971 = tpu.vector_load %arg6[%swap3A_969, %swap3A_970] {strides = array<i32>} : memref<832x64xf32, #tpu.memory_space<vmem>>, vector<16xf32>,
        tpu.vector_store %arg6[%swap3A_969, %swap3A_970], %mul3A_968 {strides = array<i32>} : memref<832x64xf32, #tpu.memory_space<vmem>>, vector<16xf32>,
        %add3A_972 = arith.constant 7 : i32
        %add3A_973 = arith.addi %mul3A_578, %add3A_972 : i32
        %get3A_974 = arith.index_cast %add3A_973 : i32 to index
        %get3A_975 = arith.constant 32 : index
        %get3A_976 = tpu.vector_load %arg6[%get3A_974, %get3A_975] {strides = array<i32>} : memref<832x64xf32, #tpu.memory_space<vmem>>, vector<16xf32>,
        %mul3A_977 = arith.mulf %get3A_976, %select_n3A_953 : vector<16xf32>
        %swap3A_978 = arith.index_cast %add3A_973 : i32 to index
        %swap3A_979 = arith.constant 32 : index
        %swap3A_980 = tpu.vector_load %arg6[%swap3A_978, %swap3A_979] {strides = array<i32>} : memref<832x64xf32, #tpu.memory_space<vmem>>, vector<16xf32>,
        tpu.vector_store %arg6[%swap3A_978, %swap3A_979], %mul3A_977 {strides = array<i32>} : memref<832x64xf32, #tpu.memory_space<vmem>>, vector<16xf32>,
        %add3A_981 = arith.constant 7 : i32
        %add3A_982 = arith.addi %mul3A_578, %add3A_981 : i32
        %get3A_983 = arith.index_cast %add3A_982 : i32 to index
        %get3A_984 = arith.constant 48 : index
        %get3A_985 = tpu.vector_load %arg6[%get3A_983, %get3A_984] {strides = array<i32>} : memref<832x64xf32, #tpu.memory_space<vmem>>, vector<16xf32>,
        %mul3A_986 = arith.mulf %get3A_985, %select_n3A_953 : vector<16xf32>
        %swap3A_987 = arith.index_cast %add3A_982 : i32 to index
        %swap3A_988 = arith.constant 48 : index
        %swap3A_989 = tpu.vector_load %arg6[%swap3A_987, %swap3A_988] {strides = array<i32>} : memref<832x64xf32, #tpu.memory_space<vmem>>, vector<16xf32>,
        tpu.vector_store %arg6[%swap3A_987, %swap3A_988], %mul3A_986 {strides = array<i32>} : memref<832x64xf32, #tpu.memory_space<vmem>>, vector<16xf32>,
        %add3A_990 = arith.constant 1664 : i32
        %add3A_991 = arith.addi %add3A_990, %mul3A_578 : i32
        %add3A_992 = arith.constant 8 : i32
        %add3A_993 = arith.addi %add3A_991, %add3A_992 : i32
        %broadcast_in_dim3A_994 = vector.broadcast %add3A_993 : i32 to vector<16xi32>
        %gather3A_995 = tpu.vector_load_idx %arg5[%broadcast_in_dim3A_994] : memref<3328xi32, #tpu.memory_space<vmem>>[vector<16xi32>], vector<16xi32>,
        %eq3A_996 = arith.constant 0 : i32
        %eq3A_997 = vector.broadcast %eq3A_996 : i32 to vector<16xi32>
        %eq3A_998 = arith.cmpi eq, %gather3A_995, %eq3A_997 : vector<16xi32>
        %jit3A_999 = arith.constant 0.000000e+00 : f32
        %jit3A_1000 = arith.constant 1.000000e+00 : f32
        %broadcast_in_dim3A_1001 = vector.broadcast %jit3A_999 : f32 to vector<16xf32>
        %broadcast_in_dim3A_1002 = vector.broadcast %jit3A_1000 : f32 to vector<16xf32>
        %select_n3A_1003 = arith.select %eq3A_998, %broadcast_in_dim3A_1001, %broadcast_in_dim3A_1002 : vector<16xi1>, vector<16xf32>
        %add3A_1004 = arith.constant 8 : i32
        %add3A_1005 = arith.addi %mul3A_578, %add3A_1004 : i32
        %get3A_1006 = arith.index_cast %add3A_1005 : i32 to index
        %get3A_1007 = arith.constant 0 : index
        %get3A_1008 = tpu.vector_load %arg6[%get3A_1006, %get3A_1007] {strides = array<i32>} : memref<832x64xf32, #tpu.memory_space<vmem>>, vector<16xf32>,
        %mul3A_1009 = arith.mulf %get3A_1008, %select_n3A_1003 : vector<16xf32>
        %swap3A_1010 = arith.index_cast %add3A_1005 : i32 to index
        %swap3A_1011 = arith.constant 0 : index
        %swap3A_1012 = tpu.vector_load %arg6[%swap3A_1010, %swap3A_1011] {strides = array<i32>} : memref<832x64xf32, #tpu.memory_space<vmem>>, vector<16xf32>,
        tpu.vector_store %arg6[%swap3A_1010, %swap3A_1011], %mul3A_1009 {strides = array<i32>} : memref<832x64xf32, #tpu.memory_space<vmem>>, vector<16xf32>,
        %add3A_1013 = arith.constant 8 : i32
        %add3A_1014 = arith.addi %mul3A_578, %add3A_1013 : i32
        %get3A_1015 = arith.index_cast %add3A_1014 : i32 to index
        %get3A_1016 = arith.constant 16 : index
        %get3A_1017 = tpu.vector_load %arg6[%get3A_1015, %get3A_1016] {strides = array<i32>} : memref<832x64xf32, #tpu.memory_space<vmem>>, vector<16xf32>,
        %mul3A_1018 = arith.mulf %get3A_1017, %select_n3A_1003 : vector<16xf32>
        %swap3A_1019 = arith.index_cast %add3A_1014 : i32 to index
        %swap3A_1020 = arith.constant 16 : index
        %swap3A_1021 = tpu.vector_load %arg6[%swap3A_1019, %swap3A_1020] {strides = array<i32>} : memref<832x64xf32, #tpu.memory_space<vmem>>, vector<16xf32>,
        tpu.vector_store %arg6[%swap3A_1019, %swap3A_1020], %mul3A_1018 {strides = array<i32>} : memref<832x64xf32, #tpu.memory_space<vmem>>, vector<16xf32>,
        %add3A_1022 = arith.constant 8 : i32
        %add3A_1023 = arith.addi %mul3A_578, %add3A_1022 : i32
        %get3A_1024 = arith.index_cast %add3A_1023 : i32 to index
        %get3A_1025 = arith.constant 32 : index
        %get3A_1026 = tpu.vector_load %arg6[%get3A_1024, %get3A_1025] {strides = array<i32>} : memref<832x64xf32, #tpu.memory_space<vmem>>, vector<16xf32>,
        %mul3A_1027 = arith.mulf %get3A_1026, %select_n3A_1003 : vector<16xf32>
        %swap3A_1028 = arith.index_cast %add3A_1023 : i32 to index
        %swap3A_1029 = arith.constant 32 : index
        %swap3A_1030 = tpu.vector_load %arg6[%swap3A_1028, %swap3A_1029] {strides = array<i32>} : memref<832x64xf32, #tpu.memory_space<vmem>>, vector<16xf32>,
        tpu.vector_store %arg6[%swap3A_1028, %swap3A_1029], %mul3A_1027 {strides = array<i32>} : memref<832x64xf32, #tpu.memory_space<vmem>>, vector<16xf32>,
        %add3A_1031 = arith.constant 8 : i32
        %add3A_1032 = arith.addi %mul3A_578, %add3A_1031 : i32
        %get3A_1033 = arith.index_cast %add3A_1032 : i32 to index
        %get3A_1034 = arith.constant 48 : index
        %get3A_1035 = tpu.vector_load %arg6[%get3A_1033, %get3A_1034] {strides = array<i32>} : memref<832x64xf32, #tpu.memory_space<vmem>>, vector<16xf32>,
        %mul3A_1036 = arith.mulf %get3A_1035, %select_n3A_1003 : vector<16xf32>
        %swap3A_1037 = arith.index_cast %add3A_1032 : i32 to index
        %swap3A_1038 = arith.constant 48 : index
        %swap3A_1039 = tpu.vector_load %arg6[%swap3A_1037, %swap3A_1038] {strides = array<i32>} : memref<832x64xf32, #tpu.memory_space<vmem>>, vector<16xf32>,
        tpu.vector_store %arg6[%swap3A_1037, %swap3A_1038], %mul3A_1036 {strides = array<i32>} : memref<832x64xf32, #tpu.memory_space<vmem>>, vector<16xf32>,
        %add3A_1040 = arith.constant 1664 : i32
        %add3A_1041 = arith.addi %add3A_1040, %mul3A_578 : i32
        %add3A_1042 = arith.constant 9 : i32
        %add3A_1043 = arith.addi %add3A_1041, %add3A_1042 : i32
        %broadcast_in_dim3A_1044 = vector.broadcast %add3A_1043 : i32 to vector<16xi32>
        %gather3A_1045 = tpu.vector_load_idx %arg5[%broadcast_in_dim3A_1044] : memref<3328xi32, #tpu.memory_space<vmem>>[vector<16xi32>], vector<16xi32>,
        %eq3A_1046 = arith.constant 0 : i32
        %eq3A_1047 = vector.broadcast %eq3A_1046 : i32 to vector<16xi32>
        %eq3A_1048 = arith.cmpi eq, %gather3A_1045, %eq3A_1047 : vector<16xi32>
        %jit3A_1049 = arith.constant 0.000000e+00 : f32
        %jit3A_1050 = arith.constant 1.000000e+00 : f32
        %broadcast_in_dim3A_1051 = vector.broadcast %jit3A_1049 : f32 to vector<16xf32>
        %broadcast_in_dim3A_1052 = vector.broadcast %jit3A_1050 : f32 to vector<16xf32>
        %select_n3A_1053 = arith.select %eq3A_1048, %broadcast_in_dim3A_1051, %broadcast_in_dim3A_1052 : vector<16xi1>, vector<16xf32>
        %add3A_1054 = arith.constant 9 : i32
        %add3A_1055 = arith.addi %mul3A_578, %add3A_1054 : i32
        %get3A_1056 = arith.index_cast %add3A_1055 : i32 to index
        %get3A_1057 = arith.constant 0 : index
        %get3A_1058 = tpu.vector_load %arg6[%get3A_1056, %get3A_1057] {strides = array<i32>} : memref<832x64xf32, #tpu.memory_space<vmem>>, vector<16xf32>,
        %mul3A_1059 = arith.mulf %get3A_1058, %select_n3A_1053 : vector<16xf32>
        %swap3A_1060 = arith.index_cast %add3A_1055 : i32 to index
        %swap3A_1061 = arith.constant 0 : index
        %swap3A_1062 = tpu.vector_load %arg6[%swap3A_1060, %swap3A_1061] {strides = array<i32>} : memref<832x64xf32, #tpu.memory_space<vmem>>, vector<16xf32>,
        tpu.vector_store %arg6[%swap3A_1060, %swap3A_1061], %mul3A_1059 {strides = array<i32>} : memref<832x64xf32, #tpu.memory_space<vmem>>, vector<16xf32>,
        %add3A_1063 = arith.constant 9 : i32
        %add3A_1064 = arith.addi %mul3A_578, %add3A_1063 : i32
        %get3A_1065 = arith.index_cast %add3A_1064 : i32 to index
        %get3A_1066 = arith.constant 16 : index
        %get3A_1067 = tpu.vector_load %arg6[%get3A_1065, %get3A_1066] {strides = array<i32>} : memref<832x64xf32, #tpu.memory_space<vmem>>, vector<16xf32>,
        %mul3A_1068 = arith.mulf %get3A_1067, %select_n3A_1053 : vector<16xf32>
        %swap3A_1069 = arith.index_cast %add3A_1064 : i32 to index
        %swap3A_1070 = arith.constant 16 : index
        %swap3A_1071 = tpu.vector_load %arg6[%swap3A_1069, %swap3A_1070] {strides = array<i32>} : memref<832x64xf32, #tpu.memory_space<vmem>>, vector<16xf32>,
        tpu.vector_store %arg6[%swap3A_1069, %swap3A_1070], %mul3A_1068 {strides = array<i32>} : memref<832x64xf32, #tpu.memory_space<vmem>>, vector<16xf32>,
        %add3A_1072 = arith.constant 9 : i32
        %add3A_1073 = arith.addi %mul3A_578, %add3A_1072 : i32
        %get3A_1074 = arith.index_cast %add3A_1073 : i32 to index
        %get3A_1075 = arith.constant 32 : index
        %get3A_1076 = tpu.vector_load %arg6[%get3A_1074, %get3A_1075] {strides = array<i32>} : memref<832x64xf32, #tpu.memory_space<vmem>>, vector<16xf32>,
        %mul3A_1077 = arith.mulf %get3A_1076, %select_n3A_1053 : vector<16xf32>
        %swap3A_1078 = arith.index_cast %add3A_1073 : i32 to index
        %swap3A_1079 = arith.constant 32 : index
        %swap3A_1080 = tpu.vector_load %arg6[%swap3A_1078, %swap3A_1079] {strides = array<i32>} : memref<832x64xf32, #tpu.memory_space<vmem>>, vector<16xf32>,
        tpu.vector_store %arg6[%swap3A_1078, %swap3A_1079], %mul3A_1077 {strides = array<i32>} : memref<832x64xf32, #tpu.memory_space<vmem>>, vector<16xf32>,
        %add3A_1081 = arith.constant 9 : i32
        %add3A_1082 = arith.addi %mul3A_578, %add3A_1081 : i32
        %get3A_1083 = arith.index_cast %add3A_1082 : i32 to index
        %get3A_1084 = arith.constant 48 : index
        %get3A_1085 = tpu.vector_load %arg6[%get3A_1083, %get3A_1084] {strides = array<i32>} : memref<832x64xf32, #tpu.memory_space<vmem>>, vector<16xf32>,
        %mul3A_1086 = arith.mulf %get3A_1085, %select_n3A_1053 : vector<16xf32>
        %swap3A_1087 = arith.index_cast %add3A_1082 : i32 to index
        %swap3A_1088 = arith.constant 48 : index
        %swap3A_1089 = tpu.vector_load %arg6[%swap3A_1087, %swap3A_1088] {strides = array<i32>} : memref<832x64xf32, #tpu.memory_space<vmem>>, vector<16xf32>,
        tpu.vector_store %arg6[%swap3A_1087, %swap3A_1088], %mul3A_1086 {strides = array<i32>} : memref<832x64xf32, #tpu.memory_space<vmem>>, vector<16xf32>,
        %add3A_1090 = arith.constant 1664 : i32
        %add3A_1091 = arith.addi %add3A_1090, %mul3A_578 : i32
        %add3A_1092 = arith.constant 10 : i32
        %add3A_1093 = arith.addi %add3A_1091, %add3A_1092 : i32
        %broadcast_in_dim3A_1094 = vector.broadcast %add3A_1093 : i32 to vector<16xi32>
        %gather3A_1095 = tpu.vector_load_idx %arg5[%broadcast_in_dim3A_1094] : memref<3328xi32, #tpu.memory_space<vmem>>[vector<16xi32>], vector<16xi32>,
        %eq3A_1096 = arith.constant 0 : i32
        %eq3A_1097 = vector.broadcast %eq3A_1096 : i32 to vector<16xi32>
        %eq3A_1098 = arith.cmpi eq, %gather3A_1095, %eq3A_1097 : vector<16xi32>
        %jit3A_1099 = arith.constant 0.000000e+00 : f32
        %jit3A_1100 = arith.constant 1.000000e+00 : f32
        %broadcast_in_dim3A_1101 = vector.broadcast %jit3A_1099 : f32 to vector<16xf32>
        %broadcast_in_dim3A_1102 = vector.broadcast %jit3A_1100 : f32 to vector<16xf32>
        %select_n3A_1103 = arith.select %eq3A_1098, %broadcast_in_dim3A_1101, %broadcast_in_dim3A_1102 : vector<16xi1>, vector<16xf32>
        %add3A_1104 = arith.constant 10 : i32
        %add3A_1105 = arith.addi %mul3A_578, %add3A_1104 : i32
        %get3A_1106 = arith.index_cast %add3A_1105 : i32 to index
        %get3A_1107 = arith.constant 0 : index
        %get3A_1108 = tpu.vector_load %arg6[%get3A_1106, %get3A_1107] {strides = array<i32>} : memref<832x64xf32, #tpu.memory_space<vmem>>, vector<16xf32>,
        %mul3A_1109 = arith.mulf %get3A_1108, %select_n3A_1103 : vector<16xf32>
        %swap3A_1110 = arith.index_cast %add3A_1105 : i32 to index
        %swap3A_1111 = arith.constant 0 : index
        %swap3A_1112 = tpu.vector_load %arg6[%swap3A_1110, %swap3A_1111] {strides = array<i32>} : memref<832x64xf32, #tpu.memory_space<vmem>>, vector<16xf32>,
        tpu.vector_store %arg6[%swap3A_1110, %swap3A_1111], %mul3A_1109 {strides = array<i32>} : memref<832x64xf32, #tpu.memory_space<vmem>>, vector<16xf32>,
        %add3A_1113 = arith.constant 10 : i32
        %add3A_1114 = arith.addi %mul3A_578, %add3A_1113 : i32
        %get3A_1115 = arith.index_cast %add3A_1114 : i32 to index
        %get3A_1116 = arith.constant 16 : index
        %get3A_1117 = tpu.vector_load %arg6[%get3A_1115, %get3A_1116] {strides = array<i32>} : memref<832x64xf32, #tpu.memory_space<vmem>>, vector<16xf32>,
        %mul3A_1118 = arith.mulf %get3A_1117, %select_n3A_1103 : vector<16xf32>
        %swap3A_1119 = arith.index_cast %add3A_1114 : i32 to index
        %swap3A_1120 = arith.constant 16 : index
        %swap3A_1121 = tpu.vector_load %arg6[%swap3A_1119, %swap3A_1120] {strides = array<i32>} : memref<832x64xf32, #tpu.memory_space<vmem>>, vector<16xf32>,
        tpu.vector_store %arg6[%swap3A_1119, %swap3A_1120], %mul3A_1118 {strides = array<i32>} : memref<832x64xf32, #tpu.memory_space<vmem>>, vector<16xf32>,
        %add3A_1122 = arith.constant 10 : i32
        %add3A_1123 = arith.addi %mul3A_578, %add3A_1122 : i32
        %get3A_1124 = arith.index_cast %add3A_1123 : i32 to index
        %get3A_1125 = arith.constant 32 : index
        %get3A_1126 = tpu.vector_load %arg6[%get3A_1124, %get3A_1125] {strides = array<i32>} : memref<832x64xf32, #tpu.memory_space<vmem>>, vector<16xf32>,
        %mul3A_1127 = arith.mulf %get3A_1126, %select_n3A_1103 : vector<16xf32>
        %swap3A_1128 = arith.index_cast %add3A_1123 : i32 to index
        %swap3A_1129 = arith.constant 32 : index
        %swap3A_1130 = tpu.vector_load %arg6[%swap3A_1128, %swap3A_1129] {strides = array<i32>} : memref<832x64xf32, #tpu.memory_space<vmem>>, vector<16xf32>,
        tpu.vector_store %arg6[%swap3A_1128, %swap3A_1129], %mul3A_1127 {strides = array<i32>} : memref<832x64xf32, #tpu.memory_space<vmem>>, vector<16xf32>,
        %add3A_1131 = arith.constant 10 : i32
        %add3A_1132 = arith.addi %mul3A_578, %add3A_1131 : i32
        %get3A_1133 = arith.index_cast %add3A_1132 : i32 to index
        %get3A_1134 = arith.constant 48 : index
        %get3A_1135 = tpu.vector_load %arg6[%get3A_1133, %get3A_1134] {strides = array<i32>} : memref<832x64xf32, #tpu.memory_space<vmem>>, vector<16xf32>,
        %mul3A_1136 = arith.mulf %get3A_1135, %select_n3A_1103 : vector<16xf32>
        %swap3A_1137 = arith.index_cast %add3A_1132 : i32 to index
        %swap3A_1138 = arith.constant 48 : index
        %swap3A_1139 = tpu.vector_load %arg6[%swap3A_1137, %swap3A_1138] {strides = array<i32>} : memref<832x64xf32, #tpu.memory_space<vmem>>, vector<16xf32>,
        tpu.vector_store %arg6[%swap3A_1137, %swap3A_1138], %mul3A_1136 {strides = array<i32>} : memref<832x64xf32, #tpu.memory_space<vmem>>, vector<16xf32>,
        %add3A_1140 = arith.constant 1664 : i32
        %add3A_1141 = arith.addi %add3A_1140, %mul3A_578 : i32
        %add3A_1142 = arith.constant 11 : i32
        %add3A_1143 = arith.addi %add3A_1141, %add3A_1142 : i32
        %broadcast_in_dim3A_1144 = vector.broadcast %add3A_1143 : i32 to vector<16xi32>
        %gather3A_1145 = tpu.vector_load_idx %arg5[%broadcast_in_dim3A_1144] : memref<3328xi32, #tpu.memory_space<vmem>>[vector<16xi32>], vector<16xi32>,
        %eq3A_1146 = arith.constant 0 : i32
        %eq3A_1147 = vector.broadcast %eq3A_1146 : i32 to vector<16xi32>
        %eq3A_1148 = arith.cmpi eq, %gather3A_1145, %eq3A_1147 : vector<16xi32>
        %jit3A_1149 = arith.constant 0.000000e+00 : f32
        %jit3A_1150 = arith.constant 1.000000e+00 : f32
        %broadcast_in_dim3A_1151 = vector.broadcast %jit3A_1149 : f32 to vector<16xf32>
        %broadcast_in_dim3A_1152 = vector.broadcast %jit3A_1150 : f32 to vector<16xf32>
        %select_n3A_1153 = arith.select %eq3A_1148, %broadcast_in_dim3A_1151, %broadcast_in_dim3A_1152 : vector<16xi1>, vector<16xf32>
        %add3A_1154 = arith.constant 11 : i32
        %add3A_1155 = arith.addi %mul3A_578, %add3A_1154 : i32
        %get3A_1156 = arith.index_cast %add3A_1155 : i32 to index
        %get3A_1157 = arith.constant 0 : index
        %get3A_1158 = tpu.vector_load %arg6[%get3A_1156, %get3A_1157] {strides = array<i32>} : memref<832x64xf32, #tpu.memory_space<vmem>>, vector<16xf32>,
        %mul3A_1159 = arith.mulf %get3A_1158, %select_n3A_1153 : vector<16xf32>
        %swap3A_1160 = arith.index_cast %add3A_1155 : i32 to index
        %swap3A_1161 = arith.constant 0 : index
        %swap3A_1162 = tpu.vector_load %arg6[%swap3A_1160, %swap3A_1161] {strides = array<i32>} : memref<832x64xf32, #tpu.memory_space<vmem>>, vector<16xf32>,
        tpu.vector_store %arg6[%swap3A_1160, %swap3A_1161], %mul3A_1159 {strides = array<i32>} : memref<832x64xf32, #tpu.memory_space<vmem>>, vector<16xf32>,
        %add3A_1163 = arith.constant 11 : i32
        %add3A_1164 = arith.addi %mul3A_578, %add3A_1163 : i32
        %get3A_1165 = arith.index_cast %add3A_1164 : i32 to index
        %get3A_1166 = arith.constant 16 : index
        %get3A_1167 = tpu.vector_load %arg6[%get3A_1165, %get3A_1166] {strides = array<i32>} : memref<832x64xf32, #tpu.memory_space<vmem>>, vector<16xf32>,
        %mul3A_1168 = arith.mulf %get3A_1167, %select_n3A_1153 : vector<16xf32>
        %swap3A_1169 = arith.index_cast %add3A_1164 : i32 to index
        %swap3A_1170 = arith.constant 16 : index
        %swap3A_1171 = tpu.vector_load %arg6[%swap3A_1169, %swap3A_1170] {strides = array<i32>} : memref<832x64xf32, #tpu.memory_space<vmem>>, vector<16xf32>,
        tpu.vector_store %arg6[%swap3A_1169, %swap3A_1170], %mul3A_1168 {strides = array<i32>} : memref<832x64xf32, #tpu.memory_space<vmem>>, vector<16xf32>,
        %add3A_1172 = arith.constant 11 : i32
        %add3A_1173 = arith.addi %mul3A_578, %add3A_1172 : i32
        %get3A_1174 = arith.index_cast %add3A_1173 : i32 to index
        %get3A_1175 = arith.constant 32 : index
        %get3A_1176 = tpu.vector_load %arg6[%get3A_1174, %get3A_1175] {strides = array<i32>} : memref<832x64xf32, #tpu.memory_space<vmem>>, vector<16xf32>,
        %mul3A_1177 = arith.mulf %get3A_1176, %select_n3A_1153 : vector<16xf32>
        %swap3A_1178 = arith.index_cast %add3A_1173 : i32 to index
        %swap3A_1179 = arith.constant 32 : index
        %swap3A_1180 = tpu.vector_load %arg6[%swap3A_1178, %swap3A_1179] {strides = array<i32>} : memref<832x64xf32, #tpu.memory_space<vmem>>, vector<16xf32>,
        tpu.vector_store %arg6[%swap3A_1178, %swap3A_1179], %mul3A_1177 {strides = array<i32>} : memref<832x64xf32, #tpu.memory_space<vmem>>, vector<16xf32>,
        %add3A_1181 = arith.constant 11 : i32
        %add3A_1182 = arith.addi %mul3A_578, %add3A_1181 : i32
        %get3A_1183 = arith.index_cast %add3A_1182 : i32 to index
        %get3A_1184 = arith.constant 48 : index
        %get3A_1185 = tpu.vector_load %arg6[%get3A_1183, %get3A_1184] {strides = array<i32>} : memref<832x64xf32, #tpu.memory_space<vmem>>, vector<16xf32>,
        %mul3A_1186 = arith.mulf %get3A_1185, %select_n3A_1153 : vector<16xf32>
        %swap3A_1187 = arith.index_cast %add3A_1182 : i32 to index
        %swap3A_1188 = arith.constant 48 : index
        %swap3A_1189 = tpu.vector_load %arg6[%swap3A_1187, %swap3A_1188] {strides = array<i32>} : memref<832x64xf32, #tpu.memory_space<vmem>>, vector<16xf32>,
        tpu.vector_store %arg6[%swap3A_1187, %swap3A_1188], %mul3A_1186 {strides = array<i32>} : memref<832x64xf32, #tpu.memory_space<vmem>>, vector<16xf32>,
        %add3A_1190 = arith.constant 1664 : i32
        %add3A_1191 = arith.addi %add3A_1190, %mul3A_578 : i32
        %add3A_1192 = arith.constant 12 : i32
        %add3A_1193 = arith.addi %add3A_1191, %add3A_1192 : i32
        %broadcast_in_dim3A_1194 = vector.broadcast %add3A_1193 : i32 to vector<16xi32>
        %gather3A_1195 = tpu.vector_load_idx %arg5[%broadcast_in_dim3A_1194] : memref<3328xi32, #tpu.memory_space<vmem>>[vector<16xi32>], vector<16xi32>,
        %eq3A_1196 = arith.constant 0 : i32
        %eq3A_1197 = vector.broadcast %eq3A_1196 : i32 to vector<16xi32>
        %eq3A_1198 = arith.cmpi eq, %gather3A_1195, %eq3A_1197 : vector<16xi32>
        %jit3A_1199 = arith.constant 0.000000e+00 : f32
        %jit3A_1200 = arith.constant 1.000000e+00 : f32
        %broadcast_in_dim3A_1201 = vector.broadcast %jit3A_1199 : f32 to vector<16xf32>
        %broadcast_in_dim3A_1202 = vector.broadcast %jit3A_1200 : f32 to vector<16xf32>
        %select_n3A_1203 = arith.select %eq3A_1198, %broadcast_in_dim3A_1201, %broadcast_in_dim3A_1202 : vector<16xi1>, vector<16xf32>
        %add3A_1204 = arith.constant 12 : i32
        %add3A_1205 = arith.addi %mul3A_578, %add3A_1204 : i32
        %get3A_1206 = arith.index_cast %add3A_1205 : i32 to index
        %get3A_1207 = arith.constant 0 : index
        %get3A_1208 = tpu.vector_load %arg6[%get3A_1206, %get3A_1207] {strides = array<i32>} : memref<832x64xf32, #tpu.memory_space<vmem>>, vector<16xf32>,
        %mul3A_1209 = arith.mulf %get3A_1208, %select_n3A_1203 : vector<16xf32>
        %swap3A_1210 = arith.index_cast %add3A_1205 : i32 to index
        %swap3A_1211 = arith.constant 0 : index
        %swap3A_1212 = tpu.vector_load %arg6[%swap3A_1210, %swap3A_1211] {strides = array<i32>} : memref<832x64xf32, #tpu.memory_space<vmem>>, vector<16xf32>,
        tpu.vector_store %arg6[%swap3A_1210, %swap3A_1211], %mul3A_1209 {strides = array<i32>} : memref<832x64xf32, #tpu.memory_space<vmem>>, vector<16xf32>,
        %add3A_1213 = arith.constant 12 : i32
        %add3A_1214 = arith.addi %mul3A_578, %add3A_1213 : i32
        %get3A_1215 = arith.index_cast %add3A_1214 : i32 to index
        %get3A_1216 = arith.constant 16 : index
        %get3A_1217 = tpu.vector_load %arg6[%get3A_1215, %get3A_1216] {strides = array<i32>} : memref<832x64xf32, #tpu.memory_space<vmem>>, vector<16xf32>,
        %mul3A_1218 = arith.mulf %get3A_1217, %select_n3A_1203 : vector<16xf32>
        %swap3A_1219 = arith.index_cast %add3A_1214 : i32 to index
        %swap3A_1220 = arith.constant 16 : index
        %swap3A_1221 = tpu.vector_load %arg6[%swap3A_1219, %swap3A_1220] {strides = array<i32>} : memref<832x64xf32, #tpu.memory_space<vmem>>, vector<16xf32>,
        tpu.vector_store %arg6[%swap3A_1219, %swap3A_1220], %mul3A_1218 {strides = array<i32>} : memref<832x64xf32, #tpu.memory_space<vmem>>, vector<16xf32>,
        %add3A_1222 = arith.constant 12 : i32
        %add3A_1223 = arith.addi %mul3A_578, %add3A_1222 : i32
        %get3A_1224 = arith.index_cast %add3A_1223 : i32 to index
        %get3A_1225 = arith.constant 32 : index
        %get3A_1226 = tpu.vector_load %arg6[%get3A_1224, %get3A_1225] {strides = array<i32>} : memref<832x64xf32, #tpu.memory_space<vmem>>, vector<16xf32>,
        %mul3A_1227 = arith.mulf %get3A_1226, %select_n3A_1203 : vector<16xf32>
        %swap3A_1228 = arith.index_cast %add3A_1223 : i32 to index
        %swap3A_1229 = arith.constant 32 : index
        %swap3A_1230 = tpu.vector_load %arg6[%swap3A_1228, %swap3A_1229] {strides = array<i32>} : memref<832x64xf32, #tpu.memory_space<vmem>>, vector<16xf32>,
        tpu.vector_store %arg6[%swap3A_1228, %swap3A_1229], %mul3A_1227 {strides = array<i32>} : memref<832x64xf32, #tpu.memory_space<vmem>>, vector<16xf32>,
        %add3A_1231 = arith.constant 12 : i32
        %add3A_1232 = arith.addi %mul3A_578, %add3A_1231 : i32
        %get3A_1233 = arith.index_cast %add3A_1232 : i32 to index
        %get3A_1234 = arith.constant 48 : index
        %get3A_1235 = tpu.vector_load %arg6[%get3A_1233, %get3A_1234] {strides = array<i32>} : memref<832x64xf32, #tpu.memory_space<vmem>>, vector<16xf32>,
        %mul3A_1236 = arith.mulf %get3A_1235, %select_n3A_1203 : vector<16xf32>
        %swap3A_1237 = arith.index_cast %add3A_1232 : i32 to index
        %swap3A_1238 = arith.constant 48 : index
        %swap3A_1239 = tpu.vector_load %arg6[%swap3A_1237, %swap3A_1238] {strides = array<i32>} : memref<832x64xf32, #tpu.memory_space<vmem>>, vector<16xf32>,
        tpu.vector_store %arg6[%swap3A_1237, %swap3A_1238], %mul3A_1236 {strides = array<i32>} : memref<832x64xf32, #tpu.memory_space<vmem>>, vector<16xf32>,
        %add3A_1240 = arith.constant 1664 : i32
        %add3A_1241 = arith.addi %add3A_1240, %mul3A_578 : i32
        %add3A_1242 = arith.constant 13 : i32
        %add3A_1243 = arith.addi %add3A_1241, %add3A_1242 : i32
        %broadcast_in_dim3A_1244 = vector.broadcast %add3A_1243 : i32 to vector<16xi32>
        %gather3A_1245 = tpu.vector_load_idx %arg5[%broadcast_in_dim3A_1244] : memref<3328xi32, #tpu.memory_space<vmem>>[vector<16xi32>], vector<16xi32>,
        %eq3A_1246 = arith.constant 0 : i32
        %eq3A_1247 = vector.broadcast %eq3A_1246 : i32 to vector<16xi32>
        %eq3A_1248 = arith.cmpi eq, %gather3A_1245, %eq3A_1247 : vector<16xi32>
        %jit3A_1249 = arith.constant 0.000000e+00 : f32
        %jit3A_1250 = arith.constant 1.000000e+00 : f32
        %broadcast_in_dim3A_1251 = vector.broadcast %jit3A_1249 : f32 to vector<16xf32>
        %broadcast_in_dim3A_1252 = vector.broadcast %jit3A_1250 : f32 to vector<16xf32>
        %select_n3A_1253 = arith.select %eq3A_1248, %broadcast_in_dim3A_1251, %broadcast_in_dim3A_1252 : vector<16xi1>, vector<16xf32>
        %add3A_1254 = arith.constant 13 : i32
        %add3A_1255 = arith.addi %mul3A_578, %add3A_1254 : i32
        %get3A_1256 = arith.index_cast %add3A_1255 : i32 to index
        %get3A_1257 = arith.constant 0 : index
        %get3A_1258 = tpu.vector_load %arg6[%get3A_1256, %get3A_1257] {strides = array<i32>} : memref<832x64xf32, #tpu.memory_space<vmem>>, vector<16xf32>,
        %mul3A_1259 = arith.mulf %get3A_1258, %select_n3A_1253 : vector<16xf32>
        %swap3A_1260 = arith.index_cast %add3A_1255 : i32 to index
        %swap3A_1261 = arith.constant 0 : index
        %swap3A_1262 = tpu.vector_load %arg6[%swap3A_1260, %swap3A_1261] {strides = array<i32>} : memref<832x64xf32, #tpu.memory_space<vmem>>, vector<16xf32>,
        tpu.vector_store %arg6[%swap3A_1260, %swap3A_1261], %mul3A_1259 {strides = array<i32>} : memref<832x64xf32, #tpu.memory_space<vmem>>, vector<16xf32>,
        %add3A_1263 = arith.constant 13 : i32
        %add3A_1264 = arith.addi %mul3A_578, %add3A_1263 : i32
        %get3A_1265 = arith.index_cast %add3A_1264 : i32 to index
        %get3A_1266 = arith.constant 16 : index
        %get3A_1267 = tpu.vector_load %arg6[%get3A_1265, %get3A_1266] {strides = array<i32>} : memref<832x64xf32, #tpu.memory_space<vmem>>, vector<16xf32>,
        %mul3A_1268 = arith.mulf %get3A_1267, %select_n3A_1253 : vector<16xf32>
        %swap3A_1269 = arith.index_cast %add3A_1264 : i32 to index
        %swap3A_1270 = arith.constant 16 : index
        %swap3A_1271 = tpu.vector_load %arg6[%swap3A_1269, %swap3A_1270] {strides = array<i32>} : memref<832x64xf32, #tpu.memory_space<vmem>>, vector<16xf32>,
        tpu.vector_store %arg6[%swap3A_1269, %swap3A_1270], %mul3A_1268 {strides = array<i32>} : memref<832x64xf32, #tpu.memory_space<vmem>>, vector<16xf32>,
        %add3A_1272 = arith.constant 13 : i32
        %add3A_1273 = arith.addi %mul3A_578, %add3A_1272 : i32
        %get3A_1274 = arith.index_cast %add3A_1273 : i32 to index
        %get3A_1275 = arith.constant 32 : index
        %get3A_1276 = tpu.vector_load %arg6[%get3A_1274, %get3A_1275] {strides = array<i32>} : memref<832x64xf32, #tpu.memory_space<vmem>>, vector<16xf32>,
        %mul3A_1277 = arith.mulf %get3A_1276, %select_n3A_1253 : vector<16xf32>
        %swap3A_1278 = arith.index_cast %add3A_1273 : i32 to index
        %swap3A_1279 = arith.constant 32 : index
        %swap3A_1280 = tpu.vector_load %arg6[%swap3A_1278, %swap3A_1279] {strides = array<i32>} : memref<832x64xf32, #tpu.memory_space<vmem>>, vector<16xf32>,
        tpu.vector_store %arg6[%swap3A_1278, %swap3A_1279], %mul3A_1277 {strides = array<i32>} : memref<832x64xf32, #tpu.memory_space<vmem>>, vector<16xf32>,
        %add3A_1281 = arith.constant 13 : i32
        %add3A_1282 = arith.addi %mul3A_578, %add3A_1281 : i32
        %get3A_1283 = arith.index_cast %add3A_1282 : i32 to index
        %get3A_1284 = arith.constant 48 : index
        %get3A_1285 = tpu.vector_load %arg6[%get3A_1283, %get3A_1284] {strides = array<i32>} : memref<832x64xf32, #tpu.memory_space<vmem>>, vector<16xf32>,
        %mul3A_1286 = arith.mulf %get3A_1285, %select_n3A_1253 : vector<16xf32>
        %swap3A_1287 = arith.index_cast %add3A_1282 : i32 to index
        %swap3A_1288 = arith.constant 48 : index
        %swap3A_1289 = tpu.vector_load %arg6[%swap3A_1287, %swap3A_1288] {strides = array<i32>} : memref<832x64xf32, #tpu.memory_space<vmem>>, vector<16xf32>,
        tpu.vector_store %arg6[%swap3A_1287, %swap3A_1288], %mul3A_1286 {strides = array<i32>} : memref<832x64xf32, #tpu.memory_space<vmem>>, vector<16xf32>,
        %add3A_1290 = arith.constant 1664 : i32
        %add3A_1291 = arith.addi %add3A_1290, %mul3A_578 : i32
        %add3A_1292 = arith.constant 14 : i32
        %add3A_1293 = arith.addi %add3A_1291, %add3A_1292 : i32
        %broadcast_in_dim3A_1294 = vector.broadcast %add3A_1293 : i32 to vector<16xi32>
        %gather3A_1295 = tpu.vector_load_idx %arg5[%broadcast_in_dim3A_1294] : memref<3328xi32, #tpu.memory_space<vmem>>[vector<16xi32>], vector<16xi32>,
        %eq3A_1296 = arith.constant 0 : i32
        %eq3A_1297 = vector.broadcast %eq3A_1296 : i32 to vector<16xi32>
        %eq3A_1298 = arith.cmpi eq, %gather3A_1295, %eq3A_1297 : vector<16xi32>
        %jit3A_1299 = arith.constant 0.000000e+00 : f32
        %jit3A_1300 = arith.constant 1.000000e+00 : f32
        %broadcast_in_dim3A_1301 = vector.broadcast %jit3A_1299 : f32 to vector<16xf32>
        %broadcast_in_dim3A_1302 = vector.broadcast %jit3A_1300 : f32 to vector<16xf32>
        %select_n3A_1303 = arith.select %eq3A_1298, %broadcast_in_dim3A_1301, %broadcast_in_dim3A_1302 : vector<16xi1>, vector<16xf32>
        %add3A_1304 = arith.constant 14 : i32
        %add3A_1305 = arith.addi %mul3A_578, %add3A_1304 : i32
        %get3A_1306 = arith.index_cast %add3A_1305 : i32 to index
        %get3A_1307 = arith.constant 0 : index
        %get3A_1308 = tpu.vector_load %arg6[%get3A_1306, %get3A_1307] {strides = array<i32>} : memref<832x64xf32, #tpu.memory_space<vmem>>, vector<16xf32>,
        %mul3A_1309 = arith.mulf %get3A_1308, %select_n3A_1303 : vector<16xf32>
        %swap3A_1310 = arith.index_cast %add3A_1305 : i32 to index
        %swap3A_1311 = arith.constant 0 : index
        %swap3A_1312 = tpu.vector_load %arg6[%swap3A_1310, %swap3A_1311] {strides = array<i32>} : memref<832x64xf32, #tpu.memory_space<vmem>>, vector<16xf32>,
        tpu.vector_store %arg6[%swap3A_1310, %swap3A_1311], %mul3A_1309 {strides = array<i32>} : memref<832x64xf32, #tpu.memory_space<vmem>>, vector<16xf32>,
        %add3A_1313 = arith.constant 14 : i32
        %add3A_1314 = arith.addi %mul3A_578, %add3A_1313 : i32
        %get3A_1315 = arith.index_cast %add3A_1314 : i32 to index
        %get3A_1316 = arith.constant 16 : index
        %get3A_1317 = tpu.vector_load %arg6[%get3A_1315, %get3A_1316] {strides = array<i32>} : memref<832x64xf32, #tpu.memory_space<vmem>>, vector<16xf32>,
        %mul3A_1318 = arith.mulf %get3A_1317, %select_n3A_1303 : vector<16xf32>
        %swap3A_1319 = arith.index_cast %add3A_1314 : i32 to index
        %swap3A_1320 = arith.constant 16 : index
        %swap3A_1321 = tpu.vector_load %arg6[%swap3A_1319, %swap3A_1320] {strides = array<i32>} : memref<832x64xf32, #tpu.memory_space<vmem>>, vector<16xf32>,
        tpu.vector_store %arg6[%swap3A_1319, %swap3A_1320], %mul3A_1318 {strides = array<i32>} : memref<832x64xf32, #tpu.memory_space<vmem>>, vector<16xf32>,
        %add3A_1322 = arith.constant 14 : i32
        %add3A_1323 = arith.addi %mul3A_578, %add3A_1322 : i32
        %get3A_1324 = arith.index_cast %add3A_1323 : i32 to index
        %get3A_1325 = arith.constant 32 : index
        %get3A_1326 = tpu.vector_load %arg6[%get3A_1324, %get3A_1325] {strides = array<i32>} : memref<832x64xf32, #tpu.memory_space<vmem>>, vector<16xf32>,
        %mul3A_1327 = arith.mulf %get3A_1326, %select_n3A_1303 : vector<16xf32>
        %swap3A_1328 = arith.index_cast %add3A_1323 : i32 to index
        %swap3A_1329 = arith.constant 32 : index
        %swap3A_1330 = tpu.vector_load %arg6[%swap3A_1328, %swap3A_1329] {strides = array<i32>} : memref<832x64xf32, #tpu.memory_space<vmem>>, vector<16xf32>,
        tpu.vector_store %arg6[%swap3A_1328, %swap3A_1329], %mul3A_1327 {strides = array<i32>} : memref<832x64xf32, #tpu.memory_space<vmem>>, vector<16xf32>,
        %add3A_1331 = arith.constant 14 : i32
        %add3A_1332 = arith.addi %mul3A_578, %add3A_1331 : i32
        %get3A_1333 = arith.index_cast %add3A_1332 : i32 to index
        %get3A_1334 = arith.constant 48 : index
        %get3A_1335 = tpu.vector_load %arg6[%get3A_1333, %get3A_1334] {strides = array<i32>} : memref<832x64xf32, #tpu.memory_space<vmem>>, vector<16xf32>,
        %mul3A_1336 = arith.mulf %get3A_1335, %select_n3A_1303 : vector<16xf32>
        %swap3A_1337 = arith.index_cast %add3A_1332 : i32 to index
        %swap3A_1338 = arith.constant 48 : index
        %swap3A_1339 = tpu.vector_load %arg6[%swap3A_1337, %swap3A_1338] {strides = array<i32>} : memref<832x64xf32, #tpu.memory_space<vmem>>, vector<16xf32>,
        tpu.vector_store %arg6[%swap3A_1337, %swap3A_1338], %mul3A_1336 {strides = array<i32>} : memref<832x64xf32, #tpu.memory_space<vmem>>, vector<16xf32>,
        %add3A_1340 = arith.constant 1664 : i32
        %add3A_1341 = arith.addi %add3A_1340, %mul3A_578 : i32
        %add3A_1342 = arith.constant 15 : i32
        %add3A_1343 = arith.addi %add3A_1341, %add3A_1342 : i32
        %broadcast_in_dim3A_1344 = vector.broadcast %add3A_1343 : i32 to vector<16xi32>
        %gather3A_1345 = tpu.vector_load_idx %arg5[%broadcast_in_dim3A_1344] : memref<3328xi32, #tpu.memory_space<vmem>>[vector<16xi32>], vector<16xi32>,
        %eq3A_1346 = arith.constant 0 : i32
        %eq3A_1347 = vector.broadcast %eq3A_1346 : i32 to vector<16xi32>
        %eq3A_1348 = arith.cmpi eq, %gather3A_1345, %eq3A_1347 : vector<16xi32>
        %jit3A_1349 = arith.constant 0.000000e+00 : f32
        %jit3A_1350 = arith.constant 1.000000e+00 : f32
        %broadcast_in_dim3A_1351 = vector.broadcast %jit3A_1349 : f32 to vector<16xf32>
        %broadcast_in_dim3A_1352 = vector.broadcast %jit3A_1350 : f32 to vector<16xf32>
        %select_n3A_1353 = arith.select %eq3A_1348, %broadcast_in_dim3A_1351, %broadcast_in_dim3A_1352 : vector<16xi1>, vector<16xf32>
        %add3A_1354 = arith.constant 15 : i32
        %add3A_1355 = arith.addi %mul3A_578, %add3A_1354 : i32
        %get3A_1356 = arith.index_cast %add3A_1355 : i32 to index
        %get3A_1357 = arith.constant 0 : index
        %get3A_1358 = tpu.vector_load %arg6[%get3A_1356, %get3A_1357] {strides = array<i32>} : memref<832x64xf32, #tpu.memory_space<vmem>>, vector<16xf32>,
        %mul3A_1359 = arith.mulf %get3A_1358, %select_n3A_1353 : vector<16xf32>
        %swap3A_1360 = arith.index_cast %add3A_1355 : i32 to index
        %swap3A_1361 = arith.constant 0 : index
        %swap3A_1362 = tpu.vector_load %arg6[%swap3A_1360, %swap3A_1361] {strides = array<i32>} : memref<832x64xf32, #tpu.memory_space<vmem>>, vector<16xf32>,
        tpu.vector_store %arg6[%swap3A_1360, %swap3A_1361], %mul3A_1359 {strides = array<i32>} : memref<832x64xf32, #tpu.memory_space<vmem>>, vector<16xf32>,
        %add3A_1363 = arith.constant 15 : i32
        %add3A_1364 = arith.addi %mul3A_578, %add3A_1363 : i32
        %get3A_1365 = arith.index_cast %add3A_1364 : i32 to index
        %get3A_1366 = arith.constant 16 : index
        %get3A_1367 = tpu.vector_load %arg6[%get3A_1365, %get3A_1366] {strides = array<i32>} : memref<832x64xf32, #tpu.memory_space<vmem>>, vector<16xf32>,
        %mul3A_1368 = arith.mulf %get3A_1367, %select_n3A_1353 : vector<16xf32>
        %swap3A_1369 = arith.index_cast %add3A_1364 : i32 to index
        %swap3A_1370 = arith.constant 16 : index
        %swap3A_1371 = tpu.vector_load %arg6[%swap3A_1369, %swap3A_1370] {strides = array<i32>} : memref<832x64xf32, #tpu.memory_space<vmem>>, vector<16xf32>,
        tpu.vector_store %arg6[%swap3A_1369, %swap3A_1370], %mul3A_1368 {strides = array<i32>} : memref<832x64xf32, #tpu.memory_space<vmem>>, vector<16xf32>,
        %add3A_1372 = arith.constant 15 : i32
        %add3A_1373 = arith.addi %mul3A_578, %add3A_1372 : i32
        %get3A_1374 = arith.index_cast %add3A_1373 : i32 to index
        %get3A_1375 = arith.constant 32 : index
        %get3A_1376 = tpu.vector_load %arg6[%get3A_1374, %get3A_1375] {strides = array<i32>} : memref<832x64xf32, #tpu.memory_space<vmem>>, vector<16xf32>,
        %mul3A_1377 = arith.mulf %get3A_1376, %select_n3A_1353 : vector<16xf32>
        %swap3A_1378 = arith.index_cast %add3A_1373 : i32 to index
        %swap3A_1379 = arith.constant 32 : index
        %swap3A_1380 = tpu.vector_load %arg6[%swap3A_1378, %swap3A_1379] {strides = array<i32>} : memref<832x64xf32, #tpu.memory_space<vmem>>, vector<16xf32>,
        tpu.vector_store %arg6[%swap3A_1378, %swap3A_1379], %mul3A_1377 {strides = array<i32>} : memref<832x64xf32, #tpu.memory_space<vmem>>, vector<16xf32>,
        %add3A_1381 = arith.constant 15 : i32
        %add3A_1382 = arith.addi %mul3A_578, %add3A_1381 : i32
        %get3A_1383 = arith.index_cast %add3A_1382 : i32 to index
        %get3A_1384 = arith.constant 48 : index
        %get3A_1385 = tpu.vector_load %arg6[%get3A_1383, %get3A_1384] {strides = array<i32>} : memref<832x64xf32, #tpu.memory_space<vmem>>, vector<16xf32>,
        %mul3A_1386 = arith.mulf %get3A_1385, %select_n3A_1353 : vector<16xf32>
        %swap3A_1387 = arith.index_cast %add3A_1382 : i32 to index
        %swap3A_1388 = arith.constant 48 : index
        %swap3A_1389 = tpu.vector_load %arg6[%swap3A_1387, %swap3A_1388] {strides = array<i32>} : memref<832x64xf32, #tpu.memory_space<vmem>>, vector<16xf32>,
        tpu.vector_store %arg6[%swap3A_1387, %swap3A_1388], %mul3A_1386 {strides = array<i32>} : memref<832x64xf32, #tpu.memory_space<vmem>>, vector<16xf32>,
      } else {
      }
    }
    %scan3A_485 = arith.constant 52 : i32
    %add3A_486 = arith.constant 1664 : i32
    %add3A_487 = arith.addi %mul3A_2, %add3A_486 : i32
    %dma_start3A_488 = arith.constant 0 : i32
    %dma_start3A_489 = tpu.memref_slice %arg4[%add3A_487, %dma_start3A_488] : memref<106496x64xf32, #tpu.memory_space<hbm>> -> memref<832x64xf32, #tpu.memory_space<hbm>>
    %dma_start3A_490 = arith.constant 0 : i32
    %dma_start3A_491 = tpu.memref_slice %arg4[%add3A_487, %dma_start3A_490] : memref<106496x64xf32, #tpu.memory_space<hbm>> -> memref<832x64xf32, #tpu.memory_space<hbm>>
    tpu.enqueue_dma source(%arg6 : memref<832x64xf32, #tpu.memory_space<vmem>>) target(%dma_start3A_491 : memref<832x64xf32, #tpu.memory_space<hbm>>) target_semaphore(%arg10 : memref<!tpu.dma_semaphore, #tpu.memory_space<semaphore_mem>>)
    %dma_wait3A_492 = arith.constant 0 : i32
    %dma_wait3A_493 = arith.constant 0 : i32
    %dma_wait3A_494 = tpu.memref_slice %arg7[%dma_wait3A_492, %dma_wait3A_493] : memref<832x64xf32, #tpu.memory_space<vmem>> -> memref<104x64xf32, #tpu.memory_space<vmem>>
    %dma_wait3A_495 = arith.constant 2496 : i32
    %dma_wait3A_496 = tpu.memref_slice %arg5[%dma_wait3A_495] : memref<3328xi32, #tpu.memory_space<vmem>> -> memref<104xi32, #tpu.memory_space<vmem>>
    %dma_wait3A_497 = arith.constant 0 : i32
    %dma_wait3A_498 = arith.constant 0 : i32
    %dma_wait3A_499 = tpu.memref_slice %arg3[%dma_wait3A_497, %dma_wait3A_498] : memref<1000000x64xf32, #tpu.memory_space<hbm>> -> memref<1000000x64xf32, #tpu.memory_space<hbm>>
    tpu.wait_indirect_dma semaphore(%arg9 : memref<!tpu.dma_semaphore, #tpu.memory_space<semaphore_mem>>) src(%dma_wait3A_499 : memref<1000000x64xf32, #tpu.memory_space<hbm>>) dst(%dma_wait3A_494 : memref<104x64xf32, #tpu.memory_space<vmem>>)
    %dma_wait3A_500 = arith.constant 104 : i32
    %dma_wait3A_501 = arith.constant 0 : i32
    %dma_wait3A_502 = tpu.memref_slice %arg7[%dma_wait3A_500, %dma_wait3A_501] : memref<832x64xf32, #tpu.memory_space<vmem>> -> memref<104x64xf32, #tpu.memory_space<vmem>>
    %dma_wait3A_503 = arith.constant 2600 : i32
    %dma_wait3A_504 = tpu.memref_slice %arg5[%dma_wait3A_503] : memref<3328xi32, #tpu.memory_space<vmem>> -> memref<104xi32, #tpu.memory_space<vmem>>
    %dma_wait3A_505 = arith.constant 0 : i32
    %dma_wait3A_506 = arith.constant 0 : i32
    %dma_wait3A_507 = tpu.memref_slice %arg3[%dma_wait3A_505, %dma_wait3A_506] : memref<1000000x64xf32, #tpu.memory_space<hbm>> -> memref<1000000x64xf32, #tpu.memory_space<hbm>>
    tpu.wait_indirect_dma semaphore(%arg9 : memref<!tpu.dma_semaphore, #tpu.memory_space<semaphore_mem>>) src(%dma_wait3A_507 : memref<1000000x64xf32, #tpu.memory_space<hbm>>) dst(%dma_wait3A_502 : memref<104x64xf32, #tpu.memory_space<vmem>>)
    %dma_wait3A_508 = arith.constant 208 : i32
    %dma_wait3A_509 = arith.constant 0 : i32
    %dma_wait3A_510 = tpu.memref_slice %arg7[%dma_wait3A_508, %dma_wait3A_509] : memref<832x64xf32, #tpu.memory_space<vmem>> -> memref<104x64xf32, #tpu.memory_space<vmem>>
    %dma_wait3A_511 = arith.constant 2704 : i32
    %dma_wait3A_512 = tpu.memref_slice %arg5[%dma_wait3A_511] : memref<3328xi32, #tpu.memory_space<vmem>> -> memref<104xi32, #tpu.memory_space<vmem>>
    %dma_wait3A_513 = arith.constant 0 : i32
    %dma_wait3A_514 = arith.constant 0 : i32
    %dma_wait3A_515 = tpu.memref_slice %arg3[%dma_wait3A_513, %dma_wait3A_514] : memref<1000000x64xf32, #tpu.memory_space<hbm>> -> memref<1000000x64xf32, #tpu.memory_space<hbm>>
    tpu.wait_indirect_dma semaphore(%arg9 : memref<!tpu.dma_semaphore, #tpu.memory_space<semaphore_mem>>) src(%dma_wait3A_515 : memref<1000000x64xf32, #tpu.memory_space<hbm>>) dst(%dma_wait3A_510 : memref<104x64xf32, #tpu.memory_space<vmem>>)
    %dma_wait3A_516 = arith.constant 312 : i32
    %dma_wait3A_517 = arith.constant 0 : i32
    %dma_wait3A_518 = tpu.memref_slice %arg7[%dma_wait3A_516, %dma_wait3A_517] : memref<832x64xf32, #tpu.memory_space<vmem>> -> memref<104x64xf32, #tpu.memory_space<vmem>>
    %dma_wait3A_519 = arith.constant 2808 : i32
    %dma_wait3A_520 = tpu.memref_slice %arg5[%dma_wait3A_519] : memref<3328xi32, #tpu.memory_space<vmem>> -> memref<104xi32, #tpu.memory_space<vmem>>
    %dma_wait3A_521 = arith.constant 0 : i32
    %dma_wait3A_522 = arith.constant 0 : i32
    %dma_wait3A_523 = tpu.memref_slice %arg3[%dma_wait3A_521, %dma_wait3A_522] : memref<1000000x64xf32, #tpu.memory_space<hbm>> -> memref<1000000x64xf32, #tpu.memory_space<hbm>>
    tpu.wait_indirect_dma semaphore(%arg9 : memref<!tpu.dma_semaphore, #tpu.memory_space<semaphore_mem>>) src(%dma_wait3A_523 : memref<1000000x64xf32, #tpu.memory_space<hbm>>) dst(%dma_wait3A_518 : memref<104x64xf32, #tpu.memory_space<vmem>>)
    %dma_wait3A_524 = arith.constant 416 : i32
    %dma_wait3A_525 = arith.constant 0 : i32
    %dma_wait3A_526 = tpu.memref_slice %arg7[%dma_wait3A_524, %dma_wait3A_525] : memref<832x64xf32, #tpu.memory_space<vmem>> -> memref<104x64xf32, #tpu.memory_space<vmem>>
    %dma_wait3A_527 = arith.constant 2912 : i32
    %dma_wait3A_528 = tpu.memref_slice %arg5[%dma_wait3A_527] : memref<3328xi32, #tpu.memory_space<vmem>> -> memref<104xi32, #tpu.memory_space<vmem>>
    %dma_wait3A_529 = arith.constant 0 : i32
    %dma_wait3A_530 = arith.constant 0 : i32
    %dma_wait3A_531 = tpu.memref_slice %arg3[%dma_wait3A_529, %dma_wait3A_530] : memref<1000000x64xf32, #tpu.memory_space<hbm>> -> memref<1000000x64xf32, #tpu.memory_space<hbm>>
    tpu.wait_indirect_dma semaphore(%arg9 : memref<!tpu.dma_semaphore, #tpu.memory_space<semaphore_mem>>) src(%dma_wait3A_531 : memref<1000000x64xf32, #tpu.memory_space<hbm>>) dst(%dma_wait3A_526 : memref<104x64xf32, #tpu.memory_space<vmem>>)
    %dma_wait3A_532 = arith.constant 520 : i32
    %dma_wait3A_533 = arith.constant 0 : i32
    %dma_wait3A_534 = tpu.memref_slice %arg7[%dma_wait3A_532, %dma_wait3A_533] : memref<832x64xf32, #tpu.memory_space<vmem>> -> memref<104x64xf32, #tpu.memory_space<vmem>>
    %dma_wait3A_535 = arith.constant 3016 : i32
    %dma_wait3A_536 = tpu.memref_slice %arg5[%dma_wait3A_535] : memref<3328xi32, #tpu.memory_space<vmem>> -> memref<104xi32, #tpu.memory_space<vmem>>
    %dma_wait3A_537 = arith.constant 0 : i32
    %dma_wait3A_538 = arith.constant 0 : i32
    %dma_wait3A_539 = tpu.memref_slice %arg3[%dma_wait3A_537, %dma_wait3A_538] : memref<1000000x64xf32, #tpu.memory_space<hbm>> -> memref<1000000x64xf32, #tpu.memory_space<hbm>>
    tpu.wait_indirect_dma semaphore(%arg9 : memref<!tpu.dma_semaphore, #tpu.memory_space<semaphore_mem>>) src(%dma_wait3A_539 : memref<1000000x64xf32, #tpu.memory_space<hbm>>) dst(%dma_wait3A_534 : memref<104x64xf32, #tpu.memory_space<vmem>>)
    %dma_wait3A_540 = arith.constant 624 : i32
    %dma_wait3A_541 = arith.constant 0 : i32
    %dma_wait3A_542 = tpu.memref_slice %arg7[%dma_wait3A_540, %dma_wait3A_541] : memref<832x64xf32, #tpu.memory_space<vmem>> -> memref<104x64xf32, #tpu.memory_space<vmem>>
    %dma_wait3A_543 = arith.constant 3120 : i32
    %dma_wait3A_544 = tpu.memref_slice %arg5[%dma_wait3A_543] : memref<3328xi32, #tpu.memory_space<vmem>> -> memref<104xi32, #tpu.memory_space<vmem>>
    %dma_wait3A_545 = arith.constant 0 : i32
    %dma_wait3A_546 = arith.constant 0 : i32
    %dma_wait3A_547 = tpu.memref_slice %arg3[%dma_wait3A_545, %dma_wait3A_546] : memref<1000000x64xf32, #tpu.memory_space<hbm>> -> memref<1000000x64xf32, #tpu.memory_space<hbm>>
    tpu.wait_indirect_dma semaphore(%arg9 : memref<!tpu.dma_semaphore, #tpu.memory_space<semaphore_mem>>) src(%dma_wait3A_547 : memref<1000000x64xf32, #tpu.memory_space<hbm>>) dst(%dma_wait3A_542 : memref<104x64xf32, #tpu.memory_space<vmem>>)
    %dma_wait3A_548 = arith.constant 728 : i32
    %dma_wait3A_549 = arith.constant 0 : i32
    %dma_wait3A_550 = tpu.memref_slice %arg7[%dma_wait3A_548, %dma_wait3A_549] : memref<832x64xf32, #tpu.memory_space<vmem>> -> memref<104x64xf32, #tpu.memory_space<vmem>>
    %dma_wait3A_551 = arith.constant 3224 : i32
    %dma_wait3A_552 = tpu.memref_slice %arg5[%dma_wait3A_551] : memref<3328xi32, #tpu.memory_space<vmem>> -> memref<104xi32, #tpu.memory_space<vmem>>
    %dma_wait3A_553 = arith.constant 0 : i32
    %dma_wait3A_554 = arith.constant 0 : i32
    %dma_wait3A_555 = tpu.memref_slice %arg3[%dma_wait3A_553, %dma_wait3A_554] : memref<1000000x64xf32, #tpu.memory_space<hbm>> -> memref<1000000x64xf32, #tpu.memory_space<hbm>>
    tpu.wait_indirect_dma semaphore(%arg9 : memref<!tpu.dma_semaphore, #tpu.memory_space<semaphore_mem>>) src(%dma_wait3A_555 : memref<1000000x64xf32, #tpu.memory_space<hbm>>) dst(%dma_wait3A_550 : memref<104x64xf32, #tpu.memory_space<vmem>>)
    %scan3A_556 = arith.constant 0 : i32
    %scan3A_557 = arith.constant 0 : i32
    %scan3A_558 = arith.constant 52 : i32
    %scan3A_559 = arith.addi %scan3A_557, %scan3A_558 : i32
    %scan3A_560 = arith.constant 1 : i32
    scf.for %scan3A_576 = %scan3A_557 to %scan3A_559 step %scan3A_560  : i32 {
      %mul3A_577 = arith.constant 16 : i32
      %mul3A_578 = arith.muli %scan3A_576, %mul3A_577 : i32
      %add3A_579 = arith.constant 2496 : i32
      %add3A_580 = arith.addi %add3A_579, %mul3A_578 : i32
      %get3A = arith.index_cast %add3A_580 : i32 to index
      %get3A_581 = tpu.vector_load %arg5[%get3A] {strides = array<i32>} : memref<3328xi32, #tpu.memory_space<vmem>>, vector<16xi32>,
      %eq3A = arith.constant 0 : i32
      %eq3A_582 = vector.broadcast %eq3A : i32 to vector<16xi32>
      %eq3A_583 = arith.cmpi eq, %get3A_581, %eq3A_582 : vector<16xi32>
      %reduce_or3A = arith.constant 1.000000e+00 : f32
      %reduce_or3A_584 = arith.constant 0.000000e+00 : f32
      %reduce_or3A_585 = vector.broadcast %reduce_or3A : f32 to vector<16xf32>
      %reduce_or3A_586 = vector.broadcast %reduce_or3A_584 : f32 to vector<16xf32>
      %reduce_or3A_587 = arith.select %eq3A_583, %reduce_or3A_585, %reduce_or3A_586 : vector<16xi1>, vector<16xf32>
      %reduce_or3A_588 = arith.constant true
      %reduce_or3A_589 = vector.broadcast %reduce_or3A_588 : i1 to vector<16xi1>
      %reduce_or3A_590 = tpu.scan <max>, %reduce_or3A_587 masked %reduce_or3A_589 : vector<16xf32>, vector<16xi1> -> vector<16xf32>
      %reduce_or3A_591 = vector.extract %reduce_or3A_590[15] : f32 from vector<16xf32>
      %reduce_or3A_592 = arith.constant 0.000000e+00 : f32
      %reduce_or3A_593 = arith.cmpf ogt, %reduce_or3A_591, %reduce_or3A_592 : f32
      %convert_element_type3A = arith.extui %reduce_or3A_593 : i1 to i32
      %cond3A = arith.constant 0 : i32
      %cond3A_594 = arith.cmpi ne, %convert_element_type3A, %cond3A : i32
      scf.if %cond3A_594 {
        %add3A_595 = arith.constant 2496 : i32
        %add3A_596 = arith.addi %add3A_595, %mul3A_578 : i32
        %add3A_597 = arith.constant 0 : i32
        %add3A_598 = arith.addi %add3A_596, %add3A_597 : i32
        %broadcast_in_dim3A = vector.broadcast %add3A_598 : i32 to vector<16xi32>
        %gather3A = tpu.vector_load_idx %arg5[%broadcast_in_dim3A] : memref<3328xi32, #tpu.memory_space<vmem>>[vector<16xi32>], vector<16xi32>,
        %eq3A_599 = arith.constant 0 : i32
        %eq3A_600 = vector.broadcast %eq3A_599 : i32 to vector<16xi32>
        %eq3A_601 = arith.cmpi eq, %gather3A, %eq3A_600 : vector<16xi32>
        %jit3A = arith.constant 0.000000e+00 : f32
        %jit3A_602 = arith.constant 1.000000e+00 : f32
        %broadcast_in_dim3A_603 = vector.broadcast %jit3A : f32 to vector<16xf32>
        %broadcast_in_dim3A_604 = vector.broadcast %jit3A_602 : f32 to vector<16xf32>
        %select_n3A = arith.select %eq3A_601, %broadcast_in_dim3A_603, %broadcast_in_dim3A_604 : vector<16xi1>, vector<16xf32>
        %add3A_605 = arith.constant 0 : i32
        %add3A_606 = arith.addi %mul3A_578, %add3A_605 : i32
        %get3A_607 = arith.index_cast %add3A_606 : i32 to index
        %get3A_608 = arith.constant 0 : index
        %get3A_609 = tpu.vector_load %arg7[%get3A_607, %get3A_608] {strides = array<i32>} : memref<832x64xf32, #tpu.memory_space<vmem>>, vector<16xf32>,
        %mul3A_610 = arith.mulf %get3A_609, %select_n3A : vector<16xf32>
        %swap3A = arith.index_cast %add3A_606 : i32 to index
        %swap3A_611 = arith.constant 0 : index
        %swap3A_612 = tpu.vector_load %arg7[%swap3A, %swap3A_611] {strides = array<i32>} : memref<832x64xf32, #tpu.memory_space<vmem>>, vector<16xf32>,
        tpu.vector_store %arg7[%swap3A, %swap3A_611], %mul3A_610 {strides = array<i32>} : memref<832x64xf32, #tpu.memory_space<vmem>>, vector<16xf32>,
        %add3A_613 = arith.constant 0 : i32
        %add3A_614 = arith.addi %mul3A_578, %add3A_613 : i32
        %get3A_615 = arith.index_cast %add3A_614 : i32 to index
        %get3A_616 = arith.constant 16 : index
        %get3A_617 = tpu.vector_load %arg7[%get3A_615, %get3A_616] {strides = array<i32>} : memref<832x64xf32, #tpu.memory_space<vmem>>, vector<16xf32>,
        %mul3A_618 = arith.mulf %get3A_617, %select_n3A : vector<16xf32>
        %swap3A_619 = arith.index_cast %add3A_614 : i32 to index
        %swap3A_620 = arith.constant 16 : index
        %swap3A_621 = tpu.vector_load %arg7[%swap3A_619, %swap3A_620] {strides = array<i32>} : memref<832x64xf32, #tpu.memory_space<vmem>>, vector<16xf32>,
        tpu.vector_store %arg7[%swap3A_619, %swap3A_620], %mul3A_618 {strides = array<i32>} : memref<832x64xf32, #tpu.memory_space<vmem>>, vector<16xf32>,
        %add3A_622 = arith.constant 0 : i32
        %add3A_623 = arith.addi %mul3A_578, %add3A_622 : i32
        %get3A_624 = arith.index_cast %add3A_623 : i32 to index
        %get3A_625 = arith.constant 32 : index
        %get3A_626 = tpu.vector_load %arg7[%get3A_624, %get3A_625] {strides = array<i32>} : memref<832x64xf32, #tpu.memory_space<vmem>>, vector<16xf32>,
        %mul3A_627 = arith.mulf %get3A_626, %select_n3A : vector<16xf32>
        %swap3A_628 = arith.index_cast %add3A_623 : i32 to index
        %swap3A_629 = arith.constant 32 : index
        %swap3A_630 = tpu.vector_load %arg7[%swap3A_628, %swap3A_629] {strides = array<i32>} : memref<832x64xf32, #tpu.memory_space<vmem>>, vector<16xf32>,
        tpu.vector_store %arg7[%swap3A_628, %swap3A_629], %mul3A_627 {strides = array<i32>} : memref<832x64xf32, #tpu.memory_space<vmem>>, vector<16xf32>,
        %add3A_631 = arith.constant 0 : i32
        %add3A_632 = arith.addi %mul3A_578, %add3A_631 : i32
        %get3A_633 = arith.index_cast %add3A_632 : i32 to index
        %get3A_634 = arith.constant 48 : index
        %get3A_635 = tpu.vector_load %arg7[%get3A_633, %get3A_634] {strides = array<i32>} : memref<832x64xf32, #tpu.memory_space<vmem>>, vector<16xf32>,
        %mul3A_636 = arith.mulf %get3A_635, %select_n3A : vector<16xf32>
        %swap3A_637 = arith.index_cast %add3A_632 : i32 to index
        %swap3A_638 = arith.constant 48 : index
        %swap3A_639 = tpu.vector_load %arg7[%swap3A_637, %swap3A_638] {strides = array<i32>} : memref<832x64xf32, #tpu.memory_space<vmem>>, vector<16xf32>,
        tpu.vector_store %arg7[%swap3A_637, %swap3A_638], %mul3A_636 {strides = array<i32>} : memref<832x64xf32, #tpu.memory_space<vmem>>, vector<16xf32>,
        %add3A_640 = arith.constant 2496 : i32
        %add3A_641 = arith.addi %add3A_640, %mul3A_578 : i32
        %add3A_642 = arith.constant 1 : i32
        %add3A_643 = arith.addi %add3A_641, %add3A_642 : i32
        %broadcast_in_dim3A_644 = vector.broadcast %add3A_643 : i32 to vector<16xi32>
        %gather3A_645 = tpu.vector_load_idx %arg5[%broadcast_in_dim3A_644] : memref<3328xi32, #tpu.memory_space<vmem>>[vector<16xi32>], vector<16xi32>,
        %eq3A_646 = arith.constant 0 : i32
        %eq3A_647 = vector.broadcast %eq3A_646 : i32 to vector<16xi32>
        %eq3A_648 = arith.cmpi eq, %gather3A_645, %eq3A_647 : vector<16xi32>
        %jit3A_649 = arith.constant 0.000000e+00 : f32
        %jit3A_650 = arith.constant 1.000000e+00 : f32
        %broadcast_in_dim3A_651 = vector.broadcast %jit3A_649 : f32 to vector<16xf32>
        %broadcast_in_dim3A_652 = vector.broadcast %jit3A_650 : f32 to vector<16xf32>
        %select_n3A_653 = arith.select %eq3A_648, %broadcast_in_dim3A_651, %broadcast_in_dim3A_652 : vector<16xi1>, vector<16xf32>
        %add3A_654 = arith.constant 1 : i32
        %add3A_655 = arith.addi %mul3A_578, %add3A_654 : i32
        %get3A_656 = arith.index_cast %add3A_655 : i32 to index
        %get3A_657 = arith.constant 0 : index
        %get3A_658 = tpu.vector_load %arg7[%get3A_656, %get3A_657] {strides = array<i32>} : memref<832x64xf32, #tpu.memory_space<vmem>>, vector<16xf32>,
        %mul3A_659 = arith.mulf %get3A_658, %select_n3A_653 : vector<16xf32>
        %swap3A_660 = arith.index_cast %add3A_655 : i32 to index
        %swap3A_661 = arith.constant 0 : index
        %swap3A_662 = tpu.vector_load %arg7[%swap3A_660, %swap3A_661] {strides = array<i32>} : memref<832x64xf32, #tpu.memory_space<vmem>>, vector<16xf32>,
        tpu.vector_store %arg7[%swap3A_660, %swap3A_661], %mul3A_659 {strides = array<i32>} : memref<832x64xf32, #tpu.memory_space<vmem>>, vector<16xf32>,
        %add3A_663 = arith.constant 1 : i32
        %add3A_664 = arith.addi %mul3A_578, %add3A_663 : i32
        %get3A_665 = arith.index_cast %add3A_664 : i32 to index
        %get3A_666 = arith.constant 16 : index
        %get3A_667 = tpu.vector_load %arg7[%get3A_665, %get3A_666] {strides = array<i32>} : memref<832x64xf32, #tpu.memory_space<vmem>>, vector<16xf32>,
        %mul3A_668 = arith.mulf %get3A_667, %select_n3A_653 : vector<16xf32>
        %swap3A_669 = arith.index_cast %add3A_664 : i32 to index
        %swap3A_670 = arith.constant 16 : index
        %swap3A_671 = tpu.vector_load %arg7[%swap3A_669, %swap3A_670] {strides = array<i32>} : memref<832x64xf32, #tpu.memory_space<vmem>>, vector<16xf32>,
        tpu.vector_store %arg7[%swap3A_669, %swap3A_670], %mul3A_668 {strides = array<i32>} : memref<832x64xf32, #tpu.memory_space<vmem>>, vector<16xf32>,
        %add3A_672 = arith.constant 1 : i32
        %add3A_673 = arith.addi %mul3A_578, %add3A_672 : i32
        %get3A_674 = arith.index_cast %add3A_673 : i32 to index
        %get3A_675 = arith.constant 32 : index
        %get3A_676 = tpu.vector_load %arg7[%get3A_674, %get3A_675] {strides = array<i32>} : memref<832x64xf32, #tpu.memory_space<vmem>>, vector<16xf32>,
        %mul3A_677 = arith.mulf %get3A_676, %select_n3A_653 : vector<16xf32>
        %swap3A_678 = arith.index_cast %add3A_673 : i32 to index
        %swap3A_679 = arith.constant 32 : index
        %swap3A_680 = tpu.vector_load %arg7[%swap3A_678, %swap3A_679] {strides = array<i32>} : memref<832x64xf32, #tpu.memory_space<vmem>>, vector<16xf32>,
        tpu.vector_store %arg7[%swap3A_678, %swap3A_679], %mul3A_677 {strides = array<i32>} : memref<832x64xf32, #tpu.memory_space<vmem>>, vector<16xf32>,
        %add3A_681 = arith.constant 1 : i32
        %add3A_682 = arith.addi %mul3A_578, %add3A_681 : i32
        %get3A_683 = arith.index_cast %add3A_682 : i32 to index
        %get3A_684 = arith.constant 48 : index
        %get3A_685 = tpu.vector_load %arg7[%get3A_683, %get3A_684] {strides = array<i32>} : memref<832x64xf32, #tpu.memory_space<vmem>>, vector<16xf32>,
        %mul3A_686 = arith.mulf %get3A_685, %select_n3A_653 : vector<16xf32>
        %swap3A_687 = arith.index_cast %add3A_682 : i32 to index
        %swap3A_688 = arith.constant 48 : index
        %swap3A_689 = tpu.vector_load %arg7[%swap3A_687, %swap3A_688] {strides = array<i32>} : memref<832x64xf32, #tpu.memory_space<vmem>>, vector<16xf32>,
        tpu.vector_store %arg7[%swap3A_687, %swap3A_688], %mul3A_686 {strides = array<i32>} : memref<832x64xf32, #tpu.memory_space<vmem>>, vector<16xf32>,
        %add3A_690 = arith.constant 2496 : i32
        %add3A_691 = arith.addi %add3A_690, %mul3A_578 : i32
        %add3A_692 = arith.constant 2 : i32
        %add3A_693 = arith.addi %add3A_691, %add3A_692 : i32
        %broadcast_in_dim3A_694 = vector.broadcast %add3A_693 : i32 to vector<16xi32>
        %gather3A_695 = tpu.vector_load_idx %arg5[%broadcast_in_dim3A_694] : memref<3328xi32, #tpu.memory_space<vmem>>[vector<16xi32>], vector<16xi32>,
        %eq3A_696 = arith.constant 0 : i32
        %eq3A_697 = vector.broadcast %eq3A_696 : i32 to vector<16xi32>
        %eq3A_698 = arith.cmpi eq, %gather3A_695, %eq3A_697 : vector<16xi32>
        %jit3A_699 = arith.constant 0.000000e+00 : f32
        %jit3A_700 = arith.constant 1.000000e+00 : f32
        %broadcast_in_dim3A_701 = vector.broadcast %jit3A_699 : f32 to vector<16xf32>
        %broadcast_in_dim3A_702 = vector.broadcast %jit3A_700 : f32 to vector<16xf32>
        %select_n3A_703 = arith.select %eq3A_698, %broadcast_in_dim3A_701, %broadcast_in_dim3A_702 : vector<16xi1>, vector<16xf32>
        %add3A_704 = arith.constant 2 : i32
        %add3A_705 = arith.addi %mul3A_578, %add3A_704 : i32
        %get3A_706 = arith.index_cast %add3A_705 : i32 to index
        %get3A_707 = arith.constant 0 : index
        %get3A_708 = tpu.vector_load %arg7[%get3A_706, %get3A_707] {strides = array<i32>} : memref<832x64xf32, #tpu.memory_space<vmem>>, vector<16xf32>,
        %mul3A_709 = arith.mulf %get3A_708, %select_n3A_703 : vector<16xf32>
        %swap3A_710 = arith.index_cast %add3A_705 : i32 to index
        %swap3A_711 = arith.constant 0 : index
        %swap3A_712 = tpu.vector_load %arg7[%swap3A_710, %swap3A_711] {strides = array<i32>} : memref<832x64xf32, #tpu.memory_space<vmem>>, vector<16xf32>,
        tpu.vector_store %arg7[%swap3A_710, %swap3A_711], %mul3A_709 {strides = array<i32>} : memref<832x64xf32, #tpu.memory_space<vmem>>, vector<16xf32>,
        %add3A_713 = arith.constant 2 : i32
        %add3A_714 = arith.addi %mul3A_578, %add3A_713 : i32
        %get3A_715 = arith.index_cast %add3A_714 : i32 to index
        %get3A_716 = arith.constant 16 : index
        %get3A_717 = tpu.vector_load %arg7[%get3A_715, %get3A_716] {strides = array<i32>} : memref<832x64xf32, #tpu.memory_space<vmem>>, vector<16xf32>,
        %mul3A_718 = arith.mulf %get3A_717, %select_n3A_703 : vector<16xf32>
        %swap3A_719 = arith.index_cast %add3A_714 : i32 to index
        %swap3A_720 = arith.constant 16 : index
        %swap3A_721 = tpu.vector_load %arg7[%swap3A_719, %swap3A_720] {strides = array<i32>} : memref<832x64xf32, #tpu.memory_space<vmem>>, vector<16xf32>,
        tpu.vector_store %arg7[%swap3A_719, %swap3A_720], %mul3A_718 {strides = array<i32>} : memref<832x64xf32, #tpu.memory_space<vmem>>, vector<16xf32>,
        %add3A_722 = arith.constant 2 : i32
        %add3A_723 = arith.addi %mul3A_578, %add3A_722 : i32
        %get3A_724 = arith.index_cast %add3A_723 : i32 to index
        %get3A_725 = arith.constant 32 : index
        %get3A_726 = tpu.vector_load %arg7[%get3A_724, %get3A_725] {strides = array<i32>} : memref<832x64xf32, #tpu.memory_space<vmem>>, vector<16xf32>,
        %mul3A_727 = arith.mulf %get3A_726, %select_n3A_703 : vector<16xf32>
        %swap3A_728 = arith.index_cast %add3A_723 : i32 to index
        %swap3A_729 = arith.constant 32 : index
        %swap3A_730 = tpu.vector_load %arg7[%swap3A_728, %swap3A_729] {strides = array<i32>} : memref<832x64xf32, #tpu.memory_space<vmem>>, vector<16xf32>,
        tpu.vector_store %arg7[%swap3A_728, %swap3A_729], %mul3A_727 {strides = array<i32>} : memref<832x64xf32, #tpu.memory_space<vmem>>, vector<16xf32>,
        %add3A_731 = arith.constant 2 : i32
        %add3A_732 = arith.addi %mul3A_578, %add3A_731 : i32
        %get3A_733 = arith.index_cast %add3A_732 : i32 to index
        %get3A_734 = arith.constant 48 : index
        %get3A_735 = tpu.vector_load %arg7[%get3A_733, %get3A_734] {strides = array<i32>} : memref<832x64xf32, #tpu.memory_space<vmem>>, vector<16xf32>,
        %mul3A_736 = arith.mulf %get3A_735, %select_n3A_703 : vector<16xf32>
        %swap3A_737 = arith.index_cast %add3A_732 : i32 to index
        %swap3A_738 = arith.constant 48 : index
        %swap3A_739 = tpu.vector_load %arg7[%swap3A_737, %swap3A_738] {strides = array<i32>} : memref<832x64xf32, #tpu.memory_space<vmem>>, vector<16xf32>,
        tpu.vector_store %arg7[%swap3A_737, %swap3A_738], %mul3A_736 {strides = array<i32>} : memref<832x64xf32, #tpu.memory_space<vmem>>, vector<16xf32>,
        %add3A_740 = arith.constant 2496 : i32
        %add3A_741 = arith.addi %add3A_740, %mul3A_578 : i32
        %add3A_742 = arith.constant 3 : i32
        %add3A_743 = arith.addi %add3A_741, %add3A_742 : i32
        %broadcast_in_dim3A_744 = vector.broadcast %add3A_743 : i32 to vector<16xi32>
        %gather3A_745 = tpu.vector_load_idx %arg5[%broadcast_in_dim3A_744] : memref<3328xi32, #tpu.memory_space<vmem>>[vector<16xi32>], vector<16xi32>,
        %eq3A_746 = arith.constant 0 : i32
        %eq3A_747 = vector.broadcast %eq3A_746 : i32 to vector<16xi32>
        %eq3A_748 = arith.cmpi eq, %gather3A_745, %eq3A_747 : vector<16xi32>
        %jit3A_749 = arith.constant 0.000000e+00 : f32
        %jit3A_750 = arith.constant 1.000000e+00 : f32
        %broadcast_in_dim3A_751 = vector.broadcast %jit3A_749 : f32 to vector<16xf32>
        %broadcast_in_dim3A_752 = vector.broadcast %jit3A_750 : f32 to vector<16xf32>
        %select_n3A_753 = arith.select %eq3A_748, %broadcast_in_dim3A_751, %broadcast_in_dim3A_752 : vector<16xi1>, vector<16xf32>
        %add3A_754 = arith.constant 3 : i32
        %add3A_755 = arith.addi %mul3A_578, %add3A_754 : i32
        %get3A_756 = arith.index_cast %add3A_755 : i32 to index
        %get3A_757 = arith.constant 0 : index
        %get3A_758 = tpu.vector_load %arg7[%get3A_756, %get3A_757] {strides = array<i32>} : memref<832x64xf32, #tpu.memory_space<vmem>>, vector<16xf32>,
        %mul3A_759 = arith.mulf %get3A_758, %select_n3A_753 : vector<16xf32>
        %swap3A_760 = arith.index_cast %add3A_755 : i32 to index
        %swap3A_761 = arith.constant 0 : index
        %swap3A_762 = tpu.vector_load %arg7[%swap3A_760, %swap3A_761] {strides = array<i32>} : memref<832x64xf32, #tpu.memory_space<vmem>>, vector<16xf32>,
        tpu.vector_store %arg7[%swap3A_760, %swap3A_761], %mul3A_759 {strides = array<i32>} : memref<832x64xf32, #tpu.memory_space<vmem>>, vector<16xf32>,
        %add3A_763 = arith.constant 3 : i32
        %add3A_764 = arith.addi %mul3A_578, %add3A_763 : i32
        %get3A_765 = arith.index_cast %add3A_764 : i32 to index
        %get3A_766 = arith.constant 16 : index
        %get3A_767 = tpu.vector_load %arg7[%get3A_765, %get3A_766] {strides = array<i32>} : memref<832x64xf32, #tpu.memory_space<vmem>>, vector<16xf32>,
        %mul3A_768 = arith.mulf %get3A_767, %select_n3A_753 : vector<16xf32>
        %swap3A_769 = arith.index_cast %add3A_764 : i32 to index
        %swap3A_770 = arith.constant 16 : index
        %swap3A_771 = tpu.vector_load %arg7[%swap3A_769, %swap3A_770] {strides = array<i32>} : memref<832x64xf32, #tpu.memory_space<vmem>>, vector<16xf32>,
        tpu.vector_store %arg7[%swap3A_769, %swap3A_770], %mul3A_768 {strides = array<i32>} : memref<832x64xf32, #tpu.memory_space<vmem>>, vector<16xf32>,
        %add3A_772 = arith.constant 3 : i32
        %add3A_773 = arith.addi %mul3A_578, %add3A_772 : i32
        %get3A_774 = arith.index_cast %add3A_773 : i32 to index
        %get3A_775 = arith.constant 32 : index
        %get3A_776 = tpu.vector_load %arg7[%get3A_774, %get3A_775] {strides = array<i32>} : memref<832x64xf32, #tpu.memory_space<vmem>>, vector<16xf32>,
        %mul3A_777 = arith.mulf %get3A_776, %select_n3A_753 : vector<16xf32>
        %swap3A_778 = arith.index_cast %add3A_773 : i32 to index
        %swap3A_779 = arith.constant 32 : index
        %swap3A_780 = tpu.vector_load %arg7[%swap3A_778, %swap3A_779] {strides = array<i32>} : memref<832x64xf32, #tpu.memory_space<vmem>>, vector<16xf32>,
        tpu.vector_store %arg7[%swap3A_778, %swap3A_779], %mul3A_777 {strides = array<i32>} : memref<832x64xf32, #tpu.memory_space<vmem>>, vector<16xf32>,
        %add3A_781 = arith.constant 3 : i32
        %add3A_782 = arith.addi %mul3A_578, %add3A_781 : i32
        %get3A_783 = arith.index_cast %add3A_782 : i32 to index
        %get3A_784 = arith.constant 48 : index
        %get3A_785 = tpu.vector_load %arg7[%get3A_783, %get3A_784] {strides = array<i32>} : memref<832x64xf32, #tpu.memory_space<vmem>>, vector<16xf32>,
        %mul3A_786 = arith.mulf %get3A_785, %select_n3A_753 : vector<16xf32>
        %swap3A_787 = arith.index_cast %add3A_782 : i32 to index
        %swap3A_788 = arith.constant 48 : index
        %swap3A_789 = tpu.vector_load %arg7[%swap3A_787, %swap3A_788] {strides = array<i32>} : memref<832x64xf32, #tpu.memory_space<vmem>>, vector<16xf32>,
        tpu.vector_store %arg7[%swap3A_787, %swap3A_788], %mul3A_786 {strides = array<i32>} : memref<832x64xf32, #tpu.memory_space<vmem>>, vector<16xf32>,
        %add3A_790 = arith.constant 2496 : i32
        %add3A_791 = arith.addi %add3A_790, %mul3A_578 : i32
        %add3A_792 = arith.constant 4 : i32
        %add3A_793 = arith.addi %add3A_791, %add3A_792 : i32
        %broadcast_in_dim3A_794 = vector.broadcast %add3A_793 : i32 to vector<16xi32>
        %gather3A_795 = tpu.vector_load_idx %arg5[%broadcast_in_dim3A_794] : memref<3328xi32, #tpu.memory_space<vmem>>[vector<16xi32>], vector<16xi32>,
        %eq3A_796 = arith.constant 0 : i32
        %eq3A_797 = vector.broadcast %eq3A_796 : i32 to vector<16xi32>
        %eq3A_798 = arith.cmpi eq, %gather3A_795, %eq3A_797 : vector<16xi32>
        %jit3A_799 = arith.constant 0.000000e+00 : f32
        %jit3A_800 = arith.constant 1.000000e+00 : f32
        %broadcast_in_dim3A_801 = vector.broadcast %jit3A_799 : f32 to vector<16xf32>
        %broadcast_in_dim3A_802 = vector.broadcast %jit3A_800 : f32 to vector<16xf32>
        %select_n3A_803 = arith.select %eq3A_798, %broadcast_in_dim3A_801, %broadcast_in_dim3A_802 : vector<16xi1>, vector<16xf32>
        %add3A_804 = arith.constant 4 : i32
        %add3A_805 = arith.addi %mul3A_578, %add3A_804 : i32
        %get3A_806 = arith.index_cast %add3A_805 : i32 to index
        %get3A_807 = arith.constant 0 : index
        %get3A_808 = tpu.vector_load %arg7[%get3A_806, %get3A_807] {strides = array<i32>} : memref<832x64xf32, #tpu.memory_space<vmem>>, vector<16xf32>,
        %mul3A_809 = arith.mulf %get3A_808, %select_n3A_803 : vector<16xf32>
        %swap3A_810 = arith.index_cast %add3A_805 : i32 to index
        %swap3A_811 = arith.constant 0 : index
        %swap3A_812 = tpu.vector_load %arg7[%swap3A_810, %swap3A_811] {strides = array<i32>} : memref<832x64xf32, #tpu.memory_space<vmem>>, vector<16xf32>,
        tpu.vector_store %arg7[%swap3A_810, %swap3A_811], %mul3A_809 {strides = array<i32>} : memref<832x64xf32, #tpu.memory_space<vmem>>, vector<16xf32>,
        %add3A_813 = arith.constant 4 : i32
        %add3A_814 = arith.addi %mul3A_578, %add3A_813 : i32
        %get3A_815 = arith.index_cast %add3A_814 : i32 to index
        %get3A_816 = arith.constant 16 : index
        %get3A_817 = tpu.vector_load %arg7[%get3A_815, %get3A_816] {strides = array<i32>} : memref<832x64xf32, #tpu.memory_space<vmem>>, vector<16xf32>,
        %mul3A_818 = arith.mulf %get3A_817, %select_n3A_803 : vector<16xf32>
        %swap3A_819 = arith.index_cast %add3A_814 : i32 to index
        %swap3A_820 = arith.constant 16 : index
        %swap3A_821 = tpu.vector_load %arg7[%swap3A_819, %swap3A_820] {strides = array<i32>} : memref<832x64xf32, #tpu.memory_space<vmem>>, vector<16xf32>,
        tpu.vector_store %arg7[%swap3A_819, %swap3A_820], %mul3A_818 {strides = array<i32>} : memref<832x64xf32, #tpu.memory_space<vmem>>, vector<16xf32>,
        %add3A_822 = arith.constant 4 : i32
        %add3A_823 = arith.addi %mul3A_578, %add3A_822 : i32
        %get3A_824 = arith.index_cast %add3A_823 : i32 to index
        %get3A_825 = arith.constant 32 : index
        %get3A_826 = tpu.vector_load %arg7[%get3A_824, %get3A_825] {strides = array<i32>} : memref<832x64xf32, #tpu.memory_space<vmem>>, vector<16xf32>,
        %mul3A_827 = arith.mulf %get3A_826, %select_n3A_803 : vector<16xf32>
        %swap3A_828 = arith.index_cast %add3A_823 : i32 to index
        %swap3A_829 = arith.constant 32 : index
        %swap3A_830 = tpu.vector_load %arg7[%swap3A_828, %swap3A_829] {strides = array<i32>} : memref<832x64xf32, #tpu.memory_space<vmem>>, vector<16xf32>,
        tpu.vector_store %arg7[%swap3A_828, %swap3A_829], %mul3A_827 {strides = array<i32>} : memref<832x64xf32, #tpu.memory_space<vmem>>, vector<16xf32>,
        %add3A_831 = arith.constant 4 : i32
        %add3A_832 = arith.addi %mul3A_578, %add3A_831 : i32
        %get3A_833 = arith.index_cast %add3A_832 : i32 to index
        %get3A_834 = arith.constant 48 : index
        %get3A_835 = tpu.vector_load %arg7[%get3A_833, %get3A_834] {strides = array<i32>} : memref<832x64xf32, #tpu.memory_space<vmem>>, vector<16xf32>,
        %mul3A_836 = arith.mulf %get3A_835, %select_n3A_803 : vector<16xf32>
        %swap3A_837 = arith.index_cast %add3A_832 : i32 to index
        %swap3A_838 = arith.constant 48 : index
        %swap3A_839 = tpu.vector_load %arg7[%swap3A_837, %swap3A_838] {strides = array<i32>} : memref<832x64xf32, #tpu.memory_space<vmem>>, vector<16xf32>,
        tpu.vector_store %arg7[%swap3A_837, %swap3A_838], %mul3A_836 {strides = array<i32>} : memref<832x64xf32, #tpu.memory_space<vmem>>, vector<16xf32>,
        %add3A_840 = arith.constant 2496 : i32
        %add3A_841 = arith.addi %add3A_840, %mul3A_578 : i32
        %add3A_842 = arith.constant 5 : i32
        %add3A_843 = arith.addi %add3A_841, %add3A_842 : i32
        %broadcast_in_dim3A_844 = vector.broadcast %add3A_843 : i32 to vector<16xi32>
        %gather3A_845 = tpu.vector_load_idx %arg5[%broadcast_in_dim3A_844] : memref<3328xi32, #tpu.memory_space<vmem>>[vector<16xi32>], vector<16xi32>,
        %eq3A_846 = arith.constant 0 : i32
        %eq3A_847 = vector.broadcast %eq3A_846 : i32 to vector<16xi32>
        %eq3A_848 = arith.cmpi eq, %gather3A_845, %eq3A_847 : vector<16xi32>
        %jit3A_849 = arith.constant 0.000000e+00 : f32
        %jit3A_850 = arith.constant 1.000000e+00 : f32
        %broadcast_in_dim3A_851 = vector.broadcast %jit3A_849 : f32 to vector<16xf32>
        %broadcast_in_dim3A_852 = vector.broadcast %jit3A_850 : f32 to vector<16xf32>
        %select_n3A_853 = arith.select %eq3A_848, %broadcast_in_dim3A_851, %broadcast_in_dim3A_852 : vector<16xi1>, vector<16xf32>
        %add3A_854 = arith.constant 5 : i32
        %add3A_855 = arith.addi %mul3A_578, %add3A_854 : i32
        %get3A_856 = arith.index_cast %add3A_855 : i32 to index
        %get3A_857 = arith.constant 0 : index
        %get3A_858 = tpu.vector_load %arg7[%get3A_856, %get3A_857] {strides = array<i32>} : memref<832x64xf32, #tpu.memory_space<vmem>>, vector<16xf32>,
        %mul3A_859 = arith.mulf %get3A_858, %select_n3A_853 : vector<16xf32>
        %swap3A_860 = arith.index_cast %add3A_855 : i32 to index
        %swap3A_861 = arith.constant 0 : index
        %swap3A_862 = tpu.vector_load %arg7[%swap3A_860, %swap3A_861] {strides = array<i32>} : memref<832x64xf32, #tpu.memory_space<vmem>>, vector<16xf32>,
        tpu.vector_store %arg7[%swap3A_860, %swap3A_861], %mul3A_859 {strides = array<i32>} : memref<832x64xf32, #tpu.memory_space<vmem>>, vector<16xf32>,
        %add3A_863 = arith.constant 5 : i32
        %add3A_864 = arith.addi %mul3A_578, %add3A_863 : i32
        %get3A_865 = arith.index_cast %add3A_864 : i32 to index
        %get3A_866 = arith.constant 16 : index
        %get3A_867 = tpu.vector_load %arg7[%get3A_865, %get3A_866] {strides = array<i32>} : memref<832x64xf32, #tpu.memory_space<vmem>>, vector<16xf32>,
        %mul3A_868 = arith.mulf %get3A_867, %select_n3A_853 : vector<16xf32>
        %swap3A_869 = arith.index_cast %add3A_864 : i32 to index
        %swap3A_870 = arith.constant 16 : index
        %swap3A_871 = tpu.vector_load %arg7[%swap3A_869, %swap3A_870] {strides = array<i32>} : memref<832x64xf32, #tpu.memory_space<vmem>>, vector<16xf32>,
        tpu.vector_store %arg7[%swap3A_869, %swap3A_870], %mul3A_868 {strides = array<i32>} : memref<832x64xf32, #tpu.memory_space<vmem>>, vector<16xf32>,
        %add3A_872 = arith.constant 5 : i32
        %add3A_873 = arith.addi %mul3A_578, %add3A_872 : i32
        %get3A_874 = arith.index_cast %add3A_873 : i32 to index
        %get3A_875 = arith.constant 32 : index
        %get3A_876 = tpu.vector_load %arg7[%get3A_874, %get3A_875] {strides = array<i32>} : memref<832x64xf32, #tpu.memory_space<vmem>>, vector<16xf32>,
        %mul3A_877 = arith.mulf %get3A_876, %select_n3A_853 : vector<16xf32>
        %swap3A_878 = arith.index_cast %add3A_873 : i32 to index
        %swap3A_879 = arith.constant 32 : index
        %swap3A_880 = tpu.vector_load %arg7[%swap3A_878, %swap3A_879] {strides = array<i32>} : memref<832x64xf32, #tpu.memory_space<vmem>>, vector<16xf32>,
        tpu.vector_store %arg7[%swap3A_878, %swap3A_879], %mul3A_877 {strides = array<i32>} : memref<832x64xf32, #tpu.memory_space<vmem>>, vector<16xf32>,
        %add3A_881 = arith.constant 5 : i32
        %add3A_882 = arith.addi %mul3A_578, %add3A_881 : i32
        %get3A_883 = arith.index_cast %add3A_882 : i32 to index
        %get3A_884 = arith.constant 48 : index
        %get3A_885 = tpu.vector_load %arg7[%get3A_883, %get3A_884] {strides = array<i32>} : memref<832x64xf32, #tpu.memory_space<vmem>>, vector<16xf32>,
        %mul3A_886 = arith.mulf %get3A_885, %select_n3A_853 : vector<16xf32>
        %swap3A_887 = arith.index_cast %add3A_882 : i32 to index
        %swap3A_888 = arith.constant 48 : index
        %swap3A_889 = tpu.vector_load %arg7[%swap3A_887, %swap3A_888] {strides = array<i32>} : memref<832x64xf32, #tpu.memory_space<vmem>>, vector<16xf32>,
        tpu.vector_store %arg7[%swap3A_887, %swap3A_888], %mul3A_886 {strides = array<i32>} : memref<832x64xf32, #tpu.memory_space<vmem>>, vector<16xf32>,
        %add3A_890 = arith.constant 2496 : i32
        %add3A_891 = arith.addi %add3A_890, %mul3A_578 : i32
        %add3A_892 = arith.constant 6 : i32
        %add3A_893 = arith.addi %add3A_891, %add3A_892 : i32
        %broadcast_in_dim3A_894 = vector.broadcast %add3A_893 : i32 to vector<16xi32>
        %gather3A_895 = tpu.vector_load_idx %arg5[%broadcast_in_dim3A_894] : memref<3328xi32, #tpu.memory_space<vmem>>[vector<16xi32>], vector<16xi32>,
        %eq3A_896 = arith.constant 0 : i32
        %eq3A_897 = vector.broadcast %eq3A_896 : i32 to vector<16xi32>
        %eq3A_898 = arith.cmpi eq, %gather3A_895, %eq3A_897 : vector<16xi32>
        %jit3A_899 = arith.constant 0.000000e+00 : f32
        %jit3A_900 = arith.constant 1.000000e+00 : f32
        %broadcast_in_dim3A_901 = vector.broadcast %jit3A_899 : f32 to vector<16xf32>
        %broadcast_in_dim3A_902 = vector.broadcast %jit3A_900 : f32 to vector<16xf32>
        %select_n3A_903 = arith.select %eq3A_898, %broadcast_in_dim3A_901, %broadcast_in_dim3A_902 : vector<16xi1>, vector<16xf32>
        %add3A_904 = arith.constant 6 : i32
        %add3A_905 = arith.addi %mul3A_578, %add3A_904 : i32
        %get3A_906 = arith.index_cast %add3A_905 : i32 to index
        %get3A_907 = arith.constant 0 : index
        %get3A_908 = tpu.vector_load %arg7[%get3A_906, %get3A_907] {strides = array<i32>} : memref<832x64xf32, #tpu.memory_space<vmem>>, vector<16xf32>,
        %mul3A_909 = arith.mulf %get3A_908, %select_n3A_903 : vector<16xf32>
        %swap3A_910 = arith.index_cast %add3A_905 : i32 to index
        %swap3A_911 = arith.constant 0 : index
        %swap3A_912 = tpu.vector_load %arg7[%swap3A_910, %swap3A_911] {strides = array<i32>} : memref<832x64xf32, #tpu.memory_space<vmem>>, vector<16xf32>,
        tpu.vector_store %arg7[%swap3A_910, %swap3A_911], %mul3A_909 {strides = array<i32>} : memref<832x64xf32, #tpu.memory_space<vmem>>, vector<16xf32>,
        %add3A_913 = arith.constant 6 : i32
        %add3A_914 = arith.addi %mul3A_578, %add3A_913 : i32
        %get3A_915 = arith.index_cast %add3A_914 : i32 to index
        %get3A_916 = arith.constant 16 : index
        %get3A_917 = tpu.vector_load %arg7[%get3A_915, %get3A_916] {strides = array<i32>} : memref<832x64xf32, #tpu.memory_space<vmem>>, vector<16xf32>,
        %mul3A_918 = arith.mulf %get3A_917, %select_n3A_903 : vector<16xf32>
        %swap3A_919 = arith.index_cast %add3A_914 : i32 to index
        %swap3A_920 = arith.constant 16 : index
        %swap3A_921 = tpu.vector_load %arg7[%swap3A_919, %swap3A_920] {strides = array<i32>} : memref<832x64xf32, #tpu.memory_space<vmem>>, vector<16xf32>,
        tpu.vector_store %arg7[%swap3A_919, %swap3A_920], %mul3A_918 {strides = array<i32>} : memref<832x64xf32, #tpu.memory_space<vmem>>, vector<16xf32>,
        %add3A_922 = arith.constant 6 : i32
        %add3A_923 = arith.addi %mul3A_578, %add3A_922 : i32
        %get3A_924 = arith.index_cast %add3A_923 : i32 to index
        %get3A_925 = arith.constant 32 : index
        %get3A_926 = tpu.vector_load %arg7[%get3A_924, %get3A_925] {strides = array<i32>} : memref<832x64xf32, #tpu.memory_space<vmem>>, vector<16xf32>,
        %mul3A_927 = arith.mulf %get3A_926, %select_n3A_903 : vector<16xf32>
        %swap3A_928 = arith.index_cast %add3A_923 : i32 to index
        %swap3A_929 = arith.constant 32 : index
        %swap3A_930 = tpu.vector_load %arg7[%swap3A_928, %swap3A_929] {strides = array<i32>} : memref<832x64xf32, #tpu.memory_space<vmem>>, vector<16xf32>,
        tpu.vector_store %arg7[%swap3A_928, %swap3A_929], %mul3A_927 {strides = array<i32>} : memref<832x64xf32, #tpu.memory_space<vmem>>, vector<16xf32>,
        %add3A_931 = arith.constant 6 : i32
        %add3A_932 = arith.addi %mul3A_578, %add3A_931 : i32
        %get3A_933 = arith.index_cast %add3A_932 : i32 to index
        %get3A_934 = arith.constant 48 : index
        %get3A_935 = tpu.vector_load %arg7[%get3A_933, %get3A_934] {strides = array<i32>} : memref<832x64xf32, #tpu.memory_space<vmem>>, vector<16xf32>,
        %mul3A_936 = arith.mulf %get3A_935, %select_n3A_903 : vector<16xf32>
        %swap3A_937 = arith.index_cast %add3A_932 : i32 to index
        %swap3A_938 = arith.constant 48 : index
        %swap3A_939 = tpu.vector_load %arg7[%swap3A_937, %swap3A_938] {strides = array<i32>} : memref<832x64xf32, #tpu.memory_space<vmem>>, vector<16xf32>,
        tpu.vector_store %arg7[%swap3A_937, %swap3A_938], %mul3A_936 {strides = array<i32>} : memref<832x64xf32, #tpu.memory_space<vmem>>, vector<16xf32>,
        %add3A_940 = arith.constant 2496 : i32
        %add3A_941 = arith.addi %add3A_940, %mul3A_578 : i32
        %add3A_942 = arith.constant 7 : i32
        %add3A_943 = arith.addi %add3A_941, %add3A_942 : i32
        %broadcast_in_dim3A_944 = vector.broadcast %add3A_943 : i32 to vector<16xi32>
        %gather3A_945 = tpu.vector_load_idx %arg5[%broadcast_in_dim3A_944] : memref<3328xi32, #tpu.memory_space<vmem>>[vector<16xi32>], vector<16xi32>,
        %eq3A_946 = arith.constant 0 : i32
        %eq3A_947 = vector.broadcast %eq3A_946 : i32 to vector<16xi32>
        %eq3A_948 = arith.cmpi eq, %gather3A_945, %eq3A_947 : vector<16xi32>
        %jit3A_949 = arith.constant 0.000000e+00 : f32
        %jit3A_950 = arith.constant 1.000000e+00 : f32
        %broadcast_in_dim3A_951 = vector.broadcast %jit3A_949 : f32 to vector<16xf32>
        %broadcast_in_dim3A_952 = vector.broadcast %jit3A_950 : f32 to vector<16xf32>
        %select_n3A_953 = arith.select %eq3A_948, %broadcast_in_dim3A_951, %broadcast_in_dim3A_952 : vector<16xi1>, vector<16xf32>
        %add3A_954 = arith.constant 7 : i32
        %add3A_955 = arith.addi %mul3A_578, %add3A_954 : i32
        %get3A_956 = arith.index_cast %add3A_955 : i32 to index
        %get3A_957 = arith.constant 0 : index
        %get3A_958 = tpu.vector_load %arg7[%get3A_956, %get3A_957] {strides = array<i32>} : memref<832x64xf32, #tpu.memory_space<vmem>>, vector<16xf32>,
        %mul3A_959 = arith.mulf %get3A_958, %select_n3A_953 : vector<16xf32>
        %swap3A_960 = arith.index_cast %add3A_955 : i32 to index
        %swap3A_961 = arith.constant 0 : index
        %swap3A_962 = tpu.vector_load %arg7[%swap3A_960, %swap3A_961] {strides = array<i32>} : memref<832x64xf32, #tpu.memory_space<vmem>>, vector<16xf32>,
        tpu.vector_store %arg7[%swap3A_960, %swap3A_961], %mul3A_959 {strides = array<i32>} : memref<832x64xf32, #tpu.memory_space<vmem>>, vector<16xf32>,
        %add3A_963 = arith.constant 7 : i32
        %add3A_964 = arith.addi %mul3A_578, %add3A_963 : i32
        %get3A_965 = arith.index_cast %add3A_964 : i32 to index
        %get3A_966 = arith.constant 16 : index
        %get3A_967 = tpu.vector_load %arg7[%get3A_965, %get3A_966] {strides = array<i32>} : memref<832x64xf32, #tpu.memory_space<vmem>>, vector<16xf32>,
        %mul3A_968 = arith.mulf %get3A_967, %select_n3A_953 : vector<16xf32>
        %swap3A_969 = arith.index_cast %add3A_964 : i32 to index
        %swap3A_970 = arith.constant 16 : index
        %swap3A_971 = tpu.vector_load %arg7[%swap3A_969, %swap3A_970] {strides = array<i32>} : memref<832x64xf32, #tpu.memory_space<vmem>>, vector<16xf32>,
        tpu.vector_store %arg7[%swap3A_969, %swap3A_970], %mul3A_968 {strides = array<i32>} : memref<832x64xf32, #tpu.memory_space<vmem>>, vector<16xf32>,
        %add3A_972 = arith.constant 7 : i32
        %add3A_973 = arith.addi %mul3A_578, %add3A_972 : i32
        %get3A_974 = arith.index_cast %add3A_973 : i32 to index
        %get3A_975 = arith.constant 32 : index
        %get3A_976 = tpu.vector_load %arg7[%get3A_974, %get3A_975] {strides = array<i32>} : memref<832x64xf32, #tpu.memory_space<vmem>>, vector<16xf32>,
        %mul3A_977 = arith.mulf %get3A_976, %select_n3A_953 : vector<16xf32>
        %swap3A_978 = arith.index_cast %add3A_973 : i32 to index
        %swap3A_979 = arith.constant 32 : index
        %swap3A_980 = tpu.vector_load %arg7[%swap3A_978, %swap3A_979] {strides = array<i32>} : memref<832x64xf32, #tpu.memory_space<vmem>>, vector<16xf32>,
        tpu.vector_store %arg7[%swap3A_978, %swap3A_979], %mul3A_977 {strides = array<i32>} : memref<832x64xf32, #tpu.memory_space<vmem>>, vector<16xf32>,
        %add3A_981 = arith.constant 7 : i32
        %add3A_982 = arith.addi %mul3A_578, %add3A_981 : i32
        %get3A_983 = arith.index_cast %add3A_982 : i32 to index
        %get3A_984 = arith.constant 48 : index
        %get3A_985 = tpu.vector_load %arg7[%get3A_983, %get3A_984] {strides = array<i32>} : memref<832x64xf32, #tpu.memory_space<vmem>>, vector<16xf32>,
        %mul3A_986 = arith.mulf %get3A_985, %select_n3A_953 : vector<16xf32>
        %swap3A_987 = arith.index_cast %add3A_982 : i32 to index
        %swap3A_988 = arith.constant 48 : index
        %swap3A_989 = tpu.vector_load %arg7[%swap3A_987, %swap3A_988] {strides = array<i32>} : memref<832x64xf32, #tpu.memory_space<vmem>>, vector<16xf32>,
        tpu.vector_store %arg7[%swap3A_987, %swap3A_988], %mul3A_986 {strides = array<i32>} : memref<832x64xf32, #tpu.memory_space<vmem>>, vector<16xf32>,
        %add3A_990 = arith.constant 2496 : i32
        %add3A_991 = arith.addi %add3A_990, %mul3A_578 : i32
        %add3A_992 = arith.constant 8 : i32
        %add3A_993 = arith.addi %add3A_991, %add3A_992 : i32
        %broadcast_in_dim3A_994 = vector.broadcast %add3A_993 : i32 to vector<16xi32>
        %gather3A_995 = tpu.vector_load_idx %arg5[%broadcast_in_dim3A_994] : memref<3328xi32, #tpu.memory_space<vmem>>[vector<16xi32>], vector<16xi32>,
        %eq3A_996 = arith.constant 0 : i32
        %eq3A_997 = vector.broadcast %eq3A_996 : i32 to vector<16xi32>
        %eq3A_998 = arith.cmpi eq, %gather3A_995, %eq3A_997 : vector<16xi32>
        %jit3A_999 = arith.constant 0.000000e+00 : f32
        %jit3A_1000 = arith.constant 1.000000e+00 : f32
        %broadcast_in_dim3A_1001 = vector.broadcast %jit3A_999 : f32 to vector<16xf32>
        %broadcast_in_dim3A_1002 = vector.broadcast %jit3A_1000 : f32 to vector<16xf32>
        %select_n3A_1003 = arith.select %eq3A_998, %broadcast_in_dim3A_1001, %broadcast_in_dim3A_1002 : vector<16xi1>, vector<16xf32>
        %add3A_1004 = arith.constant 8 : i32
        %add3A_1005 = arith.addi %mul3A_578, %add3A_1004 : i32
        %get3A_1006 = arith.index_cast %add3A_1005 : i32 to index
        %get3A_1007 = arith.constant 0 : index
        %get3A_1008 = tpu.vector_load %arg7[%get3A_1006, %get3A_1007] {strides = array<i32>} : memref<832x64xf32, #tpu.memory_space<vmem>>, vector<16xf32>,
        %mul3A_1009 = arith.mulf %get3A_1008, %select_n3A_1003 : vector<16xf32>
        %swap3A_1010 = arith.index_cast %add3A_1005 : i32 to index
        %swap3A_1011 = arith.constant 0 : index
        %swap3A_1012 = tpu.vector_load %arg7[%swap3A_1010, %swap3A_1011] {strides = array<i32>} : memref<832x64xf32, #tpu.memory_space<vmem>>, vector<16xf32>,
        tpu.vector_store %arg7[%swap3A_1010, %swap3A_1011], %mul3A_1009 {strides = array<i32>} : memref<832x64xf32, #tpu.memory_space<vmem>>, vector<16xf32>,
        %add3A_1013 = arith.constant 8 : i32
        %add3A_1014 = arith.addi %mul3A_578, %add3A_1013 : i32
        %get3A_1015 = arith.index_cast %add3A_1014 : i32 to index
        %get3A_1016 = arith.constant 16 : index
        %get3A_1017 = tpu.vector_load %arg7[%get3A_1015, %get3A_1016] {strides = array<i32>} : memref<832x64xf32, #tpu.memory_space<vmem>>, vector<16xf32>,
        %mul3A_1018 = arith.mulf %get3A_1017, %select_n3A_1003 : vector<16xf32>
        %swap3A_1019 = arith.index_cast %add3A_1014 : i32 to index
        %swap3A_1020 = arith.constant 16 : index
        %swap3A_1021 = tpu.vector_load %arg7[%swap3A_1019, %swap3A_1020] {strides = array<i32>} : memref<832x64xf32, #tpu.memory_space<vmem>>, vector<16xf32>,
        tpu.vector_store %arg7[%swap3A_1019, %swap3A_1020], %mul3A_1018 {strides = array<i32>} : memref<832x64xf32, #tpu.memory_space<vmem>>, vector<16xf32>,
        %add3A_1022 = arith.constant 8 : i32
        %add3A_1023 = arith.addi %mul3A_578, %add3A_1022 : i32
        %get3A_1024 = arith.index_cast %add3A_1023 : i32 to index
        %get3A_1025 = arith.constant 32 : index
        %get3A_1026 = tpu.vector_load %arg7[%get3A_1024, %get3A_1025] {strides = array<i32>} : memref<832x64xf32, #tpu.memory_space<vmem>>, vector<16xf32>,
        %mul3A_1027 = arith.mulf %get3A_1026, %select_n3A_1003 : vector<16xf32>
        %swap3A_1028 = arith.index_cast %add3A_1023 : i32 to index
        %swap3A_1029 = arith.constant 32 : index
        %swap3A_1030 = tpu.vector_load %arg7[%swap3A_1028, %swap3A_1029] {strides = array<i32>} : memref<832x64xf32, #tpu.memory_space<vmem>>, vector<16xf32>,
        tpu.vector_store %arg7[%swap3A_1028, %swap3A_1029], %mul3A_1027 {strides = array<i32>} : memref<832x64xf32, #tpu.memory_space<vmem>>, vector<16xf32>,
        %add3A_1031 = arith.constant 8 : i32
        %add3A_1032 = arith.addi %mul3A_578, %add3A_1031 : i32
        %get3A_1033 = arith.index_cast %add3A_1032 : i32 to index
        %get3A_1034 = arith.constant 48 : index
        %get3A_1035 = tpu.vector_load %arg7[%get3A_1033, %get3A_1034] {strides = array<i32>} : memref<832x64xf32, #tpu.memory_space<vmem>>, vector<16xf32>,
        %mul3A_1036 = arith.mulf %get3A_1035, %select_n3A_1003 : vector<16xf32>
        %swap3A_1037 = arith.index_cast %add3A_1032 : i32 to index
        %swap3A_1038 = arith.constant 48 : index
        %swap3A_1039 = tpu.vector_load %arg7[%swap3A_1037, %swap3A_1038] {strides = array<i32>} : memref<832x64xf32, #tpu.memory_space<vmem>>, vector<16xf32>,
        tpu.vector_store %arg7[%swap3A_1037, %swap3A_1038], %mul3A_1036 {strides = array<i32>} : memref<832x64xf32, #tpu.memory_space<vmem>>, vector<16xf32>,
        %add3A_1040 = arith.constant 2496 : i32
        %add3A_1041 = arith.addi %add3A_1040, %mul3A_578 : i32
        %add3A_1042 = arith.constant 9 : i32
        %add3A_1043 = arith.addi %add3A_1041, %add3A_1042 : i32
        %broadcast_in_dim3A_1044 = vector.broadcast %add3A_1043 : i32 to vector<16xi32>
        %gather3A_1045 = tpu.vector_load_idx %arg5[%broadcast_in_dim3A_1044] : memref<3328xi32, #tpu.memory_space<vmem>>[vector<16xi32>], vector<16xi32>,
        %eq3A_1046 = arith.constant 0 : i32
        %eq3A_1047 = vector.broadcast %eq3A_1046 : i32 to vector<16xi32>
        %eq3A_1048 = arith.cmpi eq, %gather3A_1045, %eq3A_1047 : vector<16xi32>
        %jit3A_1049 = arith.constant 0.000000e+00 : f32
        %jit3A_1050 = arith.constant 1.000000e+00 : f32
        %broadcast_in_dim3A_1051 = vector.broadcast %jit3A_1049 : f32 to vector<16xf32>
        %broadcast_in_dim3A_1052 = vector.broadcast %jit3A_1050 : f32 to vector<16xf32>
        %select_n3A_1053 = arith.select %eq3A_1048, %broadcast_in_dim3A_1051, %broadcast_in_dim3A_1052 : vector<16xi1>, vector<16xf32>
        %add3A_1054 = arith.constant 9 : i32
        %add3A_1055 = arith.addi %mul3A_578, %add3A_1054 : i32
        %get3A_1056 = arith.index_cast %add3A_1055 : i32 to index
        %get3A_1057 = arith.constant 0 : index
        %get3A_1058 = tpu.vector_load %arg7[%get3A_1056, %get3A_1057] {strides = array<i32>} : memref<832x64xf32, #tpu.memory_space<vmem>>, vector<16xf32>,
        %mul3A_1059 = arith.mulf %get3A_1058, %select_n3A_1053 : vector<16xf32>
        %swap3A_1060 = arith.index_cast %add3A_1055 : i32 to index
        %swap3A_1061 = arith.constant 0 : index
        %swap3A_1062 = tpu.vector_load %arg7[%swap3A_1060, %swap3A_1061] {strides = array<i32>} : memref<832x64xf32, #tpu.memory_space<vmem>>, vector<16xf32>,
        tpu.vector_store %arg7[%swap3A_1060, %swap3A_1061], %mul3A_1059 {strides = array<i32>} : memref<832x64xf32, #tpu.memory_space<vmem>>, vector<16xf32>,
        %add3A_1063 = arith.constant 9 : i32
        %add3A_1064 = arith.addi %mul3A_578, %add3A_1063 : i32
        %get3A_1065 = arith.index_cast %add3A_1064 : i32 to index
        %get3A_1066 = arith.constant 16 : index
        %get3A_1067 = tpu.vector_load %arg7[%get3A_1065, %get3A_1066] {strides = array<i32>} : memref<832x64xf32, #tpu.memory_space<vmem>>, vector<16xf32>,
        %mul3A_1068 = arith.mulf %get3A_1067, %select_n3A_1053 : vector<16xf32>
        %swap3A_1069 = arith.index_cast %add3A_1064 : i32 to index
        %swap3A_1070 = arith.constant 16 : index
        %swap3A_1071 = tpu.vector_load %arg7[%swap3A_1069, %swap3A_1070] {strides = array<i32>} : memref<832x64xf32, #tpu.memory_space<vmem>>, vector<16xf32>,
        tpu.vector_store %arg7[%swap3A_1069, %swap3A_1070], %mul3A_1068 {strides = array<i32>} : memref<832x64xf32, #tpu.memory_space<vmem>>, vector<16xf32>,
        %add3A_1072 = arith.constant 9 : i32
        %add3A_1073 = arith.addi %mul3A_578, %add3A_1072 : i32
        %get3A_1074 = arith.index_cast %add3A_1073 : i32 to index
        %get3A_1075 = arith.constant 32 : index
        %get3A_1076 = tpu.vector_load %arg7[%get3A_1074, %get3A_1075] {strides = array<i32>} : memref<832x64xf32, #tpu.memory_space<vmem>>, vector<16xf32>,
        %mul3A_1077 = arith.mulf %get3A_1076, %select_n3A_1053 : vector<16xf32>
        %swap3A_1078 = arith.index_cast %add3A_1073 : i32 to index
        %swap3A_1079 = arith.constant 32 : index
        %swap3A_1080 = tpu.vector_load %arg7[%swap3A_1078, %swap3A_1079] {strides = array<i32>} : memref<832x64xf32, #tpu.memory_space<vmem>>, vector<16xf32>,
        tpu.vector_store %arg7[%swap3A_1078, %swap3A_1079], %mul3A_1077 {strides = array<i32>} : memref<832x64xf32, #tpu.memory_space<vmem>>, vector<16xf32>,
        %add3A_1081 = arith.constant 9 : i32
        %add3A_1082 = arith.addi %mul3A_578, %add3A_1081 : i32
        %get3A_1083 = arith.index_cast %add3A_1082 : i32 to index
        %get3A_1084 = arith.constant 48 : index
        %get3A_1085 = tpu.vector_load %arg7[%get3A_1083, %get3A_1084] {strides = array<i32>} : memref<832x64xf32, #tpu.memory_space<vmem>>, vector<16xf32>,
        %mul3A_1086 = arith.mulf %get3A_1085, %select_n3A_1053 : vector<16xf32>
        %swap3A_1087 = arith.index_cast %add3A_1082 : i32 to index
        %swap3A_1088 = arith.constant 48 : index
        %swap3A_1089 = tpu.vector_load %arg7[%swap3A_1087, %swap3A_1088] {strides = array<i32>} : memref<832x64xf32, #tpu.memory_space<vmem>>, vector<16xf32>,
        tpu.vector_store %arg7[%swap3A_1087, %swap3A_1088], %mul3A_1086 {strides = array<i32>} : memref<832x64xf32, #tpu.memory_space<vmem>>, vector<16xf32>,
        %add3A_1090 = arith.constant 2496 : i32
        %add3A_1091 = arith.addi %add3A_1090, %mul3A_578 : i32
        %add3A_1092 = arith.constant 10 : i32
        %add3A_1093 = arith.addi %add3A_1091, %add3A_1092 : i32
        %broadcast_in_dim3A_1094 = vector.broadcast %add3A_1093 : i32 to vector<16xi32>
        %gather3A_1095 = tpu.vector_load_idx %arg5[%broadcast_in_dim3A_1094] : memref<3328xi32, #tpu.memory_space<vmem>>[vector<16xi32>], vector<16xi32>,
        %eq3A_1096 = arith.constant 0 : i32
        %eq3A_1097 = vector.broadcast %eq3A_1096 : i32 to vector<16xi32>
        %eq3A_1098 = arith.cmpi eq, %gather3A_1095, %eq3A_1097 : vector<16xi32>
        %jit3A_1099 = arith.constant 0.000000e+00 : f32
        %jit3A_1100 = arith.constant 1.000000e+00 : f32
        %broadcast_in_dim3A_1101 = vector.broadcast %jit3A_1099 : f32 to vector<16xf32>
        %broadcast_in_dim3A_1102 = vector.broadcast %jit3A_1100 : f32 to vector<16xf32>
        %select_n3A_1103 = arith.select %eq3A_1098, %broadcast_in_dim3A_1101, %broadcast_in_dim3A_1102 : vector<16xi1>, vector<16xf32>
        %add3A_1104 = arith.constant 10 : i32
        %add3A_1105 = arith.addi %mul3A_578, %add3A_1104 : i32
        %get3A_1106 = arith.index_cast %add3A_1105 : i32 to index
        %get3A_1107 = arith.constant 0 : index
        %get3A_1108 = tpu.vector_load %arg7[%get3A_1106, %get3A_1107] {strides = array<i32>} : memref<832x64xf32, #tpu.memory_space<vmem>>, vector<16xf32>,
        %mul3A_1109 = arith.mulf %get3A_1108, %select_n3A_1103 : vector<16xf32>
        %swap3A_1110 = arith.index_cast %add3A_1105 : i32 to index
        %swap3A_1111 = arith.constant 0 : index
        %swap3A_1112 = tpu.vector_load %arg7[%swap3A_1110, %swap3A_1111] {strides = array<i32>} : memref<832x64xf32, #tpu.memory_space<vmem>>, vector<16xf32>,
        tpu.vector_store %arg7[%swap3A_1110, %swap3A_1111], %mul3A_1109 {strides = array<i32>} : memref<832x64xf32, #tpu.memory_space<vmem>>, vector<16xf32>,
        %add3A_1113 = arith.constant 10 : i32
        %add3A_1114 = arith.addi %mul3A_578, %add3A_1113 : i32
        %get3A_1115 = arith.index_cast %add3A_1114 : i32 to index
        %get3A_1116 = arith.constant 16 : index
        %get3A_1117 = tpu.vector_load %arg7[%get3A_1115, %get3A_1116] {strides = array<i32>} : memref<832x64xf32, #tpu.memory_space<vmem>>, vector<16xf32>,
        %mul3A_1118 = arith.mulf %get3A_1117, %select_n3A_1103 : vector<16xf32>
        %swap3A_1119 = arith.index_cast %add3A_1114 : i32 to index
        %swap3A_1120 = arith.constant 16 : index
        %swap3A_1121 = tpu.vector_load %arg7[%swap3A_1119, %swap3A_1120] {strides = array<i32>} : memref<832x64xf32, #tpu.memory_space<vmem>>, vector<16xf32>,
        tpu.vector_store %arg7[%swap3A_1119, %swap3A_1120], %mul3A_1118 {strides = array<i32>} : memref<832x64xf32, #tpu.memory_space<vmem>>, vector<16xf32>,
        %add3A_1122 = arith.constant 10 : i32
        %add3A_1123 = arith.addi %mul3A_578, %add3A_1122 : i32
        %get3A_1124 = arith.index_cast %add3A_1123 : i32 to index
        %get3A_1125 = arith.constant 32 : index
        %get3A_1126 = tpu.vector_load %arg7[%get3A_1124, %get3A_1125] {strides = array<i32>} : memref<832x64xf32, #tpu.memory_space<vmem>>, vector<16xf32>,
        %mul3A_1127 = arith.mulf %get3A_1126, %select_n3A_1103 : vector<16xf32>
        %swap3A_1128 = arith.index_cast %add3A_1123 : i32 to index
        %swap3A_1129 = arith.constant 32 : index
        %swap3A_1130 = tpu.vector_load %arg7[%swap3A_1128, %swap3A_1129] {strides = array<i32>} : memref<832x64xf32, #tpu.memory_space<vmem>>, vector<16xf32>,
        tpu.vector_store %arg7[%swap3A_1128, %swap3A_1129], %mul3A_1127 {strides = array<i32>} : memref<832x64xf32, #tpu.memory_space<vmem>>, vector<16xf32>,
        %add3A_1131 = arith.constant 10 : i32
        %add3A_1132 = arith.addi %mul3A_578, %add3A_1131 : i32
        %get3A_1133 = arith.index_cast %add3A_1132 : i32 to index
        %get3A_1134 = arith.constant 48 : index
        %get3A_1135 = tpu.vector_load %arg7[%get3A_1133, %get3A_1134] {strides = array<i32>} : memref<832x64xf32, #tpu.memory_space<vmem>>, vector<16xf32>,
        %mul3A_1136 = arith.mulf %get3A_1135, %select_n3A_1103 : vector<16xf32>
        %swap3A_1137 = arith.index_cast %add3A_1132 : i32 to index
        %swap3A_1138 = arith.constant 48 : index
        %swap3A_1139 = tpu.vector_load %arg7[%swap3A_1137, %swap3A_1138] {strides = array<i32>} : memref<832x64xf32, #tpu.memory_space<vmem>>, vector<16xf32>,
        tpu.vector_store %arg7[%swap3A_1137, %swap3A_1138], %mul3A_1136 {strides = array<i32>} : memref<832x64xf32, #tpu.memory_space<vmem>>, vector<16xf32>,
        %add3A_1140 = arith.constant 2496 : i32
        %add3A_1141 = arith.addi %add3A_1140, %mul3A_578 : i32
        %add3A_1142 = arith.constant 11 : i32
        %add3A_1143 = arith.addi %add3A_1141, %add3A_1142 : i32
        %broadcast_in_dim3A_1144 = vector.broadcast %add3A_1143 : i32 to vector<16xi32>
        %gather3A_1145 = tpu.vector_load_idx %arg5[%broadcast_in_dim3A_1144] : memref<3328xi32, #tpu.memory_space<vmem>>[vector<16xi32>], vector<16xi32>,
        %eq3A_1146 = arith.constant 0 : i32
        %eq3A_1147 = vector.broadcast %eq3A_1146 : i32 to vector<16xi32>
        %eq3A_1148 = arith.cmpi eq, %gather3A_1145, %eq3A_1147 : vector<16xi32>
        %jit3A_1149 = arith.constant 0.000000e+00 : f32
        %jit3A_1150 = arith.constant 1.000000e+00 : f32
        %broadcast_in_dim3A_1151 = vector.broadcast %jit3A_1149 : f32 to vector<16xf32>
        %broadcast_in_dim3A_1152 = vector.broadcast %jit3A_1150 : f32 to vector<16xf32>
        %select_n3A_1153 = arith.select %eq3A_1148, %broadcast_in_dim3A_1151, %broadcast_in_dim3A_1152 : vector<16xi1>, vector<16xf32>
        %add3A_1154 = arith.constant 11 : i32
        %add3A_1155 = arith.addi %mul3A_578, %add3A_1154 : i32
        %get3A_1156 = arith.index_cast %add3A_1155 : i32 to index
        %get3A_1157 = arith.constant 0 : index
        %get3A_1158 = tpu.vector_load %arg7[%get3A_1156, %get3A_1157] {strides = array<i32>} : memref<832x64xf32, #tpu.memory_space<vmem>>, vector<16xf32>,
        %mul3A_1159 = arith.mulf %get3A_1158, %select_n3A_1153 : vector<16xf32>
        %swap3A_1160 = arith.index_cast %add3A_1155 : i32 to index
        %swap3A_1161 = arith.constant 0 : index
        %swap3A_1162 = tpu.vector_load %arg7[%swap3A_1160, %swap3A_1161] {strides = array<i32>} : memref<832x64xf32, #tpu.memory_space<vmem>>, vector<16xf32>,
        tpu.vector_store %arg7[%swap3A_1160, %swap3A_1161], %mul3A_1159 {strides = array<i32>} : memref<832x64xf32, #tpu.memory_space<vmem>>, vector<16xf32>,
        %add3A_1163 = arith.constant 11 : i32
        %add3A_1164 = arith.addi %mul3A_578, %add3A_1163 : i32
        %get3A_1165 = arith.index_cast %add3A_1164 : i32 to index
        %get3A_1166 = arith.constant 16 : index
        %get3A_1167 = tpu.vector_load %arg7[%get3A_1165, %get3A_1166] {strides = array<i32>} : memref<832x64xf32, #tpu.memory_space<vmem>>, vector<16xf32>,
        %mul3A_1168 = arith.mulf %get3A_1167, %select_n3A_1153 : vector<16xf32>
        %swap3A_1169 = arith.index_cast %add3A_1164 : i32 to index
        %swap3A_1170 = arith.constant 16 : index
        %swap3A_1171 = tpu.vector_load %arg7[%swap3A_1169, %swap3A_1170] {strides = array<i32>} : memref<832x64xf32, #tpu.memory_space<vmem>>, vector<16xf32>,
        tpu.vector_store %arg7[%swap3A_1169, %swap3A_1170], %mul3A_1168 {strides = array<i32>} : memref<832x64xf32, #tpu.memory_space<vmem>>, vector<16xf32>,
        %add3A_1172 = arith.constant 11 : i32
        %add3A_1173 = arith.addi %mul3A_578, %add3A_1172 : i32
        %get3A_1174 = arith.index_cast %add3A_1173 : i32 to index
        %get3A_1175 = arith.constant 32 : index
        %get3A_1176 = tpu.vector_load %arg7[%get3A_1174, %get3A_1175] {strides = array<i32>} : memref<832x64xf32, #tpu.memory_space<vmem>>, vector<16xf32>,
        %mul3A_1177 = arith.mulf %get3A_1176, %select_n3A_1153 : vector<16xf32>
        %swap3A_1178 = arith.index_cast %add3A_1173 : i32 to index
        %swap3A_1179 = arith.constant 32 : index
        %swap3A_1180 = tpu.vector_load %arg7[%swap3A_1178, %swap3A_1179] {strides = array<i32>} : memref<832x64xf32, #tpu.memory_space<vmem>>, vector<16xf32>,
        tpu.vector_store %arg7[%swap3A_1178, %swap3A_1179], %mul3A_1177 {strides = array<i32>} : memref<832x64xf32, #tpu.memory_space<vmem>>, vector<16xf32>,
        %add3A_1181 = arith.constant 11 : i32
        %add3A_1182 = arith.addi %mul3A_578, %add3A_1181 : i32
        %get3A_1183 = arith.index_cast %add3A_1182 : i32 to index
        %get3A_1184 = arith.constant 48 : index
        %get3A_1185 = tpu.vector_load %arg7[%get3A_1183, %get3A_1184] {strides = array<i32>} : memref<832x64xf32, #tpu.memory_space<vmem>>, vector<16xf32>,
        %mul3A_1186 = arith.mulf %get3A_1185, %select_n3A_1153 : vector<16xf32>
        %swap3A_1187 = arith.index_cast %add3A_1182 : i32 to index
        %swap3A_1188 = arith.constant 48 : index
        %swap3A_1189 = tpu.vector_load %arg7[%swap3A_1187, %swap3A_1188] {strides = array<i32>} : memref<832x64xf32, #tpu.memory_space<vmem>>, vector<16xf32>,
        tpu.vector_store %arg7[%swap3A_1187, %swap3A_1188], %mul3A_1186 {strides = array<i32>} : memref<832x64xf32, #tpu.memory_space<vmem>>, vector<16xf32>,
        %add3A_1190 = arith.constant 2496 : i32
        %add3A_1191 = arith.addi %add3A_1190, %mul3A_578 : i32
        %add3A_1192 = arith.constant 12 : i32
        %add3A_1193 = arith.addi %add3A_1191, %add3A_1192 : i32
        %broadcast_in_dim3A_1194 = vector.broadcast %add3A_1193 : i32 to vector<16xi32>
        %gather3A_1195 = tpu.vector_load_idx %arg5[%broadcast_in_dim3A_1194] : memref<3328xi32, #tpu.memory_space<vmem>>[vector<16xi32>], vector<16xi32>,
        %eq3A_1196 = arith.constant 0 : i32
        %eq3A_1197 = vector.broadcast %eq3A_1196 : i32 to vector<16xi32>
        %eq3A_1198 = arith.cmpi eq, %gather3A_1195, %eq3A_1197 : vector<16xi32>
        %jit3A_1199 = arith.constant 0.000000e+00 : f32
        %jit3A_1200 = arith.constant 1.000000e+00 : f32
        %broadcast_in_dim3A_1201 = vector.broadcast %jit3A_1199 : f32 to vector<16xf32>
        %broadcast_in_dim3A_1202 = vector.broadcast %jit3A_1200 : f32 to vector<16xf32>
        %select_n3A_1203 = arith.select %eq3A_1198, %broadcast_in_dim3A_1201, %broadcast_in_dim3A_1202 : vector<16xi1>, vector<16xf32>
        %add3A_1204 = arith.constant 12 : i32
        %add3A_1205 = arith.addi %mul3A_578, %add3A_1204 : i32
        %get3A_1206 = arith.index_cast %add3A_1205 : i32 to index
        %get3A_1207 = arith.constant 0 : index
        %get3A_1208 = tpu.vector_load %arg7[%get3A_1206, %get3A_1207] {strides = array<i32>} : memref<832x64xf32, #tpu.memory_space<vmem>>, vector<16xf32>,
        %mul3A_1209 = arith.mulf %get3A_1208, %select_n3A_1203 : vector<16xf32>
        %swap3A_1210 = arith.index_cast %add3A_1205 : i32 to index
        %swap3A_1211 = arith.constant 0 : index
        %swap3A_1212 = tpu.vector_load %arg7[%swap3A_1210, %swap3A_1211] {strides = array<i32>} : memref<832x64xf32, #tpu.memory_space<vmem>>, vector<16xf32>,
        tpu.vector_store %arg7[%swap3A_1210, %swap3A_1211], %mul3A_1209 {strides = array<i32>} : memref<832x64xf32, #tpu.memory_space<vmem>>, vector<16xf32>,
        %add3A_1213 = arith.constant 12 : i32
        %add3A_1214 = arith.addi %mul3A_578, %add3A_1213 : i32
        %get3A_1215 = arith.index_cast %add3A_1214 : i32 to index
        %get3A_1216 = arith.constant 16 : index
        %get3A_1217 = tpu.vector_load %arg7[%get3A_1215, %get3A_1216] {strides = array<i32>} : memref<832x64xf32, #tpu.memory_space<vmem>>, vector<16xf32>,
        %mul3A_1218 = arith.mulf %get3A_1217, %select_n3A_1203 : vector<16xf32>
        %swap3A_1219 = arith.index_cast %add3A_1214 : i32 to index
        %swap3A_1220 = arith.constant 16 : index
        %swap3A_1221 = tpu.vector_load %arg7[%swap3A_1219, %swap3A_1220] {strides = array<i32>} : memref<832x64xf32, #tpu.memory_space<vmem>>, vector<16xf32>,
        tpu.vector_store %arg7[%swap3A_1219, %swap3A_1220], %mul3A_1218 {strides = array<i32>} : memref<832x64xf32, #tpu.memory_space<vmem>>, vector<16xf32>,
        %add3A_1222 = arith.constant 12 : i32
        %add3A_1223 = arith.addi %mul3A_578, %add3A_1222 : i32
        %get3A_1224 = arith.index_cast %add3A_1223 : i32 to index
        %get3A_1225 = arith.constant 32 : index
        %get3A_1226 = tpu.vector_load %arg7[%get3A_1224, %get3A_1225] {strides = array<i32>} : memref<832x64xf32, #tpu.memory_space<vmem>>, vector<16xf32>,
        %mul3A_1227 = arith.mulf %get3A_1226, %select_n3A_1203 : vector<16xf32>
        %swap3A_1228 = arith.index_cast %add3A_1223 : i32 to index
        %swap3A_1229 = arith.constant 32 : index
        %swap3A_1230 = tpu.vector_load %arg7[%swap3A_1228, %swap3A_1229] {strides = array<i32>} : memref<832x64xf32, #tpu.memory_space<vmem>>, vector<16xf32>,
        tpu.vector_store %arg7[%swap3A_1228, %swap3A_1229], %mul3A_1227 {strides = array<i32>} : memref<832x64xf32, #tpu.memory_space<vmem>>, vector<16xf32>,
        %add3A_1231 = arith.constant 12 : i32
        %add3A_1232 = arith.addi %mul3A_578, %add3A_1231 : i32
        %get3A_1233 = arith.index_cast %add3A_1232 : i32 to index
        %get3A_1234 = arith.constant 48 : index
        %get3A_1235 = tpu.vector_load %arg7[%get3A_1233, %get3A_1234] {strides = array<i32>} : memref<832x64xf32, #tpu.memory_space<vmem>>, vector<16xf32>,
        %mul3A_1236 = arith.mulf %get3A_1235, %select_n3A_1203 : vector<16xf32>
        %swap3A_1237 = arith.index_cast %add3A_1232 : i32 to index
        %swap3A_1238 = arith.constant 48 : index
        %swap3A_1239 = tpu.vector_load %arg7[%swap3A_1237, %swap3A_1238] {strides = array<i32>} : memref<832x64xf32, #tpu.memory_space<vmem>>, vector<16xf32>,
        tpu.vector_store %arg7[%swap3A_1237, %swap3A_1238], %mul3A_1236 {strides = array<i32>} : memref<832x64xf32, #tpu.memory_space<vmem>>, vector<16xf32>,
        %add3A_1240 = arith.constant 2496 : i32
        %add3A_1241 = arith.addi %add3A_1240, %mul3A_578 : i32
        %add3A_1242 = arith.constant 13 : i32
        %add3A_1243 = arith.addi %add3A_1241, %add3A_1242 : i32
        %broadcast_in_dim3A_1244 = vector.broadcast %add3A_1243 : i32 to vector<16xi32>
        %gather3A_1245 = tpu.vector_load_idx %arg5[%broadcast_in_dim3A_1244] : memref<3328xi32, #tpu.memory_space<vmem>>[vector<16xi32>], vector<16xi32>,
        %eq3A_1246 = arith.constant 0 : i32
        %eq3A_1247 = vector.broadcast %eq3A_1246 : i32 to vector<16xi32>
        %eq3A_1248 = arith.cmpi eq, %gather3A_1245, %eq3A_1247 : vector<16xi32>
        %jit3A_1249 = arith.constant 0.000000e+00 : f32
        %jit3A_1250 = arith.constant 1.000000e+00 : f32
        %broadcast_in_dim3A_1251 = vector.broadcast %jit3A_1249 : f32 to vector<16xf32>
        %broadcast_in_dim3A_1252 = vector.broadcast %jit3A_1250 : f32 to vector<16xf32>
        %select_n3A_1253 = arith.select %eq3A_1248, %broadcast_in_dim3A_1251, %broadcast_in_dim3A_1252 : vector<16xi1>, vector<16xf32>
        %add3A_1254 = arith.constant 13 : i32
        %add3A_1255 = arith.addi %mul3A_578, %add3A_1254 : i32
        %get3A_1256 = arith.index_cast %add3A_1255 : i32 to index
        %get3A_1257 = arith.constant 0 : index
        %get3A_1258 = tpu.vector_load %arg7[%get3A_1256, %get3A_1257] {strides = array<i32>} : memref<832x64xf32, #tpu.memory_space<vmem>>, vector<16xf32>,
        %mul3A_1259 = arith.mulf %get3A_1258, %select_n3A_1253 : vector<16xf32>
        %swap3A_1260 = arith.index_cast %add3A_1255 : i32 to index
        %swap3A_1261 = arith.constant 0 : index
        %swap3A_1262 = tpu.vector_load %arg7[%swap3A_1260, %swap3A_1261] {strides = array<i32>} : memref<832x64xf32, #tpu.memory_space<vmem>>, vector<16xf32>,
        tpu.vector_store %arg7[%swap3A_1260, %swap3A_1261], %mul3A_1259 {strides = array<i32>} : memref<832x64xf32, #tpu.memory_space<vmem>>, vector<16xf32>,
        %add3A_1263 = arith.constant 13 : i32
        %add3A_1264 = arith.addi %mul3A_578, %add3A_1263 : i32
        %get3A_1265 = arith.index_cast %add3A_1264 : i32 to index
        %get3A_1266 = arith.constant 16 : index
        %get3A_1267 = tpu.vector_load %arg7[%get3A_1265, %get3A_1266] {strides = array<i32>} : memref<832x64xf32, #tpu.memory_space<vmem>>, vector<16xf32>,
        %mul3A_1268 = arith.mulf %get3A_1267, %select_n3A_1253 : vector<16xf32>
        %swap3A_1269 = arith.index_cast %add3A_1264 : i32 to index
        %swap3A_1270 = arith.constant 16 : index
        %swap3A_1271 = tpu.vector_load %arg7[%swap3A_1269, %swap3A_1270] {strides = array<i32>} : memref<832x64xf32, #tpu.memory_space<vmem>>, vector<16xf32>,
        tpu.vector_store %arg7[%swap3A_1269, %swap3A_1270], %mul3A_1268 {strides = array<i32>} : memref<832x64xf32, #tpu.memory_space<vmem>>, vector<16xf32>,
        %add3A_1272 = arith.constant 13 : i32
        %add3A_1273 = arith.addi %mul3A_578, %add3A_1272 : i32
        %get3A_1274 = arith.index_cast %add3A_1273 : i32 to index
        %get3A_1275 = arith.constant 32 : index
        %get3A_1276 = tpu.vector_load %arg7[%get3A_1274, %get3A_1275] {strides = array<i32>} : memref<832x64xf32, #tpu.memory_space<vmem>>, vector<16xf32>,
        %mul3A_1277 = arith.mulf %get3A_1276, %select_n3A_1253 : vector<16xf32>
        %swap3A_1278 = arith.index_cast %add3A_1273 : i32 to index
        %swap3A_1279 = arith.constant 32 : index
        %swap3A_1280 = tpu.vector_load %arg7[%swap3A_1278, %swap3A_1279] {strides = array<i32>} : memref<832x64xf32, #tpu.memory_space<vmem>>, vector<16xf32>,
        tpu.vector_store %arg7[%swap3A_1278, %swap3A_1279], %mul3A_1277 {strides = array<i32>} : memref<832x64xf32, #tpu.memory_space<vmem>>, vector<16xf32>,
        %add3A_1281 = arith.constant 13 : i32
        %add3A_1282 = arith.addi %mul3A_578, %add3A_1281 : i32
        %get3A_1283 = arith.index_cast %add3A_1282 : i32 to index
        %get3A_1284 = arith.constant 48 : index
        %get3A_1285 = tpu.vector_load %arg7[%get3A_1283, %get3A_1284] {strides = array<i32>} : memref<832x64xf32, #tpu.memory_space<vmem>>, vector<16xf32>,
        %mul3A_1286 = arith.mulf %get3A_1285, %select_n3A_1253 : vector<16xf32>
        %swap3A_1287 = arith.index_cast %add3A_1282 : i32 to index
        %swap3A_1288 = arith.constant 48 : index
        %swap3A_1289 = tpu.vector_load %arg7[%swap3A_1287, %swap3A_1288] {strides = array<i32>} : memref<832x64xf32, #tpu.memory_space<vmem>>, vector<16xf32>,
        tpu.vector_store %arg7[%swap3A_1287, %swap3A_1288], %mul3A_1286 {strides = array<i32>} : memref<832x64xf32, #tpu.memory_space<vmem>>, vector<16xf32>,
        %add3A_1290 = arith.constant 2496 : i32
        %add3A_1291 = arith.addi %add3A_1290, %mul3A_578 : i32
        %add3A_1292 = arith.constant 14 : i32
        %add3A_1293 = arith.addi %add3A_1291, %add3A_1292 : i32
        %broadcast_in_dim3A_1294 = vector.broadcast %add3A_1293 : i32 to vector<16xi32>
        %gather3A_1295 = tpu.vector_load_idx %arg5[%broadcast_in_dim3A_1294] : memref<3328xi32, #tpu.memory_space<vmem>>[vector<16xi32>], vector<16xi32>,
        %eq3A_1296 = arith.constant 0 : i32
        %eq3A_1297 = vector.broadcast %eq3A_1296 : i32 to vector<16xi32>
        %eq3A_1298 = arith.cmpi eq, %gather3A_1295, %eq3A_1297 : vector<16xi32>
        %jit3A_1299 = arith.constant 0.000000e+00 : f32
        %jit3A_1300 = arith.constant 1.000000e+00 : f32
        %broadcast_in_dim3A_1301 = vector.broadcast %jit3A_1299 : f32 to vector<16xf32>
        %broadcast_in_dim3A_1302 = vector.broadcast %jit3A_1300 : f32 to vector<16xf32>
        %select_n3A_1303 = arith.select %eq3A_1298, %broadcast_in_dim3A_1301, %broadcast_in_dim3A_1302 : vector<16xi1>, vector<16xf32>
        %add3A_1304 = arith.constant 14 : i32
        %add3A_1305 = arith.addi %mul3A_578, %add3A_1304 : i32
        %get3A_1306 = arith.index_cast %add3A_1305 : i32 to index
        %get3A_1307 = arith.constant 0 : index
        %get3A_1308 = tpu.vector_load %arg7[%get3A_1306, %get3A_1307] {strides = array<i32>} : memref<832x64xf32, #tpu.memory_space<vmem>>, vector<16xf32>,
        %mul3A_1309 = arith.mulf %get3A_1308, %select_n3A_1303 : vector<16xf32>
        %swap3A_1310 = arith.index_cast %add3A_1305 : i32 to index
        %swap3A_1311 = arith.constant 0 : index
        %swap3A_1312 = tpu.vector_load %arg7[%swap3A_1310, %swap3A_1311] {strides = array<i32>} : memref<832x64xf32, #tpu.memory_space<vmem>>, vector<16xf32>,
        tpu.vector_store %arg7[%swap3A_1310, %swap3A_1311], %mul3A_1309 {strides = array<i32>} : memref<832x64xf32, #tpu.memory_space<vmem>>, vector<16xf32>,
        %add3A_1313 = arith.constant 14 : i32
        %add3A_1314 = arith.addi %mul3A_578, %add3A_1313 : i32
        %get3A_1315 = arith.index_cast %add3A_1314 : i32 to index
        %get3A_1316 = arith.constant 16 : index
        %get3A_1317 = tpu.vector_load %arg7[%get3A_1315, %get3A_1316] {strides = array<i32>} : memref<832x64xf32, #tpu.memory_space<vmem>>, vector<16xf32>,
        %mul3A_1318 = arith.mulf %get3A_1317, %select_n3A_1303 : vector<16xf32>
        %swap3A_1319 = arith.index_cast %add3A_1314 : i32 to index
        %swap3A_1320 = arith.constant 16 : index
        %swap3A_1321 = tpu.vector_load %arg7[%swap3A_1319, %swap3A_1320] {strides = array<i32>} : memref<832x64xf32, #tpu.memory_space<vmem>>, vector<16xf32>,
        tpu.vector_store %arg7[%swap3A_1319, %swap3A_1320], %mul3A_1318 {strides = array<i32>} : memref<832x64xf32, #tpu.memory_space<vmem>>, vector<16xf32>,
        %add3A_1322 = arith.constant 14 : i32
        %add3A_1323 = arith.addi %mul3A_578, %add3A_1322 : i32
        %get3A_1324 = arith.index_cast %add3A_1323 : i32 to index
        %get3A_1325 = arith.constant 32 : index
        %get3A_1326 = tpu.vector_load %arg7[%get3A_1324, %get3A_1325] {strides = array<i32>} : memref<832x64xf32, #tpu.memory_space<vmem>>, vector<16xf32>,
        %mul3A_1327 = arith.mulf %get3A_1326, %select_n3A_1303 : vector<16xf32>
        %swap3A_1328 = arith.index_cast %add3A_1323 : i32 to index
        %swap3A_1329 = arith.constant 32 : index
        %swap3A_1330 = tpu.vector_load %arg7[%swap3A_1328, %swap3A_1329] {strides = array<i32>} : memref<832x64xf32, #tpu.memory_space<vmem>>, vector<16xf32>,
        tpu.vector_store %arg7[%swap3A_1328, %swap3A_1329], %mul3A_1327 {strides = array<i32>} : memref<832x64xf32, #tpu.memory_space<vmem>>, vector<16xf32>,
        %add3A_1331 = arith.constant 14 : i32
        %add3A_1332 = arith.addi %mul3A_578, %add3A_1331 : i32
        %get3A_1333 = arith.index_cast %add3A_1332 : i32 to index
        %get3A_1334 = arith.constant 48 : index
        %get3A_1335 = tpu.vector_load %arg7[%get3A_1333, %get3A_1334] {strides = array<i32>} : memref<832x64xf32, #tpu.memory_space<vmem>>, vector<16xf32>,
        %mul3A_1336 = arith.mulf %get3A_1335, %select_n3A_1303 : vector<16xf32>
        %swap3A_1337 = arith.index_cast %add3A_1332 : i32 to index
        %swap3A_1338 = arith.constant 48 : index
        %swap3A_1339 = tpu.vector_load %arg7[%swap3A_1337, %swap3A_1338] {strides = array<i32>} : memref<832x64xf32, #tpu.memory_space<vmem>>, vector<16xf32>,
        tpu.vector_store %arg7[%swap3A_1337, %swap3A_1338], %mul3A_1336 {strides = array<i32>} : memref<832x64xf32, #tpu.memory_space<vmem>>, vector<16xf32>,
        %add3A_1340 = arith.constant 2496 : i32
        %add3A_1341 = arith.addi %add3A_1340, %mul3A_578 : i32
        %add3A_1342 = arith.constant 15 : i32
        %add3A_1343 = arith.addi %add3A_1341, %add3A_1342 : i32
        %broadcast_in_dim3A_1344 = vector.broadcast %add3A_1343 : i32 to vector<16xi32>
        %gather3A_1345 = tpu.vector_load_idx %arg5[%broadcast_in_dim3A_1344] : memref<3328xi32, #tpu.memory_space<vmem>>[vector<16xi32>], vector<16xi32>,
        %eq3A_1346 = arith.constant 0 : i32
        %eq3A_1347 = vector.broadcast %eq3A_1346 : i32 to vector<16xi32>
        %eq3A_1348 = arith.cmpi eq, %gather3A_1345, %eq3A_1347 : vector<16xi32>
        %jit3A_1349 = arith.constant 0.000000e+00 : f32
        %jit3A_1350 = arith.constant 1.000000e+00 : f32
        %broadcast_in_dim3A_1351 = vector.broadcast %jit3A_1349 : f32 to vector<16xf32>
        %broadcast_in_dim3A_1352 = vector.broadcast %jit3A_1350 : f32 to vector<16xf32>
        %select_n3A_1353 = arith.select %eq3A_1348, %broadcast_in_dim3A_1351, %broadcast_in_dim3A_1352 : vector<16xi1>, vector<16xf32>
        %add3A_1354 = arith.constant 15 : i32
        %add3A_1355 = arith.addi %mul3A_578, %add3A_1354 : i32
        %get3A_1356 = arith.index_cast %add3A_1355 : i32 to index
        %get3A_1357 = arith.constant 0 : index
        %get3A_1358 = tpu.vector_load %arg7[%get3A_1356, %get3A_1357] {strides = array<i32>} : memref<832x64xf32, #tpu.memory_space<vmem>>, vector<16xf32>,
        %mul3A_1359 = arith.mulf %get3A_1358, %select_n3A_1353 : vector<16xf32>
        %swap3A_1360 = arith.index_cast %add3A_1355 : i32 to index
        %swap3A_1361 = arith.constant 0 : index
        %swap3A_1362 = tpu.vector_load %arg7[%swap3A_1360, %swap3A_1361] {strides = array<i32>} : memref<832x64xf32, #tpu.memory_space<vmem>>, vector<16xf32>,
        tpu.vector_store %arg7[%swap3A_1360, %swap3A_1361], %mul3A_1359 {strides = array<i32>} : memref<832x64xf32, #tpu.memory_space<vmem>>, vector<16xf32>,
        %add3A_1363 = arith.constant 15 : i32
        %add3A_1364 = arith.addi %mul3A_578, %add3A_1363 : i32
        %get3A_1365 = arith.index_cast %add3A_1364 : i32 to index
        %get3A_1366 = arith.constant 16 : index
        %get3A_1367 = tpu.vector_load %arg7[%get3A_1365, %get3A_1366] {strides = array<i32>} : memref<832x64xf32, #tpu.memory_space<vmem>>, vector<16xf32>,
        %mul3A_1368 = arith.mulf %get3A_1367, %select_n3A_1353 : vector<16xf32>
        %swap3A_1369 = arith.index_cast %add3A_1364 : i32 to index
        %swap3A_1370 = arith.constant 16 : index
        %swap3A_1371 = tpu.vector_load %arg7[%swap3A_1369, %swap3A_1370] {strides = array<i32>} : memref<832x64xf32, #tpu.memory_space<vmem>>, vector<16xf32>,
        tpu.vector_store %arg7[%swap3A_1369, %swap3A_1370], %mul3A_1368 {strides = array<i32>} : memref<832x64xf32, #tpu.memory_space<vmem>>, vector<16xf32>,
        %add3A_1372 = arith.constant 15 : i32
        %add3A_1373 = arith.addi %mul3A_578, %add3A_1372 : i32
        %get3A_1374 = arith.index_cast %add3A_1373 : i32 to index
        %get3A_1375 = arith.constant 32 : index
        %get3A_1376 = tpu.vector_load %arg7[%get3A_1374, %get3A_1375] {strides = array<i32>} : memref<832x64xf32, #tpu.memory_space<vmem>>, vector<16xf32>,
        %mul3A_1377 = arith.mulf %get3A_1376, %select_n3A_1353 : vector<16xf32>
        %swap3A_1378 = arith.index_cast %add3A_1373 : i32 to index
        %swap3A_1379 = arith.constant 32 : index
        %swap3A_1380 = tpu.vector_load %arg7[%swap3A_1378, %swap3A_1379] {strides = array<i32>} : memref<832x64xf32, #tpu.memory_space<vmem>>, vector<16xf32>,
        tpu.vector_store %arg7[%swap3A_1378, %swap3A_1379], %mul3A_1377 {strides = array<i32>} : memref<832x64xf32, #tpu.memory_space<vmem>>, vector<16xf32>,
        %add3A_1381 = arith.constant 15 : i32
        %add3A_1382 = arith.addi %mul3A_578, %add3A_1381 : i32
        %get3A_1383 = arith.index_cast %add3A_1382 : i32 to index
        %get3A_1384 = arith.constant 48 : index
        %get3A_1385 = tpu.vector_load %arg7[%get3A_1383, %get3A_1384] {strides = array<i32>} : memref<832x64xf32, #tpu.memory_space<vmem>>, vector<16xf32>,
        %mul3A_1386 = arith.mulf %get3A_1385, %select_n3A_1353 : vector<16xf32>
        %swap3A_1387 = arith.index_cast %add3A_1382 : i32 to index
        %swap3A_1388 = arith.constant 48 : index
        %swap3A_1389 = tpu.vector_load %arg7[%swap3A_1387, %swap3A_1388] {strides = array<i32>} : memref<832x64xf32, #tpu.memory_space<vmem>>, vector<16xf32>,
        tpu.vector_store %arg7[%swap3A_1387, %swap3A_1388], %mul3A_1386 {strides = array<i32>} : memref<832x64xf32, #tpu.memory_space<vmem>>, vector<16xf32>,
      } else {
      }
    }
    %scan3A_561 = arith.constant 52 : i32
    %add3A_562 = arith.constant 2496 : i32
    %add3A_563 = arith.addi %mul3A_2, %add3A_562 : i32
    %dma_start3A_564 = arith.constant 0 : i32
    %dma_start3A_565 = tpu.memref_slice %arg4[%add3A_563, %dma_start3A_564] : memref<106496x64xf32, #tpu.memory_space<hbm>> -> memref<832x64xf32, #tpu.memory_space<hbm>>
    %dma_start3A_566 = arith.constant 0 : i32
    %dma_start3A_567 = tpu.memref_slice %arg4[%add3A_563, %dma_start3A_566] : memref<106496x64xf32, #tpu.memory_space<hbm>> -> memref<832x64xf32, #tpu.memory_space<hbm>>
    tpu.enqueue_dma source(%arg7 : memref<832x64xf32, #tpu.memory_space<vmem>>) target(%dma_start3A_567 : memref<832x64xf32, #tpu.memory_space<hbm>>) target_semaphore(%arg11 : memref<!tpu.dma_semaphore, #tpu.memory_space<semaphore_mem>>)
    %dma_wait3A_568 = arith.constant 0 : i32
    %dma_wait3A_569 = tpu.memref_slice %arg4[%add3A_487, %dma_wait3A_568] : memref<106496x64xf32, #tpu.memory_space<hbm>> -> memref<832x64xf32, #tpu.memory_space<hbm>>
    %dma_wait3A_570 = arith.constant 0 : i32
    %dma_wait3A_571 = tpu.memref_slice %arg4[%add3A_487, %dma_wait3A_570] : memref<106496x64xf32, #tpu.memory_space<hbm>> -> memref<832x64xf32, #tpu.memory_space<hbm>>
    tpu.wait_dma2 semaphore(%arg10 : memref<!tpu.dma_semaphore, #tpu.memory_space<semaphore_mem>>) src(%arg6 : memref<832x64xf32, #tpu.memory_space<vmem>>) dst(%dma_wait3A_571 : memref<832x64xf32, #tpu.memory_space<hbm>>)
    %dma_wait3A_572 = arith.constant 0 : i32
    %dma_wait3A_573 = tpu.memref_slice %arg4[%add3A_563, %dma_wait3A_572] : memref<106496x64xf32, #tpu.memory_space<hbm>> -> memref<832x64xf32, #tpu.memory_space<hbm>>
    %dma_wait3A_574 = arith.constant 0 : i32
    %dma_wait3A_575 = tpu.memref_slice %arg4[%add3A_563, %dma_wait3A_574] : memref<106496x64xf32, #tpu.memory_space<hbm>> -> memref<832x64xf32, #tpu.memory_space<hbm>>
    tpu.wait_dma2 semaphore(%arg11 : memref<!tpu.dma_semaphore, #tpu.memory_space<semaphore_mem>>) src(%arg7 : memref<832x64xf32, #tpu.memory_space<vmem>>) dst(%dma_wait3A_575 : memref<832x64xf32, #tpu.memory_space<hbm>>)
    return
  }
}

</mosaic_0001>

<sc_bundles>
// kernel: kernel.3.cloned.1.call-start
scs
__scs_entry_jumppad:
0x0: {  	(pc) =	sbr.rel $0x88, $3  }
0x1: {  	(tag) =	ssettag $0x0;
	lr =	simm.s32 $0x1  }
0x2: {  	[smem:$0x3F9F] =	sst lr;
	_ =	strace $0xD0000000  }
0x3: {  	_ = 	snop  }
0x4: {  	_ = 	snop  }
0x5: {  	_ = 	snop  }
0x6: {  	_ = 	snop  }
0x7: {  	_ = 	snop  }
__scs_overlays_trampoline_lowered:
0x8: {  	[smem:$0x3FAE] =	sst s0  }
0x9: {  	[smem:$0x3FAF] =	sst s1  }
0xa: {  	[smem:$0x3FB0] =	sst s2  }
0xb: {  	[smem:$0x3FB1] =	sst s3  }
0xc: {  	[smem:$0x3FB2] =	sst s4  }
0xd: {  	[smem:$0x3FB3] =	sst s5  }
0xe: {  	[smem:$0x3FB4] =	sst s6  }
0xf: {  	[smem:$0x3FB5] =	sst s7  }
0x10: {  	[smem:$0x3FB6] =	sst s8  }
0x11: {  	[smem:$0x3FB7] =	sst s9;
	s0 =	simm.s32 @!p0 $0x0  }
0x12: {  	s1 =	sld [smem:$0x3F9D];
	s0 =	simm.s32 @p0 $0x1  }
0x13: {  	[smem:$0x3FB8] =	sst s0;
	s0 =	simm.s32 @!p1 $0x0  }
0x14: {  	s2 =	sld [smem:$0x3F9C];
	s0 =	simm.s32 @p1 $0x1  }
0x15: {  	[smem:$0x3FB9] =	sst s0;
	s0 =	simm.s32 @!p2 $0x0  }
0x16: {  	s3 =	sld [smem:$0x3FDB];
	s0 =	simm.s32 @p2 $0x1  }
0x17: {  	s4 =	simm.s32 $0x1BF5;
	[smem:$0x3FBB] =	sst s0  }
0x18: {  	s0 =	sld [smem:$0x3F9E];
	_ =	swait.ge [sflag:s4], $0x0  }
0x19: {  	s7 =	sld [smem:$0x3F9F]  }
0x1a: {  	s8 =	sadd.s32 $0xFFFFE003, lr  }
0x1b: {  	s9 =	sadd.s32 $0xFFFFFEF7, lr;
	s5 =	simm.s32 $0xFFFFFFFF;
	p2 =	slt.u32 s8, $0xFFFFF086  }
0x1c: {  	p1 =	slt.u32 s9, $0xF7A;
	s5 =	simm.s32 @!p2 $0x0  }
0x1d: {  	s5 =	simm.s32 @p1 $0x1;
	p0 =	seq.s32 s7, s2  }
0x1e: {  	s7 =	smul.u32 @!p0 $0xF7A, s2;
	p2 =	seq.s32 @!p0 s5, $0x0  }
0x1f: {  	s9 =	smul.u32 $0xF7A, s1;
	s8 =	simm.s32 @!p0 $0x1BF5;
	p2 =	por !p2, p0  }
0x20: {  	[sflag:s8] =	ssyncset.s32 @!p0 $0xFFFFF086;
	s6 =	sadd.s32 @!p0 s3, s7;
	s7 =	simm.s32 @!p0 $0x108  }
0x21: {  	s3 =	sadd.s32 s3, s9;
	s6 =	sadd.s32 @!p0 $0x88, s6;
	s7 =	simm.s32 @p2 $0x1082  }
0x22: {  	[simem:s7], [sflag:s8] =	dma.local @!p0 [hbm:s6], $0xF7A  }
0x23: {  	s9 =	sor.u32 $0xD0000000, s2;
	s6 =	simm.s32 $0x108;
	_ =	swait.ge @!p0 [sflag:s8], $0x0  }
0x24: {  	s3 =	sadd.s32 $0x88, s3;
	s6 =	simm.s32 @!p1 $0x1082;
	[sflag:s4] =	ssyncset.s32 $0xFFFFF086  }
0x25: {  	[simem:s6], [sflag:s4] =	dma.local [hbm:s3], $0xF7A  }
0x26: {  	[smem:$0x3F9F] =	sst s1;
	(tag) =	ssettag s2;
	_ =	strace s9  }
0x27: {  	s1 =	sld [smem:$0x3FAF]  }
0x28: {  	s2 =	sld [smem:$0x3FB0]  }
0x29: {  	s4 =	sld [smem:$0x3FB2]  }
0x2a: {  	p0 =	seq.s32 s5, $0x0;
	s5 =	sld [smem:$0x3FB3]  }
0x2b: {  	s6 =	sld [smem:$0x3FB4]  }
0x2c: {  	s7 =	sld [smem:$0x3FB5]  }
0x2d: {  	s3 =	simm.s32 $0x108;
	s8 =	sld [smem:$0x3FB6]  }
0x2e: {  	s3 =	simm.s32 @!p0 $0x1082;
	s9 =	sld [smem:$0x3FB7]  }
0x2f: {  	lr =	sadd.s32 s0, s3;
	s0 =	sld [smem:$0x3FAE]  }
0x30: {  	s3 =	sld [smem:$0x3FB1]  }
0x31: {  	[smem:$0x3FBA] =	sst s10  }
0x32: {  	s10 =	sld [smem:$0x3FB8];
	_ =	sdelay $0x3  }
0x33: {  	p0 =	seq.s32 s10, $0x1;
	s10 =	sld [smem:$0x3FBA];
	_ =	sdelay $0x3  }
0x34: {  	[smem:$0x3FBA] =	sst s10  }
0x35: {  	s10 =	sld [smem:$0x3FB9];
	_ =	sdelay $0x3  }
0x36: {  	p1 =	seq.s32 s10, $0x1;
	s10 =	sld [smem:$0x3FBA];
	_ =	sdelay $0x3  }
0x37: {  	[smem:$0x3FBA] =	sst s10  }
0x38: {  	s10 =	sld [smem:$0x3FBB]  }
0x39: {  	_ = 	snop;
	(pc) =	sbr.ind lr, $3  }
0x3a: {  	_ = 	snop  }
0x3b: {  	_ = 	snop  }
0x3c: {  	p2 =	seq.s32 s10, $0x1;
	s10 =	sld [smem:$0x3FBA]  }
0x3d: {  	_ =	shalt  }
0x3e: {  	_ =	shalt  }
0x3f: {  	_ =	shalt  }
0x40: {  	_ =	shalt  }
0x41: {  	_ =	shalt  }
0x42: {  	_ =	shalt  }
0x43: {  	_ =	shalt  }
0x44: {  	_ =	shalt  }
0x45: {  	_ =	shalt  }
0x46: {  	_ =	shalt  }
0x47: {  	_ =	shalt  }
0x48: {  	_ =	shalt  }
0x49: {  	_ =	shalt  }
0x4a: {  	_ =	shalt  }
0x4b: {  	_ =	shalt  }
0x4c: {  	_ =	shalt  }
0x4d: {  	_ =	shalt  }
0x4e: {  	_ =	shalt  }
0x4f: {  	_ =	shalt  }
0x50: {  	_ =	shalt  }
0x51: {  	_ =	shalt  }
0x52: {  	_ =	shalt  }
0x53: {  	_ =	shalt  }
0x54: {  	_ =	shalt  }
0x55: {  	_ =	shalt  }
0x56: {  	_ =	shalt  }
0x57: {  	_ =	shalt  }
0x58: {  	_ =	shalt  }
0x59: {  	_ =	shalt  }
0x5a: {  	_ =	shalt  }
0x5b: {  	_ =	shalt  }
0x5c: {  	_ =	shalt  }
0x5d: {  	_ =	shalt  }
0x5e: {  	_ =	shalt  }
0x5f: {  	_ =	shalt  }
0x60: {  	_ =	shalt  }
0x61: {  	_ =	shalt  }
0x62: {  	_ =	shalt  }
0x63: {  	_ =	shalt  }
0x64: {  	_ =	shalt  }
0x65: {  	_ =	shalt  }
0x66: {  	_ =	shalt  }
0x67: {  	_ =	shalt  }
0x68: {  	_ =	shalt  }
0x69: {  	_ =	shalt  }
0x6a: {  	_ =	shalt  }
0x6b: {  	_ =	shalt  }
0x6c: {  	_ =	shalt  }
0x6d: {  	_ =	shalt  }
0x6e: {  	_ =	shalt  }
0x6f: {  	_ =	shalt  }
0x70: {  	_ =	shalt  }
0x71: {  	_ =	shalt  }
0x72: {  	_ =	shalt  }
0x73: {  	_ =	shalt  }
0x74: {  	_ =	shalt  }
0x75: {  	_ =	shalt  }
0x76: {  	_ =	shalt  }
0x77: {  	_ =	shalt  }
0x78: {  	_ =	shalt  }
0x79: {  	_ =	shalt  }
0x7a: {  	_ =	shalt  }
0x7b: {  	_ =	shalt  }
0x7c: {  	_ =	shalt  }
0x7d: {  	_ =	shalt  }
0x7e: {  	_ =	shalt  }
0x7f: {  	_ =	shalt  }
0x80: {  	_ =	shalt  }
0x81: {  	_ =	shalt  }
0x82: {  	_ =	shalt  }
0x83: {  	_ =	shalt  }
0x84: {  	_ =	shalt  }
0x85: {  	_ =	shalt  }
0x86: {  	_ =	shalt  }
0x87: {  	_ =	shalt  }
.Lfunc_end0:
.L_simem_size_0:
called_computation_lowered:
.L_overlay_start_0:
0x88: {  	s2 =	sld [smem:$0x3FD9]  }
0x89: {  	s3 =	sld [smem:$0x3FFE];
	_ =	sdelay $0x1  }
0x8a: {  	s1 =	srdreg.scid  }
0x8b: {  	s0 =	sand.u32 $0x1, s1  }
0x8c: {  	s17 =	sshll.u32 s0, $0xA;
	s2 =	sadd.s32 s3, s2  }
0x8d: {  	s2 =	sadd.s32 s2, s17  }
0x8e: {  	[smem:$0x3FC6] =	sst s2  }
0x8f: {  	_ = 	snop  }
0x90: {  	s2 =	sld [smem:$0x3FD0];
	(tm) =	ssettm $0x1  }
0x91: {  	s18 =	sld [smem:$0x3FFB];
	_ =	sdelay $0x3  }
0x92: {  	_ =	strace s18  }
0x93: {  	s3 =	sld [smem:$0x3FFC];
	_ =	sdelay $0x3  }
0x94: {  	_ =	strace s3  }
0x95: {  	s3 =	sld [smem:$0x3FFD];
	_ =	sdelay $0x3  }
0x96: {  	_ =	strace s3  }
0x97: {  	_ =	strace $0x8FFFFFFF  }
0x98: {  	s19 =	sld [smem:$0x3FDB];
	_ =	sdelay $0x1  }
0x99: {  	s4 =	simm.s32 $_scs_section_size  }
0x9a: {  	s5 =	simm.s32 $_size__tile_overlayer_lowered;
	s6 =	simm.s32 $_tile_overlayer_lowered  }
0x9b: {  	s22 =	simm.s32 $0x1BFF;
	s21 =	sshll.u32 s6, $0x1;
	s3 =	sadd.s32 s4, s19  }
0x9c: {  	s7 =	simm.s32 $0x0;
	s20 =	sshll.u32 s5, $0x1;
	s5 =	sadd.s32 s21, s3  }
0x9d: {  	[timem:s7], [sflag:s22] =	dma.local [hbm:s5], s20  }
0x9e: {  	_ =	swait.ge [sflag:s22], s20  }
0x9f: {  	s4 =	ssub.s32 $0x0, s20;
	[sflag:s22] =	ssyncset.done $0x0  }
0xa0: {  	[sflag:s22] =	ssyncadd.s32 s4;
	_ =	sdelay $0x1  }
0xa1: {  	s23 =	simm.s32 $0x1B8B  }
0xa2: {  	_ =	swait.ge [sflag:s23], $0x1  }
0xa3: {  	[sflag:s23] =	ssyncset.done $0x0  }
0xa4: {  	s25 =	simm.s32 $0x1B8E;
	s24 =	sld [smem:$0x3FFE];
	[sflag:s23] =	ssyncadd.s32 $0xFFFFFFFF  }
0xa5: {  	s26 =	simm.s32 $execute0_lowered;
	[smem:$0x3FD2] =	sst s25  }
0xa6: {  	s5 =	sshll.u32 s26, $0x1;
	_ =	strace $0x80000046;
	[dreg:$0x1] =	wrdreg $0xFFFFFFFF  }
0xa7: {  	s28 =	simm.s32 $_size_execute0_lowered;
	s3 =	sadd.s32 s3, s5;
	[dreg:$0x0] =	wrdreg $0x0  }
0xa8: {  	s5 =	sshll.u32 s28, $0x1;
	[dreg:$0x2] =	wrdreg s3  }
0xa9: {  	[dreg:$0x3] =	wrdreg s5  }
0xaa: {  	[dreg:$0x4] =	wrdreg $0xC0  }
0xab: {  	_ =	task [dreg:s7], $0x5FFFF  }
0xac: {  	[dreg:$0x1] =	wrdreg $0xFFFFFFFF  }
0xad: {  	[dreg:$0x0] =	wrdreg $0x60  }
0xae: {  	[dreg:$0x2] =	wrdreg s24  }
0xaf: {  	[dreg:$0x3] =	wrdreg s2  }
0xb0: {  	[dreg:$0x4] =	wrdreg $0x9  }
0xb1: {  	_ =	task.clear_ibuf [dreg:s7], $0x5FFFF;
	_ =	strace $0x90000046  }
0xb2: {  	s29 =	simm.s32 $0x9;
	_ =	strace $0x80000048  }
0xb3: {  	_ =	swait.ge [sflag:s29], $0x1  }
0xb4: {  	[sflag:s29] =	ssyncadd.s32 $0xFFFFFFFF  }
0xb5: {  	_ =	strace $0x90000048  }
0xb6: {  	_ =	sfence  }
0xb7: {  	s30 =	sld [smem:$0x0];
	_ =	sdelay $0x2  }
0xb8: {  	s31 =	sshll.u32 s1, $0xD;
	s1 =	sshrl.u32 s1, $0x2  }
0xb9: {  	s3 =	sand.u32 $0x4000, s31;
	s1 =	sadd.s32 s1, s30  }
0xba: {  	s0 =	sor.u32 s3, s0;
	s1 =	sshll.u32 s1, $0x11  }
0xbb: {  	s0 =	sor.u32 s1, s0  }
0xbc: {  	s0 =	sadd.s32 $0x8F2B, s0  }
0xbd: {  	[sflag:s0] =	ssyncadd.remote.s32 $0x1  }
0xbe: {  	_ =	sfence.sel $0xFFFF  }
0xbf: {  	[dreg:$0x0] =	wrdreg $0xFFFFFFFF;
	(pc) =	sbr.abs _section_cstart, $3  }
0xc0: {  	[dreg:$0x1] =	wrdreg $0xFFFFFFFF  }
0xc1: {  	_ =	task.clear_ibuf [dreg:s7], $0x2FFFF;
	_ =	strace $0x9FFFFFFF  }
0xc2: {  	(tm) =	ssettm $0x7FFFFFFF  }
0xc3: {  	_ =	shalt  }
tec
execute0_lowered:
.L_overlay_start_1:
0x0: {  	(tag) =	ssettag $0x1  }
0x1: {  	s0 =	rddreg [dreg:$0x0];
	s1 =	srdreg.scid  }
0x2: {  	s2 =	stileid.u32;
	s6 =	rddreg [dreg:$0x1]  }
0x3: {  	s10 =	simm.s32 $0x5;
	s11 =	simm.s32 $0x68;
	s12 =	simm.s32 $0xD00  }
0x4: {  	s21 =	simm.s32 $0x8F00;
	s23 =	simm.s32 $0xA900;
	s28 =	simm.s32 $0xDD00  }
0x5: {  	s30 =	simm.s32 $0xF700;
	s14 =	simm.s32 $0x12B00;
	s18 =	simm.s32 $0x14500  }
0x6: {  	s22 =	simm.s32 $0x15F00;
	s31 =	simm.s32 $0x19300;
	s16 =	simm.s32 $0x3  }
0x7: {  	s29 =	simm.s32 $0x2;
	s1 =	sand.u32 $0x1, s1;
	s3 =	sshll.u32 s2, $0x1  }
0x8: {  	s20 =	simm.s32 $0x4;
	s2 =	simm.s32 $0x0;
	s3 =	sor.u32 s1, s3  }
0x9: {  	s24 =	simm.s32 $0x0;
	[smem:$0x7FF] =	sst s2;
	s4 =	smul.u32 $0x1A0, s3  }
0xa: {  	s1 =	ssub.s32 $0x2, s1;
	_ =	strace $0x80000047;
	s5 =	smul.u32 $0x34000, s3  }
0xb: {  	s7 =	sshrl.u32 s1, $0x1;
	s8 =	smul.u32 $0x6800, s3;
	s3 =	sadd.s32 $0xF42A00, s0  }
.Ltmp0:
0xc: {  	s25 =	ssub.s32 s1, s7;
	s4 =	sadd.s32 s4, s0;
	(pc) =	sbr.rel .LBB2_1-.Ltmp0, $4  }
0xd: {  	s26 =	sshrl.u32 s5, $0x3;
	s5 =	sadd.s32 s6, s8;
	s9 =	smax.u32 s25, $0x1  }
0xe: {  	s25 =	simm.s32 $0xC300;
	s0 =	simm.s32 $0x1;
	s1 =	sadd.s32 s6, s26  }
0xf: {  	vm0 =	vcmask $0x300;
	v1 =	vimm.s32 $0x0;
	s4 =	sadd.s32 $0x600, s4;
	s26 =	simm.s32 $0x17900;
	s6 =	sadd.s32 $0x1A00, s1  }
0x10: {  	v0 =	vimm.f32 $0.0e+00;
	v2 =	vimm.f32 $1.000000000e+00;
	v1 =	vsel vm0, $0x3, v1;
	s7 =	sadd.s32 $0x3400, s1;
	s8 =	sadd.s32 $0x4E00, s1;
	s1 =	simm.s32 $0x11100  }
.LBB2_17:
0x11: {  	[hbm4b:s8+s2] =	stream.linear.scatter [tilespmem:s28], [sflag:$0x4], $0xD000, $0x38;
	[tilespmem:$0x1AD00] =	vst v63  }
0x12: {  	s24 =	sadd.s32 $0x1, s24  }
0x13: {  	_ =	swait.ge [sflag:s16], $0xD000;
	p0 =	sne.s32 s24, s9  }
.Ltmp1:
0x14: {  	[sflag:s16] =	ssyncset.done $0x0;
	(pc) =	sbr.rel @!p0 .LBB2_18-.Ltmp1, $4  }
0x15: {  	[sflag:s16] =	ssyncadd.s32 $0xFFFF3000  }
0x16: {  	_ =	swait.ge [sflag:s20], $0xD000  }
0x17: {  	[sflag:s20] =	ssyncset.done $0x0  }
0x18: {  	[sflag:s20] =	ssyncadd.s32 $0xFFFF3000  }
.LBB2_1:
0x19: {  	[tilespmem:s2], [sflag:$0x5] =	stream.linear.gather [hbm4b:s4+s2], $0xD00, $0x38;
	[tilespmem:$0x1AD00] =	vst v63  }
0x1a: {  	_ =	swait.ge [sflag:s10], $0xD00  }
0x1b: {  	[sflag:s10] =	ssyncset.done $0x0  }
0x1c: {  	[sflag:s10] =	ssyncadd.s32 $0xFFFFF300  }
0x1d: {  	[tilespmem:s12], [sflag:$0x1] =	stream.indirect.gather [hbm4b:s3+s11], $0x40, s2, s11, $0xb8;
	[tilespmem:$0x1AD00] =	vst v63  }
0x1e: {  	s13 =	simm.s32 $0x2700  }
0x1f: {  	[tilespmem:s13], [sflag:$0x1] =	stream.indirect.gather [hbm4b:s3+s11], $0x40, s11, s11, $0xb8;
	[tilespmem:$0x1AD00] =	vst v63  }
0x20: {  	s19 =	simm.s32 $0xD0;
	s15 =	simm.s32 $0x4100  }
0x21: {  	[tilespmem:s15], [sflag:$0x1] =	stream.indirect.gather [hbm4b:s3+s11], $0x40, s19, s11, $0xb8;
	[tilespmem:$0x1AD00] =	vst v63  }
0x22: {  	s17 =	simm.s32 $0x138;
	s19 =	simm.s32 $0x5B00  }
0x23: {  	[tilespmem:s19], [sflag:$0x1] =	stream.indirect.gather [hbm4b:s3+s11], $0x40, s17, s11, $0xb8;
	[tilespmem:$0x1AD00] =	vst v63  }
0x24: {  	s17 =	simm.s32 $0x1A0;
	s19 =	simm.s32 $0x7500  }
0x25: {  	[tilespmem:s19], [sflag:$0x1] =	stream.indirect.gather [hbm4b:s3+s11], $0x40, s17, s11, $0xb8;
	[tilespmem:$0x1AD00] =	vst v63  }
0x26: {  	s17 =	simm.s32 $0x208  }
0x27: {  	[tilespmem:s21], [sflag:$0x1] =	stream.indirect.gather [hbm4b:s3+s11], $0x40, s17, s11, $0xb8;
	[tilespmem:$0x1AD00] =	vst v63  }
0x28: {  	s19 =	simm.s32 $0x270  }
0x29: {  	[tilespmem:s23], [sflag:$0x1] =	stream.indirect.gather [hbm4b:s3+s11], $0x40, s19, s11, $0xb8;
	[tilespmem:$0x1AD00] =	vst v63  }
0x2a: {  	s15 =	simm.s32 $0x2D8  }
0x2b: {  	[tilespmem:s25], [sflag:$0x1] =	stream.indirect.gather [hbm4b:s3+s11], $0x40, s15, s11, $0xb8;
	[tilespmem:$0x1AD00] =	vst v63  }
0x2c: {  	s17 =	simm.s32 $0x340  }
0x2d: {  	[tilespmem:s28], [sflag:$0x2] =	stream.indirect.gather [hbm4b:s3+s11], $0x40, s17, s11, $0xb8;
	[tilespmem:$0x1AD00] =	vst v63  }
0x2e: {  	s19 =	simm.s32 $0x3A8  }
0x2f: {  	[tilespmem:s30], [sflag:$0x2] =	stream.indirect.gather [hbm4b:s3+s11], $0x40, s19, s11, $0xb8;
	[tilespmem:$0x1AD00] =	vst v63  }
0x30: {  	s15 =	simm.s32 $0x410  }
0x31: {  	[tilespmem:s1], [sflag:$0x2] =	stream.indirect.gather [hbm4b:s3+s11], $0x40, s15, s11, $0xb8;
	[tilespmem:$0x1AD00] =	vst v63  }
0x32: {  	s17 =	simm.s32 $0x478  }
0x33: {  	[tilespmem:s14], [sflag:$0x2] =	stream.indirect.gather [hbm4b:s3+s11], $0x40, s17, s11, $0xb8;
	[tilespmem:$0x1AD00] =	vst v63  }
0x34: {  	s19 =	simm.s32 $0x4E0  }
0x35: {  	[tilespmem:s18], [sflag:$0x2] =	stream.indirect.gather [hbm4b:s3+s11], $0x40, s19, s11, $0xb8;
	[tilespmem:$0x1AD00] =	vst v63  }
0x36: {  	s15 =	simm.s32 $0x548  }
0x37: {  	[tilespmem:s22], [sflag:$0x2] =	stream.indirect.gather [hbm4b:s3+s11], $0x40, s15, s11, $0xb8;
	[tilespmem:$0x1AD00] =	vst v63  }
0x38: {  	s17 =	simm.s32 $0x5B0  }
0x39: {  	[tilespmem:s26], [sflag:$0x2] =	stream.indirect.gather [hbm4b:s3+s11], $0x40, s17, s11, $0xb8;
	[tilespmem:$0x1AD00] =	vst v63  }
0x3a: {  	s19 =	simm.s32 $0x618  }
0x3b: {  	[tilespmem:s31], [sflag:$0x2] =	stream.indirect.gather [hbm4b:s3+s11], $0x40, s19, s11, $0xb8;
	[tilespmem:$0x1AD00] =	vst v63  }
0x3c: {  	_ =	swait.ge [sflag:s0], $0x1A00  }
0x3d: {  	[sflag:s0] =	ssyncset.done $0x0  }
0x3e: {  	[sflag:s0] =	ssyncadd.s32 $0xFFFFE600  }
0x3f: {  	_ =	swait.ge [sflag:s0], $0x1A00  }
0x40: {  	[sflag:s0] =	ssyncset.done $0x0  }
0x41: {  	[sflag:s0] =	ssyncadd.s32 $0xFFFFE600  }
0x42: {  	_ =	swait.ge [sflag:s0], $0x1A00  }
0x43: {  	[sflag:s0] =	ssyncset.done $0x0  }
0x44: {  	[sflag:s0] =	ssyncadd.s32 $0xFFFFE600  }
0x45: {  	_ =	swait.ge [sflag:s0], $0x1A00  }
0x46: {  	[sflag:s0] =	ssyncset.done $0x0  }
0x47: {  	[sflag:s0] =	ssyncadd.s32 $0xFFFFE600  }
0x48: {  	_ =	swait.ge [sflag:s0], $0x1A00  }
0x49: {  	[sflag:s0] =	ssyncset.done $0x0  }
0x4a: {  	[sflag:s0] =	ssyncadd.s32 $0xFFFFE600  }
0x4b: {  	_ =	swait.ge [sflag:s0], $0x1A00  }
0x4c: {  	[sflag:s0] =	ssyncset.done $0x0  }
0x4d: {  	[sflag:s0] =	ssyncadd.s32 $0xFFFFE600  }
0x4e: {  	_ =	swait.ge [sflag:s0], $0x1A00  }
.Ltmp2:
0x4f: {  	[sflag:s0] =	ssyncset.done $0x0;
	(pc) =	sbr.rel .LBB2_2-.Ltmp2, $4  }
0x50: {  	[sflag:s0] =	ssyncadd.s32 $0xFFFFE600  }
0x51: {  	_ =	swait.ge [sflag:s0], $0x1A00  }
0x52: {  	s13 =	simm.s32 $0xF;
	[sflag:s0] =	ssyncset.done $0x0  }
0x53: {  	s15 =	simm.s32 $0xF00;
	s17 =	simm.s32 $0x0;
	[sflag:s0] =	ssyncadd.s32 $0xFFFFE600  }
.LBB2_4:
0x54: {  	s13 =	sadd.s32 $0x10, s13  }
0x55: {  	p0 =	sne.s32 s13, $0x34F  }
.Ltmp3:
0x56: {  	_ = 	snop;
	(pc) =	sbr.rel @!p0 .LBB2_5-.Ltmp3, $2  }
0x57: {  	_ =	sdelay $0x2  }
0x58: {  	s17 =	sadd.s32 $0x10, s17;
	s15 =	sadd.s32 $0x400, s15  }
.LBB2_2:
0x59: {  	v3 =	vld [tilespmem:s17+$0x0];
	_ =	sdelay $0x4  }
0x5a: {  	vm0 =	veq.s32 v3, $0x0  }
0x5b: {  	v3 =	vsel vm0, $0x3F800000, v0  }
0x5c: {  	(xrf0) =	vmax.scan.msk.f32 $0xffff, v3;
	_ =	sdelay $0x5  }
0x5d: {  	v3, _, _ =	vpop (xrf0)  }
0x5e: {  	(v2sf) =	vpush v3, $0xF;
	_ =	sdelay $0xe  }
0x5f: {  	s19 =	spop (v2sf)  }
0x60: {  	p0 =	sgt.f32 s19, $0.0e+00  }
.Ltmp4:
0x61: {  	_ = 	snop;
	(pc) =	sbr.rel @!p0 .LBB2_4-.Ltmp4, $1  }
0x62: {  	_ =	sdelay $0x3  }
0x63: {  	s19 =	sadd.s32 $0xFFFFFFF1, s13  }
0x64: {  	v3 =	vmov s19  }
0x65: {  	v3 =	vshrl.u32 v3, $0x3  }
0x66: {  	v3 =	vshll.u32 v3, v1  }
0x67: {  	v3 =	vbroadcast v3, $0x0;
	_ =	sdelay $0x5  }
0x68: {  	v3 =	vld.idx.msk [tilespmem:v3+s2+$0x0], $0xffff;
	_ =	sdelay $0x1  }
0x69: {  	v4 =	vld [tilespmem:s15+$0xFFFFFE00];
	_ =	sdelay $0x1  }
0x6a: {  	v29 =	vld [tilespmem:s15+$0xFFFFFE10]  }
0x6b: {  	vm0 =	veq.s32 v3, $0x0  }
0x6c: {  	v30 =	vld [tilespmem:s15+$0xFFFFFE20];
	v3 =	vsel vm0, $0x0, v2  }
0x6d: {  	v4 =	vmul.f32 v3, v4;
	_ =	sdelay $0x1  }
0x6e: {  	[tilespmem:s15+$0xFFFFFE00] =	vst v4;
	v4 =	vmul.f32 v29, v3  }
0x6f: {  	s19 =	sadd.s32 $0xFFFFFFF2, s13  }
0x70: {  	v5 =	vmov s19;
	[tilespmem:s15+$0xFFFFFE10] =	vst v4;
	v4 =	vmul.f32 v30, v3  }
0x71: {  	v31 =	vshrl.u32 v5, $0x3  }
0x72: {  	v32 =	vld [tilespmem:s15+$0xFFFFFE30];
	[tilespmem:s15+$0xFFFFFE20] =	vst v4;
	v4 =	vshll.u32 v31, v1  }
0x73: {  	v4 =	vadd.s32 $0x1, v4  }
0x74: {  	v4 =	vbroadcast v4, $0x0;
	_ =	sdelay $0x2  }
0x75: {  	v3 =	vmul.f32 v32, v3;
	_ =	sdelay $0x1  }
0x76: {  	[tilespmem:s15+$0xFFFFFE30] =	vst v3  }
0x77: {  	v3 =	vld.idx.msk [tilespmem:v4+s2+$0x0], $0xffff;
	_ =	sdelay $0x1  }
0x78: {  	v33 =	vld [tilespmem:s15+$0xFFFFFE40];
	_ =	sdelay $0x1  }
0x79: {  	v34 =	vld [tilespmem:s15+$0xFFFFFE50]  }
0x7a: {  	vm13 =	veq.s32 v3, $0x0  }
0x7b: {  	v35 =	vld [tilespmem:s15+$0xFFFFFE60];
	v3 =	vsel vm13, $0x0, v2  }
0x7c: {  	v4 =	vmul.f32 v3, v33;
	_ =	sdelay $0x1  }
0x7d: {  	[tilespmem:s15+$0xFFFFFE40] =	vst v4;
	v4 =	vmul.f32 v34, v3  }
0x7e: {  	s19 =	sadd.s32 $0xFFFFFFF3, s13  }
0x7f: {  	v36 =	vmov s19;
	[tilespmem:s15+$0xFFFFFE50] =	vst v4;
	v4 =	vmul.f32 v35, v3  }
0x80: {  	v37 =	vshrl.u32 v36, $0x3  }
0x81: {  	v38 =	vld [tilespmem:s15+$0xFFFFFE70];
	[tilespmem:s15+$0xFFFFFE60] =	vst v4;
	v4 =	vshll.u32 v37, v1  }
0x82: {  	v4 =	vadd.s32 $0x2, v4  }
0x83: {  	v4 =	vbroadcast v4, $0x0;
	_ =	sdelay $0x2  }
0x84: {  	v3 =	vmul.f32 v38, v3;
	_ =	sdelay $0x1  }
0x85: {  	[tilespmem:s15+$0xFFFFFE70] =	vst v3  }
0x86: {  	v3 =	vld.idx.msk [tilespmem:v4+s2+$0x0], $0xffff;
	_ =	sdelay $0x1  }
0x87: {  	v39 =	vld [tilespmem:s15+$0xFFFFFE80];
	_ =	sdelay $0x1  }
0x88: {  	v40 =	vld [tilespmem:s15+$0xFFFFFE90]  }
0x89: {  	vm14 =	veq.s32 v3, $0x0  }
0x8a: {  	v41 =	vld [tilespmem:s15+$0xFFFFFEA0];
	v3 =	vsel vm14, $0x0, v2  }
0x8b: {  	v4 =	vmul.f32 v3, v39;
	_ =	sdelay $0x1  }
0x8c: {  	[tilespmem:s15+$0xFFFFFE80] =	vst v4;
	v4 =	vmul.f32 v40, v3  }
0x8d: {  	s19 =	sadd.s32 $0xFFFFFFF4, s13  }
0x8e: {  	v42 =	vmov s19;
	[tilespmem:s15+$0xFFFFFE90] =	vst v4;
	v4 =	vmul.f32 v41, v3  }
0x8f: {  	v43 =	vshrl.u32 v42, $0x3  }
0x90: {  	v44 =	vld [tilespmem:s15+$0xFFFFFEB0];
	[tilespmem:s15+$0xFFFFFEA0] =	vst v4;
	v4 =	vshll.u32 v43, v1  }
0x91: {  	v4 =	vadd.s32 $0x3, v4  }
0x92: {  	v4 =	vbroadcast v4, $0x0;
	_ =	sdelay $0x2  }
0x93: {  	v3 =	vmul.f32 v44, v3;
	_ =	sdelay $0x1  }
0x94: {  	[tilespmem:s15+$0xFFFFFEB0] =	vst v3  }
0x95: {  	v3 =	vld.idx.msk [tilespmem:v4+s2+$0x0], $0xffff;
	_ =	sdelay $0x1  }
0x96: {  	v45 =	vld [tilespmem:s15+$0xFFFFFEC0];
	_ =	sdelay $0x1  }
0x97: {  	v46 =	vld [tilespmem:s15+$0xFFFFFED0]  }
0x98: {  	vm15 =	veq.s32 v3, $0x0  }
0x99: {  	v47 =	vld [tilespmem:s15+$0xFFFFFEE0];
	v3 =	vsel vm15, $0x0, v2  }
0x9a: {  	v4 =	vmul.f32 v3, v45;
	_ =	sdelay $0x1  }
0x9b: {  	[tilespmem:s15+$0xFFFFFEC0] =	vst v4;
	v4 =	vmul.f32 v46, v3  }
0x9c: {  	s19 =	sadd.s32 $0xFFFFFFF5, s13  }
0x9d: {  	v48 =	vmov s19;
	[tilespmem:s15+$0xFFFFFED0] =	vst v4;
	v4 =	vmul.f32 v47, v3  }
0x9e: {  	v49 =	vshrl.u32 v48, $0x3  }
0x9f: {  	v50 =	vld [tilespmem:s15+$0xFFFFFEF0];
	[tilespmem:s15+$0xFFFFFEE0] =	vst v4;
	v4 =	vshll.u32 v49, v1  }
0xa0: {  	v4 =	vadd.s32 $0x4, v4  }
0xa1: {  	v4 =	vbroadcast v4, $0x0;
	_ =	sdelay $0x2  }
0xa2: {  	v3 =	vmul.f32 v50, v3;
	_ =	sdelay $0x1  }
0xa3: {  	[tilespmem:s15+$0xFFFFFEF0] =	vst v3  }
0xa4: {  	v3 =	vld.idx.msk [tilespmem:v4+s2+$0x0], $0xffff;
	_ =	sdelay $0x1  }
0xa5: {  	v51 =	vld [tilespmem:s15+$0xFFFFFF00];
	_ =	sdelay $0x1  }
0xa6: {  	v52 =	vld [tilespmem:s15+$0xFFFFFF10]  }
0xa7: {  	vm4 =	veq.s32 v3, $0x0  }
0xa8: {  	v53 =	vld [tilespmem:s15+$0xFFFFFF20];
	v3 =	vsel vm4, $0x0, v2  }
0xa9: {  	v4 =	vmul.f32 v3, v51;
	_ =	sdelay $0x1  }
0xaa: {  	[tilespmem:s15+$0xFFFFFF00] =	vst v4;
	v4 =	vmul.f32 v52, v3  }
0xab: {  	s19 =	sadd.s32 $0xFFFFFFF6, s13  }
0xac: {  	v54 =	vmov s19;
	[tilespmem:s15+$0xFFFFFF10] =	vst v4;
	v4 =	vmul.f32 v53, v3  }
0xad: {  	v55 =	vshrl.u32 v54, $0x3  }
0xae: {  	v56 =	vld [tilespmem:s15+$0xFFFFFF30];
	[tilespmem:s15+$0xFFFFFF20] =	vst v4;
	v4 =	vshll.u32 v55, v1  }
0xaf: {  	v4 =	vadd.s32 $0x5, v4  }
0xb0: {  	v4 =	vbroadcast v4, $0x0;
	_ =	sdelay $0x2  }
0xb1: {  	v3 =	vmul.f32 v56, v3;
	_ =	sdelay $0x1  }
0xb2: {  	[tilespmem:s15+$0xFFFFFF30] =	vst v3  }
0xb3: {  	v3 =	vld.idx.msk [tilespmem:v4+s2+$0x0], $0xffff;
	_ =	sdelay $0x1  }
0xb4: {  	v57 =	vld [tilespmem:s15+$0xFFFFFF40];
	_ =	sdelay $0x1  }
0xb5: {  	v58 =	vld [tilespmem:s15+$0xFFFFFF50]  }
0xb6: {  	vm5 =	veq.s32 v3, $0x0  }
0xb7: {  	v59 =	vld [tilespmem:s15+$0xFFFFFF60];
	v3 =	vsel vm5, $0x0, v2  }
0xb8: {  	v4 =	vmul.f32 v3, v57;
	_ =	sdelay $0x1  }
0xb9: {  	[tilespmem:s15+$0xFFFFFF40] =	vst v4;
	v4 =	vmul.f32 v58, v3  }
0xba: {  	s19 =	sadd.s32 $0xFFFFFFF7, s13  }
0xbb: {  	v60 =	vmov s19;
	[tilespmem:s15+$0xFFFFFF50] =	vst v4;
	v4 =	vmul.f32 v59, v3  }
0xbc: {  	v61 =	vshrl.u32 v60, $0x3  }
0xbd: {  	v62 =	vld [tilespmem:s15+$0xFFFFFF70];
	[tilespmem:s15+$0xFFFFFF60] =	vst v4;
	v4 =	vshll.u32 v61, v1  }
0xbe: {  	v4 =	vadd.s32 $0x6, v4  }
0xbf: {  	v4 =	vbroadcast v4, $0x0;
	_ =	sdelay $0x2  }
0xc0: {  	v3 =	vmul.f32 v62, v3;
	_ =	sdelay $0x1  }
0xc1: {  	[tilespmem:s15+$0xFFFFFF70] =	vst v3  }
0xc2: {  	v3 =	vld.idx.msk [tilespmem:v4+s2+$0x0], $0xffff;
	_ =	sdelay $0x1  }
0xc3: {  	v63 =	vld [tilespmem:s15+$0xFFFFFF80];
	_ =	sdelay $0x1  }
0xc4: {  	v8 =	vld [tilespmem:s15+$0xFFFFFF90]  }
0xc5: {  	vm6 =	veq.s32 v3, $0x0  }
0xc6: {  	v9 =	vld [tilespmem:s15+$0xFFFFFFA0];
	v3 =	vsel vm6, $0x0, v2  }
0xc7: {  	v4 =	vmul.f32 v3, v63;
	_ =	sdelay $0x1  }
0xc8: {  	[tilespmem:s15+$0xFFFFFF80] =	vst v4;
	v4 =	vmul.f32 v8, v3  }
0xc9: {  	s19 =	sadd.s32 $0xFFFFFFF8, s13  }
0xca: {  	v10 =	vmov s19;
	[tilespmem:s15+$0xFFFFFF90] =	vst v4;
	v4 =	vmul.f32 v9, v3  }
0xcb: {  	v11 =	vshrl.u32 v10, $0x3  }
0xcc: {  	v12 =	vld [tilespmem:s15+$0xFFFFFFB0];
	[tilespmem:s15+$0xFFFFFFA0] =	vst v4;
	v4 =	vshll.u32 v11, v1  }
0xcd: {  	v4 =	vadd.s32 $0x7, v4  }
0xce: {  	v4 =	vbroadcast v4, $0x0;
	_ =	sdelay $0x2  }
0xcf: {  	v3 =	vmul.f32 v12, v3;
	_ =	sdelay $0x1  }
0xd0: {  	[tilespmem:s15+$0xFFFFFFB0] =	vst v3  }
0xd1: {  	v3 =	vld.idx.msk [tilespmem:v4+s2+$0x0], $0xffff;
	_ =	sdelay $0x1  }
0xd2: {  	v13 =	vld [tilespmem:s15+$0xFFFFFFC0];
	_ =	sdelay $0x1  }
0xd3: {  	v14 =	vld [tilespmem:s15+$0xFFFFFFD0]  }
0xd4: {  	vm7 =	veq.s32 v3, $0x0  }
0xd5: {  	v15 =	vld [tilespmem:s15+$0xFFFFFFE0];
	v3 =	vsel vm7, $0x0, v2  }
0xd6: {  	v4 =	vmul.f32 v3, v13;
	_ =	sdelay $0x1  }
0xd7: {  	[tilespmem:s15+$0xFFFFFFC0] =	vst v4;
	v4 =	vmul.f32 v14, v3;
	_ =	sdelay $0x1  }
0xd8: {  	s19 =	sadd.s32 $0xFFFFFFF9, s13;
	[tilespmem:s15+$0xFFFFFFD0] =	vst v4;
	v4 =	vmul.f32 v15, v3  }
0xd9: {  	v16 =	vmov s19  }
0xda: {  	v17 =	vld [tilespmem:s15+$0xFFFFFFF0];
	[tilespmem:s15+$0xFFFFFFE0] =	vst v4;
	v4 =	vshrl.u32 v16, $0x3  }
0xdb: {  	v4 =	vshll.u32 v4, v1  }
0xdc: {  	v4 =	vbroadcast v4, $0x0;
	_ =	sdelay $0x2  }
0xdd: {  	v3 =	vmul.f32 v17, v3;
	_ =	sdelay $0x1  }
0xde: {  	[tilespmem:s15+$0xFFFFFFF0] =	vst v3  }
0xdf: {  	v3 =	vld.idx.msk [tilespmem:v4+s2+$0x0], $0xffff;
	_ =	sdelay $0x1  }
0xe0: {  	v18 =	vld [tilespmem:s15+$0x0];
	_ =	sdelay $0x1  }
0xe1: {  	v19 =	vld [tilespmem:s15+$0x10]  }
0xe2: {  	vm8 =	veq.s32 v3, $0x0  }
0xe3: {  	v20 =	vld [tilespmem:s15+$0x20];
	v3 =	vsel vm8, $0x0, v2  }
0xe4: {  	v4 =	vmul.f32 v3, v18;
	_ =	sdelay $0x1  }
0xe5: {  	[tilespmem:s15+$0x0] =	vst v4;
	v4 =	vmul.f32 v19, v3  }
0xe6: {  	s19 =	sadd.s32 $0xFFFFFFFA, s13  }
0xe7: {  	v21 =	vmov s19;
	[tilespmem:s15+$0x10] =	vst v4;
	v4 =	vmul.f32 v20, v3  }
0xe8: {  	v22 =	vshrl.u32 v21, $0x3  }
0xe9: {  	v23 =	vld [tilespmem:s15+$0x30];
	[tilespmem:s15+$0x20] =	vst v4;
	v4 =	vshll.u32 v22, v1  }
0xea: {  	v4 =	vadd.s32 $0x1, v4  }
0xeb: {  	v4 =	vbroadcast v4, $0x0;
	_ =	sdelay $0x2  }
0xec: {  	v3 =	vmul.f32 v23, v3;
	_ =	sdelay $0x1  }
0xed: {  	[tilespmem:s15+$0x30] =	vst v3  }
0xee: {  	v3 =	vld.idx.msk [tilespmem:v4+s2+$0x0], $0xffff;
	_ =	sdelay $0x1  }
0xef: {  	v24 =	vld [tilespmem:s15+$0x40];
	_ =	sdelay $0x1  }
0xf0: {  	v25 =	vld [tilespmem:s15+$0x50]  }
0xf1: {  	vm9 =	veq.s32 v3, $0x0  }
0xf2: {  	v26 =	vld [tilespmem:s15+$0x60];
	v3 =	vsel vm9, $0x0, v2  }
0xf3: {  	v4 =	vmul.f32 v3, v24;
	_ =	sdelay $0x1  }
0xf4: {  	[tilespmem:s15+$0x40] =	vst v4;
	v4 =	vmul.f32 v25, v3  }
0xf5: {  	s19 =	sadd.s32 $0xFFFFFFFB, s13  }
0xf6: {  	v27 =	vmov s19;
	[tilespmem:s15+$0x50] =	vst v4;
	v4 =	vmul.f32 v26, v3  }
0xf7: {  	v28 =	vshrl.u32 v27, $0x3  }
0xf8: {  	v29 =	vld [tilespmem:s15+$0x70];
	[tilespmem:s15+$0x60] =	vst v4;
	v4 =	vshll.u32 v28, v1  }
0xf9: {  	v4 =	vadd.s32 $0x2, v4  }
0xfa: {  	v4 =	vbroadcast v4, $0x0;
	_ =	sdelay $0x2  }
0xfb: {  	v3 =	vmul.f32 v29, v3;
	_ =	sdelay $0x1  }
0xfc: {  	[tilespmem:s15+$0x70] =	vst v3  }
0xfd: {  	v3 =	vld.idx.msk [tilespmem:v4+s2+$0x0], $0xffff;
	_ =	sdelay $0x1  }
0xfe: {  	v30 =	vld [tilespmem:s15+$0x80];
	_ =	sdelay $0x1  }
0xff: {  	v31 =	vld [tilespmem:s15+$0x90]  }
0x100: {  	vm10 =	veq.s32 v3, $0x0  }
0x101: {  	v32 =	vld [tilespmem:s15+$0xA0];
	v3 =	vsel vm10, $0x0, v2  }
0x102: {  	v4 =	vmul.f32 v3, v30;
	_ =	sdelay $0x1  }
0x103: {  	[tilespmem:s15+$0x80] =	vst v4;
	v4 =	vmul.f32 v31, v3  }
0x104: {  	s19 =	sadd.s32 $0xFFFFFFFC, s13  }
0x105: {  	v33 =	vmov s19;
	[tilespmem:s15+$0x90] =	vst v4;
	v4 =	vmul.f32 v32, v3  }
0x106: {  	v34 =	vshrl.u32 v33, $0x3  }
0x107: {  	v35 =	vld [tilespmem:s15+$0xB0];
	[tilespmem:s15+$0xA0] =	vst v4;
	v4 =	vshll.u32 v34, v1  }
0x108: {  	v4 =	vadd.s32 $0x3, v4  }
0x109: {  	v4 =	vbroadcast v4, $0x0;
	_ =	sdelay $0x2  }
0x10a: {  	v3 =	vmul.f32 v35, v3;
	_ =	sdelay $0x1  }
0x10b: {  	[tilespmem:s15+$0xB0] =	vst v3  }
0x10c: {  	v3 =	vld.idx.msk [tilespmem:v4+s2+$0x0], $0xffff;
	_ =	sdelay $0x1  }
0x10d: {  	v36 =	vld [tilespmem:s15+$0xC0];
	_ =	sdelay $0x1  }
0x10e: {  	v37 =	vld [tilespmem:s15+$0xD0]  }
0x10f: {  	vm11 =	veq.s32 v3, $0x0  }
0x110: {  	v38 =	vld [tilespmem:s15+$0xE0];
	v3 =	vsel vm11, $0x0, v2  }
0x111: {  	v4 =	vmul.f32 v3, v36;
	_ =	sdelay $0x1  }
0x112: {  	[tilespmem:s15+$0xC0] =	vst v4;
	v4 =	vmul.f32 v37, v3  }
0x113: {  	s19 =	sadd.s32 $0xFFFFFFFD, s13  }
0x114: {  	v39 =	vmov s19;
	[tilespmem:s15+$0xD0] =	vst v4;
	v4 =	vmul.f32 v38, v3  }
0x115: {  	v40 =	vshrl.u32 v39, $0x3  }
0x116: {  	v41 =	vld [tilespmem:s15+$0xF0];
	[tilespmem:s15+$0xE0] =	vst v4;
	v4 =	vshll.u32 v40, v1  }
0x117: {  	v4 =	vadd.s32 $0x4, v4  }
0x118: {  	v4 =	vbroadcast v4, $0x0;
	_ =	sdelay $0x2  }
0x119: {  	v3 =	vmul.f32 v41, v3;
	_ =	sdelay $0x1  }
0x11a: {  	[tilespmem:s15+$0xF0] =	vst v3  }
0x11b: {  	v3 =	vld.idx.msk [tilespmem:v4+s2+$0x0], $0xffff;
	_ =	sdelay $0x1  }
0x11c: {  	v42 =	vld [tilespmem:s15+$0x100];
	_ =	sdelay $0x1  }
0x11d: {  	v43 =	vld [tilespmem:s15+$0x110]  }
0x11e: {  	vm12 =	veq.s32 v3, $0x0  }
0x11f: {  	v44 =	vld [tilespmem:s15+$0x120];
	v3 =	vsel vm12, $0x0, v2  }
0x120: {  	v4 =	vmul.f32 v3, v42;
	_ =	sdelay $0x1  }
0x121: {  	[tilespmem:s15+$0x100] =	vst v4;
	v4 =	vmul.f32 v43, v3  }
0x122: {  	s19 =	sadd.s32 $0xFFFFFFFE, s13  }
0x123: {  	v45 =	vmov s19;
	[tilespmem:s15+$0x110] =	vst v4;
	v4 =	vmul.f32 v44, v3  }
0x124: {  	v46 =	vshrl.u32 v45, $0x3  }
0x125: {  	v47 =	vld [tilespmem:s15+$0x130];
	[tilespmem:s15+$0x120] =	vst v4;
	v4 =	vshll.u32 v46, v1  }
0x126: {  	v4 =	vadd.s32 $0x5, v4  }
0x127: {  	v4 =	vbroadcast v4, $0x0;
	_ =	sdelay $0x2  }
0x128: {  	v3 =	vmul.f32 v47, v3;
	_ =	sdelay $0x1  }
0x129: {  	[tilespmem:s15+$0x130] =	vst v3  }
0x12a: {  	v3 =	vld.idx.msk [tilespmem:v4+s2+$0x0], $0xffff;
	_ =	sdelay $0x1  }
0x12b: {  	v48 =	vld [tilespmem:s15+$0x140];
	_ =	sdelay $0x1  }
0x12c: {  	v49 =	vld [tilespmem:s15+$0x150]  }
0x12d: {  	vm13 =	veq.s32 v3, $0x0  }
0x12e: {  	v50 =	vld [tilespmem:s15+$0x160];
	v3 =	vsel vm13, $0x0, v2  }
0x12f: {  	v4 =	vmul.f32 v3, v48;
	_ =	sdelay $0x1  }
0x130: {  	[tilespmem:s15+$0x140] =	vst v4;
	v4 =	vmul.f32 v49, v3  }
0x131: {  	s19 =	sadd.s32 $0xFFFFFFFF, s13  }
0x132: {  	v51 =	vmov s19;
	[tilespmem:s15+$0x150] =	vst v4;
	v4 =	vmul.f32 v50, v3  }
0x133: {  	v52 =	vshrl.u32 v51, $0x3  }
0x134: {  	v53 =	vld [tilespmem:s15+$0x170];
	[tilespmem:s15+$0x160] =	vst v4;
	v4 =	vshll.u32 v52, v1  }
0x135: {  	v4 =	vadd.s32 $0x6, v4  }
0x136: {  	v4 =	vbroadcast v4, $0x0;
	_ =	sdelay $0x2  }
0x137: {  	v3 =	vmul.f32 v53, v3;
	_ =	sdelay $0x1  }
0x138: {  	[tilespmem:s15+$0x170] =	vst v3  }
0x139: {  	v3 =	vld.idx.msk [tilespmem:v4+s2+$0x0], $0xffff;
	_ =	sdelay $0x1  }
0x13a: {  	v54 =	vld [tilespmem:s15+$0x180];
	_ =	sdelay $0x1  }
0x13b: {  	v55 =	vld [tilespmem:s15+$0x190]  }
0x13c: {  	vm14 =	veq.s32 v3, $0x0  }
0x13d: {  	v56 =	vld [tilespmem:s15+$0x1A0];
	v3 =	vsel vm14, $0x0, v2  }
0x13e: {  	v4 =	vmul.f32 v3, v54;
	_ =	sdelay $0x1  }
0x13f: {  	[tilespmem:s15+$0x180] =	vst v4;
	v4 =	vmul.f32 v55, v3;
	_ =	sdelay $0x1  }
0x140: {  	v57 =	vmov s13;
	[tilespmem:s15+$0x190] =	vst v4;
	v4 =	vmul.f32 v56, v3  }
0x141: {  	v58 =	vshrl.u32 v57, $0x3  }
0x142: {  	v59 =	vld [tilespmem:s15+$0x1B0];
	[tilespmem:s15+$0x1A0] =	vst v4;
	v4 =	vshll.u32 v58, v1  }
0x143: {  	v4 =	vadd.s32 $0x7, v4  }
0x144: {  	v4 =	vbroadcast v4, $0x0;
	_ =	sdelay $0x2  }
0x145: {  	v3 =	vmul.f32 v59, v3;
	_ =	sdelay $0x1  }
0x146: {  	[tilespmem:s15+$0x1B0] =	vst v3  }
0x147: {  	v3 =	vld.idx.msk [tilespmem:v4+s2+$0x0], $0xffff;
	_ =	sdelay $0x1  }
0x148: {  	v60 =	vld [tilespmem:s15+$0x1C0];
	_ =	sdelay $0x1  }
0x149: {  	v61 =	vld [tilespmem:s15+$0x1D0]  }
0x14a: {  	vm15 =	veq.s32 v3, $0x0  }
0x14b: {  	v62 =	vld [tilespmem:s15+$0x1E0];
	v3 =	vsel vm15, $0x0, v2  }
0x14c: {  	v63 =	vld [tilespmem:s15+$0x1F0];
	v4 =	vmul.f32 v3, v60;
	_ =	sdelay $0x1  }
0x14d: {  	[tilespmem:s15+$0x1C0] =	vst v4;
	v4 =	vmul.f32 v61, v3  }
.Ltmp5:
0x14e: {  	_ = 	snop;
	(pc) =	sbr.rel .LBB2_4-.Ltmp5, $4  }
0x14f: {  	[tilespmem:s15+$0x1D0] =	vst v4;
	v4 =	vmul.f32 v62, v3  }
0x150: {  	v3 =	vmul.f32 v63, v3  }
0x151: {  	[tilespmem:s15+$0x1E0] =	vst v4  }
0x152: {  	[tilespmem:s15+$0x1F0] =	vst v3  }
.LBB2_5:
0x153: {  	[hbm4b:s5+s2] =	stream.linear.scatter [tilespmem:s12], [sflag:$0x3], $0xD000, $0x38;
	[tilespmem:$0x1AD00] =	vst v63  }
0x154: {  	_ =	swait.ge [sflag:s16], $0xD000  }
0x155: {  	[sflag:s16] =	ssyncset.done $0x0  }
0x156: {  	s13 =	simm.s32 $0x680;
	[sflag:s16] =	ssyncadd.s32 $0xFFFF3000  }
0x157: {  	[tilespmem:s12], [sflag:$0x1] =	stream.indirect.gather [hbm4b:s3+s11], $0x40, s13, s11, $0xb8;
	[tilespmem:$0x1AD00] =	vst v63  }
0x158: {  	s19 =	simm.s32 $0x2700;
	s15 =	simm.s32 $0x6E8  }
0x159: {  	[tilespmem:s19], [sflag:$0x1] =	stream.indirect.gather [hbm4b:s3+s11], $0x40, s15, s11, $0xb8;
	[tilespmem:$0x1AD00] =	vst v63  }
0x15a: {  	s17 =	simm.s32 $0x4100;
	s19 =	simm.s32 $0x750  }
0x15b: {  	[tilespmem:s17], [sflag:$0x1] =	stream.indirect.gather [hbm4b:s3+s11], $0x40, s19, s11, $0xb8;
	[tilespmem:$0x1AD00] =	vst v63  }
0x15c: {  	s17 =	simm.s32 $0x5B00;
	s19 =	simm.s32 $0x7B8  }
0x15d: {  	[tilespmem:s17], [sflag:$0x1] =	stream.indirect.gather [hbm4b:s3+s11], $0x40, s19, s11, $0xb8;
	[tilespmem:$0x1AD00] =	vst v63  }
0x15e: {  	s17 =	simm.s32 $0x7500;
	s19 =	simm.s32 $0x820  }
0x15f: {  	[tilespmem:s17], [sflag:$0x1] =	stream.indirect.gather [hbm4b:s3+s11], $0x40, s19, s11, $0xb8;
	[tilespmem:$0x1AD00] =	vst v63  }
0x160: {  	s15 =	simm.s32 $0x888  }
0x161: {  	[tilespmem:s21], [sflag:$0x1] =	stream.indirect.gather [hbm4b:s3+s11], $0x40, s15, s11, $0xb8;
	[tilespmem:$0x1AD00] =	vst v63  }
0x162: {  	s17 =	simm.s32 $0x8F0  }
0x163: {  	[tilespmem:s23], [sflag:$0x1] =	stream.indirect.gather [hbm4b:s3+s11], $0x40, s17, s11, $0xb8;
	[tilespmem:$0x1AD00] =	vst v63  }
0x164: {  	s19 =	simm.s32 $0x958  }
0x165: {  	[tilespmem:s25], [sflag:$0x1] =	stream.indirect.gather [hbm4b:s3+s11], $0x40, s19, s11, $0xb8;
	[tilespmem:$0x1AD00] =	vst v63  }
0x166: {  	_ =	swait.ge [sflag:s29], $0x1A00  }
0x167: {  	[sflag:s29] =	ssyncset.done $0x0  }
0x168: {  	[sflag:s29] =	ssyncadd.s32 $0xFFFFE600  }
0x169: {  	_ =	swait.ge [sflag:s29], $0x1A00  }
0x16a: {  	[sflag:s29] =	ssyncset.done $0x0  }
0x16b: {  	[sflag:s29] =	ssyncadd.s32 $0xFFFFE600  }
0x16c: {  	_ =	swait.ge [sflag:s29], $0x1A00  }
0x16d: {  	[sflag:s29] =	ssyncset.done $0x0  }
0x16e: {  	[sflag:s29] =	ssyncadd.s32 $0xFFFFE600  }
0x16f: {  	_ =	swait.ge [sflag:s29], $0x1A00  }
0x170: {  	[sflag:s29] =	ssyncset.done $0x0  }
0x171: {  	[sflag:s29] =	ssyncadd.s32 $0xFFFFE600  }
0x172: {  	_ =	swait.ge [sflag:s29], $0x1A00  }
0x173: {  	[sflag:s29] =	ssyncset.done $0x0  }
0x174: {  	[sflag:s29] =	ssyncadd.s32 $0xFFFFE600  }
0x175: {  	_ =	swait.ge [sflag:s29], $0x1A00  }
0x176: {  	[sflag:s29] =	ssyncset.done $0x0  }
0x177: {  	[sflag:s29] =	ssyncadd.s32 $0xFFFFE600  }
0x178: {  	_ =	swait.ge [sflag:s29], $0x1A00  }
.Ltmp6:
0x179: {  	[sflag:s29] =	ssyncset.done $0x0;
	(pc) =	sbr.rel .LBB2_6-.Ltmp6, $4  }
0x17a: {  	[sflag:s29] =	ssyncadd.s32 $0xFFFFE600  }
0x17b: {  	_ =	swait.ge [sflag:s29], $0x1A00  }
0x17c: {  	s13 =	simm.s32 $0x340;
	[sflag:s29] =	ssyncset.done $0x0  }
0x17d: {  	s15 =	simm.s32 $0xDF00;
	s17 =	simm.s32 $0x340;
	[sflag:s29] =	ssyncadd.s32 $0xFFFFE600  }
.LBB2_8:
0x17e: {  	s17 =	sadd.s32 $0x10, s17  }
0x17f: {  	p0 =	sne.s32 s17, $0x680  }
.Ltmp7:
0x180: {  	_ = 	snop;
	(pc) =	sbr.rel @!p0 .LBB2_9-.Ltmp7, $2  }
0x181: {  	_ =	sdelay $0x2  }
0x182: {  	s13 =	sadd.s32 $0x10, s13;
	s15 =	sadd.s32 $0x400, s15  }
.LBB2_6:
0x183: {  	v3 =	vld [tilespmem:s13+$0x0];
	_ =	sdelay $0x4  }
0x184: {  	vm0 =	veq.s32 v3, $0x0  }
0x185: {  	v3 =	vsel vm0, $0x3F800000, v0  }
0x186: {  	(xrf0) =	vmax.scan.msk.f32 $0xffff, v3;
	_ =	sdelay $0x5  }
0x187: {  	v3, _, _ =	vpop (xrf0)  }
0x188: {  	(v2sf) =	vpush v3, $0xF;
	_ =	sdelay $0xe  }
0x189: {  	s19 =	spop (v2sf)  }
0x18a: {  	p0 =	sgt.f32 s19, $0.0e+00  }
.Ltmp8:
0x18b: {  	_ = 	snop;
	(pc) =	sbr.rel @!p0 .LBB2_8-.Ltmp8, $1  }
0x18c: {  	_ =	sdelay $0x3  }
0x18d: {  	v3 =	vmov s17  }
0x18e: {  	v3 =	vshrl.u32 v3, $0x3  }
0x18f: {  	v3 =	vshll.u32 v3, v1  }
0x190: {  	v3 =	vbroadcast v3, $0x0;
	_ =	sdelay $0x5  }
0x191: {  	v3 =	vld.idx.msk [tilespmem:v3+s2+$0x0], $0xffff;
	_ =	sdelay $0x1  }
0x192: {  	v4 =	vld [tilespmem:s15+$0xFFFFFE00];
	_ =	sdelay $0x1  }
0x193: {  	v29 =	vld [tilespmem:s15+$0xFFFFFE10]  }
0x194: {  	vm0 =	veq.s32 v3, $0x0  }
0x195: {  	v30 =	vld [tilespmem:s15+$0xFFFFFE20];
	v3 =	vsel vm0, $0x0, v2  }
0x196: {  	v4 =	vmul.f32 v3, v4;
	_ =	sdelay $0x1  }
0x197: {  	[tilespmem:s15+$0xFFFFFE00] =	vst v4;
	v4 =	vmul.f32 v29, v3  }
0x198: {  	s19 =	sadd.s32 $0x1, s17  }
0x199: {  	v5 =	vmov s19;
	[tilespmem:s15+$0xFFFFFE10] =	vst v4;
	v4 =	vmul.f32 v30, v3  }
0x19a: {  	v31 =	vshrl.u32 v5, $0x3  }
0x19b: {  	v32 =	vld [tilespmem:s15+$0xFFFFFE30];
	[tilespmem:s15+$0xFFFFFE20] =	vst v4;
	v4 =	vshll.u32 v31, v1  }
0x19c: {  	v4 =	vadd.s32 $0x1, v4  }
0x19d: {  	v4 =	vbroadcast v4, $0x0;
	_ =	sdelay $0x2  }
0x19e: {  	v3 =	vmul.f32 v32, v3;
	_ =	sdelay $0x1  }
0x19f: {  	[tilespmem:s15+$0xFFFFFE30] =	vst v3  }
0x1a0: {  	v3 =	vld.idx.msk [tilespmem:v4+s2+$0x0], $0xffff;
	_ =	sdelay $0x1  }
0x1a1: {  	v33 =	vld [tilespmem:s15+$0xFFFFFE40];
	_ =	sdelay $0x1  }
0x1a2: {  	v34 =	vld [tilespmem:s15+$0xFFFFFE50]  }
0x1a3: {  	vm13 =	veq.s32 v3, $0x0  }
0x1a4: {  	v35 =	vld [tilespmem:s15+$0xFFFFFE60];
	v3 =	vsel vm13, $0x0, v2  }
0x1a5: {  	v4 =	vmul.f32 v3, v33;
	_ =	sdelay $0x1  }
0x1a6: {  	[tilespmem:s15+$0xFFFFFE40] =	vst v4;
	v4 =	vmul.f32 v34, v3  }
0x1a7: {  	s19 =	sadd.s32 $0x2, s17  }
0x1a8: {  	v36 =	vmov s19;
	[tilespmem:s15+$0xFFFFFE50] =	vst v4;
	v4 =	vmul.f32 v35, v3  }
0x1a9: {  	v37 =	vshrl.u32 v36, $0x3  }
0x1aa: {  	v38 =	vld [tilespmem:s15+$0xFFFFFE70];
	[tilespmem:s15+$0xFFFFFE60] =	vst v4;
	v4 =	vshll.u32 v37, v1  }
0x1ab: {  	v4 =	vadd.s32 $0x2, v4  }
0x1ac: {  	v4 =	vbroadcast v4, $0x0;
	_ =	sdelay $0x2  }
0x1ad: {  	v3 =	vmul.f32 v38, v3;
	_ =	sdelay $0x1  }
0x1ae: {  	[tilespmem:s15+$0xFFFFFE70] =	vst v3  }
0x1af: {  	v3 =	vld.idx.msk [tilespmem:v4+s2+$0x0], $0xffff;
	_ =	sdelay $0x1  }
0x1b0: {  	v39 =	vld [tilespmem:s15+$0xFFFFFE80];
	_ =	sdelay $0x1  }
0x1b1: {  	v40 =	vld [tilespmem:s15+$0xFFFFFE90]  }
0x1b2: {  	vm14 =	veq.s32 v3, $0x0  }
0x1b3: {  	v41 =	vld [tilespmem:s15+$0xFFFFFEA0];
	v3 =	vsel vm14, $0x0, v2  }
0x1b4: {  	v4 =	vmul.f32 v3, v39;
	_ =	sdelay $0x1  }
0x1b5: {  	[tilespmem:s15+$0xFFFFFE80] =	vst v4;
	v4 =	vmul.f32 v40, v3  }
0x1b6: {  	s19 =	sadd.s32 $0x3, s17  }
0x1b7: {  	v42 =	vmov s19;
	[tilespmem:s15+$0xFFFFFE90] =	vst v4;
	v4 =	vmul.f32 v41, v3  }
0x1b8: {  	v43 =	vshrl.u32 v42, $0x3  }
0x1b9: {  	v44 =	vld [tilespmem:s15+$0xFFFFFEB0];
	[tilespmem:s15+$0xFFFFFEA0] =	vst v4;
	v4 =	vshll.u32 v43, v1  }
0x1ba: {  	v4 =	vadd.s32 $0x3, v4  }
0x1bb: {  	v4 =	vbroadcast v4, $0x0;
	_ =	sdelay $0x2  }
0x1bc: {  	v3 =	vmul.f32 v44, v3;
	_ =	sdelay $0x1  }
0x1bd: {  	[tilespmem:s15+$0xFFFFFEB0] =	vst v3  }
0x1be: {  	v3 =	vld.idx.msk [tilespmem:v4+s2+$0x0], $0xffff;
	_ =	sdelay $0x1  }
0x1bf: {  	v45 =	vld [tilespmem:s15+$0xFFFFFEC0];
	_ =	sdelay $0x1  }
0x1c0: {  	v46 =	vld [tilespmem:s15+$0xFFFFFED0]  }
0x1c1: {  	vm15 =	veq.s32 v3, $0x0  }
0x1c2: {  	v47 =	vld [tilespmem:s15+$0xFFFFFEE0];
	v3 =	vsel vm15, $0x0, v2  }
0x1c3: {  	v4 =	vmul.f32 v3, v45;
	_ =	sdelay $0x1  }
0x1c4: {  	[tilespmem:s15+$0xFFFFFEC0] =	vst v4;
	v4 =	vmul.f32 v46, v3  }
0x1c5: {  	s19 =	sadd.s32 $0x4, s17  }
0x1c6: {  	v48 =	vmov s19;
	[tilespmem:s15+$0xFFFFFED0] =	vst v4;
	v4 =	vmul.f32 v47, v3  }
0x1c7: {  	v49 =	vshrl.u32 v48, $0x3  }
0x1c8: {  	v50 =	vld [tilespmem:s15+$0xFFFFFEF0];
	[tilespmem:s15+$0xFFFFFEE0] =	vst v4;
	v4 =	vshll.u32 v49, v1  }
0x1c9: {  	v4 =	vadd.s32 $0x4, v4  }
0x1ca: {  	v4 =	vbroadcast v4, $0x0;
	_ =	sdelay $0x2  }
0x1cb: {  	v3 =	vmul.f32 v50, v3;
	_ =	sdelay $0x1  }
0x1cc: {  	[tilespmem:s15+$0xFFFFFEF0] =	vst v3  }
0x1cd: {  	v3 =	vld.idx.msk [tilespmem:v4+s2+$0x0], $0xffff;
	_ =	sdelay $0x1  }
0x1ce: {  	v51 =	vld [tilespmem:s15+$0xFFFFFF00];
	_ =	sdelay $0x1  }
0x1cf: {  	v52 =	vld [tilespmem:s15+$0xFFFFFF10]  }
0x1d0: {  	vm4 =	veq.s32 v3, $0x0  }
0x1d1: {  	v53 =	vld [tilespmem:s15+$0xFFFFFF20];
	v3 =	vsel vm4, $0x0, v2  }
0x1d2: {  	v4 =	vmul.f32 v3, v51;
	_ =	sdelay $0x1  }
0x1d3: {  	[tilespmem:s15+$0xFFFFFF00] =	vst v4;
	v4 =	vmul.f32 v52, v3  }
0x1d4: {  	s19 =	sadd.s32 $0x5, s17  }
0x1d5: {  	v54 =	vmov s19;
	[tilespmem:s15+$0xFFFFFF10] =	vst v4;
	v4 =	vmul.f32 v53, v3  }
0x1d6: {  	v55 =	vshrl.u32 v54, $0x3  }
0x1d7: {  	v56 =	vld [tilespmem:s15+$0xFFFFFF30];
	[tilespmem:s15+$0xFFFFFF20] =	vst v4;
	v4 =	vshll.u32 v55, v1  }
0x1d8: {  	v4 =	vadd.s32 $0x5, v4  }
0x1d9: {  	v4 =	vbroadcast v4, $0x0;
	_ =	sdelay $0x2  }
0x1da: {  	v3 =	vmul.f32 v56, v3;
	_ =	sdelay $0x1  }
0x1db: {  	[tilespmem:s15+$0xFFFFFF30] =	vst v3  }
0x1dc: {  	v3 =	vld.idx.msk [tilespmem:v4+s2+$0x0], $0xffff;
	_ =	sdelay $0x1  }
0x1dd: {  	v57 =	vld [tilespmem:s15+$0xFFFFFF40];
	_ =	sdelay $0x1  }
0x1de: {  	v58 =	vld [tilespmem:s15+$0xFFFFFF50]  }
0x1df: {  	vm5 =	veq.s32 v3, $0x0  }
0x1e0: {  	v59 =	vld [tilespmem:s15+$0xFFFFFF60];
	v3 =	vsel vm5, $0x0, v2  }
0x1e1: {  	v4 =	vmul.f32 v3, v57;
	_ =	sdelay $0x1  }
0x1e2: {  	[tilespmem:s15+$0xFFFFFF40] =	vst v4;
	v4 =	vmul.f32 v58, v3  }
0x1e3: {  	s19 =	sadd.s32 $0x6, s17  }
0x1e4: {  	v60 =	vmov s19;
	[tilespmem:s15+$0xFFFFFF50] =	vst v4;
	v4 =	vmul.f32 v59, v3  }
0x1e5: {  	v61 =	vshrl.u32 v60, $0x3  }
0x1e6: {  	v62 =	vld [tilespmem:s15+$0xFFFFFF70];
	[tilespmem:s15+$0xFFFFFF60] =	vst v4;
	v4 =	vshll.u32 v61, v1  }
0x1e7: {  	v4 =	vadd.s32 $0x6, v4  }
0x1e8: {  	v4 =	vbroadcast v4, $0x0;
	_ =	sdelay $0x2  }
0x1e9: {  	v3 =	vmul.f32 v62, v3;
	_ =	sdelay $0x1  }
0x1ea: {  	[tilespmem:s15+$0xFFFFFF70] =	vst v3  }
0x1eb: {  	v3 =	vld.idx.msk [tilespmem:v4+s2+$0x0], $0xffff;
	_ =	sdelay $0x1  }
0x1ec: {  	v63 =	vld [tilespmem:s15+$0xFFFFFF80];
	_ =	sdelay $0x1  }
0x1ed: {  	v8 =	vld [tilespmem:s15+$0xFFFFFF90]  }
0x1ee: {  	vm6 =	veq.s32 v3, $0x0  }
0x1ef: {  	v9 =	vld [tilespmem:s15+$0xFFFFFFA0];
	v3 =	vsel vm6, $0x0, v2  }
0x1f0: {  	v4 =	vmul.f32 v3, v63;
	_ =	sdelay $0x1  }
0x1f1: {  	[tilespmem:s15+$0xFFFFFF80] =	vst v4;
	v4 =	vmul.f32 v8, v3  }
0x1f2: {  	s19 =	sadd.s32 $0x7, s17  }
0x1f3: {  	v10 =	vmov s19;
	[tilespmem:s15+$0xFFFFFF90] =	vst v4;
	v4 =	vmul.f32 v9, v3  }
0x1f4: {  	v11 =	vshrl.u32 v10, $0x3  }
0x1f5: {  	v12 =	vld [tilespmem:s15+$0xFFFFFFB0];
	[tilespmem:s15+$0xFFFFFFA0] =	vst v4;
	v4 =	vshll.u32 v11, v1  }
0x1f6: {  	v4 =	vadd.s32 $0x7, v4  }
0x1f7: {  	v4 =	vbroadcast v4, $0x0;
	_ =	sdelay $0x2  }
0x1f8: {  	v3 =	vmul.f32 v12, v3;
	_ =	sdelay $0x1  }
0x1f9: {  	[tilespmem:s15+$0xFFFFFFB0] =	vst v3  }
0x1fa: {  	v3 =	vld.idx.msk [tilespmem:v4+s2+$0x0], $0xffff;
	_ =	sdelay $0x1  }
0x1fb: {  	v13 =	vld [tilespmem:s15+$0xFFFFFFC0];
	_ =	sdelay $0x1  }
0x1fc: {  	v14 =	vld [tilespmem:s15+$0xFFFFFFD0]  }
0x1fd: {  	vm7 =	veq.s32 v3, $0x0  }
0x1fe: {  	v15 =	vld [tilespmem:s15+$0xFFFFFFE0];
	v3 =	vsel vm7, $0x0, v2  }
0x1ff: {  	v4 =	vmul.f32 v3, v13;
	_ =	sdelay $0x1  }
0x200: {  	[tilespmem:s15+$0xFFFFFFC0] =	vst v4;
	v4 =	vmul.f32 v14, v3;
	_ =	sdelay $0x1  }
0x201: {  	s19 =	sadd.s32 $0x8, s17;
	[tilespmem:s15+$0xFFFFFFD0] =	vst v4;
	v4 =	vmul.f32 v15, v3  }
0x202: {  	v16 =	vmov s19  }
0x203: {  	v17 =	vld [tilespmem:s15+$0xFFFFFFF0];
	[tilespmem:s15+$0xFFFFFFE0] =	vst v4;
	v4 =	vshrl.u32 v16, $0x3  }
0x204: {  	v4 =	vshll.u32 v4, v1  }
0x205: {  	v4 =	vbroadcast v4, $0x0;
	_ =	sdelay $0x2  }
0x206: {  	v3 =	vmul.f32 v17, v3;
	_ =	sdelay $0x1  }
0x207: {  	[tilespmem:s15+$0xFFFFFFF0] =	vst v3  }
0x208: {  	v3 =	vld.idx.msk [tilespmem:v4+s2+$0x0], $0xffff;
	_ =	sdelay $0x1  }
0x209: {  	v18 =	vld [tilespmem:s15+$0x0];
	_ =	sdelay $0x1  }
0x20a: {  	v19 =	vld [tilespmem:s15+$0x10]  }
0x20b: {  	vm8 =	veq.s32 v3, $0x0  }
0x20c: {  	v20 =	vld [tilespmem:s15+$0x20];
	v3 =	vsel vm8, $0x0, v2  }
0x20d: {  	v4 =	vmul.f32 v3, v18;
	_ =	sdelay $0x1  }
0x20e: {  	[tilespmem:s15+$0x0] =	vst v4;
	v4 =	vmul.f32 v19, v3  }
0x20f: {  	s19 =	sadd.s32 $0x9, s17  }
0x210: {  	v21 =	vmov s19;
	[tilespmem:s15+$0x10] =	vst v4;
	v4 =	vmul.f32 v20, v3  }
0x211: {  	v22 =	vshrl.u32 v21, $0x3  }
0x212: {  	v23 =	vld [tilespmem:s15+$0x30];
	[tilespmem:s15+$0x20] =	vst v4;
	v4 =	vshll.u32 v22, v1  }
0x213: {  	v4 =	vadd.s32 $0x1, v4  }
0x214: {  	v4 =	vbroadcast v4, $0x0;
	_ =	sdelay $0x2  }
0x215: {  	v3 =	vmul.f32 v23, v3;
	_ =	sdelay $0x1  }
0x216: {  	[tilespmem:s15+$0x30] =	vst v3  }
0x217: {  	v3 =	vld.idx.msk [tilespmem:v4+s2+$0x0], $0xffff;
	_ =	sdelay $0x1  }
0x218: {  	v24 =	vld [tilespmem:s15+$0x40];
	_ =	sdelay $0x1  }
0x219: {  	v25 =	vld [tilespmem:s15+$0x50]  }
0x21a: {  	vm9 =	veq.s32 v3, $0x0  }
0x21b: {  	v26 =	vld [tilespmem:s15+$0x60];
	v3 =	vsel vm9, $0x0, v2  }
0x21c: {  	v4 =	vmul.f32 v3, v24;
	_ =	sdelay $0x1  }
0x21d: {  	[tilespmem:s15+$0x40] =	vst v4;
	v4 =	vmul.f32 v25, v3  }
0x21e: {  	s19 =	sadd.s32 $0xA, s17  }
0x21f: {  	v27 =	vmov s19;
	[tilespmem:s15+$0x50] =	vst v4;
	v4 =	vmul.f32 v26, v3  }
0x220: {  	v28 =	vshrl.u32 v27, $0x3  }
0x221: {  	v29 =	vld [tilespmem:s15+$0x70];
	[tilespmem:s15+$0x60] =	vst v4;
	v4 =	vshll.u32 v28, v1  }
0x222: {  	v4 =	vadd.s32 $0x2, v4  }
0x223: {  	v4 =	vbroadcast v4, $0x0;
	_ =	sdelay $0x2  }
0x224: {  	v3 =	vmul.f32 v29, v3;
	_ =	sdelay $0x1  }
0x225: {  	[tilespmem:s15+$0x70] =	vst v3  }
0x226: {  	v3 =	vld.idx.msk [tilespmem:v4+s2+$0x0], $0xffff;
	_ =	sdelay $0x1  }
0x227: {  	v30 =	vld [tilespmem:s15+$0x80];
	_ =	sdelay $0x1  }
0x228: {  	v31 =	vld [tilespmem:s15+$0x90]  }
0x229: {  	vm10 =	veq.s32 v3, $0x0  }
0x22a: {  	v32 =	vld [tilespmem:s15+$0xA0];
	v3 =	vsel vm10, $0x0, v2  }
0x22b: {  	v4 =	vmul.f32 v3, v30;
	_ =	sdelay $0x1  }
0x22c: {  	[tilespmem:s15+$0x80] =	vst v4;
	v4 =	vmul.f32 v31, v3  }
0x22d: {  	s19 =	sadd.s32 $0xB, s17  }
0x22e: {  	v33 =	vmov s19;
	[tilespmem:s15+$0x90] =	vst v4;
	v4 =	vmul.f32 v32, v3  }
0x22f: {  	v34 =	vshrl.u32 v33, $0x3  }
0x230: {  	v35 =	vld [tilespmem:s15+$0xB0];
	[tilespmem:s15+$0xA0] =	vst v4;
	v4 =	vshll.u32 v34, v1  }
0x231: {  	v4 =	vadd.s32 $0x3, v4  }
0x232: {  	v4 =	vbroadcast v4, $0x0;
	_ =	sdelay $0x2  }
0x233: {  	v3 =	vmul.f32 v35, v3;
	_ =	sdelay $0x1  }
0x234: {  	[tilespmem:s15+$0xB0] =	vst v3  }
0x235: {  	v3 =	vld.idx.msk [tilespmem:v4+s2+$0x0], $0xffff;
	_ =	sdelay $0x1  }
0x236: {  	v36 =	vld [tilespmem:s15+$0xC0];
	_ =	sdelay $0x1  }
0x237: {  	v37 =	vld [tilespmem:s15+$0xD0]  }
0x238: {  	vm11 =	veq.s32 v3, $0x0  }
0x239: {  	v38 =	vld [tilespmem:s15+$0xE0];
	v3 =	vsel vm11, $0x0, v2  }
0x23a: {  	v4 =	vmul.f32 v3, v36;
	_ =	sdelay $0x1  }
0x23b: {  	[tilespmem:s15+$0xC0] =	vst v4;
	v4 =	vmul.f32 v37, v3  }
0x23c: {  	s19 =	sadd.s32 $0xC, s17  }
0x23d: {  	v39 =	vmov s19;
	[tilespmem:s15+$0xD0] =	vst v4;
	v4 =	vmul.f32 v38, v3  }
0x23e: {  	v40 =	vshrl.u32 v39, $0x3  }
0x23f: {  	v41 =	vld [tilespmem:s15+$0xF0];
	[tilespmem:s15+$0xE0] =	vst v4;
	v4 =	vshll.u32 v40, v1  }
0x240: {  	v4 =	vadd.s32 $0x4, v4  }
0x241: {  	v4 =	vbroadcast v4, $0x0;
	_ =	sdelay $0x2  }
0x242: {  	v3 =	vmul.f32 v41, v3;
	_ =	sdelay $0x1  }
0x243: {  	[tilespmem:s15+$0xF0] =	vst v3  }
0x244: {  	v3 =	vld.idx.msk [tilespmem:v4+s2+$0x0], $0xffff;
	_ =	sdelay $0x1  }
0x245: {  	v42 =	vld [tilespmem:s15+$0x100];
	_ =	sdelay $0x1  }
0x246: {  	v43 =	vld [tilespmem:s15+$0x110]  }
0x247: {  	vm12 =	veq.s32 v3, $0x0  }
0x248: {  	v44 =	vld [tilespmem:s15+$0x120];
	v3 =	vsel vm12, $0x0, v2  }
0x249: {  	v4 =	vmul.f32 v3, v42;
	_ =	sdelay $0x1  }
0x24a: {  	[tilespmem:s15+$0x100] =	vst v4;
	v4 =	vmul.f32 v43, v3  }
0x24b: {  	s19 =	sadd.s32 $0xD, s17  }
0x24c: {  	v45 =	vmov s19;
	[tilespmem:s15+$0x110] =	vst v4;
	v4 =	vmul.f32 v44, v3  }
0x24d: {  	v46 =	vshrl.u32 v45, $0x3  }
0x24e: {  	v47 =	vld [tilespmem:s15+$0x130];
	[tilespmem:s15+$0x120] =	vst v4;
	v4 =	vshll.u32 v46, v1  }
0x24f: {  	v4 =	vadd.s32 $0x5, v4  }
0x250: {  	v4 =	vbroadcast v4, $0x0;
	_ =	sdelay $0x2  }
0x251: {  	v3 =	vmul.f32 v47, v3;
	_ =	sdelay $0x1  }
0x252: {  	[tilespmem:s15+$0x130] =	vst v3  }
0x253: {  	v3 =	vld.idx.msk [tilespmem:v4+s2+$0x0], $0xffff;
	_ =	sdelay $0x1  }
0x254: {  	v48 =	vld [tilespmem:s15+$0x140];
	_ =	sdelay $0x1  }
0x255: {  	v49 =	vld [tilespmem:s15+$0x150]  }
0x256: {  	vm13 =	veq.s32 v3, $0x0  }
0x257: {  	v50 =	vld [tilespmem:s15+$0x160];
	v3 =	vsel vm13, $0x0, v2  }
0x258: {  	v4 =	vmul.f32 v3, v48;
	_ =	sdelay $0x1  }
0x259: {  	[tilespmem:s15+$0x140] =	vst v4;
	v4 =	vmul.f32 v49, v3  }
0x25a: {  	s19 =	sadd.s32 $0xE, s17  }
0x25b: {  	v51 =	vmov s19;
	[tilespmem:s15+$0x150] =	vst v4;
	v4 =	vmul.f32 v50, v3  }
0x25c: {  	v52 =	vshrl.u32 v51, $0x3  }
0x25d: {  	v53 =	vld [tilespmem:s15+$0x170];
	[tilespmem:s15+$0x160] =	vst v4;
	v4 =	vshll.u32 v52, v1  }
0x25e: {  	v4 =	vadd.s32 $0x6, v4  }
0x25f: {  	v4 =	vbroadcast v4, $0x0;
	_ =	sdelay $0x2  }
0x260: {  	v3 =	vmul.f32 v53, v3;
	_ =	sdelay $0x1  }
0x261: {  	[tilespmem:s15+$0x170] =	vst v3  }
0x262: {  	v3 =	vld.idx.msk [tilespmem:v4+s2+$0x0], $0xffff;
	_ =	sdelay $0x1  }
0x263: {  	v54 =	vld [tilespmem:s15+$0x180];
	_ =	sdelay $0x1  }
0x264: {  	v55 =	vld [tilespmem:s15+$0x190]  }
0x265: {  	vm14 =	veq.s32 v3, $0x0  }
0x266: {  	v56 =	vld [tilespmem:s15+$0x1A0];
	v3 =	vsel vm14, $0x0, v2  }
0x267: {  	v4 =	vmul.f32 v3, v54;
	_ =	sdelay $0x1  }
0x268: {  	[tilespmem:s15+$0x180] =	vst v4;
	v4 =	vmul.f32 v55, v3  }
0x269: {  	s19 =	sadd.s32 $0xF, s17  }
0x26a: {  	v57 =	vmov s19;
	[tilespmem:s15+$0x190] =	vst v4;
	v4 =	vmul.f32 v56, v3  }
0x26b: {  	v58 =	vshrl.u32 v57, $0x3  }
0x26c: {  	v59 =	vld [tilespmem:s15+$0x1B0];
	[tilespmem:s15+$0x1A0] =	vst v4;
	v4 =	vshll.u32 v58, v1  }
0x26d: {  	v4 =	vadd.s32 $0x7, v4  }
0x26e: {  	v4 =	vbroadcast v4, $0x0;
	_ =	sdelay $0x2  }
0x26f: {  	v3 =	vmul.f32 v59, v3;
	_ =	sdelay $0x1  }
0x270: {  	[tilespmem:s15+$0x1B0] =	vst v3  }
0x271: {  	v3 =	vld.idx.msk [tilespmem:v4+s2+$0x0], $0xffff;
	_ =	sdelay $0x1  }
0x272: {  	v60 =	vld [tilespmem:s15+$0x1C0];
	_ =	sdelay $0x1  }
0x273: {  	v61 =	vld [tilespmem:s15+$0x1D0]  }
0x274: {  	vm15 =	veq.s32 v3, $0x0  }
0x275: {  	v62 =	vld [tilespmem:s15+$0x1E0];
	v3 =	vsel vm15, $0x0, v2  }
0x276: {  	v63 =	vld [tilespmem:s15+$0x1F0];
	v4 =	vmul.f32 v3, v60;
	_ =	sdelay $0x1  }
0x277: {  	[tilespmem:s15+$0x1C0] =	vst v4;
	v4 =	vmul.f32 v61, v3  }
.Ltmp9:
0x278: {  	_ = 	snop;
	(pc) =	sbr.rel .LBB2_8-.Ltmp9, $4  }
0x279: {  	[tilespmem:s15+$0x1D0] =	vst v4;
	v4 =	vmul.f32 v62, v3  }
0x27a: {  	v3 =	vmul.f32 v63, v3  }
0x27b: {  	[tilespmem:s15+$0x1E0] =	vst v4  }
0x27c: {  	[tilespmem:s15+$0x1F0] =	vst v3  }
.LBB2_9:
0x27d: {  	[hbm4b:s6+s2] =	stream.linear.scatter [tilespmem:s28], [sflag:$0x4], $0xD000, $0x38;
	[tilespmem:$0x1AD00] =	vst v63  }
0x27e: {  	_ =	swait.ge [sflag:s20], $0xD000  }
0x27f: {  	[sflag:s20] =	ssyncset.done $0x0  }
0x280: {  	s13 =	simm.s32 $0x9C0;
	[sflag:s20] =	ssyncadd.s32 $0xFFFF3000  }
0x281: {  	[tilespmem:s28], [sflag:$0x2] =	stream.indirect.gather [hbm4b:s3+s11], $0x40, s13, s11, $0xb8;
	[tilespmem:$0x1AD00] =	vst v63  }
0x282: {  	s19 =	simm.s32 $0xA28  }
0x283: {  	[tilespmem:s30], [sflag:$0x2] =	stream.indirect.gather [hbm4b:s3+s11], $0x40, s19, s11, $0xb8;
	[tilespmem:$0x1AD00] =	vst v63  }
0x284: {  	s15 =	simm.s32 $0xA90  }
0x285: {  	[tilespmem:s1], [sflag:$0x2] =	stream.indirect.gather [hbm4b:s3+s11], $0x40, s15, s11, $0xb8;
	[tilespmem:$0x1AD00] =	vst v63  }
0x286: {  	s17 =	simm.s32 $0xAF8  }
0x287: {  	[tilespmem:s14], [sflag:$0x2] =	stream.indirect.gather [hbm4b:s3+s11], $0x40, s17, s11, $0xb8;
	[tilespmem:$0x1AD00] =	vst v63  }
0x288: {  	s19 =	simm.s32 $0xB60  }
0x289: {  	[tilespmem:s18], [sflag:$0x2] =	stream.indirect.gather [hbm4b:s3+s11], $0x40, s19, s11, $0xb8;
	[tilespmem:$0x1AD00] =	vst v63  }
0x28a: {  	s15 =	simm.s32 $0xBC8  }
0x28b: {  	[tilespmem:s22], [sflag:$0x2] =	stream.indirect.gather [hbm4b:s3+s11], $0x40, s15, s11, $0xb8;
	[tilespmem:$0x1AD00] =	vst v63  }
0x28c: {  	s17 =	simm.s32 $0xC30  }
0x28d: {  	[tilespmem:s26], [sflag:$0x2] =	stream.indirect.gather [hbm4b:s3+s11], $0x40, s17, s11, $0xb8;
	[tilespmem:$0x1AD00] =	vst v63  }
0x28e: {  	s19 =	simm.s32 $0xC98  }
0x28f: {  	[tilespmem:s31], [sflag:$0x2] =	stream.indirect.gather [hbm4b:s3+s11], $0x40, s19, s11, $0xb8;
	[tilespmem:$0x1AD00] =	vst v63  }
0x290: {  	_ =	swait.ge [sflag:s0], $0x1A00  }
0x291: {  	[sflag:s0] =	ssyncset.done $0x0  }
0x292: {  	[sflag:s0] =	ssyncadd.s32 $0xFFFFE600  }
0x293: {  	_ =	swait.ge [sflag:s0], $0x1A00  }
0x294: {  	[sflag:s0] =	ssyncset.done $0x0  }
0x295: {  	[sflag:s0] =	ssyncadd.s32 $0xFFFFE600  }
0x296: {  	_ =	swait.ge [sflag:s0], $0x1A00  }
0x297: {  	[sflag:s0] =	ssyncset.done $0x0  }
0x298: {  	[sflag:s0] =	ssyncadd.s32 $0xFFFFE600  }
0x299: {  	_ =	swait.ge [sflag:s0], $0x1A00  }
0x29a: {  	[sflag:s0] =	ssyncset.done $0x0  }
0x29b: {  	[sflag:s0] =	ssyncadd.s32 $0xFFFFE600  }
0x29c: {  	_ =	swait.ge [sflag:s0], $0x1A00  }
0x29d: {  	[sflag:s0] =	ssyncset.done $0x0  }
0x29e: {  	[sflag:s0] =	ssyncadd.s32 $0xFFFFE600  }
0x29f: {  	_ =	swait.ge [sflag:s0], $0x1A00  }
0x2a0: {  	[sflag:s0] =	ssyncset.done $0x0  }
0x2a1: {  	[sflag:s0] =	ssyncadd.s32 $0xFFFFE600  }
0x2a2: {  	_ =	swait.ge [sflag:s0], $0x1A00  }
.Ltmp10:
0x2a3: {  	[sflag:s0] =	ssyncset.done $0x0;
	(pc) =	sbr.rel .LBB2_10-.Ltmp10, $4  }
0x2a4: {  	[sflag:s0] =	ssyncadd.s32 $0xFFFFE600  }
0x2a5: {  	_ =	swait.ge [sflag:s0], $0x1A00  }
0x2a6: {  	s13 =	simm.s32 $0x680;
	[sflag:s0] =	ssyncset.done $0x0  }
0x2a7: {  	s15 =	simm.s32 $0xF00;
	s17 =	simm.s32 $0x680;
	[sflag:s0] =	ssyncadd.s32 $0xFFFFE600  }
.LBB2_12:
0x2a8: {  	s17 =	sadd.s32 $0x10, s17  }
0x2a9: {  	p0 =	sne.s32 s17, $0x9C0  }
.Ltmp11:
0x2aa: {  	_ = 	snop;
	(pc) =	sbr.rel @!p0 .LBB2_13-.Ltmp11, $2  }
0x2ab: {  	_ =	sdelay $0x2  }
0x2ac: {  	s13 =	sadd.s32 $0x10, s13;
	s15 =	sadd.s32 $0x400, s15  }
.LBB2_10:
0x2ad: {  	v3 =	vld [tilespmem:s13+$0x0];
	_ =	sdelay $0x4  }
0x2ae: {  	vm0 =	veq.s32 v3, $0x0  }
0x2af: {  	v3 =	vsel vm0, $0x3F800000, v0  }
0x2b0: {  	(xrf0) =	vmax.scan.msk.f32 $0xffff, v3;
	_ =	sdelay $0x5  }
0x2b1: {  	v3, _, _ =	vpop (xrf0)  }
0x2b2: {  	(v2sf) =	vpush v3, $0xF;
	_ =	sdelay $0xe  }
0x2b3: {  	s19 =	spop (v2sf)  }
0x2b4: {  	p0 =	sgt.f32 s19, $0.0e+00  }
.Ltmp12:
0x2b5: {  	_ = 	snop;
	(pc) =	sbr.rel @!p0 .LBB2_12-.Ltmp12, $1  }
0x2b6: {  	_ =	sdelay $0x3  }
0x2b7: {  	v3 =	vmov s17  }
0x2b8: {  	v3 =	vshrl.u32 v3, $0x3  }
0x2b9: {  	v3 =	vshll.u32 v3, v1  }
0x2ba: {  	v3 =	vbroadcast v3, $0x0;
	_ =	sdelay $0x5  }
0x2bb: {  	v3 =	vld.idx.msk [tilespmem:v3+s2+$0x0], $0xffff;
	_ =	sdelay $0x1  }
0x2bc: {  	v4 =	vld [tilespmem:s15+$0xFFFFFE00];
	_ =	sdelay $0x1  }
0x2bd: {  	v29 =	vld [tilespmem:s15+$0xFFFFFE10]  }
0x2be: {  	vm0 =	veq.s32 v3, $0x0  }
0x2bf: {  	v30 =	vld [tilespmem:s15+$0xFFFFFE20];
	v3 =	vsel vm0, $0x0, v2  }
0x2c0: {  	v4 =	vmul.f32 v3, v4;
	_ =	sdelay $0x1  }
0x2c1: {  	[tilespmem:s15+$0xFFFFFE00] =	vst v4;
	v4 =	vmul.f32 v29, v3  }
0x2c2: {  	s19 =	sadd.s32 $0x1, s17  }
0x2c3: {  	v5 =	vmov s19;
	[tilespmem:s15+$0xFFFFFE10] =	vst v4;
	v4 =	vmul.f32 v30, v3  }
0x2c4: {  	v31 =	vshrl.u32 v5, $0x3  }
0x2c5: {  	v32 =	vld [tilespmem:s15+$0xFFFFFE30];
	[tilespmem:s15+$0xFFFFFE20] =	vst v4;
	v4 =	vshll.u32 v31, v1  }
0x2c6: {  	v4 =	vadd.s32 $0x1, v4  }
0x2c7: {  	v4 =	vbroadcast v4, $0x0;
	_ =	sdelay $0x2  }
0x2c8: {  	v3 =	vmul.f32 v32, v3;
	_ =	sdelay $0x1  }
0x2c9: {  	[tilespmem:s15+$0xFFFFFE30] =	vst v3  }
0x2ca: {  	v3 =	vld.idx.msk [tilespmem:v4+s2+$0x0], $0xffff;
	_ =	sdelay $0x1  }
0x2cb: {  	v33 =	vld [tilespmem:s15+$0xFFFFFE40];
	_ =	sdelay $0x1  }
0x2cc: {  	v34 =	vld [tilespmem:s15+$0xFFFFFE50]  }
0x2cd: {  	vm13 =	veq.s32 v3, $0x0  }
0x2ce: {  	v35 =	vld [tilespmem:s15+$0xFFFFFE60];
	v3 =	vsel vm13, $0x0, v2  }
0x2cf: {  	v4 =	vmul.f32 v3, v33;
	_ =	sdelay $0x1  }
0x2d0: {  	[tilespmem:s15+$0xFFFFFE40] =	vst v4;
	v4 =	vmul.f32 v34, v3  }
0x2d1: {  	s19 =	sadd.s32 $0x2, s17  }
0x2d2: {  	v36 =	vmov s19;
	[tilespmem:s15+$0xFFFFFE50] =	vst v4;
	v4 =	vmul.f32 v35, v3  }
0x2d3: {  	v37 =	vshrl.u32 v36, $0x3  }
0x2d4: {  	v38 =	vld [tilespmem:s15+$0xFFFFFE70];
	[tilespmem:s15+$0xFFFFFE60] =	vst v4;
	v4 =	vshll.u32 v37, v1  }
0x2d5: {  	v4 =	vadd.s32 $0x2, v4  }
0x2d6: {  	v4 =	vbroadcast v4, $0x0;
	_ =	sdelay $0x2  }
0x2d7: {  	v3 =	vmul.f32 v38, v3;
	_ =	sdelay $0x1  }
0x2d8: {  	[tilespmem:s15+$0xFFFFFE70] =	vst v3  }
0x2d9: {  	v3 =	vld.idx.msk [tilespmem:v4+s2+$0x0], $0xffff;
	_ =	sdelay $0x1  }
0x2da: {  	v39 =	vld [tilespmem:s15+$0xFFFFFE80];
	_ =	sdelay $0x1  }
0x2db: {  	v40 =	vld [tilespmem:s15+$0xFFFFFE90]  }
0x2dc: {  	vm14 =	veq.s32 v3, $0x0  }
0x2dd: {  	v41 =	vld [tilespmem:s15+$0xFFFFFEA0];
	v3 =	vsel vm14, $0x0, v2  }
0x2de: {  	v4 =	vmul.f32 v3, v39;
	_ =	sdelay $0x1  }
0x2df: {  	[tilespmem:s15+$0xFFFFFE80] =	vst v4;
	v4 =	vmul.f32 v40, v3  }
0x2e0: {  	s19 =	sadd.s32 $0x3, s17  }
0x2e1: {  	v42 =	vmov s19;
	[tilespmem:s15+$0xFFFFFE90] =	vst v4;
	v4 =	vmul.f32 v41, v3  }
0x2e2: {  	v43 =	vshrl.u32 v42, $0x3  }
0x2e3: {  	v44 =	vld [tilespmem:s15+$0xFFFFFEB0];
	[tilespmem:s15+$0xFFFFFEA0] =	vst v4;
	v4 =	vshll.u32 v43, v1  }
0x2e4: {  	v4 =	vadd.s32 $0x3, v4  }
0x2e5: {  	v4 =	vbroadcast v4, $0x0;
	_ =	sdelay $0x2  }
0x2e6: {  	v3 =	vmul.f32 v44, v3;
	_ =	sdelay $0x1  }
0x2e7: {  	[tilespmem:s15+$0xFFFFFEB0] =	vst v3  }
0x2e8: {  	v3 =	vld.idx.msk [tilespmem:v4+s2+$0x0], $0xffff;
	_ =	sdelay $0x1  }
0x2e9: {  	v45 =	vld [tilespmem:s15+$0xFFFFFEC0];
	_ =	sdelay $0x1  }
0x2ea: {  	v46 =	vld [tilespmem:s15+$0xFFFFFED0]  }
0x2eb: {  	vm15 =	veq.s32 v3, $0x0  }
0x2ec: {  	v47 =	vld [tilespmem:s15+$0xFFFFFEE0];
	v3 =	vsel vm15, $0x0, v2  }
0x2ed: {  	v4 =	vmul.f32 v3, v45;
	_ =	sdelay $0x1  }
0x2ee: {  	[tilespmem:s15+$0xFFFFFEC0] =	vst v4;
	v4 =	vmul.f32 v46, v3  }
0x2ef: {  	s19 =	sadd.s32 $0x4, s17  }
0x2f0: {  	v48 =	vmov s19;
	[tilespmem:s15+$0xFFFFFED0] =	vst v4;
	v4 =	vmul.f32 v47, v3  }
0x2f1: {  	v49 =	vshrl.u32 v48, $0x3  }
0x2f2: {  	v50 =	vld [tilespmem:s15+$0xFFFFFEF0];
	[tilespmem:s15+$0xFFFFFEE0] =	vst v4;
	v4 =	vshll.u32 v49, v1  }
0x2f3: {  	v4 =	vadd.s32 $0x4, v4  }
0x2f4: {  	v4 =	vbroadcast v4, $0x0;
	_ =	sdelay $0x2  }
0x2f5: {  	v3 =	vmul.f32 v50, v3;
	_ =	sdelay $0x1  }
0x2f6: {  	[tilespmem:s15+$0xFFFFFEF0] =	vst v3  }
0x2f7: {  	v3 =	vld.idx.msk [tilespmem:v4+s2+$0x0], $0xffff;
	_ =	sdelay $0x1  }
0x2f8: {  	v51 =	vld [tilespmem:s15+$0xFFFFFF00];
	_ =	sdelay $0x1  }
0x2f9: {  	v52 =	vld [tilespmem:s15+$0xFFFFFF10]  }
0x2fa: {  	vm4 =	veq.s32 v3, $0x0  }
0x2fb: {  	v53 =	vld [tilespmem:s15+$0xFFFFFF20];
	v3 =	vsel vm4, $0x0, v2  }
0x2fc: {  	v4 =	vmul.f32 v3, v51;
	_ =	sdelay $0x1  }
0x2fd: {  	[tilespmem:s15+$0xFFFFFF00] =	vst v4;
	v4 =	vmul.f32 v52, v3  }
0x2fe: {  	s19 =	sadd.s32 $0x5, s17  }
0x2ff: {  	v54 =	vmov s19;
	[tilespmem:s15+$0xFFFFFF10] =	vst v4;
	v4 =	vmul.f32 v53, v3  }
0x300: {  	v55 =	vshrl.u32 v54, $0x3  }
0x301: {  	v56 =	vld [tilespmem:s15+$0xFFFFFF30];
	[tilespmem:s15+$0xFFFFFF20] =	vst v4;
	v4 =	vshll.u32 v55, v1  }
0x302: {  	v4 =	vadd.s32 $0x5, v4  }
0x303: {  	v4 =	vbroadcast v4, $0x0;
	_ =	sdelay $0x2  }
0x304: {  	v3 =	vmul.f32 v56, v3;
	_ =	sdelay $0x1  }
0x305: {  	[tilespmem:s15+$0xFFFFFF30] =	vst v3  }
0x306: {  	v3 =	vld.idx.msk [tilespmem:v4+s2+$0x0], $0xffff;
	_ =	sdelay $0x1  }
0x307: {  	v57 =	vld [tilespmem:s15+$0xFFFFFF40];
	_ =	sdelay $0x1  }
0x308: {  	v58 =	vld [tilespmem:s15+$0xFFFFFF50]  }
0x309: {  	vm5 =	veq.s32 v3, $0x0  }
0x30a: {  	v59 =	vld [tilespmem:s15+$0xFFFFFF60];
	v3 =	vsel vm5, $0x0, v2  }
0x30b: {  	v4 =	vmul.f32 v3, v57;
	_ =	sdelay $0x1  }
0x30c: {  	[tilespmem:s15+$0xFFFFFF40] =	vst v4;
	v4 =	vmul.f32 v58, v3  }
0x30d: {  	s19 =	sadd.s32 $0x6, s17  }
0x30e: {  	v60 =	vmov s19;
	[tilespmem:s15+$0xFFFFFF50] =	vst v4;
	v4 =	vmul.f32 v59, v3  }
0x30f: {  	v61 =	vshrl.u32 v60, $0x3  }
0x310: {  	v62 =	vld [tilespmem:s15+$0xFFFFFF70];
	[tilespmem:s15+$0xFFFFFF60] =	vst v4;
	v4 =	vshll.u32 v61, v1  }
0x311: {  	v4 =	vadd.s32 $0x6, v4  }
0x312: {  	v4 =	vbroadcast v4, $0x0;
	_ =	sdelay $0x2  }
0x313: {  	v3 =	vmul.f32 v62, v3;
	_ =	sdelay $0x1  }
0x314: {  	[tilespmem:s15+$0xFFFFFF70] =	vst v3  }
0x315: {  	v3 =	vld.idx.msk [tilespmem:v4+s2+$0x0], $0xffff;
	_ =	sdelay $0x1  }
0x316: {  	v63 =	vld [tilespmem:s15+$0xFFFFFF80];
	_ =	sdelay $0x1  }
0x317: {  	v8 =	vld [tilespmem:s15+$0xFFFFFF90]  }
0x318: {  	vm6 =	veq.s32 v3, $0x0  }
0x319: {  	v9 =	vld [tilespmem:s15+$0xFFFFFFA0];
	v3 =	vsel vm6, $0x0, v2  }
0x31a: {  	v4 =	vmul.f32 v3, v63;
	_ =	sdelay $0x1  }
0x31b: {  	[tilespmem:s15+$0xFFFFFF80] =	vst v4;
	v4 =	vmul.f32 v8, v3  }
0x31c: {  	s19 =	sadd.s32 $0x7, s17  }
0x31d: {  	v10 =	vmov s19;
	[tilespmem:s15+$0xFFFFFF90] =	vst v4;
	v4 =	vmul.f32 v9, v3  }
0x31e: {  	v11 =	vshrl.u32 v10, $0x3  }
0x31f: {  	v12 =	vld [tilespmem:s15+$0xFFFFFFB0];
	[tilespmem:s15+$0xFFFFFFA0] =	vst v4;
	v4 =	vshll.u32 v11, v1  }
0x320: {  	v4 =	vadd.s32 $0x7, v4  }
0x321: {  	v4 =	vbroadcast v4, $0x0;
	_ =	sdelay $0x2  }
0x322: {  	v3 =	vmul.f32 v12, v3;
	_ =	sdelay $0x1  }
0x323: {  	[tilespmem:s15+$0xFFFFFFB0] =	vst v3  }
0x324: {  	v3 =	vld.idx.msk [tilespmem:v4+s2+$0x0], $0xffff;
	_ =	sdelay $0x1  }
0x325: {  	v13 =	vld [tilespmem:s15+$0xFFFFFFC0];
	_ =	sdelay $0x1  }
0x326: {  	v14 =	vld [tilespmem:s15+$0xFFFFFFD0]  }
0x327: {  	vm7 =	veq.s32 v3, $0x0  }
0x328: {  	v15 =	vld [tilespmem:s15+$0xFFFFFFE0];
	v3 =	vsel vm7, $0x0, v2  }
0x329: {  	v4 =	vmul.f32 v3, v13;
	_ =	sdelay $0x1  }
0x32a: {  	[tilespmem:s15+$0xFFFFFFC0] =	vst v4;
	v4 =	vmul.f32 v14, v3;
	_ =	sdelay $0x1  }
0x32b: {  	s19 =	sadd.s32 $0x8, s17;
	[tilespmem:s15+$0xFFFFFFD0] =	vst v4;
	v4 =	vmul.f32 v15, v3  }
0x32c: {  	v16 =	vmov s19  }
0x32d: {  	v17 =	vld [tilespmem:s15+$0xFFFFFFF0];
	[tilespmem:s15+$0xFFFFFFE0] =	vst v4;
	v4 =	vshrl.u32 v16, $0x3  }
0x32e: {  	v4 =	vshll.u32 v4, v1  }
0x32f: {  	v4 =	vbroadcast v4, $0x0;
	_ =	sdelay $0x2  }
0x330: {  	v3 =	vmul.f32 v17, v3;
	_ =	sdelay $0x1  }
0x331: {  	[tilespmem:s15+$0xFFFFFFF0] =	vst v3  }
0x332: {  	v3 =	vld.idx.msk [tilespmem:v4+s2+$0x0], $0xffff;
	_ =	sdelay $0x1  }
0x333: {  	v18 =	vld [tilespmem:s15+$0x0];
	_ =	sdelay $0x1  }
0x334: {  	v19 =	vld [tilespmem:s15+$0x10]  }
0x335: {  	vm8 =	veq.s32 v3, $0x0  }
0x336: {  	v20 =	vld [tilespmem:s15+$0x20];
	v3 =	vsel vm8, $0x0, v2  }
0x337: {  	v4 =	vmul.f32 v3, v18;
	_ =	sdelay $0x1  }
0x338: {  	[tilespmem:s15+$0x0] =	vst v4;
	v4 =	vmul.f32 v19, v3  }
0x339: {  	s19 =	sadd.s32 $0x9, s17  }
0x33a: {  	v21 =	vmov s19;
	[tilespmem:s15+$0x10] =	vst v4;
	v4 =	vmul.f32 v20, v3  }
0x33b: {  	v22 =	vshrl.u32 v21, $0x3  }
0x33c: {  	v23 =	vld [tilespmem:s15+$0x30];
	[tilespmem:s15+$0x20] =	vst v4;
	v4 =	vshll.u32 v22, v1  }
0x33d: {  	v4 =	vadd.s32 $0x1, v4  }
0x33e: {  	v4 =	vbroadcast v4, $0x0;
	_ =	sdelay $0x2  }
0x33f: {  	v3 =	vmul.f32 v23, v3;
	_ =	sdelay $0x1  }
0x340: {  	[tilespmem:s15+$0x30] =	vst v3  }
0x341: {  	v3 =	vld.idx.msk [tilespmem:v4+s2+$0x0], $0xffff;
	_ =	sdelay $0x1  }
0x342: {  	v24 =	vld [tilespmem:s15+$0x40];
	_ =	sdelay $0x1  }
0x343: {  	v25 =	vld [tilespmem:s15+$0x50]  }
0x344: {  	vm9 =	veq.s32 v3, $0x0  }
0x345: {  	v26 =	vld [tilespmem:s15+$0x60];
	v3 =	vsel vm9, $0x0, v2  }
0x346: {  	v4 =	vmul.f32 v3, v24;
	_ =	sdelay $0x1  }
0x347: {  	[tilespmem:s15+$0x40] =	vst v4;
	v4 =	vmul.f32 v25, v3  }
0x348: {  	s19 =	sadd.s32 $0xA, s17  }
0x349: {  	v27 =	vmov s19;
	[tilespmem:s15+$0x50] =	vst v4;
	v4 =	vmul.f32 v26, v3  }
0x34a: {  	v28 =	vshrl.u32 v27, $0x3  }
0x34b: {  	v29 =	vld [tilespmem:s15+$0x70];
	[tilespmem:s15+$0x60] =	vst v4;
	v4 =	vshll.u32 v28, v1  }
0x34c: {  	v4 =	vadd.s32 $0x2, v4  }
0x34d: {  	v4 =	vbroadcast v4, $0x0;
	_ =	sdelay $0x2  }
0x34e: {  	v3 =	vmul.f32 v29, v3;
	_ =	sdelay $0x1  }
0x34f: {  	[tilespmem:s15+$0x70] =	vst v3  }
0x350: {  	v3 =	vld.idx.msk [tilespmem:v4+s2+$0x0], $0xffff;
	_ =	sdelay $0x1  }
0x351: {  	v30 =	vld [tilespmem:s15+$0x80];
	_ =	sdelay $0x1  }
0x352: {  	v31 =	vld [tilespmem:s15+$0x90]  }
0x353: {  	vm10 =	veq.s32 v3, $0x0  }
0x354: {  	v32 =	vld [tilespmem:s15+$0xA0];
	v3 =	vsel vm10, $0x0, v2  }
0x355: {  	v4 =	vmul.f32 v3, v30;
	_ =	sdelay $0x1  }
0x356: {  	[tilespmem:s15+$0x80] =	vst v4;
	v4 =	vmul.f32 v31, v3  }
0x357: {  	s19 =	sadd.s32 $0xB, s17  }
0x358: {  	v33 =	vmov s19;
	[tilespmem:s15+$0x90] =	vst v4;
	v4 =	vmul.f32 v32, v3  }
0x359: {  	v34 =	vshrl.u32 v33, $0x3  }
0x35a: {  	v35 =	vld [tilespmem:s15+$0xB0];
	[tilespmem:s15+$0xA0] =	vst v4;
	v4 =	vshll.u32 v34, v1  }
0x35b: {  	v4 =	vadd.s32 $0x3, v4  }
0x35c: {  	v4 =	vbroadcast v4, $0x0;
	_ =	sdelay $0x2  }
0x35d: {  	v3 =	vmul.f32 v35, v3;
	_ =	sdelay $0x1  }
0x35e: {  	[tilespmem:s15+$0xB0] =	vst v3  }
0x35f: {  	v3 =	vld.idx.msk [tilespmem:v4+s2+$0x0], $0xffff;
	_ =	sdelay $0x1  }
0x360: {  	v36 =	vld [tilespmem:s15+$0xC0];
	_ =	sdelay $0x1  }
0x361: {  	v37 =	vld [tilespmem:s15+$0xD0]  }
0x362: {  	vm11 =	veq.s32 v3, $0x0  }
0x363: {  	v38 =	vld [tilespmem:s15+$0xE0];
	v3 =	vsel vm11, $0x0, v2  }
0x364: {  	v4 =	vmul.f32 v3, v36;
	_ =	sdelay $0x1  }
0x365: {  	[tilespmem:s15+$0xC0] =	vst v4;
	v4 =	vmul.f32 v37, v3  }
0x366: {  	s19 =	sadd.s32 $0xC, s17  }
0x367: {  	v39 =	vmov s19;
	[tilespmem:s15+$0xD0] =	vst v4;
	v4 =	vmul.f32 v38, v3  }
0x368: {  	v40 =	vshrl.u32 v39, $0x3  }
0x369: {  	v41 =	vld [tilespmem:s15+$0xF0];
	[tilespmem:s15+$0xE0] =	vst v4;
	v4 =	vshll.u32 v40, v1  }
0x36a: {  	v4 =	vadd.s32 $0x4, v4  }
0x36b: {  	v4 =	vbroadcast v4, $0x0;
	_ =	sdelay $0x2  }
0x36c: {  	v3 =	vmul.f32 v41, v3;
	_ =	sdelay $0x1  }
0x36d: {  	[tilespmem:s15+$0xF0] =	vst v3  }
0x36e: {  	v3 =	vld.idx.msk [tilespmem:v4+s2+$0x0], $0xffff;
	_ =	sdelay $0x1  }
0x36f: {  	v42 =	vld [tilespmem:s15+$0x100];
	_ =	sdelay $0x1  }
0x370: {  	v43 =	vld [tilespmem:s15+$0x110]  }
0x371: {  	vm12 =	veq.s32 v3, $0x0  }
0x372: {  	v44 =	vld [tilespmem:s15+$0x120];
	v3 =	vsel vm12, $0x0, v2  }
0x373: {  	v4 =	vmul.f32 v3, v42;
	_ =	sdelay $0x1  }
0x374: {  	[tilespmem:s15+$0x100] =	vst v4;
	v4 =	vmul.f32 v43, v3  }
0x375: {  	s19 =	sadd.s32 $0xD, s17  }
0x376: {  	v45 =	vmov s19;
	[tilespmem:s15+$0x110] =	vst v4;
	v4 =	vmul.f32 v44, v3  }
0x377: {  	v46 =	vshrl.u32 v45, $0x3  }
0x378: {  	v47 =	vld [tilespmem:s15+$0x130];
	[tilespmem:s15+$0x120] =	vst v4;
	v4 =	vshll.u32 v46, v1  }
0x379: {  	v4 =	vadd.s32 $0x5, v4  }
0x37a: {  	v4 =	vbroadcast v4, $0x0;
	_ =	sdelay $0x2  }
0x37b: {  	v3 =	vmul.f32 v47, v3;
	_ =	sdelay $0x1  }
0x37c: {  	[tilespmem:s15+$0x130] =	vst v3  }
0x37d: {  	v3 =	vld.idx.msk [tilespmem:v4+s2+$0x0], $0xffff;
	_ =	sdelay $0x1  }
0x37e: {  	v48 =	vld [tilespmem:s15+$0x140];
	_ =	sdelay $0x1  }
0x37f: {  	v49 =	vld [tilespmem:s15+$0x150]  }
0x380: {  	vm13 =	veq.s32 v3, $0x0  }
0x381: {  	v50 =	vld [tilespmem:s15+$0x160];
	v3 =	vsel vm13, $0x0, v2  }
0x382: {  	v4 =	vmul.f32 v3, v48;
	_ =	sdelay $0x1  }
0x383: {  	[tilespmem:s15+$0x140] =	vst v4;
	v4 =	vmul.f32 v49, v3  }
0x384: {  	s19 =	sadd.s32 $0xE, s17  }
0x385: {  	v51 =	vmov s19;
	[tilespmem:s15+$0x150] =	vst v4;
	v4 =	vmul.f32 v50, v3  }
0x386: {  	v52 =	vshrl.u32 v51, $0x3  }
0x387: {  	v53 =	vld [tilespmem:s15+$0x170];
	[tilespmem:s15+$0x160] =	vst v4;
	v4 =	vshll.u32 v52, v1  }
0x388: {  	v4 =	vadd.s32 $0x6, v4  }
0x389: {  	v4 =	vbroadcast v4, $0x0;
	_ =	sdelay $0x2  }
0x38a: {  	v3 =	vmul.f32 v53, v3;
	_ =	sdelay $0x1  }
0x38b: {  	[tilespmem:s15+$0x170] =	vst v3  }
0x38c: {  	v3 =	vld.idx.msk [tilespmem:v4+s2+$0x0], $0xffff;
	_ =	sdelay $0x1  }
0x38d: {  	v54 =	vld [tilespmem:s15+$0x180];
	_ =	sdelay $0x1  }
0x38e: {  	v55 =	vld [tilespmem:s15+$0x190]  }
0x38f: {  	vm14 =	veq.s32 v3, $0x0  }
0x390: {  	v56 =	vld [tilespmem:s15+$0x1A0];
	v3 =	vsel vm14, $0x0, v2  }
0x391: {  	v4 =	vmul.f32 v3, v54;
	_ =	sdelay $0x1  }
0x392: {  	[tilespmem:s15+$0x180] =	vst v4;
	v4 =	vmul.f32 v55, v3  }
0x393: {  	s19 =	sadd.s32 $0xF, s17  }
0x394: {  	v57 =	vmov s19;
	[tilespmem:s15+$0x190] =	vst v4;
	v4 =	vmul.f32 v56, v3  }
0x395: {  	v58 =	vshrl.u32 v57, $0x3  }
0x396: {  	v59 =	vld [tilespmem:s15+$0x1B0];
	[tilespmem:s15+$0x1A0] =	vst v4;
	v4 =	vshll.u32 v58, v1  }
0x397: {  	v4 =	vadd.s32 $0x7, v4  }
0x398: {  	v4 =	vbroadcast v4, $0x0;
	_ =	sdelay $0x2  }
0x399: {  	v3 =	vmul.f32 v59, v3;
	_ =	sdelay $0x1  }
0x39a: {  	[tilespmem:s15+$0x1B0] =	vst v3  }
0x39b: {  	v3 =	vld.idx.msk [tilespmem:v4+s2+$0x0], $0xffff;
	_ =	sdelay $0x1  }
0x39c: {  	v60 =	vld [tilespmem:s15+$0x1C0];
	_ =	sdelay $0x1  }
0x39d: {  	v61 =	vld [tilespmem:s15+$0x1D0]  }
0x39e: {  	vm15 =	veq.s32 v3, $0x0  }
0x39f: {  	v62 =	vld [tilespmem:s15+$0x1E0];
	v3 =	vsel vm15, $0x0, v2  }
0x3a0: {  	v63 =	vld [tilespmem:s15+$0x1F0];
	v4 =	vmul.f32 v3, v60;
	_ =	sdelay $0x1  }
0x3a1: {  	[tilespmem:s15+$0x1C0] =	vst v4;
	v4 =	vmul.f32 v61, v3  }
.Ltmp13:
0x3a2: {  	_ = 	snop;
	(pc) =	sbr.rel .LBB2_12-.Ltmp13, $4  }
0x3a3: {  	[tilespmem:s15+$0x1D0] =	vst v4;
	v4 =	vmul.f32 v62, v3  }
0x3a4: {  	v3 =	vmul.f32 v63, v3  }
0x3a5: {  	[tilespmem:s15+$0x1E0] =	vst v4  }
0x3a6: {  	[tilespmem:s15+$0x1F0] =	vst v3  }
.LBB2_13:
0x3a7: {  	[hbm4b:s7+s2] =	stream.linear.scatter [tilespmem:s12], [sflag:$0x3], $0xD000, $0x38;
	[tilespmem:$0x1AD00] =	vst v63  }
0x3a8: {  	_ =	swait.ge [sflag:s29], $0x1A00  }
0x3a9: {  	[sflag:s29] =	ssyncset.done $0x0  }
0x3aa: {  	[sflag:s29] =	ssyncadd.s32 $0xFFFFE600  }
0x3ab: {  	_ =	swait.ge [sflag:s29], $0x1A00  }
0x3ac: {  	[sflag:s29] =	ssyncset.done $0x0  }
0x3ad: {  	[sflag:s29] =	ssyncadd.s32 $0xFFFFE600  }
0x3ae: {  	_ =	swait.ge [sflag:s29], $0x1A00  }
0x3af: {  	[sflag:s29] =	ssyncset.done $0x0  }
0x3b0: {  	[sflag:s29] =	ssyncadd.s32 $0xFFFFE600  }
0x3b1: {  	_ =	swait.ge [sflag:s29], $0x1A00  }
0x3b2: {  	[sflag:s29] =	ssyncset.done $0x0  }
0x3b3: {  	[sflag:s29] =	ssyncadd.s32 $0xFFFFE600  }
0x3b4: {  	_ =	swait.ge [sflag:s29], $0x1A00  }
0x3b5: {  	[sflag:s29] =	ssyncset.done $0x0  }
0x3b6: {  	[sflag:s29] =	ssyncadd.s32 $0xFFFFE600  }
0x3b7: {  	_ =	swait.ge [sflag:s29], $0x1A00  }
0x3b8: {  	[sflag:s29] =	ssyncset.done $0x0  }
0x3b9: {  	[sflag:s29] =	ssyncadd.s32 $0xFFFFE600  }
0x3ba: {  	_ =	swait.ge [sflag:s29], $0x1A00  }
.Ltmp14:
0x3bb: {  	[sflag:s29] =	ssyncset.done $0x0;
	(pc) =	sbr.rel .LBB2_14-.Ltmp14, $4  }
0x3bc: {  	[sflag:s29] =	ssyncadd.s32 $0xFFFFE600  }
0x3bd: {  	_ =	swait.ge [sflag:s29], $0x1A00  }
0x3be: {  	s13 =	simm.s32 $0x9C0;
	[sflag:s29] =	ssyncset.done $0x0  }
0x3bf: {  	s15 =	simm.s32 $0xDF00;
	s17 =	simm.s32 $0x9C0;
	[sflag:s29] =	ssyncadd.s32 $0xFFFFE600  }
.LBB2_16:
0x3c0: {  	s17 =	sadd.s32 $0x10, s17  }
0x3c1: {  	p0 =	sne.s32 s17, $0xD00  }
.Ltmp15:
0x3c2: {  	_ = 	snop;
	(pc) =	sbr.rel @!p0 .LBB2_17-.Ltmp15, $2  }
0x3c3: {  	_ =	sdelay $0x2  }
0x3c4: {  	s13 =	sadd.s32 $0x10, s13;
	s15 =	sadd.s32 $0x400, s15  }
.LBB2_14:
0x3c5: {  	v3 =	vld [tilespmem:s13+$0x0];
	_ =	sdelay $0x4  }
0x3c6: {  	vm0 =	veq.s32 v3, $0x0  }
0x3c7: {  	v3 =	vsel vm0, $0x3F800000, v0  }
0x3c8: {  	(xrf0) =	vmax.scan.msk.f32 $0xffff, v3;
	_ =	sdelay $0x5  }
0x3c9: {  	v3, _, _ =	vpop (xrf0)  }
0x3ca: {  	(v2sf) =	vpush v3, $0xF;
	_ =	sdelay $0xe  }
0x3cb: {  	s19 =	spop (v2sf)  }
0x3cc: {  	p0 =	sgt.f32 s19, $0.0e+00  }
.Ltmp16:
0x3cd: {  	_ = 	snop;
	(pc) =	sbr.rel @!p0 .LBB2_16-.Ltmp16, $1  }
0x3ce: {  	_ =	sdelay $0x3  }
0x3cf: {  	v3 =	vmov s17  }
0x3d0: {  	v3 =	vshrl.u32 v3, $0x3  }
0x3d1: {  	v3 =	vshll.u32 v3, v1  }
0x3d2: {  	v3 =	vbroadcast v3, $0x0;
	_ =	sdelay $0x5  }
0x3d3: {  	v3 =	vld.idx.msk [tilespmem:v3+s2+$0x0], $0xffff;
	_ =	sdelay $0x1  }
0x3d4: {  	v4 =	vld [tilespmem:s15+$0xFFFFFE00];
	_ =	sdelay $0x1  }
0x3d5: {  	v29 =	vld [tilespmem:s15+$0xFFFFFE10]  }
0x3d6: {  	vm0 =	veq.s32 v3, $0x0  }
0x3d7: {  	v30 =	vld [tilespmem:s15+$0xFFFFFE20];
	v3 =	vsel vm0, $0x0, v2  }
0x3d8: {  	v4 =	vmul.f32 v3, v4;
	_ =	sdelay $0x1  }
0x3d9: {  	[tilespmem:s15+$0xFFFFFE00] =	vst v4;
	v4 =	vmul.f32 v29, v3  }
0x3da: {  	s19 =	sadd.s32 $0x1, s17  }
0x3db: {  	v5 =	vmov s19;
	[tilespmem:s15+$0xFFFFFE10] =	vst v4;
	v4 =	vmul.f32 v30, v3  }
0x3dc: {  	v31 =	vshrl.u32 v5, $0x3  }
0x3dd: {  	v32 =	vld [tilespmem:s15+$0xFFFFFE30];
	[tilespmem:s15+$0xFFFFFE20] =	vst v4;
	v4 =	vshll.u32 v31, v1  }
0x3de: {  	v4 =	vadd.s32 $0x1, v4  }
0x3df: {  	v4 =	vbroadcast v4, $0x0;
	_ =	sdelay $0x2  }
0x3e0: {  	v3 =	vmul.f32 v32, v3;
	_ =	sdelay $0x1  }
0x3e1: {  	[tilespmem:s15+$0xFFFFFE30] =	vst v3  }
0x3e2: {  	v3 =	vld.idx.msk [tilespmem:v4+s2+$0x0], $0xffff;
	_ =	sdelay $0x1  }
0x3e3: {  	v33 =	vld [tilespmem:s15+$0xFFFFFE40];
	_ =	sdelay $0x1  }
0x3e4: {  	v34 =	vld [tilespmem:s15+$0xFFFFFE50]  }
0x3e5: {  	vm13 =	veq.s32 v3, $0x0  }
0x3e6: {  	v35 =	vld [tilespmem:s15+$0xFFFFFE60];
	v3 =	vsel vm13, $0x0, v2  }
0x3e7: {  	v4 =	vmul.f32 v3, v33;
	_ =	sdelay $0x1  }
0x3e8: {  	[tilespmem:s15+$0xFFFFFE40] =	vst v4;
	v4 =	vmul.f32 v34, v3  }
0x3e9: {  	s19 =	sadd.s32 $0x2, s17  }
0x3ea: {  	v36 =	vmov s19;
	[tilespmem:s15+$0xFFFFFE50] =	vst v4;
	v4 =	vmul.f32 v35, v3  }
0x3eb: {  	v37 =	vshrl.u32 v36, $0x3  }
0x3ec: {  	v38 =	vld [tilespmem:s15+$0xFFFFFE70];
	[tilespmem:s15+$0xFFFFFE60] =	vst v4;
	v4 =	vshll.u32 v37, v1  }
0x3ed: {  	v4 =	vadd.s32 $0x2, v4  }
0x3ee: {  	v4 =	vbroadcast v4, $0x0;
	_ =	sdelay $0x2  }
0x3ef: {  	v3 =	vmul.f32 v38, v3;
	_ =	sdelay $0x1  }
0x3f0: {  	[tilespmem:s15+$0xFFFFFE70] =	vst v3  }
0x3f1: {  	v3 =	vld.idx.msk [tilespmem:v4+s2+$0x0], $0xffff;
	_ =	sdelay $0x1  }
0x3f2: {  	v39 =	vld [tilespmem:s15+$0xFFFFFE80];
	_ =	sdelay $0x1  }
0x3f3: {  	v40 =	vld [tilespmem:s15+$0xFFFFFE90]  }
0x3f4: {  	vm14 =	veq.s32 v3, $0x0  }
0x3f5: {  	v41 =	vld [tilespmem:s15+$0xFFFFFEA0];
	v3 =	vsel vm14, $0x0, v2  }
0x3f6: {  	v4 =	vmul.f32 v3, v39;
	_ =	sdelay $0x1  }
0x3f7: {  	[tilespmem:s15+$0xFFFFFE80] =	vst v4;
	v4 =	vmul.f32 v40, v3  }
0x3f8: {  	s19 =	sadd.s32 $0x3, s17  }
0x3f9: {  	v42 =	vmov s19;
	[tilespmem:s15+$0xFFFFFE90] =	vst v4;
	v4 =	vmul.f32 v41, v3  }
0x3fa: {  	v43 =	vshrl.u32 v42, $0x3  }
0x3fb: {  	v44 =	vld [tilespmem:s15+$0xFFFFFEB0];
	[tilespmem:s15+$0xFFFFFEA0] =	vst v4;
	v4 =	vshll.u32 v43, v1  }
0x3fc: {  	v4 =	vadd.s32 $0x3, v4  }
0x3fd: {  	v4 =	vbroadcast v4, $0x0;
	_ =	sdelay $0x2  }
0x3fe: {  	v3 =	vmul.f32 v44, v3;
	_ =	sdelay $0x1  }
0x3ff: {  	[tilespmem:s15+$0xFFFFFEB0] =	vst v3  }
0x400: {  	v3 =	vld.idx.msk [tilespmem:v4+s2+$0x0], $0xffff;
	_ =	sdelay $0x1  }
0x401: {  	v45 =	vld [tilespmem:s15+$0xFFFFFEC0];
	_ =	sdelay $0x1  }
0x402: {  	v46 =	vld [tilespmem:s15+$0xFFFFFED0]  }
0x403: {  	vm15 =	veq.s32 v3, $0x0  }
0x404: {  	v47 =	vld [tilespmem:s15+$0xFFFFFEE0];
	v3 =	vsel vm15, $0x0, v2  }
0x405: {  	v4 =	vmul.f32 v3, v45;
	_ =	sdelay $0x1  }
0x406: {  	[tilespmem:s15+$0xFFFFFEC0] =	vst v4;
	v4 =	vmul.f32 v46, v3  }
0x407: {  	s19 =	sadd.s32 $0x4, s17  }
0x408: {  	v48 =	vmov s19;
	[tilespmem:s15+$0xFFFFFED0] =	vst v4;
	v4 =	vmul.f32 v47, v3  }
0x409: {  	v49 =	vshrl.u32 v48, $0x3  }
0x40a: {  	v50 =	vld [tilespmem:s15+$0xFFFFFEF0];
	[tilespmem:s15+$0xFFFFFEE0] =	vst v4;
	v4 =	vshll.u32 v49, v1  }
0x40b: {  	v4 =	vadd.s32 $0x4, v4  }
0x40c: {  	v4 =	vbroadcast v4, $0x0;
	_ =	sdelay $0x2  }
0x40d: {  	v3 =	vmul.f32 v50, v3;
	_ =	sdelay $0x1  }
0x40e: {  	[tilespmem:s15+$0xFFFFFEF0] =	vst v3  }
0x40f: {  	v3 =	vld.idx.msk [tilespmem:v4+s2+$0x0], $0xffff;
	_ =	sdelay $0x1  }
0x410: {  	v51 =	vld [tilespmem:s15+$0xFFFFFF00];
	_ =	sdelay $0x1  }
0x411: {  	v52 =	vld [tilespmem:s15+$0xFFFFFF10]  }
0x412: {  	vm4 =	veq.s32 v3, $0x0  }
0x413: {  	v53 =	vld [tilespmem:s15+$0xFFFFFF20];
	v3 =	vsel vm4, $0x0, v2  }
0x414: {  	v4 =	vmul.f32 v3, v51;
	_ =	sdelay $0x1  }
0x415: {  	[tilespmem:s15+$0xFFFFFF00] =	vst v4;
	v4 =	vmul.f32 v52, v3  }
0x416: {  	s19 =	sadd.s32 $0x5, s17  }
0x417: {  	v54 =	vmov s19;
	[tilespmem:s15+$0xFFFFFF10] =	vst v4;
	v4 =	vmul.f32 v53, v3  }
0x418: {  	v55 =	vshrl.u32 v54, $0x3  }
0x419: {  	v56 =	vld [tilespmem:s15+$0xFFFFFF30];
	[tilespmem:s15+$0xFFFFFF20] =	vst v4;
	v4 =	vshll.u32 v55, v1  }
0x41a: {  	v4 =	vadd.s32 $0x5, v4  }
0x41b: {  	v4 =	vbroadcast v4, $0x0;
	_ =	sdelay $0x2  }
0x41c: {  	v3 =	vmul.f32 v56, v3;
	_ =	sdelay $0x1  }
0x41d: {  	[tilespmem:s15+$0xFFFFFF30] =	vst v3  }
0x41e: {  	v3 =	vld.idx.msk [tilespmem:v4+s2+$0x0], $0xffff;
	_ =	sdelay $0x1  }
0x41f: {  	v57 =	vld [tilespmem:s15+$0xFFFFFF40];
	_ =	sdelay $0x1  }
0x420: {  	v58 =	vld [tilespmem:s15+$0xFFFFFF50]  }
0x421: {  	vm5 =	veq.s32 v3, $0x0  }
0x422: {  	v59 =	vld [tilespmem:s15+$0xFFFFFF60];
	v3 =	vsel vm5, $0x0, v2  }
0x423: {  	v4 =	vmul.f32 v3, v57;
	_ =	sdelay $0x1  }
0x424: {  	[tilespmem:s15+$0xFFFFFF40] =	vst v4;
	v4 =	vmul.f32 v58, v3  }
0x425: {  	s19 =	sadd.s32 $0x6, s17  }
0x426: {  	v60 =	vmov s19;
	[tilespmem:s15+$0xFFFFFF50] =	vst v4;
	v4 =	vmul.f32 v59, v3  }
0x427: {  	v61 =	vshrl.u32 v60, $0x3  }
0x428: {  	v62 =	vld [tilespmem:s15+$0xFFFFFF70];
	[tilespmem:s15+$0xFFFFFF60] =	vst v4;
	v4 =	vshll.u32 v61, v1  }
0x429: {  	v4 =	vadd.s32 $0x6, v4  }
0x42a: {  	v4 =	vbroadcast v4, $0x0;
	_ =	sdelay $0x2  }
0x42b: {  	v3 =	vmul.f32 v62, v3;
	_ =	sdelay $0x1  }
0x42c: {  	[tilespmem:s15+$0xFFFFFF70] =	vst v3  }
0x42d: {  	v3 =	vld.idx.msk [tilespmem:v4+s2+$0x0], $0xffff;
	_ =	sdelay $0x1  }
0x42e: {  	v63 =	vld [tilespmem:s15+$0xFFFFFF80];
	_ =	sdelay $0x1  }
0x42f: {  	v8 =	vld [tilespmem:s15+$0xFFFFFF90]  }
0x430: {  	vm6 =	veq.s32 v3, $0x0  }
0x431: {  	v9 =	vld [tilespmem:s15+$0xFFFFFFA0];
	v3 =	vsel vm6, $0x0, v2  }
0x432: {  	v4 =	vmul.f32 v3, v63;
	_ =	sdelay $0x1  }
0x433: {  	[tilespmem:s15+$0xFFFFFF80] =	vst v4;
	v4 =	vmul.f32 v8, v3  }
0x434: {  	s19 =	sadd.s32 $0x7, s17  }
0x435: {  	v10 =	vmov s19;
	[tilespmem:s15+$0xFFFFFF90] =	vst v4;
	v4 =	vmul.f32 v9, v3  }
0x436: {  	v11 =	vshrl.u32 v10, $0x3  }
0x437: {  	v12 =	vld [tilespmem:s15+$0xFFFFFFB0];
	[tilespmem:s15+$0xFFFFFFA0] =	vst v4;
	v4 =	vshll.u32 v11, v1  }
0x438: {  	v4 =	vadd.s32 $0x7, v4  }
0x439: {  	v4 =	vbroadcast v4, $0x0;
	_ =	sdelay $0x2  }
0x43a: {  	v3 =	vmul.f32 v12, v3;
	_ =	sdelay $0x1  }
0x43b: {  	[tilespmem:s15+$0xFFFFFFB0] =	vst v3  }
0x43c: {  	v3 =	vld.idx.msk [tilespmem:v4+s2+$0x0], $0xffff;
	_ =	sdelay $0x1  }
0x43d: {  	v13 =	vld [tilespmem:s15+$0xFFFFFFC0];
	_ =	sdelay $0x1  }
0x43e: {  	v14 =	vld [tilespmem:s15+$0xFFFFFFD0]  }
0x43f: {  	vm7 =	veq.s32 v3, $0x0  }
0x440: {  	v15 =	vld [tilespmem:s15+$0xFFFFFFE0];
	v3 =	vsel vm7, $0x0, v2  }
0x441: {  	v4 =	vmul.f32 v3, v13;
	_ =	sdelay $0x1  }
0x442: {  	[tilespmem:s15+$0xFFFFFFC0] =	vst v4;
	v4 =	vmul.f32 v14, v3;
	_ =	sdelay $0x1  }
0x443: {  	s19 =	sadd.s32 $0x8, s17;
	[tilespmem:s15+$0xFFFFFFD0] =	vst v4;
	v4 =	vmul.f32 v15, v3  }
0x444: {  	v16 =	vmov s19  }
0x445: {  	v17 =	vld [tilespmem:s15+$0xFFFFFFF0];
	[tilespmem:s15+$0xFFFFFFE0] =	vst v4;
	v4 =	vshrl.u32 v16, $0x3  }
0x446: {  	v4 =	vshll.u32 v4, v1  }
0x447: {  	v4 =	vbroadcast v4, $0x0;
	_ =	sdelay $0x2  }
0x448: {  	v3 =	vmul.f32 v17, v3;
	_ =	sdelay $0x1  }
0x449: {  	[tilespmem:s15+$0xFFFFFFF0] =	vst v3  }
0x44a: {  	v3 =	vld.idx.msk [tilespmem:v4+s2+$0x0], $0xffff;
	_ =	sdelay $0x1  }
0x44b: {  	v18 =	vld [tilespmem:s15+$0x0];
	_ =	sdelay $0x1  }
0x44c: {  	v19 =	vld [tilespmem:s15+$0x10]  }
0x44d: {  	vm8 =	veq.s32 v3, $0x0  }
0x44e: {  	v20 =	vld [tilespmem:s15+$0x20];
	v3 =	vsel vm8, $0x0, v2  }
0x44f: {  	v4 =	vmul.f32 v3, v18;
	_ =	sdelay $0x1  }
0x450: {  	[tilespmem:s15+$0x0] =	vst v4;
	v4 =	vmul.f32 v19, v3  }
0x451: {  	s19 =	sadd.s32 $0x9, s17  }
0x452: {  	v21 =	vmov s19;
	[tilespmem:s15+$0x10] =	vst v4;
	v4 =	vmul.f32 v20, v3  }
0x453: {  	v22 =	vshrl.u32 v21, $0x3  }
0x454: {  	v23 =	vld [tilespmem:s15+$0x30];
	[tilespmem:s15+$0x20] =	vst v4;
	v4 =	vshll.u32 v22, v1  }
0x455: {  	v4 =	vadd.s32 $0x1, v4  }
0x456: {  	v4 =	vbroadcast v4, $0x0;
	_ =	sdelay $0x2  }
0x457: {  	v3 =	vmul.f32 v23, v3;
	_ =	sdelay $0x1  }
0x458: {  	[tilespmem:s15+$0x30] =	vst v3  }
0x459: {  	v3 =	vld.idx.msk [tilespmem:v4+s2+$0x0], $0xffff;
	_ =	sdelay $0x1  }
0x45a: {  	v24 =	vld [tilespmem:s15+$0x40];
	_ =	sdelay $0x1  }
0x45b: {  	v25 =	vld [tilespmem:s15+$0x50]  }
0x45c: {  	vm9 =	veq.s32 v3, $0x0  }
0x45d: {  	v26 =	vld [tilespmem:s15+$0x60];
	v3 =	vsel vm9, $0x0, v2  }
0x45e: {  	v4 =	vmul.f32 v3, v24;
	_ =	sdelay $0x1  }
0x45f: {  	[tilespmem:s15+$0x40] =	vst v4;
	v4 =	vmul.f32 v25, v3  }
0x460: {  	s19 =	sadd.s32 $0xA, s17  }
0x461: {  	v27 =	vmov s19;
	[tilespmem:s15+$0x50] =	vst v4;
	v4 =	vmul.f32 v26, v3  }
0x462: {  	v28 =	vshrl.u32 v27, $0x3  }
0x463: {  	v29 =	vld [tilespmem:s15+$0x70];
	[tilespmem:s15+$0x60] =	vst v4;
	v4 =	vshll.u32 v28, v1  }
0x464: {  	v4 =	vadd.s32 $0x2, v4  }
0x465: {  	v4 =	vbroadcast v4, $0x0;
	_ =	sdelay $0x2  }
0x466: {  	v3 =	vmul.f32 v29, v3;
	_ =	sdelay $0x1  }
0x467: {  	[tilespmem:s15+$0x70] =	vst v3  }
0x468: {  	v3 =	vld.idx.msk [tilespmem:v4+s2+$0x0], $0xffff;
	_ =	sdelay $0x1  }
0x469: {  	v30 =	vld [tilespmem:s15+$0x80];
	_ =	sdelay $0x1  }
0x46a: {  	v31 =	vld [tilespmem:s15+$0x90]  }
0x46b: {  	vm10 =	veq.s32 v3, $0x0  }
0x46c: {  	v32 =	vld [tilespmem:s15+$0xA0];
	v3 =	vsel vm10, $0x0, v2  }
0x46d: {  	v4 =	vmul.f32 v3, v30;
	_ =	sdelay $0x1  }
0x46e: {  	[tilespmem:s15+$0x80] =	vst v4;
	v4 =	vmul.f32 v31, v3  }
0x46f: {  	s19 =	sadd.s32 $0xB, s17  }
0x470: {  	v33 =	vmov s19;
	[tilespmem:s15+$0x90] =	vst v4;
	v4 =	vmul.f32 v32, v3  }
0x471: {  	v34 =	vshrl.u32 v33, $0x3  }
0x472: {  	v35 =	vld [tilespmem:s15+$0xB0];
	[tilespmem:s15+$0xA0] =	vst v4;
	v4 =	vshll.u32 v34, v1  }
0x473: {  	v4 =	vadd.s32 $0x3, v4  }
0x474: {  	v4 =	vbroadcast v4, $0x0;
	_ =	sdelay $0x2  }
0x475: {  	v3 =	vmul.f32 v35, v3;
	_ =	sdelay $0x1  }
0x476: {  	[tilespmem:s15+$0xB0] =	vst v3  }
0x477: {  	v3 =	vld.idx.msk [tilespmem:v4+s2+$0x0], $0xffff;
	_ =	sdelay $0x1  }
0x478: {  	v36 =	vld [tilespmem:s15+$0xC0];
	_ =	sdelay $0x1  }
0x479: {  	v37 =	vld [tilespmem:s15+$0xD0]  }
0x47a: {  	vm11 =	veq.s32 v3, $0x0  }
0x47b: {  	v38 =	vld [tilespmem:s15+$0xE0];
	v3 =	vsel vm11, $0x0, v2  }
0x47c: {  	v4 =	vmul.f32 v3, v36;
	_ =	sdelay $0x1  }
0x47d: {  	[tilespmem:s15+$0xC0] =	vst v4;
	v4 =	vmul.f32 v37, v3  }
0x47e: {  	s19 =	sadd.s32 $0xC, s17  }
0x47f: {  	v39 =	vmov s19;
	[tilespmem:s15+$0xD0] =	vst v4;
	v4 =	vmul.f32 v38, v3  }
0x480: {  	v40 =	vshrl.u32 v39, $0x3  }
0x481: {  	v41 =	vld [tilespmem:s15+$0xF0];
	[tilespmem:s15+$0xE0] =	vst v4;
	v4 =	vshll.u32 v40, v1  }
0x482: {  	v4 =	vadd.s32 $0x4, v4  }
0x483: {  	v4 =	vbroadcast v4, $0x0;
	_ =	sdelay $0x2  }
0x484: {  	v3 =	vmul.f32 v41, v3;
	_ =	sdelay $0x1  }
0x485: {  	[tilespmem:s15+$0xF0] =	vst v3  }
0x486: {  	v3 =	vld.idx.msk [tilespmem:v4+s2+$0x0], $0xffff;
	_ =	sdelay $0x1  }
0x487: {  	v42 =	vld [tilespmem:s15+$0x100];
	_ =	sdelay $0x1  }
0x488: {  	v43 =	vld [tilespmem:s15+$0x110]  }
0x489: {  	vm12 =	veq.s32 v3, $0x0  }
0x48a: {  	v44 =	vld [tilespmem:s15+$0x120];
	v3 =	vsel vm12, $0x0, v2  }
0x48b: {  	v4 =	vmul.f32 v3, v42;
	_ =	sdelay $0x1  }
0x48c: {  	[tilespmem:s15+$0x100] =	vst v4;
	v4 =	vmul.f32 v43, v3  }
0x48d: {  	s19 =	sadd.s32 $0xD, s17  }
0x48e: {  	v45 =	vmov s19;
	[tilespmem:s15+$0x110] =	vst v4;
	v4 =	vmul.f32 v44, v3  }
0x48f: {  	v46 =	vshrl.u32 v45, $0x3  }
0x490: {  	v47 =	vld [tilespmem:s15+$0x130];
	[tilespmem:s15+$0x120] =	vst v4;
	v4 =	vshll.u32 v46, v1  }
0x491: {  	v4 =	vadd.s32 $0x5, v4  }
0x492: {  	v4 =	vbroadcast v4, $0x0;
	_ =	sdelay $0x2  }
0x493: {  	v3 =	vmul.f32 v47, v3;
	_ =	sdelay $0x1  }
0x494: {  	[tilespmem:s15+$0x130] =	vst v3  }
0x495: {  	v3 =	vld.idx.msk [tilespmem:v4+s2+$0x0], $0xffff;
	_ =	sdelay $0x1  }
0x496: {  	v48 =	vld [tilespmem:s15+$0x140];
	_ =	sdelay $0x1  }
0x497: {  	v49 =	vld [tilespmem:s15+$0x150]  }
0x498: {  	vm13 =	veq.s32 v3, $0x0  }
0x499: {  	v50 =	vld [tilespmem:s15+$0x160];
	v3 =	vsel vm13, $0x0, v2  }
0x49a: {  	v4 =	vmul.f32 v3, v48;
	_ =	sdelay $0x1  }
0x49b: {  	[tilespmem:s15+$0x140] =	vst v4;
	v4 =	vmul.f32 v49, v3  }
0x49c: {  	s19 =	sadd.s32 $0xE, s17  }
0x49d: {  	v51 =	vmov s19;
	[tilespmem:s15+$0x150] =	vst v4;
	v4 =	vmul.f32 v50, v3  }
0x49e: {  	v52 =	vshrl.u32 v51, $0x3  }
0x49f: {  	v53 =	vld [tilespmem:s15+$0x170];
	[tilespmem:s15+$0x160] =	vst v4;
	v4 =	vshll.u32 v52, v1  }
0x4a0: {  	v4 =	vadd.s32 $0x6, v4  }
0x4a1: {  	v4 =	vbroadcast v4, $0x0;
	_ =	sdelay $0x2  }
0x4a2: {  	v3 =	vmul.f32 v53, v3;
	_ =	sdelay $0x1  }
0x4a3: {  	[tilespmem:s15+$0x170] =	vst v3  }
0x4a4: {  	v3 =	vld.idx.msk [tilespmem:v4+s2+$0x0], $0xffff;
	_ =	sdelay $0x1  }
0x4a5: {  	v54 =	vld [tilespmem:s15+$0x180];
	_ =	sdelay $0x1  }
0x4a6: {  	v55 =	vld [tilespmem:s15+$0x190]  }
0x4a7: {  	vm14 =	veq.s32 v3, $0x0  }
0x4a8: {  	v56 =	vld [tilespmem:s15+$0x1A0];
	v3 =	vsel vm14, $0x0, v2  }
0x4a9: {  	v4 =	vmul.f32 v3, v54;
	_ =	sdelay $0x1  }
0x4aa: {  	[tilespmem:s15+$0x180] =	vst v4;
	v4 =	vmul.f32 v55, v3  }
0x4ab: {  	s19 =	sadd.s32 $0xF, s17  }
0x4ac: {  	v57 =	vmov s19;
	[tilespmem:s15+$0x190] =	vst v4;
	v4 =	vmul.f32 v56, v3  }
0x4ad: {  	v58 =	vshrl.u32 v57, $0x3  }
0x4ae: {  	v59 =	vld [tilespmem:s15+$0x1B0];
	[tilespmem:s15+$0x1A0] =	vst v4;
	v4 =	vshll.u32 v58, v1  }
0x4af: {  	v4 =	vadd.s32 $0x7, v4  }
0x4b0: {  	v4 =	vbroadcast v4, $0x0;
	_ =	sdelay $0x2  }
0x4b1: {  	v3 =	vmul.f32 v59, v3;
	_ =	sdelay $0x1  }
0x4b2: {  	[tilespmem:s15+$0x1B0] =	vst v3  }
0x4b3: {  	v3 =	vld.idx.msk [tilespmem:v4+s2+$0x0], $0xffff;
	_ =	sdelay $0x1  }
0x4b4: {  	v60 =	vld [tilespmem:s15+$0x1C0];
	_ =	sdelay $0x1  }
0x4b5: {  	v61 =	vld [tilespmem:s15+$0x1D0]  }
0x4b6: {  	vm15 =	veq.s32 v3, $0x0  }
0x4b7: {  	v62 =	vld [tilespmem:s15+$0x1E0];
	v3 =	vsel vm15, $0x0, v2  }
0x4b8: {  	v63 =	vld [tilespmem:s15+$0x1F0];
	v4 =	vmul.f32 v3, v60;
	_ =	sdelay $0x1  }
0x4b9: {  	[tilespmem:s15+$0x1C0] =	vst v4;
	v4 =	vmul.f32 v61, v3  }
.Ltmp17:
0x4ba: {  	_ = 	snop;
	(pc) =	sbr.rel .LBB2_16-.Ltmp17, $4  }
0x4bb: {  	[tilespmem:s15+$0x1D0] =	vst v4;
	v4 =	vmul.f32 v62, v3  }
0x4bc: {  	v3 =	vmul.f32 v63, v3  }
0x4bd: {  	[tilespmem:s15+$0x1E0] =	vst v4  }
0x4be: {  	[tilespmem:s15+$0x1F0] =	vst v3  }
.LBB2_18:
0x4bf: {  	_ =	sfence.sel $0x180000  }
0x4c0: {  	[bflag:$0x0] =	sbarrier.arrive $0xFFFF  }
0x4c1: {  	_ =	strace $0x90000047  }
0x4c2: {  	s0 =	stileid.u32;
	[bflag:$0x2] =	sbarrier.arrive $0xFFFF  }
0x4c3: {  	p0 =	sne.s32 s0, $0x0;
	s0 =	rddreg [dreg:$0x2]  }
0x4c4: {  	s0 =	sadd.s32 @!p0 $0x100000, s0  }
0x4c5: {  	[sflag:s0] =	ssyncadd.tile.s32 @!p0 $0x1;
	_ =	shalt  }
.Lfunc_end2:
_tile_overlayer_lowered:
.L_overlay_start_2:
0x4c6: {  	(tag) =	ssettag $0x2  }
0x4c7: {  	s0 =	rddreg [dreg:$0x0];
	s2 =	stileid.u32  }
0x4c8: {  	s1 =	rddreg [dreg:$0x1];
	p0 =	sne.s32 s2, $0x0  }
0x4c9: {  	s3 =	rddreg [dreg:$0x2];
	[bflag:$0x3] =	sbarrier.arrive $0xFFFF;
	s2 =	simm.s32 @!p0 $0x1C05  }
0x4ca: {  	[timem:s3], [sflag:s2] =	dma.local @!p0 [hbm:s0], s1  }
0x4cb: {  	s0 =	simm.s32 @!p0 $0x5  }
0x4cc: {  	_ =	swait.ge @!p0 [sflag:s0], s1  }
0x4cd: {  	s1 =	ssub.s32 @!p0 $0x0, s1;
	[sflag:s0] =	ssyncset.done @!p0 $0x0  }
0x4ce: {  	[sflag:s0] =	ssyncadd.s32 @!p0 s1  }
0x4cf: {  	[bflag:$0x3] =	sbarrier.arrive $0xFFFF  }
0x4d0: {  	_ =	shalt  }

</sc_bundles>
